<compile_context>
chip_gen: v7x
topology: tpu7x:2x2x1
jax: 0.10.2.dev20260603
libtpu: 0.0.44.dev20260713+nightly
codegen_flags: <defaults>
</compile_context>

<pallas_src>
import functools

import jax
import jax.numpy as jnp
from jax import lax
from jax.experimental import pallas as pl
from jax.experimental.pallas import tpu as pltpu
from jax.experimental.pallas import tpu_sc as plsc

N = 10000
E = 320000
F = 128
FH = 64
NP = 10240
NC = 2
NS = 16
NCHUNK = E // 128
CPT = NCHUNK // NS
CREM = NCHUNK - CPT * NS
CPW = NCHUNK // (NS * NC)
WREM = NCHUNK - CPW * NS * NC
RPT = NP // NS
BLK = 1024



def _deg_body(ei_hbm, degp, dst_v, ones_v, zrow_v, deg_sh):
    cid = lax.axis_index("c")
    sid = lax.axis_index("s")
    wid = sid * NC + cid
    for k in range(8):
        ones_v[pl.ds(k * 16, 16)] = jnp.full((16,), 1.0, jnp.float32)
    for k in range(RPT // 16):
        zrow_v[pl.ds(k * 16, 16)] = jnp.zeros((16,), jnp.float32)
    pltpu.sync_copy(ei_hbm.at[1, pl.ds(wid * CPW, CPW)],
                    dst_v.at[pl.ds(0, CPW)])

    @pl.when(wid < WREM)
    def _():
        pltpu.sync_copy(ei_hbm.at[1, NS * NC * CPW + wid], dst_v.at[CPW])

    pltpu.sync_copy(zrow_v, deg_sh.at[pl.ds(sid * RPT, RPT)])
    plsc.subcore_barrier()

    @pl.loop(0, CPW, step=2)
    def _(jo):
        for b in range(2):
            pltpu.sync_copy(ones_v, deg_sh.at[dst_v.at[jo + b]], add=True)

    @pl.when(wid < WREM)
    def _():
        pltpu.sync_copy(ones_v, deg_sh.at[dst_v.at[CPW]], add=True)

    plsc.subcore_barrier()
    pltpu.sync_copy(deg_sh.at[pl.ds(sid * RPT, RPT)],
                    degp.at[cid, pl.ds(sid * RPT, RPT)])


def _mp_pipeline(gsub, src_v, dst_v, ring, acc_sh, sid):
    pltpu.sync_copy(gsub.at[pl.ds(sid * RPT, RPT)],
                    acc_sh.at[pl.ds(sid * RPT, RPT)])
    plsc.subcore_barrier()

    for b in range(4):
        pltpu.async_copy(gsub.at[src_v.at[b]], ring[b][0], ring[b][1])

    @pl.loop(0, CPT, step=4)
    def _(jo):
        for b, (rows, sem) in enumerate(ring):
            j = jo + b
            pltpu.make_async_copy(gsub.at[src_v.at[j]], rows, sem).wait()
            pltpu.sync_copy(rows, acc_sh.at[dst_v.at[j]], add=True)

            @pl.when(j + 4 < CPT)
            def _():
                pltpu.async_copy(gsub.at[src_v.at[j + 4]], rows, sem)

    @pl.when(sid < CREM)
    def _():
        rows, sem = ring[0]
        pltpu.async_copy(gsub.at[src_v.at[CPT]], rows, sem).wait()
        pltpu.sync_copy(rows, acc_sh.at[dst_v.at[CPT]], add=True)


def _mp_body(g0_hbm, g1_hbm, ei_hbm, acc, src_v, dst_v, rows0,
             rows1, rows2, rows3, sem0, sem1, sem2, sem3, acc_sh):
    cid = lax.axis_index("c")
    sid = lax.axis_index("s")
    pltpu.sync_copy(ei_hbm.at[0, pl.ds(sid * CPT, CPT)],
                    src_v.at[pl.ds(0, CPT)])
    pltpu.sync_copy(ei_hbm.at[1, pl.ds(sid * CPT, CPT)],
                    dst_v.at[pl.ds(0, CPT)])

    @pl.when(sid < CREM)
    def _():
        pltpu.sync_copy(ei_hbm.at[0, NS * CPT + sid], src_v.at[CPT])
        pltpu.sync_copy(ei_hbm.at[1, NS * CPT + sid], dst_v.at[CPT])

    ring = ((rows0, sem0), (rows1, sem1), (rows2, sem2), (rows3, sem3))

    @pl.when(cid == 0)
    def _():
        _mp_pipeline(g0_hbm, src_v, dst_v, ring, acc_sh, sid)

    @pl.when(cid == 1)
    def _():
        _mp_pipeline(g1_hbm, src_v, dst_v, ring, acc_sh, sid)

    plsc.subcore_barrier()
    pltpu.sync_copy(acc_sh.at[pl.ds(sid * RPT, RPT)],
                    acc.at[pl.ds(sid * RPT, RPT), pl.ds(cid * FH, FH)])


@functools.cache
def _sc_kernels():
    mesh = plsc.VectorSubcoreMesh(core_axis_name="c", subcore_axis_name="s")
    sc_degree = pl.kernel(
        _deg_body,
        out_type=jax.ShapeDtypeStruct((NC, NP), jnp.float32),
        mesh=mesh,
        compiler_params=pltpu.CompilerParams(use_tc_tiling_on_sc=False),
        scratch_types=[
            pltpu.VMEM((CPW + 1, 128), jnp.int32),
            pltpu.VMEM((128,), jnp.float32),
            pltpu.VMEM((RPT,), jnp.float32),
            pltpu.VMEM_SHARED((NP,), jnp.float32),
        ],
    )
    sc_message_pass = pl.kernel(
        _mp_body,
        out_type=jax.ShapeDtypeStruct((NP, F), jnp.float32),
        mesh=mesh,
        compiler_params=pltpu.CompilerParams(use_tc_tiling_on_sc=False),
        scratch_types=[
            pltpu.VMEM((CPT + 1, 128), jnp.int32),
            pltpu.VMEM((CPT + 1, 128), jnp.int32),
            pltpu.VMEM((128, FH), jnp.float32),
            pltpu.VMEM((128, FH), jnp.float32),
            pltpu.VMEM((128, FH), jnp.float32),
            pltpu.VMEM((128, FH), jnp.float32),
            pltpu.SemaphoreType.DMA,
            pltpu.SemaphoreType.DMA,
            pltpu.SemaphoreType.DMA,
            pltpu.SemaphoreType.DMA,
            pltpu.VMEM_SHARED((NP, FH), jnp.float32),
        ],
    )
    return sc_degree, sc_message_pass



def _tc1a_body(x_ref, w_ref, h_ref):
    h_ref[...] = jnp.dot(x_ref[...], w_ref[...],
                         preferred_element_type=jnp.float32)


def _tc1b_body(h_ref, degp_ref, g0_ref, g1_ref):
    dinv = lax.rsqrt(1.0 + degp_ref[0, :] + degp_ref[1, :])
    g = h_ref[...] * dinv[:, None]
    g0_ref[...] = g[:, :FH]
    g1_ref[...] = g[:, FH:]


def _tc2_body(acc_ref, degp_ref, wbd_ref, b1_ref, g0_ref, g1_ref):
    dinv = lax.rsqrt(1.0 + degp_ref[0, :] + degp_ref[1, :])
    x1 = jnp.maximum(acc_ref[...] * dinv[:, None] + b1_ref[...], 0.0)
    h2 = jnp.dot(x1, wbd_ref[...], preferred_element_type=jnp.float32)
    g = h2 * dinv[:, None]
    g0_ref[...] = g[:, :FH]
    g1_ref[...] = g[:, FH:]


def _tc3_body(acc_ref, degp_ref, b2_ref, lpw_ref, lpb_ref, out_ref):
    dinv = lax.rsqrt(1.0 + degp_ref[0, :] + degp_ref[1, :])
    x2 = acc_ref[...] * dinv[:, None] + b2_ref[...]
    logits = jnp.dot(x2, lpw_ref[...],
                     preferred_element_type=jnp.float32) + lpb_ref[...]
    m = jnp.max(logits, axis=1, keepdims=True)
    lse = jnp.log(jnp.sum(jnp.exp(logits - m), axis=1, keepdims=True)) + m
    out_ref[...] = logits - lse


_ROW = pl.BlockSpec((BLK, F), lambda i: (i, 0))
_ACC = pl.BlockSpec((NC, BLK, FH), lambda i: (0, i, 0))
_DEGP = pl.BlockSpec((NC, BLK), lambda i: (0, i))
_WFULL = pl.BlockSpec((F, F), lambda i: (0, 0))
_BROW = pl.BlockSpec((1, F), lambda i: (0, 0))
_GHALF = pl.BlockSpec((BLK, FH), lambda i: (i, 0))
_HOUT = jax.ShapeDtypeStruct((NP, F), jnp.float32)
_GOUT = jax.ShapeDtypeStruct((NP, FH), jnp.float32)

_tc1a = pl.pallas_call(
    _tc1a_body,
    grid=(NP // BLK,),
    in_specs=[pl.BlockSpec((BLK, F), lambda i: (i, 0)), _WFULL],
    out_specs=_ROW,
    out_shape=_HOUT,
)

_tc1b = pl.pallas_call(
    _tc1b_body,
    grid=(NP // BLK,),
    in_specs=[_ROW, _DEGP],
    out_specs=[_GHALF, _GHALF],
    out_shape=[_GOUT, _GOUT],
)

_tc2 = pl.pallas_call(
    _tc2_body,
    grid=(NP // BLK,),
    in_specs=[_ROW, _DEGP, _WFULL, _BROW],
    out_specs=[_GHALF, _GHALF],
    out_shape=[_GOUT, _GOUT],
)

_tc3 = pl.pallas_call(
    _tc3_body,
    grid=(NP // BLK,),
    in_specs=[_ROW, _DEGP, _BROW,
              pl.BlockSpec((F, 64), lambda i: (0, 0)),
              pl.BlockSpec((1, 64), lambda i: (0, 0))],
    out_specs=pl.BlockSpec((BLK, 64), lambda i: (i, 0)),
    out_shape=jax.ShapeDtypeStruct((NP, 64), jnp.float32),
)



def kernel(x, edge_index, hyperedge_index, W1, b1, Wh1, bh1, W2, b2, Wh2,
           bh2, lp_W, lp_b):
    del hyperedge_index

    wcat1 = jnp.concatenate([W1, Wh1], axis=1)
    wbd2 = jnp.zeros((F, F), jnp.float32)
    wbd2 = wbd2.at[:64, :64].set(W2).at[64:, 64:].set(Wh2)
    bcat1 = jnp.concatenate([b1, bh1])[None, :]
    bcat2 = jnp.concatenate([b2, bh2])[None, :]

    ei3 = edge_index.reshape(2, NCHUNK, 128)

    sc_degree, sc_message_pass = _sc_kernels()
    degp = sc_degree(ei3)

    h1 = _tc1a(x, wcat1)
    g1a, g1b = _tc1b(h1, degp)
    acc1 = sc_message_pass(g1a, g1b, ei3)
    g2a, g2b = _tc2(acc1, degp, wbd2, bcat1)
    acc2 = sc_message_pass(g2a, g2b, ei3)
    out = _tc3(acc2, degp, bcat2, lp_W, lp_b[None, :])
    return out[:N]

# --- scband reference (transcript-rebuilt; emitter-appended) ---
"""Pipeline reference for scband-lpgcngcn-37838661877984 (READ-ONLY COPY).

The authoritative reference and input builder live on the scoring server;
editing this copy changes nothing except your own understanding.
"""

import jax, jax.numpy as jnp
import numpy as np

N = 10000
E = 320000
F_IN = 128
DIM = 64
C = 64


def _gcn(x, src, dst, W, b, n):
    # PyG GCNConv with self-loops already appended to (src, dst):
    # out = D^{-1/2} (A+I) D^{-1/2} X W + b
    deg = jnp.zeros((n,), dtype=x.dtype).at[dst].add(1.0)
    dinv = jnp.where(deg > 0.0, jax.lax.rsqrt(jnp.maximum(deg, 1e-12)), 0.0)
    norm = dinv[src] * dinv[dst]
    h = x @ W
    out = jnp.zeros((n, W.shape[1]), dtype=x.dtype).at[dst].add(h[src] * norm[:, None])
    return out + b


def setup_inputs(seed: int = 0):
    key = jax.random.key(seed)
    ks = jax.random.split(key, 10)

    def lin(k, fan_in, shape):
        bound = 1.0 / np.sqrt(fan_in)
        return jax.random.uniform(k, shape, dtype=jnp.float32, minval=-bound, maxval=bound)

    return {
        "x": jax.random.normal(ks[0], (N, F_IN), dtype=jnp.float32),
        "edge_index": jax.random.randint(ks[1], (2, E), 0, N, dtype=jnp.int32),
        "hyperedge_index": jax.random.randint(ks[2], (2, E), 0, N, dtype=jnp.int32),
        "W1": lin(ks[3], F_IN, (F_IN, DIM)),
        "b1": jnp.zeros((DIM,), jnp.float32),
        "Wh1": lin(ks[4], F_IN, (F_IN, DIM)),
        "bh1": jnp.zeros((DIM,), jnp.float32),
        "W2": lin(ks[5], DIM, (DIM, C)),
        "b2": jnp.zeros((C,), jnp.float32),
        "Wh2": lin(ks[6], DIM, (DIM, C)),
        "bh2": jnp.zeros((C,), jnp.float32),
        "lp_W": lin(ks[7], 2 * C, (2 * C, C)),
        "lp_b": lin(ks[8], 2 * C, (C,)),
    }


def reference(x, edge_index, hyperedge_index, W1, b1, Wh1, bh1, W2, b2, Wh2, bh2, lp_W, lp_b):
    # NOTE: the original forward unpacks hyperedge_index but never uses it;
    # both the 'hyper' and 'gcn' branches are GCNConvs over edge_index.
    n = x.shape[0]
    loop = jnp.arange(n, dtype=edge_index.dtype)
    src = jnp.concatenate([edge_index[0], loop])
    dst = jnp.concatenate([edge_index[1], loop])
    x_gcn = jax.nn.relu(_gcn(x, src, dst, W1, b1, n))
    x_hyper = jax.nn.relu(_gcn(x, src, dst, Wh1, bh1, n))
    # dropout is identity in eval mode (training=False)
    x_gcn = _gcn(x_gcn, src, dst, W2, b2, n)
    x_hyper = _gcn(x_hyper, src, dst, Wh2, bh2, n)
    xcat = jnp.concatenate([x_gcn, x_hyper], axis=1)
    out = xcat @ lp_W + lp_b
    return jax.nn.log_softmax(out, axis=1)

if __name__ == "__main__":
    import jax
    _d = setup_inputs()
    print(jax.jit(kernel)(*tuple(_d.values())))

</pallas_src>

<mosaic_0001>
#map = affine_map<(d0, d1) -> (0, 0, 0)>
#map1 = affine_map<(d0, d1) -> (0, 0)>
module attributes {stable_mosaic.version = 14 : i64} {
  func.func @_deg_body(%arg0: i32, %arg1: i32, %arg2: memref<2x2500x128xi32, #tpu.memory_space<hbm>>, %arg3: memref<2x10240xf32, #tpu.memory_space<hbm>>, %arg4: memref<79x128xi32, #tpu.memory_space<vmem>>, %arg5: memref<128xf32, #tpu.memory_space<vmem>>, %arg6: memref<640xf32, #tpu.memory_space<vmem>>, %arg7: memref<10240xf32, #tpu.memory_space<vmem_shared>>) attributes {dimension_semantics = [#tpu.dimension_semantics<core_parallel>, #tpu.dimension_semantics<subcore_parallel>], iteration_bounds = array<i64: 2, 16>, scalar_prefetch = 0 : i64, scratch_operands = 4 : i64, tpu.core_type = #tpu.core_type<sc_vector_subcore>, window_params = [{transform_indices = #map}, {transform_indices = #map1}]} {
    %mul3A = arith.constant 2 : i32
    %mul3A_0 = arith.muli %arg1, %mul3A : i32
    %add3A = arith.addi %mul3A_0, %arg0 : i32
    %broadcast_in_dim3A = arith.constant 1.000000e+00 : f32
    %broadcast_in_dim3A_1 = vector.broadcast %broadcast_in_dim3A : f32 to vector<16xf32>
    %swap3A = arith.constant 0 : index
    %swap3A_2 = tpu.vector_load %arg5[%swap3A] {strides = array<i32>} : memref<128xf32, #tpu.memory_space<vmem>>, vector<16xf32>,
    %swap3A_3 = vector.shape_cast %swap3A_2 : vector<16xf32> to vector<16xf32>
    %swap3A_4 = vector.shape_cast %broadcast_in_dim3A_1 : vector<16xf32> to vector<16xf32>
    tpu.vector_store %arg5[%swap3A], %swap3A_4 {strides = array<i32>} : memref<128xf32, #tpu.memory_space<vmem>>, vector<16xf32>,
    %broadcast_in_dim3A_5 = arith.constant 1.000000e+00 : f32
    %broadcast_in_dim3A_6 = vector.broadcast %broadcast_in_dim3A_5 : f32 to vector<16xf32>
    %swap3A_7 = arith.constant 16 : index
    %swap3A_8 = tpu.vector_load %arg5[%swap3A_7] {strides = array<i32>} : memref<128xf32, #tpu.memory_space<vmem>>, vector<16xf32>,
    %swap3A_9 = vector.shape_cast %swap3A_8 : vector<16xf32> to vector<16xf32>
    %swap3A_10 = vector.shape_cast %broadcast_in_dim3A_6 : vector<16xf32> to vector<16xf32>
    tpu.vector_store %arg5[%swap3A_7], %swap3A_10 {strides = array<i32>} : memref<128xf32, #tpu.memory_space<vmem>>, vector<16xf32>,
    %broadcast_in_dim3A_11 = arith.constant 1.000000e+00 : f32
    %broadcast_in_dim3A_12 = vector.broadcast %broadcast_in_dim3A_11 : f32 to vector<16xf32>
    %swap3A_13 = arith.constant 32 : index
    %swap3A_14 = tpu.vector_load %arg5[%swap3A_13] {strides = array<i32>} : memref<128xf32, #tpu.memory_space<vmem>>, vector<16xf32>,
    %swap3A_15 = vector.shape_cast %swap3A_14 : vector<16xf32> to vector<16xf32>
    %swap3A_16 = vector.shape_cast %broadcast_in_dim3A_12 : vector<16xf32> to vector<16xf32>
    tpu.vector_store %arg5[%swap3A_13], %swap3A_16 {strides = array<i32>} : memref<128xf32, #tpu.memory_space<vmem>>, vector<16xf32>,
    %broadcast_in_dim3A_17 = arith.constant 1.000000e+00 : f32
    %broadcast_in_dim3A_18 = vector.broadcast %broadcast_in_dim3A_17 : f32 to vector<16xf32>
    %swap3A_19 = arith.constant 48 : index
    %swap3A_20 = tpu.vector_load %arg5[%swap3A_19] {strides = array<i32>} : memref<128xf32, #tpu.memory_space<vmem>>, vector<16xf32>,
    %swap3A_21 = vector.shape_cast %swap3A_20 : vector<16xf32> to vector<16xf32>
    %swap3A_22 = vector.shape_cast %broadcast_in_dim3A_18 : vector<16xf32> to vector<16xf32>
    tpu.vector_store %arg5[%swap3A_19], %swap3A_22 {strides = array<i32>} : memref<128xf32, #tpu.memory_space<vmem>>, vector<16xf32>,
    %broadcast_in_dim3A_23 = arith.constant 1.000000e+00 : f32
    %broadcast_in_dim3A_24 = vector.broadcast %broadcast_in_dim3A_23 : f32 to vector<16xf32>
    %swap3A_25 = arith.constant 64 : index
    %swap3A_26 = tpu.vector_load %arg5[%swap3A_25] {strides = array<i32>} : memref<128xf32, #tpu.memory_space<vmem>>, vector<16xf32>,
    %swap3A_27 = vector.shape_cast %swap3A_26 : vector<16xf32> to vector<16xf32>
    %swap3A_28 = vector.shape_cast %broadcast_in_dim3A_24 : vector<16xf32> to vector<16xf32>
    tpu.vector_store %arg5[%swap3A_25], %swap3A_28 {strides = array<i32>} : memref<128xf32, #tpu.memory_space<vmem>>, vector<16xf32>,
    %broadcast_in_dim3A_29 = arith.constant 1.000000e+00 : f32
    %broadcast_in_dim3A_30 = vector.broadcast %broadcast_in_dim3A_29 : f32 to vector<16xf32>
    %swap3A_31 = arith.constant 80 : index
    %swap3A_32 = tpu.vector_load %arg5[%swap3A_31] {strides = array<i32>} : memref<128xf32, #tpu.memory_space<vmem>>, vector<16xf32>,
    %swap3A_33 = vector.shape_cast %swap3A_32 : vector<16xf32> to vector<16xf32>
    %swap3A_34 = vector.shape_cast %broadcast_in_dim3A_30 : vector<16xf32> to vector<16xf32>
    tpu.vector_store %arg5[%swap3A_31], %swap3A_34 {strides = array<i32>} : memref<128xf32, #tpu.memory_space<vmem>>, vector<16xf32>,
    %broadcast_in_dim3A_35 = arith.constant 1.000000e+00 : f32
    %broadcast_in_dim3A_36 = vector.broadcast %broadcast_in_dim3A_35 : f32 to vector<16xf32>
    %swap3A_37 = arith.constant 96 : index
    %swap3A_38 = tpu.vector_load %arg5[%swap3A_37] {strides = array<i32>} : memref<128xf32, #tpu.memory_space<vmem>>, vector<16xf32>,
    %swap3A_39 = vector.shape_cast %swap3A_38 : vector<16xf32> to vector<16xf32>
    %swap3A_40 = vector.shape_cast %broadcast_in_dim3A_36 : vector<16xf32> to vector<16xf32>
    tpu.vector_store %arg5[%swap3A_37], %swap3A_40 {strides = array<i32>} : memref<128xf32, #tpu.memory_space<vmem>>, vector<16xf32>,
    %broadcast_in_dim3A_41 = arith.constant 1.000000e+00 : f32
    %broadcast_in_dim3A_42 = vector.broadcast %broadcast_in_dim3A_41 : f32 to vector<16xf32>
    %swap3A_43 = arith.constant 112 : index
    %swap3A_44 = tpu.vector_load %arg5[%swap3A_43] {strides = array<i32>} : memref<128xf32, #tpu.memory_space<vmem>>, vector<16xf32>,
    %swap3A_45 = vector.shape_cast %swap3A_44 : vector<16xf32> to vector<16xf32>
    %swap3A_46 = vector.shape_cast %broadcast_in_dim3A_42 : vector<16xf32> to vector<16xf32>
    tpu.vector_store %arg5[%swap3A_43], %swap3A_46 {strides = array<i32>} : memref<128xf32, #tpu.memory_space<vmem>>, vector<16xf32>,
    %broadcast_in_dim3A_47 = arith.constant 0.000000e+00 : f32
    %broadcast_in_dim3A_48 = vector.broadcast %broadcast_in_dim3A_47 : f32 to vector<16xf32>
    %swap3A_49 = arith.constant 0 : index
    %swap3A_50 = tpu.vector_load %arg6[%swap3A_49] {strides = array<i32>} : memref<640xf32, #tpu.memory_space<vmem>>, vector<16xf32>,
    %swap3A_51 = vector.shape_cast %swap3A_50 : vector<16xf32> to vector<16xf32>
    %swap3A_52 = vector.shape_cast %broadcast_in_dim3A_48 : vector<16xf32> to vector<16xf32>
    tpu.vector_store %arg6[%swap3A_49], %swap3A_52 {strides = array<i32>} : memref<640xf32, #tpu.memory_space<vmem>>, vector<16xf32>,
    %broadcast_in_dim3A_53 = arith.constant 0.000000e+00 : f32
    %broadcast_in_dim3A_54 = vector.broadcast %broadcast_in_dim3A_53 : f32 to vector<16xf32>
    %swap3A_55 = arith.constant 16 : index
    %swap3A_56 = tpu.vector_load %arg6[%swap3A_55] {strides = array<i32>} : memref<640xf32, #tpu.memory_space<vmem>>, vector<16xf32>,
    %swap3A_57 = vector.shape_cast %swap3A_56 : vector<16xf32> to vector<16xf32>
    %swap3A_58 = vector.shape_cast %broadcast_in_dim3A_54 : vector<16xf32> to vector<16xf32>
    tpu.vector_store %arg6[%swap3A_55], %swap3A_58 {strides = array<i32>} : memref<640xf32, #tpu.memory_space<vmem>>, vector<16xf32>,
    %broadcast_in_dim3A_59 = arith.constant 0.000000e+00 : f32
    %broadcast_in_dim3A_60 = vector.broadcast %broadcast_in_dim3A_59 : f32 to vector<16xf32>
    %swap3A_61 = arith.constant 32 : index
    %swap3A_62 = tpu.vector_load %arg6[%swap3A_61] {strides = array<i32>} : memref<640xf32, #tpu.memory_space<vmem>>, vector<16xf32>,
    %swap3A_63 = vector.shape_cast %swap3A_62 : vector<16xf32> to vector<16xf32>
    %swap3A_64 = vector.shape_cast %broadcast_in_dim3A_60 : vector<16xf32> to vector<16xf32>
    tpu.vector_store %arg6[%swap3A_61], %swap3A_64 {strides = array<i32>} : memref<640xf32, #tpu.memory_space<vmem>>, vector<16xf32>,
    %broadcast_in_dim3A_65 = arith.constant 0.000000e+00 : f32
    %broadcast_in_dim3A_66 = vector.broadcast %broadcast_in_dim3A_65 : f32 to vector<16xf32>
    %swap3A_67 = arith.constant 48 : index
    %swap3A_68 = tpu.vector_load %arg6[%swap3A_67] {strides = array<i32>} : memref<640xf32, #tpu.memory_space<vmem>>, vector<16xf32>,
    %swap3A_69 = vector.shape_cast %swap3A_68 : vector<16xf32> to vector<16xf32>
    %swap3A_70 = vector.shape_cast %broadcast_in_dim3A_66 : vector<16xf32> to vector<16xf32>
    tpu.vector_store %arg6[%swap3A_67], %swap3A_70 {strides = array<i32>} : memref<640xf32, #tpu.memory_space<vmem>>, vector<16xf32>,
    %broadcast_in_dim3A_71 = arith.constant 0.000000e+00 : f32
    %broadcast_in_dim3A_72 = vector.broadcast %broadcast_in_dim3A_71 : f32 to vector<16xf32>
    %swap3A_73 = arith.constant 64 : index
    %swap3A_74 = tpu.vector_load %arg6[%swap3A_73] {strides = array<i32>} : memref<640xf32, #tpu.memory_space<vmem>>, vector<16xf32>,
    %swap3A_75 = vector.shape_cast %swap3A_74 : vector<16xf32> to vector<16xf32>
    %swap3A_76 = vector.shape_cast %broadcast_in_dim3A_72 : vector<16xf32> to vector<16xf32>
    tpu.vector_store %arg6[%swap3A_73], %swap3A_76 {strides = array<i32>} : memref<640xf32, #tpu.memory_space<vmem>>, vector<16xf32>,
    %broadcast_in_dim3A_77 = arith.constant 0.000000e+00 : f32
    %broadcast_in_dim3A_78 = vector.broadcast %broadcast_in_dim3A_77 : f32 to vector<16xf32>
    %swap3A_79 = arith.constant 80 : index
    %swap3A_80 = tpu.vector_load %arg6[%swap3A_79] {strides = array<i32>} : memref<640xf32, #tpu.memory_space<vmem>>, vector<16xf32>,
    %swap3A_81 = vector.shape_cast %swap3A_80 : vector<16xf32> to vector<16xf32>
    %swap3A_82 = vector.shape_cast %broadcast_in_dim3A_78 : vector<16xf32> to vector<16xf32>
    tpu.vector_store %arg6[%swap3A_79], %swap3A_82 {strides = array<i32>} : memref<640xf32, #tpu.memory_space<vmem>>, vector<16xf32>,
    %broadcast_in_dim3A_83 = arith.constant 0.000000e+00 : f32
    %broadcast_in_dim3A_84 = vector.broadcast %broadcast_in_dim3A_83 : f32 to vector<16xf32>
    %swap3A_85 = arith.constant 96 : index
    %swap3A_86 = tpu.vector_load %arg6[%swap3A_85] {strides = array<i32>} : memref<640xf32, #tpu.memory_space<vmem>>, vector<16xf32>,
    %swap3A_87 = vector.shape_cast %swap3A_86 : vector<16xf32> to vector<16xf32>
    %swap3A_88 = vector.shape_cast %broadcast_in_dim3A_84 : vector<16xf32> to vector<16xf32>
    tpu.vector_store %arg6[%swap3A_85], %swap3A_88 {strides = array<i32>} : memref<640xf32, #tpu.memory_space<vmem>>, vector<16xf32>,
    %broadcast_in_dim3A_89 = arith.constant 0.000000e+00 : f32
    %broadcast_in_dim3A_90 = vector.broadcast %broadcast_in_dim3A_89 : f32 to vector<16xf32>
    %swap3A_91 = arith.constant 112 : index
    %swap3A_92 = tpu.vector_load %arg6[%swap3A_91] {strides = array<i32>} : memref<640xf32, #tpu.memory_space<vmem>>, vector<16xf32>,
    %swap3A_93 = vector.shape_cast %swap3A_92 : vector<16xf32> to vector<16xf32>
    %swap3A_94 = vector.shape_cast %broadcast_in_dim3A_90 : vector<16xf32> to vector<16xf32>
    tpu.vector_store %arg6[%swap3A_91], %swap3A_94 {strides = array<i32>} : memref<640xf32, #tpu.memory_space<vmem>>, vector<16xf32>,
    %broadcast_in_dim3A_95 = arith.constant 0.000000e+00 : f32
    %broadcast_in_dim3A_96 = vector.broadcast %broadcast_in_dim3A_95 : f32 to vector<16xf32>
    %swap3A_97 = arith.constant 128 : index
    %swap3A_98 = tpu.vector_load %arg6[%swap3A_97] {strides = array<i32>} : memref<640xf32, #tpu.memory_space<vmem>>, vector<16xf32>,
    %swap3A_99 = vector.shape_cast %swap3A_98 : vector<16xf32> to vector<16xf32>
    %swap3A_100 = vector.shape_cast %broadcast_in_dim3A_96 : vector<16xf32> to vector<16xf32>
    tpu.vector_store %arg6[%swap3A_97], %swap3A_100 {strides = array<i32>} : memref<640xf32, #tpu.memory_space<vmem>>, vector<16xf32>,
    %broadcast_in_dim3A_101 = arith.constant 0.000000e+00 : f32
    %broadcast_in_dim3A_102 = vector.broadcast %broadcast_in_dim3A_101 : f32 to vector<16xf32>
    %swap3A_103 = arith.constant 144 : index
    %swap3A_104 = tpu.vector_load %arg6[%swap3A_103] {strides = array<i32>} : memref<640xf32, #tpu.memory_space<vmem>>, vector<16xf32>,
    %swap3A_105 = vector.shape_cast %swap3A_104 : vector<16xf32> to vector<16xf32>
    %swap3A_106 = vector.shape_cast %broadcast_in_dim3A_102 : vector<16xf32> to vector<16xf32>
    tpu.vector_store %arg6[%swap3A_103], %swap3A_106 {strides = array<i32>} : memref<640xf32, #tpu.memory_space<vmem>>, vector<16xf32>,
    %broadcast_in_dim3A_107 = arith.constant 0.000000e+00 : f32
    %broadcast_in_dim3A_108 = vector.broadcast %broadcast_in_dim3A_107 : f32 to vector<16xf32>
    %swap3A_109 = arith.constant 160 : index
    %swap3A_110 = tpu.vector_load %arg6[%swap3A_109] {strides = array<i32>} : memref<640xf32, #tpu.memory_space<vmem>>, vector<16xf32>,
    %swap3A_111 = vector.shape_cast %swap3A_110 : vector<16xf32> to vector<16xf32>
    %swap3A_112 = vector.shape_cast %broadcast_in_dim3A_108 : vector<16xf32> to vector<16xf32>
    tpu.vector_store %arg6[%swap3A_109], %swap3A_112 {strides = array<i32>} : memref<640xf32, #tpu.memory_space<vmem>>, vector<16xf32>,
    %broadcast_in_dim3A_113 = arith.constant 0.000000e+00 : f32
    %broadcast_in_dim3A_114 = vector.broadcast %broadcast_in_dim3A_113 : f32 to vector<16xf32>
    %swap3A_115 = arith.constant 176 : index
    %swap3A_116 = tpu.vector_load %arg6[%swap3A_115] {strides = array<i32>} : memref<640xf32, #tpu.memory_space<vmem>>, vector<16xf32>,
    %swap3A_117 = vector.shape_cast %swap3A_116 : vector<16xf32> to vector<16xf32>
    %swap3A_118 = vector.shape_cast %broadcast_in_dim3A_114 : vector<16xf32> to vector<16xf32>
    tpu.vector_store %arg6[%swap3A_115], %swap3A_118 {strides = array<i32>} : memref<640xf32, #tpu.memory_space<vmem>>, vector<16xf32>,
    %broadcast_in_dim3A_119 = arith.constant 0.000000e+00 : f32
    %broadcast_in_dim3A_120 = vector.broadcast %broadcast_in_dim3A_119 : f32 to vector<16xf32>
    %swap3A_121 = arith.constant 192 : index
    %swap3A_122 = tpu.vector_load %arg6[%swap3A_121] {strides = array<i32>} : memref<640xf32, #tpu.memory_space<vmem>>, vector<16xf32>,
    %swap3A_123 = vector.shape_cast %swap3A_122 : vector<16xf32> to vector<16xf32>
    %swap3A_124 = vector.shape_cast %broadcast_in_dim3A_120 : vector<16xf32> to vector<16xf32>
    tpu.vector_store %arg6[%swap3A_121], %swap3A_124 {strides = array<i32>} : memref<640xf32, #tpu.memory_space<vmem>>, vector<16xf32>,
    %broadcast_in_dim3A_125 = arith.constant 0.000000e+00 : f32
    %broadcast_in_dim3A_126 = vector.broadcast %broadcast_in_dim3A_125 : f32 to vector<16xf32>
    %swap3A_127 = arith.constant 208 : index
    %swap3A_128 = tpu.vector_load %arg6[%swap3A_127] {strides = array<i32>} : memref<640xf32, #tpu.memory_space<vmem>>, vector<16xf32>,
    %swap3A_129 = vector.shape_cast %swap3A_128 : vector<16xf32> to vector<16xf32>
    %swap3A_130 = vector.shape_cast %broadcast_in_dim3A_126 : vector<16xf32> to vector<16xf32>
    tpu.vector_store %arg6[%swap3A_127], %swap3A_130 {strides = array<i32>} : memref<640xf32, #tpu.memory_space<vmem>>, vector<16xf32>,
    %broadcast_in_dim3A_131 = arith.constant 0.000000e+00 : f32
    %broadcast_in_dim3A_132 = vector.broadcast %broadcast_in_dim3A_131 : f32 to vector<16xf32>
    %swap3A_133 = arith.constant 224 : index
    %swap3A_134 = tpu.vector_load %arg6[%swap3A_133] {strides = array<i32>} : memref<640xf32, #tpu.memory_space<vmem>>, vector<16xf32>,
    %swap3A_135 = vector.shape_cast %swap3A_134 : vector<16xf32> to vector<16xf32>
    %swap3A_136 = vector.shape_cast %broadcast_in_dim3A_132 : vector<16xf32> to vector<16xf32>
    tpu.vector_store %arg6[%swap3A_133], %swap3A_136 {strides = array<i32>} : memref<640xf32, #tpu.memory_space<vmem>>, vector<16xf32>,
    %broadcast_in_dim3A_137 = arith.constant 0.000000e+00 : f32
    %broadcast_in_dim3A_138 = vector.broadcast %broadcast_in_dim3A_137 : f32 to vector<16xf32>
    %swap3A_139 = arith.constant 240 : index
    %swap3A_140 = tpu.vector_load %arg6[%swap3A_139] {strides = array<i32>} : memref<640xf32, #tpu.memory_space<vmem>>, vector<16xf32>,
    %swap3A_141 = vector.shape_cast %swap3A_140 : vector<16xf32> to vector<16xf32>
    %swap3A_142 = vector.shape_cast %broadcast_in_dim3A_138 : vector<16xf32> to vector<16xf32>
    tpu.vector_store %arg6[%swap3A_139], %swap3A_142 {strides = array<i32>} : memref<640xf32, #tpu.memory_space<vmem>>, vector<16xf32>,
    %broadcast_in_dim3A_143 = arith.constant 0.000000e+00 : f32
    %broadcast_in_dim3A_144 = vector.broadcast %broadcast_in_dim3A_143 : f32 to vector<16xf32>
    %swap3A_145 = arith.constant 256 : index
    %swap3A_146 = tpu.vector_load %arg6[%swap3A_145] {strides = array<i32>} : memref<640xf32, #tpu.memory_space<vmem>>, vector<16xf32>,
    %swap3A_147 = vector.shape_cast %swap3A_146 : vector<16xf32> to vector<16xf32>
    %swap3A_148 = vector.shape_cast %broadcast_in_dim3A_144 : vector<16xf32> to vector<16xf32>
    tpu.vector_store %arg6[%swap3A_145], %swap3A_148 {strides = array<i32>} : memref<640xf32, #tpu.memory_space<vmem>>, vector<16xf32>,
    %broadcast_in_dim3A_149 = arith.constant 0.000000e+00 : f32
    %broadcast_in_dim3A_150 = vector.broadcast %broadcast_in_dim3A_149 : f32 to vector<16xf32>
    %swap3A_151 = arith.constant 272 : index
    %swap3A_152 = tpu.vector_load %arg6[%swap3A_151] {strides = array<i32>} : memref<640xf32, #tpu.memory_space<vmem>>, vector<16xf32>,
    %swap3A_153 = vector.shape_cast %swap3A_152 : vector<16xf32> to vector<16xf32>
    %swap3A_154 = vector.shape_cast %broadcast_in_dim3A_150 : vector<16xf32> to vector<16xf32>
    tpu.vector_store %arg6[%swap3A_151], %swap3A_154 {strides = array<i32>} : memref<640xf32, #tpu.memory_space<vmem>>, vector<16xf32>,
    %broadcast_in_dim3A_155 = arith.constant 0.000000e+00 : f32
    %broadcast_in_dim3A_156 = vector.broadcast %broadcast_in_dim3A_155 : f32 to vector<16xf32>
    %swap3A_157 = arith.constant 288 : index
    %swap3A_158 = tpu.vector_load %arg6[%swap3A_157] {strides = array<i32>} : memref<640xf32, #tpu.memory_space<vmem>>, vector<16xf32>,
    %swap3A_159 = vector.shape_cast %swap3A_158 : vector<16xf32> to vector<16xf32>
    %swap3A_160 = vector.shape_cast %broadcast_in_dim3A_156 : vector<16xf32> to vector<16xf32>
    tpu.vector_store %arg6[%swap3A_157], %swap3A_160 {strides = array<i32>} : memref<640xf32, #tpu.memory_space<vmem>>, vector<16xf32>,
    %broadcast_in_dim3A_161 = arith.constant 0.000000e+00 : f32
    %broadcast_in_dim3A_162 = vector.broadcast %broadcast_in_dim3A_161 : f32 to vector<16xf32>
    %swap3A_163 = arith.constant 304 : index
    %swap3A_164 = tpu.vector_load %arg6[%swap3A_163] {strides = array<i32>} : memref<640xf32, #tpu.memory_space<vmem>>, vector<16xf32>,
    %swap3A_165 = vector.shape_cast %swap3A_164 : vector<16xf32> to vector<16xf32>
    %swap3A_166 = vector.shape_cast %broadcast_in_dim3A_162 : vector<16xf32> to vector<16xf32>
    tpu.vector_store %arg6[%swap3A_163], %swap3A_166 {strides = array<i32>} : memref<640xf32, #tpu.memory_space<vmem>>, vector<16xf32>,
    %broadcast_in_dim3A_167 = arith.constant 0.000000e+00 : f32
    %broadcast_in_dim3A_168 = vector.broadcast %broadcast_in_dim3A_167 : f32 to vector<16xf32>
    %swap3A_169 = arith.constant 320 : index
    %swap3A_170 = tpu.vector_load %arg6[%swap3A_169] {strides = array<i32>} : memref<640xf32, #tpu.memory_space<vmem>>, vector<16xf32>,
    %swap3A_171 = vector.shape_cast %swap3A_170 : vector<16xf32> to vector<16xf32>
    %swap3A_172 = vector.shape_cast %broadcast_in_dim3A_168 : vector<16xf32> to vector<16xf32>
    tpu.vector_store %arg6[%swap3A_169], %swap3A_172 {strides = array<i32>} : memref<640xf32, #tpu.memory_space<vmem>>, vector<16xf32>,
    %broadcast_in_dim3A_173 = arith.constant 0.000000e+00 : f32
    %broadcast_in_dim3A_174 = vector.broadcast %broadcast_in_dim3A_173 : f32 to vector<16xf32>
    %swap3A_175 = arith.constant 336 : index
    %swap3A_176 = tpu.vector_load %arg6[%swap3A_175] {strides = array<i32>} : memref<640xf32, #tpu.memory_space<vmem>>, vector<16xf32>,
    %swap3A_177 = vector.shape_cast %swap3A_176 : vector<16xf32> to vector<16xf32>
    %swap3A_178 = vector.shape_cast %broadcast_in_dim3A_174 : vector<16xf32> to vector<16xf32>
    tpu.vector_store %arg6[%swap3A_175], %swap3A_178 {strides = array<i32>} : memref<640xf32, #tpu.memory_space<vmem>>, vector<16xf32>,
    %broadcast_in_dim3A_179 = arith.constant 0.000000e+00 : f32
    %broadcast_in_dim3A_180 = vector.broadcast %broadcast_in_dim3A_179 : f32 to vector<16xf32>
    %swap3A_181 = arith.constant 352 : index
    %swap3A_182 = tpu.vector_load %arg6[%swap3A_181] {strides = array<i32>} : memref<640xf32, #tpu.memory_space<vmem>>, vector<16xf32>,
    %swap3A_183 = vector.shape_cast %swap3A_182 : vector<16xf32> to vector<16xf32>
    %swap3A_184 = vector.shape_cast %broadcast_in_dim3A_180 : vector<16xf32> to vector<16xf32>
    tpu.vector_store %arg6[%swap3A_181], %swap3A_184 {strides = array<i32>} : memref<640xf32, #tpu.memory_space<vmem>>, vector<16xf32>,
    %broadcast_in_dim3A_185 = arith.constant 0.000000e+00 : f32
    %broadcast_in_dim3A_186 = vector.broadcast %broadcast_in_dim3A_185 : f32 to vector<16xf32>
    %swap3A_187 = arith.constant 368 : index
    %swap3A_188 = tpu.vector_load %arg6[%swap3A_187] {strides = array<i32>} : memref<640xf32, #tpu.memory_space<vmem>>, vector<16xf32>,
    %swap3A_189 = vector.shape_cast %swap3A_188 : vector<16xf32> to vector<16xf32>
    %swap3A_190 = vector.shape_cast %broadcast_in_dim3A_186 : vector<16xf32> to vector<16xf32>
    tpu.vector_store %arg6[%swap3A_187], %swap3A_190 {strides = array<i32>} : memref<640xf32, #tpu.memory_space<vmem>>, vector<16xf32>,
    %broadcast_in_dim3A_191 = arith.constant 0.000000e+00 : f32
    %broadcast_in_dim3A_192 = vector.broadcast %broadcast_in_dim3A_191 : f32 to vector<16xf32>
    %swap3A_193 = arith.constant 384 : index
    %swap3A_194 = tpu.vector_load %arg6[%swap3A_193] {strides = array<i32>} : memref<640xf32, #tpu.memory_space<vmem>>, vector<16xf32>,
    %swap3A_195 = vector.shape_cast %swap3A_194 : vector<16xf32> to vector<16xf32>
    %swap3A_196 = vector.shape_cast %broadcast_in_dim3A_192 : vector<16xf32> to vector<16xf32>
    tpu.vector_store %arg6[%swap3A_193], %swap3A_196 {strides = array<i32>} : memref<640xf32, #tpu.memory_space<vmem>>, vector<16xf32>,
    %broadcast_in_dim3A_197 = arith.constant 0.000000e+00 : f32
    %broadcast_in_dim3A_198 = vector.broadcast %broadcast_in_dim3A_197 : f32 to vector<16xf32>
    %swap3A_199 = arith.constant 400 : index
    %swap3A_200 = tpu.vector_load %arg6[%swap3A_199] {strides = array<i32>} : memref<640xf32, #tpu.memory_space<vmem>>, vector<16xf32>,
    %swap3A_201 = vector.shape_cast %swap3A_200 : vector<16xf32> to vector<16xf32>
    %swap3A_202 = vector.shape_cast %broadcast_in_dim3A_198 : vector<16xf32> to vector<16xf32>
    tpu.vector_store %arg6[%swap3A_199], %swap3A_202 {strides = array<i32>} : memref<640xf32, #tpu.memory_space<vmem>>, vector<16xf32>,
    %broadcast_in_dim3A_203 = arith.constant 0.000000e+00 : f32
    %broadcast_in_dim3A_204 = vector.broadcast %broadcast_in_dim3A_203 : f32 to vector<16xf32>
    %swap3A_205 = arith.constant 416 : index
    %swap3A_206 = tpu.vector_load %arg6[%swap3A_205] {strides = array<i32>} : memref<640xf32, #tpu.memory_space<vmem>>, vector<16xf32>,
    %swap3A_207 = vector.shape_cast %swap3A_206 : vector<16xf32> to vector<16xf32>
    %swap3A_208 = vector.shape_cast %broadcast_in_dim3A_204 : vector<16xf32> to vector<16xf32>
    tpu.vector_store %arg6[%swap3A_205], %swap3A_208 {strides = array<i32>} : memref<640xf32, #tpu.memory_space<vmem>>, vector<16xf32>,
    %broadcast_in_dim3A_209 = arith.constant 0.000000e+00 : f32
    %broadcast_in_dim3A_210 = vector.broadcast %broadcast_in_dim3A_209 : f32 to vector<16xf32>
    %swap3A_211 = arith.constant 432 : index
    %swap3A_212 = tpu.vector_load %arg6[%swap3A_211] {strides = array<i32>} : memref<640xf32, #tpu.memory_space<vmem>>, vector<16xf32>,
    %swap3A_213 = vector.shape_cast %swap3A_212 : vector<16xf32> to vector<16xf32>
    %swap3A_214 = vector.shape_cast %broadcast_in_dim3A_210 : vector<16xf32> to vector<16xf32>
    tpu.vector_store %arg6[%swap3A_211], %swap3A_214 {strides = array<i32>} : memref<640xf32, #tpu.memory_space<vmem>>, vector<16xf32>,
    %broadcast_in_dim3A_215 = arith.constant 0.000000e+00 : f32
    %broadcast_in_dim3A_216 = vector.broadcast %broadcast_in_dim3A_215 : f32 to vector<16xf32>
    %swap3A_217 = arith.constant 448 : index
    %swap3A_218 = tpu.vector_load %arg6[%swap3A_217] {strides = array<i32>} : memref<640xf32, #tpu.memory_space<vmem>>, vector<16xf32>,
    %swap3A_219 = vector.shape_cast %swap3A_218 : vector<16xf32> to vector<16xf32>
    %swap3A_220 = vector.shape_cast %broadcast_in_dim3A_216 : vector<16xf32> to vector<16xf32>
    tpu.vector_store %arg6[%swap3A_217], %swap3A_220 {strides = array<i32>} : memref<640xf32, #tpu.memory_space<vmem>>, vector<16xf32>,
    %broadcast_in_dim3A_221 = arith.constant 0.000000e+00 : f32
    %broadcast_in_dim3A_222 = vector.broadcast %broadcast_in_dim3A_221 : f32 to vector<16xf32>
    %swap3A_223 = arith.constant 464 : index
    %swap3A_224 = tpu.vector_load %arg6[%swap3A_223] {strides = array<i32>} : memref<640xf32, #tpu.memory_space<vmem>>, vector<16xf32>,
    %swap3A_225 = vector.shape_cast %swap3A_224 : vector<16xf32> to vector<16xf32>
    %swap3A_226 = vector.shape_cast %broadcast_in_dim3A_222 : vector<16xf32> to vector<16xf32>
    tpu.vector_store %arg6[%swap3A_223], %swap3A_226 {strides = array<i32>} : memref<640xf32, #tpu.memory_space<vmem>>, vector<16xf32>,
    %broadcast_in_dim3A_227 = arith.constant 0.000000e+00 : f32
    %broadcast_in_dim3A_228 = vector.broadcast %broadcast_in_dim3A_227 : f32 to vector<16xf32>
    %swap3A_229 = arith.constant 480 : index
    %swap3A_230 = tpu.vector_load %arg6[%swap3A_229] {strides = array<i32>} : memref<640xf32, #tpu.memory_space<vmem>>, vector<16xf32>,
    %swap3A_231 = vector.shape_cast %swap3A_230 : vector<16xf32> to vector<16xf32>
    %swap3A_232 = vector.shape_cast %broadcast_in_dim3A_228 : vector<16xf32> to vector<16xf32>
    tpu.vector_store %arg6[%swap3A_229], %swap3A_232 {strides = array<i32>} : memref<640xf32, #tpu.memory_space<vmem>>, vector<16xf32>,
    %broadcast_in_dim3A_233 = arith.constant 0.000000e+00 : f32
    %broadcast_in_dim3A_234 = vector.broadcast %broadcast_in_dim3A_233 : f32 to vector<16xf32>
    %swap3A_235 = arith.constant 496 : index
    %swap3A_236 = tpu.vector_load %arg6[%swap3A_235] {strides = array<i32>} : memref<640xf32, #tpu.memory_space<vmem>>, vector<16xf32>,
    %swap3A_237 = vector.shape_cast %swap3A_236 : vector<16xf32> to vector<16xf32>
    %swap3A_238 = vector.shape_cast %broadcast_in_dim3A_234 : vector<16xf32> to vector<16xf32>
    tpu.vector_store %arg6[%swap3A_235], %swap3A_238 {strides = array<i32>} : memref<640xf32, #tpu.memory_space<vmem>>, vector<16xf32>,
    %broadcast_in_dim3A_239 = arith.constant 0.000000e+00 : f32
    %broadcast_in_dim3A_240 = vector.broadcast %broadcast_in_dim3A_239 : f32 to vector<16xf32>
    %swap3A_241 = arith.constant 512 : index
    %swap3A_242 = tpu.vector_load %arg6[%swap3A_241] {strides = array<i32>} : memref<640xf32, #tpu.memory_space<vmem>>, vector<16xf32>,
    %swap3A_243 = vector.shape_cast %swap3A_242 : vector<16xf32> to vector<16xf32>
    %swap3A_244 = vector.shape_cast %broadcast_in_dim3A_240 : vector<16xf32> to vector<16xf32>
    tpu.vector_store %arg6[%swap3A_241], %swap3A_244 {strides = array<i32>} : memref<640xf32, #tpu.memory_space<vmem>>, vector<16xf32>,
    %broadcast_in_dim3A_245 = arith.constant 0.000000e+00 : f32
    %broadcast_in_dim3A_246 = vector.broadcast %broadcast_in_dim3A_245 : f32 to vector<16xf32>
    %swap3A_247 = arith.constant 528 : index
    %swap3A_248 = tpu.vector_load %arg6[%swap3A_247] {strides = array<i32>} : memref<640xf32, #tpu.memory_space<vmem>>, vector<16xf32>,
    %swap3A_249 = vector.shape_cast %swap3A_248 : vector<16xf32> to vector<16xf32>
    %swap3A_250 = vector.shape_cast %broadcast_in_dim3A_246 : vector<16xf32> to vector<16xf32>
    tpu.vector_store %arg6[%swap3A_247], %swap3A_250 {strides = array<i32>} : memref<640xf32, #tpu.memory_space<vmem>>, vector<16xf32>,
    %broadcast_in_dim3A_251 = arith.constant 0.000000e+00 : f32
    %broadcast_in_dim3A_252 = vector.broadcast %broadcast_in_dim3A_251 : f32 to vector<16xf32>
    %swap3A_253 = arith.constant 544 : index
    %swap3A_254 = tpu.vector_load %arg6[%swap3A_253] {strides = array<i32>} : memref<640xf32, #tpu.memory_space<vmem>>, vector<16xf32>,
    %swap3A_255 = vector.shape_cast %swap3A_254 : vector<16xf32> to vector<16xf32>
    %swap3A_256 = vector.shape_cast %broadcast_in_dim3A_252 : vector<16xf32> to vector<16xf32>
    tpu.vector_store %arg6[%swap3A_253], %swap3A_256 {strides = array<i32>} : memref<640xf32, #tpu.memory_space<vmem>>, vector<16xf32>,
    %broadcast_in_dim3A_257 = arith.constant 0.000000e+00 : f32
    %broadcast_in_dim3A_258 = vector.broadcast %broadcast_in_dim3A_257 : f32 to vector<16xf32>
    %swap3A_259 = arith.constant 560 : index
    %swap3A_260 = tpu.vector_load %arg6[%swap3A_259] {strides = array<i32>} : memref<640xf32, #tpu.memory_space<vmem>>, vector<16xf32>,
    %swap3A_261 = vector.shape_cast %swap3A_260 : vector<16xf32> to vector<16xf32>
    %swap3A_262 = vector.shape_cast %broadcast_in_dim3A_258 : vector<16xf32> to vector<16xf32>
    tpu.vector_store %arg6[%swap3A_259], %swap3A_262 {strides = array<i32>} : memref<640xf32, #tpu.memory_space<vmem>>, vector<16xf32>,
    %broadcast_in_dim3A_263 = arith.constant 0.000000e+00 : f32
    %broadcast_in_dim3A_264 = vector.broadcast %broadcast_in_dim3A_263 : f32 to vector<16xf32>
    %swap3A_265 = arith.constant 576 : index
    %swap3A_266 = tpu.vector_load %arg6[%swap3A_265] {strides = array<i32>} : memref<640xf32, #tpu.memory_space<vmem>>, vector<16xf32>,
    %swap3A_267 = vector.shape_cast %swap3A_266 : vector<16xf32> to vector<16xf32>
    %swap3A_268 = vector.shape_cast %broadcast_in_dim3A_264 : vector<16xf32> to vector<16xf32>
    tpu.vector_store %arg6[%swap3A_265], %swap3A_268 {strides = array<i32>} : memref<640xf32, #tpu.memory_space<vmem>>, vector<16xf32>,
    %broadcast_in_dim3A_269 = arith.constant 0.000000e+00 : f32
    %broadcast_in_dim3A_270 = vector.broadcast %broadcast_in_dim3A_269 : f32 to vector<16xf32>
    %swap3A_271 = arith.constant 592 : index
    %swap3A_272 = tpu.vector_load %arg6[%swap3A_271] {strides = array<i32>} : memref<640xf32, #tpu.memory_space<vmem>>, vector<16xf32>,
    %swap3A_273 = vector.shape_cast %swap3A_272 : vector<16xf32> to vector<16xf32>
    %swap3A_274 = vector.shape_cast %broadcast_in_dim3A_270 : vector<16xf32> to vector<16xf32>
    tpu.vector_store %arg6[%swap3A_271], %swap3A_274 {strides = array<i32>} : memref<640xf32, #tpu.memory_space<vmem>>, vector<16xf32>,
    %broadcast_in_dim3A_275 = arith.constant 0.000000e+00 : f32
    %broadcast_in_dim3A_276 = vector.broadcast %broadcast_in_dim3A_275 : f32 to vector<16xf32>
    %swap3A_277 = arith.constant 608 : index
    %swap3A_278 = tpu.vector_load %arg6[%swap3A_277] {strides = array<i32>} : memref<640xf32, #tpu.memory_space<vmem>>, vector<16xf32>,
    %swap3A_279 = vector.shape_cast %swap3A_278 : vector<16xf32> to vector<16xf32>
    %swap3A_280 = vector.shape_cast %broadcast_in_dim3A_276 : vector<16xf32> to vector<16xf32>
    tpu.vector_store %arg6[%swap3A_277], %swap3A_280 {strides = array<i32>} : memref<640xf32, #tpu.memory_space<vmem>>, vector<16xf32>,
    %broadcast_in_dim3A_281 = arith.constant 0.000000e+00 : f32
    %broadcast_in_dim3A_282 = vector.broadcast %broadcast_in_dim3A_281 : f32 to vector<16xf32>
    %swap3A_283 = arith.constant 624 : index
    %swap3A_284 = tpu.vector_load %arg6[%swap3A_283] {strides = array<i32>} : memref<640xf32, #tpu.memory_space<vmem>>, vector<16xf32>,
    %swap3A_285 = vector.shape_cast %swap3A_284 : vector<16xf32> to vector<16xf32>
    %swap3A_286 = vector.shape_cast %broadcast_in_dim3A_282 : vector<16xf32> to vector<16xf32>
    tpu.vector_store %arg6[%swap3A_283], %swap3A_286 {strides = array<i32>} : memref<640xf32, #tpu.memory_space<vmem>>, vector<16xf32>,
    %mul3A_287 = arith.constant 78 : i32
    %mul3A_288 = arith.muli %add3A, %mul3A_287 : i32
    %run_scoped3A = arith.constant 1 : i32
    "tpu.region"() ({
      %run_scoped3A_307 = tpu.sem_alloc : memref<!tpu.dma_semaphore, #tpu.memory_space<semaphore_mem>>
      %dma_start3A = arith.constant 0 : i32
      %dma_start3A_308 = arith.constant 0 : i32
      %dma_start3A_309 = tpu.memref_slice %arg4[%dma_start3A, %dma_start3A_308] : memref<79x128xi32, #tpu.memory_space<vmem>> -> memref<78x128xi32, #tpu.memory_space<vmem>>
      %dma_start3A_310 = arith.constant 0 : i32
      %dma_start3A_311 = tpu.memref_slice %arg2[%run_scoped3A, %mul3A_288, %dma_start3A_310] : memref<2x2500x128xi32, #tpu.memory_space<hbm>> -> memref<1x78x128xi32, #tpu.memory_space<hbm>>
      %dma_start3A_312 = tpu.memref_squeeze %dma_start3A_311 : memref<1x78x128xi32, #tpu.memory_space<hbm>> -> memref<78x128xi32, #tpu.memory_space<hbm>>
      %dma_start3A_313 = arith.constant 0 : i32
      %dma_start3A_314 = arith.constant 0 : i32
      %dma_start3A_315 = tpu.memref_slice %arg4[%dma_start3A_313, %dma_start3A_314] : memref<79x128xi32, #tpu.memory_space<vmem>> -> memref<78x128xi32, #tpu.memory_space<vmem>>
      %dma_start3A_316 = arith.constant 0 : i32
      %dma_start3A_317 = tpu.memref_slice %arg2[%run_scoped3A, %mul3A_288, %dma_start3A_316] : memref<2x2500x128xi32, #tpu.memory_space<hbm>> -> memref<1x78x128xi32, #tpu.memory_space<hbm>>
      %dma_start3A_318 = tpu.memref_squeeze %dma_start3A_317 : memref<1x78x128xi32, #tpu.memory_space<hbm>> -> memref<78x128xi32, #tpu.memory_space<hbm>>
      tpu.enqueue_dma source(%dma_start3A_318 : memref<78x128xi32, #tpu.memory_space<hbm>>) target(%dma_start3A_315 : memref<78x128xi32, #tpu.memory_space<vmem>>) target_semaphore(%run_scoped3A_307 : memref<!tpu.dma_semaphore, #tpu.memory_space<semaphore_mem>>)
      %dma_wait3A = arith.constant 0 : i32
      %dma_wait3A_319 = arith.constant 0 : i32
      %dma_wait3A_320 = tpu.memref_slice %arg4[%dma_wait3A, %dma_wait3A_319] : memref<79x128xi32, #tpu.memory_space<vmem>> -> memref<78x128xi32, #tpu.memory_space<vmem>>
      %dma_wait3A_321 = arith.constant 0 : i32
      %dma_wait3A_322 = tpu.memref_slice %arg2[%run_scoped3A, %mul3A_288, %dma_wait3A_321] : memref<2x2500x128xi32, #tpu.memory_space<hbm>> -> memref<1x78x128xi32, #tpu.memory_space<hbm>>
      %dma_wait3A_323 = tpu.memref_squeeze %dma_wait3A_322 : memref<1x78x128xi32, #tpu.memory_space<hbm>> -> memref<78x128xi32, #tpu.memory_space<hbm>>
      %dma_wait3A_324 = arith.constant 0 : i32
      %dma_wait3A_325 = arith.constant 0 : i32
      %dma_wait3A_326 = tpu.memref_slice %arg4[%dma_wait3A_324, %dma_wait3A_325] : memref<79x128xi32, #tpu.memory_space<vmem>> -> memref<78x128xi32, #tpu.memory_space<vmem>>
      %dma_wait3A_327 = arith.constant 0 : i32
      %dma_wait3A_328 = tpu.memref_slice %arg2[%run_scoped3A, %mul3A_288, %dma_wait3A_327] : memref<2x2500x128xi32, #tpu.memory_space<hbm>> -> memref<1x78x128xi32, #tpu.memory_space<hbm>>
      %dma_wait3A_329 = tpu.memref_squeeze %dma_wait3A_328 : memref<1x78x128xi32, #tpu.memory_space<hbm>> -> memref<78x128xi32, #tpu.memory_space<hbm>>
      tpu.wait_dma2 semaphore(%run_scoped3A_307 : memref<!tpu.dma_semaphore, #tpu.memory_space<semaphore_mem>>) src(%dma_wait3A_329 : memref<78x128xi32, #tpu.memory_space<hbm>>) dst(%dma_wait3A_326 : memref<78x128xi32, #tpu.memory_space<vmem>>)
      tpu.yield
    }) : () -> ()
    %lt3A = arith.constant 4 : i32
    %lt3A_289 = arith.cmpi slt, %add3A, %lt3A : i32
    %convert_element_type3A = arith.extui %lt3A_289 : i1 to i32
    %cond3A = arith.constant 0 : i32
    %cond3A_290 = arith.cmpi ne, %convert_element_type3A, %cond3A : i32
    scf.if %cond3A_290 {
      %add3A_307 = arith.constant 2496 : i32
      %add3A_308 = arith.addi %add3A_307, %add3A : i32
      %run_scoped3A_309 = arith.constant 1 : i32
      %run_scoped3A_310 = arith.constant 78 : i32
      "tpu.region"() ({
        %run_scoped3A_311 = tpu.sem_alloc : memref<!tpu.dma_semaphore, #tpu.memory_space<semaphore_mem>>
        %dma_start3A = arith.constant 0 : i32
        %dma_start3A_312 = tpu.memref_slice %arg4[%run_scoped3A_310, %dma_start3A] : memref<79x128xi32, #tpu.memory_space<vmem>> -> memref<1x128xi32, #tpu.memory_space<vmem>>
        %dma_start3A_313 = tpu.memref_squeeze %dma_start3A_312 : memref<1x128xi32, #tpu.memory_space<vmem>> -> memref<128xi32, #tpu.memory_space<vmem>>
        %dma_start3A_314 = arith.constant 0 : i32
        %dma_start3A_315 = tpu.memref_slice %arg2[%run_scoped3A_309, %add3A_308, %dma_start3A_314] : memref<2x2500x128xi32, #tpu.memory_space<hbm>> -> memref<1x1x128xi32, #tpu.memory_space<hbm>>
        %dma_start3A_316 = tpu.memref_squeeze %dma_start3A_315 : memref<1x1x128xi32, #tpu.memory_space<hbm>> -> memref<128xi32, #tpu.memory_space<hbm>>
        %dma_start3A_317 = arith.constant 0 : i32
        %dma_start3A_318 = tpu.memref_slice %arg4[%run_scoped3A_310, %dma_start3A_317] : memref<79x128xi32, #tpu.memory_space<vmem>> -> memref<1x128xi32, #tpu.memory_space<vmem>>
        %dma_start3A_319 = tpu.memref_squeeze %dma_start3A_318 : memref<1x128xi32, #tpu.memory_space<vmem>> -> memref<128xi32, #tpu.memory_space<vmem>>
        %dma_start3A_320 = arith.constant 0 : i32
        %dma_start3A_321 = tpu.memref_slice %arg2[%run_scoped3A_309, %add3A_308, %dma_start3A_320] : memref<2x2500x128xi32, #tpu.memory_space<hbm>> -> memref<1x1x128xi32, #tpu.memory_space<hbm>>
        %dma_start3A_322 = tpu.memref_squeeze %dma_start3A_321 : memref<1x1x128xi32, #tpu.memory_space<hbm>> -> memref<128xi32, #tpu.memory_space<hbm>>
        tpu.enqueue_dma source(%dma_start3A_322 : memref<128xi32, #tpu.memory_space<hbm>>) target(%dma_start3A_319 : memref<128xi32, #tpu.memory_space<vmem>>) target_semaphore(%run_scoped3A_311 : memref<!tpu.dma_semaphore, #tpu.memory_space<semaphore_mem>>)
        %dma_wait3A = arith.constant 0 : i32
        %dma_wait3A_323 = tpu.memref_slice %arg4[%run_scoped3A_310, %dma_wait3A] : memref<79x128xi32, #tpu.memory_space<vmem>> -> memref<1x128xi32, #tpu.memory_space<vmem>>
        %dma_wait3A_324 = tpu.memref_squeeze %dma_wait3A_323 : memref<1x128xi32, #tpu.memory_space<vmem>> -> memref<128xi32, #tpu.memory_space<vmem>>
        %dma_wait3A_325 = arith.constant 0 : i32
        %dma_wait3A_326 = tpu.memref_slice %arg2[%run_scoped3A_309, %add3A_308, %dma_wait3A_325] : memref<2x2500x128xi32, #tpu.memory_space<hbm>> -> memref<1x1x128xi32, #tpu.memory_space<hbm>>
        %dma_wait3A_327 = tpu.memref_squeeze %dma_wait3A_326 : memref<1x1x128xi32, #tpu.memory_space<hbm>> -> memref<128xi32, #tpu.memory_space<hbm>>
        %dma_wait3A_328 = arith.constant 0 : i32
        %dma_wait3A_329 = tpu.memref_slice %arg4[%run_scoped3A_310, %dma_wait3A_328] : memref<79x128xi32, #tpu.memory_space<vmem>> -> memref<1x128xi32, #tpu.memory_space<vmem>>
        %dma_wait3A_330 = tpu.memref_squeeze %dma_wait3A_329 : memref<1x128xi32, #tpu.memory_space<vmem>> -> memref<128xi32, #tpu.memory_space<vmem>>
        %dma_wait3A_331 = arith.constant 0 : i32
        %dma_wait3A_332 = tpu.memref_slice %arg2[%run_scoped3A_309, %add3A_308, %dma_wait3A_331] : memref<2x2500x128xi32, #tpu.memory_space<hbm>> -> memref<1x1x128xi32, #tpu.memory_space<hbm>>
        %dma_wait3A_333 = tpu.memref_squeeze %dma_wait3A_332 : memref<1x1x128xi32, #tpu.memory_space<hbm>> -> memref<128xi32, #tpu.memory_space<hbm>>
        tpu.wait_dma2 semaphore(%run_scoped3A_311 : memref<!tpu.dma_semaphore, #tpu.memory_space<semaphore_mem>>) src(%dma_wait3A_333 : memref<128xi32, #tpu.memory_space<hbm>>) dst(%dma_wait3A_330 : memref<128xi32, #tpu.memory_space<vmem>>)
        tpu.yield
      }) : () -> ()
    } else {
    }
    %mul3A_291 = arith.constant 640 : i32
    %mul3A_292 = arith.muli %arg1, %mul3A_291 : i32
    "tpu.region"() ({
      %run_scoped3A_307 = tpu.sem_alloc : memref<!tpu.dma_semaphore, #tpu.memory_space<semaphore_mem>>
      %dma_start3A = tpu.memref_slice %arg7[%mul3A_292] : memref<10240xf32, #tpu.memory_space<vmem_shared>> -> memref<640xf32, #tpu.memory_space<vmem_shared>>
      %dma_start3A_308 = tpu.memref_slice %arg7[%mul3A_292] : memref<10240xf32, #tpu.memory_space<vmem_shared>> -> memref<640xf32, #tpu.memory_space<vmem_shared>>
      tpu.enqueue_dma source(%arg6 : memref<640xf32, #tpu.memory_space<vmem>>) target(%dma_start3A_308 : memref<640xf32, #tpu.memory_space<vmem_shared>>) target_semaphore(%run_scoped3A_307 : memref<!tpu.dma_semaphore, #tpu.memory_space<semaphore_mem>>)
      %dma_wait3A = tpu.memref_slice %arg7[%mul3A_292] : memref<10240xf32, #tpu.memory_space<vmem_shared>> -> memref<640xf32, #tpu.memory_space<vmem_shared>>
      %dma_wait3A_309 = tpu.memref_slice %arg7[%mul3A_292] : memref<10240xf32, #tpu.memory_space<vmem_shared>> -> memref<640xf32, #tpu.memory_space<vmem_shared>>
      tpu.wait_dma2 semaphore(%run_scoped3A_307 : memref<!tpu.dma_semaphore, #tpu.memory_space<semaphore_mem>>) src(%arg6 : memref<640xf32, #tpu.memory_space<vmem>>) dst(%dma_wait3A_309 : memref<640xf32, #tpu.memory_space<vmem_shared>>)
      tpu.yield
    }) : () -> ()
    %barrier3A = arith.constant 0 : index
    tpu.barrier barrier_id(%barrier3A)
    %scan3A = arith.constant 0 : i32
    %scan3A_293 = arith.constant 39 : i32
    %scan3A_294 = arith.addi %scan3A, %scan3A_293 : i32
    %scan3A_295 = arith.constant 1 : i32
    scf.for %scan3A_307 = %scan3A to %scan3A_294 step %scan3A_295  : i32 {
      %mul3A_308 = arith.constant 2 : i32
      %mul3A_309 = arith.muli %scan3A_307, %mul3A_308 : i32
      %add3A_310 = arith.constant 0 : i32
      %add3A_311 = arith.addi %add3A_310, %mul3A_309 : i32
      %add3A_312 = arith.constant 0 : i32
      %add3A_313 = arith.addi %add3A_311, %add3A_312 : i32
      "tpu.region"() ({
        %run_scoped3A_316 = tpu.sem_alloc : memref<!tpu.dma_semaphore, #tpu.memory_space<semaphore_mem>>
        %dma_start3A = arith.constant 0 : i32
        %dma_start3A_317 = tpu.memref_slice %arg4[%add3A_313, %dma_start3A] : memref<79x128xi32, #tpu.memory_space<vmem>> -> memref<1x128xi32, #tpu.memory_space<vmem>>
        %dma_start3A_318 = tpu.memref_squeeze %dma_start3A_317 : memref<1x128xi32, #tpu.memory_space<vmem>> -> memref<128xi32, #tpu.memory_space<vmem>>
        %dma_start3A_319 = arith.constant 0 : i32
        %dma_start3A_320 = tpu.memref_slice %arg7[%dma_start3A_319] : memref<10240xf32, #tpu.memory_space<vmem_shared>> -> memref<10240xf32, #tpu.memory_space<vmem_shared>>
        tpu.enqueue_indirect_dma source(%arg5 : memref<128xf32, #tpu.memory_space<vmem>>) target(%dma_start3A_320 : memref<10240xf32, #tpu.memory_space<vmem_shared>>) offsets(%dma_start3A_318 : memref<128xi32, #tpu.memory_space<vmem>>) semaphore(%run_scoped3A_316 : memref<!tpu.dma_semaphore, #tpu.memory_space<semaphore_mem>>) {add = true}
        %dma_wait3A = arith.constant 0 : i32
        %dma_wait3A_321 = tpu.memref_slice %arg4[%add3A_313, %dma_wait3A] : memref<79x128xi32, #tpu.memory_space<vmem>> -> memref<1x128xi32, #tpu.memory_space<vmem>>
        %dma_wait3A_322 = tpu.memref_squeeze %dma_wait3A_321 : memref<1x128xi32, #tpu.memory_space<vmem>> -> memref<128xi32, #tpu.memory_space<vmem>>
        %dma_wait3A_323 = arith.constant 0 : i32
        %dma_wait3A_324 = tpu.memref_slice %arg7[%dma_wait3A_323] : memref<10240xf32, #tpu.memory_space<vmem_shared>> -> memref<10240xf32, #tpu.memory_space<vmem_shared>>
        tpu.wait_indirect_dma semaphore(%run_scoped3A_316 : memref<!tpu.dma_semaphore, #tpu.memory_space<semaphore_mem>>) src(%arg5 : memref<128xf32, #tpu.memory_space<vmem>>) dst(%dma_wait3A_324 : memref<10240xf32, #tpu.memory_space<vmem_shared>>)
        tpu.yield
      }) : () -> ()
      %add3A_314 = arith.constant 1 : i32
      %add3A_315 = arith.addi %add3A_311, %add3A_314 : i32
      "tpu.region"() ({
        %run_scoped3A_316 = tpu.sem_alloc : memref<!tpu.dma_semaphore, #tpu.memory_space<semaphore_mem>>
        %dma_start3A = arith.constant 0 : i32
        %dma_start3A_317 = tpu.memref_slice %arg4[%add3A_315, %dma_start3A] : memref<79x128xi32, #tpu.memory_space<vmem>> -> memref<1x128xi32, #tpu.memory_space<vmem>>
        %dma_start3A_318 = tpu.memref_squeeze %dma_start3A_317 : memref<1x128xi32, #tpu.memory_space<vmem>> -> memref<128xi32, #tpu.memory_space<vmem>>
        %dma_start3A_319 = arith.constant 0 : i32
        %dma_start3A_320 = tpu.memref_slice %arg7[%dma_start3A_319] : memref<10240xf32, #tpu.memory_space<vmem_shared>> -> memref<10240xf32, #tpu.memory_space<vmem_shared>>
        tpu.enqueue_indirect_dma source(%arg5 : memref<128xf32, #tpu.memory_space<vmem>>) target(%dma_start3A_320 : memref<10240xf32, #tpu.memory_space<vmem_shared>>) offsets(%dma_start3A_318 : memref<128xi32, #tpu.memory_space<vmem>>) semaphore(%run_scoped3A_316 : memref<!tpu.dma_semaphore, #tpu.memory_space<semaphore_mem>>) {add = true}
        %dma_wait3A = arith.constant 0 : i32
        %dma_wait3A_321 = tpu.memref_slice %arg4[%add3A_315, %dma_wait3A] : memref<79x128xi32, #tpu.memory_space<vmem>> -> memref<1x128xi32, #tpu.memory_space<vmem>>
        %dma_wait3A_322 = tpu.memref_squeeze %dma_wait3A_321 : memref<1x128xi32, #tpu.memory_space<vmem>> -> memref<128xi32, #tpu.memory_space<vmem>>
        %dma_wait3A_323 = arith.constant 0 : i32
        %dma_wait3A_324 = tpu.memref_slice %arg7[%dma_wait3A_323] : memref<10240xf32, #tpu.memory_space<vmem_shared>> -> memref<10240xf32, #tpu.memory_space<vmem_shared>>
        tpu.wait_indirect_dma semaphore(%run_scoped3A_316 : memref<!tpu.dma_semaphore, #tpu.memory_space<semaphore_mem>>) src(%arg5 : memref<128xf32, #tpu.memory_space<vmem>>) dst(%dma_wait3A_324 : memref<10240xf32, #tpu.memory_space<vmem_shared>>)
        tpu.yield
      }) : () -> ()
    }
    %scan3A_296 = arith.constant 39 : i32
    %lt3A_297 = arith.constant 4 : i32
    %lt3A_298 = arith.cmpi slt, %add3A, %lt3A_297 : i32
    %convert_element_type3A_299 = arith.extui %lt3A_298 : i1 to i32
    %cond3A_300 = arith.constant 0 : i32
    %cond3A_301 = arith.cmpi ne, %convert_element_type3A_299, %cond3A_300 : i32
    scf.if %cond3A_301 {
      %run_scoped3A_307 = arith.constant 78 : i32
      "tpu.region"() ({
        %run_scoped3A_308 = tpu.sem_alloc : memref<!tpu.dma_semaphore, #tpu.memory_space<semaphore_mem>>
        %dma_start3A = arith.constant 0 : i32
        %dma_start3A_309 = tpu.memref_slice %arg4[%run_scoped3A_307, %dma_start3A] : memref<79x128xi32, #tpu.memory_space<vmem>> -> memref<1x128xi32, #tpu.memory_space<vmem>>
        %dma_start3A_310 = tpu.memref_squeeze %dma_start3A_309 : memref<1x128xi32, #tpu.memory_space<vmem>> -> memref<128xi32, #tpu.memory_space<vmem>>
        %dma_start3A_311 = arith.constant 0 : i32
        %dma_start3A_312 = tpu.memref_slice %arg7[%dma_start3A_311] : memref<10240xf32, #tpu.memory_space<vmem_shared>> -> memref<10240xf32, #tpu.memory_space<vmem_shared>>
        tpu.enqueue_indirect_dma source(%arg5 : memref<128xf32, #tpu.memory_space<vmem>>) target(%dma_start3A_312 : memref<10240xf32, #tpu.memory_space<vmem_shared>>) offsets(%dma_start3A_310 : memref<128xi32, #tpu.memory_space<vmem>>) semaphore(%run_scoped3A_308 : memref<!tpu.dma_semaphore, #tpu.memory_space<semaphore_mem>>) {add = true}
        %dma_wait3A = arith.constant 0 : i32
        %dma_wait3A_313 = tpu.memref_slice %arg4[%run_scoped3A_307, %dma_wait3A] : memref<79x128xi32, #tpu.memory_space<vmem>> -> memref<1x128xi32, #tpu.memory_space<vmem>>
        %dma_wait3A_314 = tpu.memref_squeeze %dma_wait3A_313 : memref<1x128xi32, #tpu.memory_space<vmem>> -> memref<128xi32, #tpu.memory_space<vmem>>
        %dma_wait3A_315 = arith.constant 0 : i32
        %dma_wait3A_316 = tpu.memref_slice %arg7[%dma_wait3A_315] : memref<10240xf32, #tpu.memory_space<vmem_shared>> -> memref<10240xf32, #tpu.memory_space<vmem_shared>>
        tpu.wait_indirect_dma semaphore(%run_scoped3A_308 : memref<!tpu.dma_semaphore, #tpu.memory_space<semaphore_mem>>) src(%arg5 : memref<128xf32, #tpu.memory_space<vmem>>) dst(%dma_wait3A_316 : memref<10240xf32, #tpu.memory_space<vmem_shared>>)
        tpu.yield
      }) : () -> ()
    } else {
    }
    %barrier3A_302 = arith.constant 0 : index
    tpu.barrier barrier_id(%barrier3A_302)
    %mul3A_303 = arith.constant 640 : i32
    %mul3A_304 = arith.muli %arg1, %mul3A_303 : i32
    %mul3A_305 = arith.constant 640 : i32
    %mul3A_306 = arith.muli %arg1, %mul3A_305 : i32
    "tpu.region"() ({
      %run_scoped3A_307 = tpu.sem_alloc : memref<!tpu.dma_semaphore, #tpu.memory_space<semaphore_mem>>
      %dma_start3A = tpu.memref_slice %arg3[%arg0, %mul3A_306] : memref<2x10240xf32, #tpu.memory_space<hbm>> -> memref<1x640xf32, #tpu.memory_space<hbm>>
      %dma_start3A_308 = tpu.memref_squeeze %dma_start3A : memref<1x640xf32, #tpu.memory_space<hbm>> -> memref<640xf32, #tpu.memory_space<hbm>>
      %dma_start3A_309 = tpu.memref_slice %arg7[%mul3A_304] : memref<10240xf32, #tpu.memory_space<vmem_shared>> -> memref<640xf32, #tpu.memory_space<vmem_shared>>
      tpu.enqueue_dma source(%dma_start3A_309 : memref<640xf32, #tpu.memory_space<vmem_shared>>) target(%dma_start3A_308 : memref<640xf32, #tpu.memory_space<hbm>>) target_semaphore(%run_scoped3A_307 : memref<!tpu.dma_semaphore, #tpu.memory_space<semaphore_mem>>)
      %dma_wait3A = tpu.memref_slice %arg3[%arg0, %mul3A_306] : memref<2x10240xf32, #tpu.memory_space<hbm>> -> memref<1x640xf32, #tpu.memory_space<hbm>>
      %dma_wait3A_310 = tpu.memref_squeeze %dma_wait3A : memref<1x640xf32, #tpu.memory_space<hbm>> -> memref<640xf32, #tpu.memory_space<hbm>>
      %dma_wait3A_311 = tpu.memref_slice %arg7[%mul3A_304] : memref<10240xf32, #tpu.memory_space<vmem_shared>> -> memref<640xf32, #tpu.memory_space<vmem_shared>>
      tpu.wait_dma2 semaphore(%run_scoped3A_307 : memref<!tpu.dma_semaphore, #tpu.memory_space<semaphore_mem>>) src(%dma_wait3A_311 : memref<640xf32, #tpu.memory_space<vmem_shared>>) dst(%dma_wait3A_310 : memref<640xf32, #tpu.memory_space<hbm>>)
      tpu.yield
    }) : () -> ()
    return
  }
}

#map = affine_map<(d0, d1) -> (0, 0)>
#map1 = affine_map<(d0, d1) -> (0, 0, 0)>
module attributes {stable_mosaic.version = 14 : i64} {
  func.func @_mp_body(%arg0: i32, %arg1: i32, %arg2: memref<10240x64xf32, #tpu.memory_space<hbm>>, %arg3: memref<10240x64xf32, #tpu.memory_space<hbm>>, %arg4: memref<2x2500x128xi32, #tpu.memory_space<hbm>>, %arg5: memref<10240x128xf32, #tpu.memory_space<hbm>>, %arg6: memref<157x128xi32, #tpu.memory_space<vmem>>, %arg7: memref<157x128xi32, #tpu.memory_space<vmem>>, %arg8: memref<128x64xf32, #tpu.memory_space<vmem>>, %arg9: memref<128x64xf32, #tpu.memory_space<vmem>>, %arg10: memref<128x64xf32, #tpu.memory_space<vmem>>, %arg11: memref<128x64xf32, #tpu.memory_space<vmem>>, %arg12: memref<!tpu.dma_semaphore, #tpu.memory_space<semaphore_mem>>, %arg13: memref<!tpu.dma_semaphore, #tpu.memory_space<semaphore_mem>>, %arg14: memref<!tpu.dma_semaphore, #tpu.memory_space<semaphore_mem>>, %arg15: memref<!tpu.dma_semaphore, #tpu.memory_space<semaphore_mem>>, %arg16: memref<10240x64xf32, #tpu.memory_space<vmem_shared>>) attributes {dimension_semantics = [#tpu.dimension_semantics<core_parallel>, #tpu.dimension_semantics<subcore_parallel>], iteration_bounds = array<i64: 2, 16>, scalar_prefetch = 0 : i64, scratch_operands = 11 : i64, tpu.core_type = #tpu.core_type<sc_vector_subcore>, window_params = [{transform_indices = #map}, {transform_indices = #map}, {transform_indices = #map1}, {transform_indices = #map}]} {
    %mul3A = arith.constant 156 : i32
    %mul3A_0 = arith.muli %arg1, %mul3A : i32
    %run_scoped3A = arith.constant 0 : i32
    "tpu.region"() ({
      %run_scoped3A_21 = tpu.sem_alloc : memref<!tpu.dma_semaphore, #tpu.memory_space<semaphore_mem>>
      %dma_start3A = arith.constant 0 : i32
      %dma_start3A_22 = arith.constant 0 : i32
      %dma_start3A_23 = tpu.memref_slice %arg6[%dma_start3A, %dma_start3A_22] : memref<157x128xi32, #tpu.memory_space<vmem>> -> memref<156x128xi32, #tpu.memory_space<vmem>>
      %dma_start3A_24 = arith.constant 0 : i32
      %dma_start3A_25 = tpu.memref_slice %arg4[%run_scoped3A, %mul3A_0, %dma_start3A_24] : memref<2x2500x128xi32, #tpu.memory_space<hbm>> -> memref<1x156x128xi32, #tpu.memory_space<hbm>>
      %dma_start3A_26 = tpu.memref_squeeze %dma_start3A_25 : memref<1x156x128xi32, #tpu.memory_space<hbm>> -> memref<156x128xi32, #tpu.memory_space<hbm>>
      %dma_start3A_27 = arith.constant 0 : i32
      %dma_start3A_28 = arith.constant 0 : i32
      %dma_start3A_29 = tpu.memref_slice %arg6[%dma_start3A_27, %dma_start3A_28] : memref<157x128xi32, #tpu.memory_space<vmem>> -> memref<156x128xi32, #tpu.memory_space<vmem>>
      %dma_start3A_30 = arith.constant 0 : i32
      %dma_start3A_31 = tpu.memref_slice %arg4[%run_scoped3A, %mul3A_0, %dma_start3A_30] : memref<2x2500x128xi32, #tpu.memory_space<hbm>> -> memref<1x156x128xi32, #tpu.memory_space<hbm>>
      %dma_start3A_32 = tpu.memref_squeeze %dma_start3A_31 : memref<1x156x128xi32, #tpu.memory_space<hbm>> -> memref<156x128xi32, #tpu.memory_space<hbm>>
      tpu.enqueue_dma source(%dma_start3A_32 : memref<156x128xi32, #tpu.memory_space<hbm>>) target(%dma_start3A_29 : memref<156x128xi32, #tpu.memory_space<vmem>>) target_semaphore(%run_scoped3A_21 : memref<!tpu.dma_semaphore, #tpu.memory_space<semaphore_mem>>)
      %dma_wait3A = arith.constant 0 : i32
      %dma_wait3A_33 = arith.constant 0 : i32
      %dma_wait3A_34 = tpu.memref_slice %arg6[%dma_wait3A, %dma_wait3A_33] : memref<157x128xi32, #tpu.memory_space<vmem>> -> memref<156x128xi32, #tpu.memory_space<vmem>>
      %dma_wait3A_35 = arith.constant 0 : i32
      %dma_wait3A_36 = tpu.memref_slice %arg4[%run_scoped3A, %mul3A_0, %dma_wait3A_35] : memref<2x2500x128xi32, #tpu.memory_space<hbm>> -> memref<1x156x128xi32, #tpu.memory_space<hbm>>
      %dma_wait3A_37 = tpu.memref_squeeze %dma_wait3A_36 : memref<1x156x128xi32, #tpu.memory_space<hbm>> -> memref<156x128xi32, #tpu.memory_space<hbm>>
      %dma_wait3A_38 = arith.constant 0 : i32
      %dma_wait3A_39 = arith.constant 0 : i32
      %dma_wait3A_40 = tpu.memref_slice %arg6[%dma_wait3A_38, %dma_wait3A_39] : memref<157x128xi32, #tpu.memory_space<vmem>> -> memref<156x128xi32, #tpu.memory_space<vmem>>
      %dma_wait3A_41 = arith.constant 0 : i32
      %dma_wait3A_42 = tpu.memref_slice %arg4[%run_scoped3A, %mul3A_0, %dma_wait3A_41] : memref<2x2500x128xi32, #tpu.memory_space<hbm>> -> memref<1x156x128xi32, #tpu.memory_space<hbm>>
      %dma_wait3A_43 = tpu.memref_squeeze %dma_wait3A_42 : memref<1x156x128xi32, #tpu.memory_space<hbm>> -> memref<156x128xi32, #tpu.memory_space<hbm>>
      tpu.wait_dma2 semaphore(%run_scoped3A_21 : memref<!tpu.dma_semaphore, #tpu.memory_space<semaphore_mem>>) src(%dma_wait3A_43 : memref<156x128xi32, #tpu.memory_space<hbm>>) dst(%dma_wait3A_40 : memref<156x128xi32, #tpu.memory_space<vmem>>)
      tpu.yield
    }) : () -> ()
    %mul3A_1 = arith.constant 156 : i32
    %mul3A_2 = arith.muli %arg1, %mul3A_1 : i32
    %run_scoped3A_3 = arith.constant 1 : i32
    "tpu.region"() ({
      %run_scoped3A_21 = tpu.sem_alloc : memref<!tpu.dma_semaphore, #tpu.memory_space<semaphore_mem>>
      %dma_start3A = arith.constant 0 : i32
      %dma_start3A_22 = arith.constant 0 : i32
      %dma_start3A_23 = tpu.memref_slice %arg7[%dma_start3A, %dma_start3A_22] : memref<157x128xi32, #tpu.memory_space<vmem>> -> memref<156x128xi32, #tpu.memory_space<vmem>>
      %dma_start3A_24 = arith.constant 0 : i32
      %dma_start3A_25 = tpu.memref_slice %arg4[%run_scoped3A_3, %mul3A_2, %dma_start3A_24] : memref<2x2500x128xi32, #tpu.memory_space<hbm>> -> memref<1x156x128xi32, #tpu.memory_space<hbm>>
      %dma_start3A_26 = tpu.memref_squeeze %dma_start3A_25 : memref<1x156x128xi32, #tpu.memory_space<hbm>> -> memref<156x128xi32, #tpu.memory_space<hbm>>
      %dma_start3A_27 = arith.constant 0 : i32
      %dma_start3A_28 = arith.constant 0 : i32
      %dma_start3A_29 = tpu.memref_slice %arg7[%dma_start3A_27, %dma_start3A_28] : memref<157x128xi32, #tpu.memory_space<vmem>> -> memref<156x128xi32, #tpu.memory_space<vmem>>
      %dma_start3A_30 = arith.constant 0 : i32
      %dma_start3A_31 = tpu.memref_slice %arg4[%run_scoped3A_3, %mul3A_2, %dma_start3A_30] : memref<2x2500x128xi32, #tpu.memory_space<hbm>> -> memref<1x156x128xi32, #tpu.memory_space<hbm>>
      %dma_start3A_32 = tpu.memref_squeeze %dma_start3A_31 : memref<1x156x128xi32, #tpu.memory_space<hbm>> -> memref<156x128xi32, #tpu.memory_space<hbm>>
      tpu.enqueue_dma source(%dma_start3A_32 : memref<156x128xi32, #tpu.memory_space<hbm>>) target(%dma_start3A_29 : memref<156x128xi32, #tpu.memory_space<vmem>>) target_semaphore(%run_scoped3A_21 : memref<!tpu.dma_semaphore, #tpu.memory_space<semaphore_mem>>)
      %dma_wait3A = arith.constant 0 : i32
      %dma_wait3A_33 = arith.constant 0 : i32
      %dma_wait3A_34 = tpu.memref_slice %arg7[%dma_wait3A, %dma_wait3A_33] : memref<157x128xi32, #tpu.memory_space<vmem>> -> memref<156x128xi32, #tpu.memory_space<vmem>>
      %dma_wait3A_35 = arith.constant 0 : i32
      %dma_wait3A_36 = tpu.memref_slice %arg4[%run_scoped3A_3, %mul3A_2, %dma_wait3A_35] : memref<2x2500x128xi32, #tpu.memory_space<hbm>> -> memref<1x156x128xi32, #tpu.memory_space<hbm>>
      %dma_wait3A_37 = tpu.memref_squeeze %dma_wait3A_36 : memref<1x156x128xi32, #tpu.memory_space<hbm>> -> memref<156x128xi32, #tpu.memory_space<hbm>>
      %dma_wait3A_38 = arith.constant 0 : i32
      %dma_wait3A_39 = arith.constant 0 : i32
      %dma_wait3A_40 = tpu.memref_slice %arg7[%dma_wait3A_38, %dma_wait3A_39] : memref<157x128xi32, #tpu.memory_space<vmem>> -> memref<156x128xi32, #tpu.memory_space<vmem>>
      %dma_wait3A_41 = arith.constant 0 : i32
      %dma_wait3A_42 = tpu.memref_slice %arg4[%run_scoped3A_3, %mul3A_2, %dma_wait3A_41] : memref<2x2500x128xi32, #tpu.memory_space<hbm>> -> memref<1x156x128xi32, #tpu.memory_space<hbm>>
      %dma_wait3A_43 = tpu.memref_squeeze %dma_wait3A_42 : memref<1x156x128xi32, #tpu.memory_space<hbm>> -> memref<156x128xi32, #tpu.memory_space<hbm>>
      tpu.wait_dma2 semaphore(%run_scoped3A_21 : memref<!tpu.dma_semaphore, #tpu.memory_space<semaphore_mem>>) src(%dma_wait3A_43 : memref<156x128xi32, #tpu.memory_space<hbm>>) dst(%dma_wait3A_40 : memref<156x128xi32, #tpu.memory_space<vmem>>)
      tpu.yield
    }) : () -> ()
    %lt3A = arith.constant 4 : i32
    %lt3A_4 = arith.cmpi slt, %arg1, %lt3A : i32
    %convert_element_type3A = arith.extui %lt3A_4 : i1 to i32
    %cond3A = arith.constant 0 : i32
    %cond3A_5 = arith.cmpi ne, %convert_element_type3A, %cond3A : i32
    scf.if %cond3A_5 {
      %add3A = arith.constant 2496 : i32
      %add3A_21 = arith.addi %add3A, %arg1 : i32
      %run_scoped3A_22 = arith.constant 0 : i32
      %run_scoped3A_23 = arith.constant 156 : i32
      "tpu.region"() ({
        %run_scoped3A_28 = tpu.sem_alloc : memref<!tpu.dma_semaphore, #tpu.memory_space<semaphore_mem>>
        %dma_start3A = arith.constant 0 : i32
        %dma_start3A_29 = tpu.memref_slice %arg6[%run_scoped3A_23, %dma_start3A] : memref<157x128xi32, #tpu.memory_space<vmem>> -> memref<1x128xi32, #tpu.memory_space<vmem>>
        %dma_start3A_30 = tpu.memref_squeeze %dma_start3A_29 : memref<1x128xi32, #tpu.memory_space<vmem>> -> memref<128xi32, #tpu.memory_space<vmem>>
        %dma_start3A_31 = arith.constant 0 : i32
        %dma_start3A_32 = tpu.memref_slice %arg4[%run_scoped3A_22, %add3A_21, %dma_start3A_31] : memref<2x2500x128xi32, #tpu.memory_space<hbm>> -> memref<1x1x128xi32, #tpu.memory_space<hbm>>
        %dma_start3A_33 = tpu.memref_squeeze %dma_start3A_32 : memref<1x1x128xi32, #tpu.memory_space<hbm>> -> memref<128xi32, #tpu.memory_space<hbm>>
        %dma_start3A_34 = arith.constant 0 : i32
        %dma_start3A_35 = tpu.memref_slice %arg6[%run_scoped3A_23, %dma_start3A_34] : memref<157x128xi32, #tpu.memory_space<vmem>> -> memref<1x128xi32, #tpu.memory_space<vmem>>
        %dma_start3A_36 = tpu.memref_squeeze %dma_start3A_35 : memref<1x128xi32, #tpu.memory_space<vmem>> -> memref<128xi32, #tpu.memory_space<vmem>>
        %dma_start3A_37 = arith.constant 0 : i32
        %dma_start3A_38 = tpu.memref_slice %arg4[%run_scoped3A_22, %add3A_21, %dma_start3A_37] : memref<2x2500x128xi32, #tpu.memory_space<hbm>> -> memref<1x1x128xi32, #tpu.memory_space<hbm>>
        %dma_start3A_39 = tpu.memref_squeeze %dma_start3A_38 : memref<1x1x128xi32, #tpu.memory_space<hbm>> -> memref<128xi32, #tpu.memory_space<hbm>>
        tpu.enqueue_dma source(%dma_start3A_39 : memref<128xi32, #tpu.memory_space<hbm>>) target(%dma_start3A_36 : memref<128xi32, #tpu.memory_space<vmem>>) target_semaphore(%run_scoped3A_28 : memref<!tpu.dma_semaphore, #tpu.memory_space<semaphore_mem>>)
        %dma_wait3A = arith.constant 0 : i32
        %dma_wait3A_40 = tpu.memref_slice %arg6[%run_scoped3A_23, %dma_wait3A] : memref<157x128xi32, #tpu.memory_space<vmem>> -> memref<1x128xi32, #tpu.memory_space<vmem>>
        %dma_wait3A_41 = tpu.memref_squeeze %dma_wait3A_40 : memref<1x128xi32, #tpu.memory_space<vmem>> -> memref<128xi32, #tpu.memory_space<vmem>>
        %dma_wait3A_42 = arith.constant 0 : i32
        %dma_wait3A_43 = tpu.memref_slice %arg4[%run_scoped3A_22, %add3A_21, %dma_wait3A_42] : memref<2x2500x128xi32, #tpu.memory_space<hbm>> -> memref<1x1x128xi32, #tpu.memory_space<hbm>>
        %dma_wait3A_44 = tpu.memref_squeeze %dma_wait3A_43 : memref<1x1x128xi32, #tpu.memory_space<hbm>> -> memref<128xi32, #tpu.memory_space<hbm>>
        %dma_wait3A_45 = arith.constant 0 : i32
        %dma_wait3A_46 = tpu.memref_slice %arg6[%run_scoped3A_23, %dma_wait3A_45] : memref<157x128xi32, #tpu.memory_space<vmem>> -> memref<1x128xi32, #tpu.memory_space<vmem>>
        %dma_wait3A_47 = tpu.memref_squeeze %dma_wait3A_46 : memref<1x128xi32, #tpu.memory_space<vmem>> -> memref<128xi32, #tpu.memory_space<vmem>>
        %dma_wait3A_48 = arith.constant 0 : i32
        %dma_wait3A_49 = tpu.memref_slice %arg4[%run_scoped3A_22, %add3A_21, %dma_wait3A_48] : memref<2x2500x128xi32, #tpu.memory_space<hbm>> -> memref<1x1x128xi32, #tpu.memory_space<hbm>>
        %dma_wait3A_50 = tpu.memref_squeeze %dma_wait3A_49 : memref<1x1x128xi32, #tpu.memory_space<hbm>> -> memref<128xi32, #tpu.memory_space<hbm>>
        tpu.wait_dma2 semaphore(%run_scoped3A_28 : memref<!tpu.dma_semaphore, #tpu.memory_space<semaphore_mem>>) src(%dma_wait3A_50 : memref<128xi32, #tpu.memory_space<hbm>>) dst(%dma_wait3A_47 : memref<128xi32, #tpu.memory_space<vmem>>)
        tpu.yield
      }) : () -> ()
      %add3A_24 = arith.constant 2496 : i32
      %add3A_25 = arith.addi %add3A_24, %arg1 : i32
      %run_scoped3A_26 = arith.constant 1 : i32
      %run_scoped3A_27 = arith.constant 156 : i32
      "tpu.region"() ({
        %run_scoped3A_28 = tpu.sem_alloc : memref<!tpu.dma_semaphore, #tpu.memory_space<semaphore_mem>>
        %dma_start3A = arith.constant 0 : i32
        %dma_start3A_29 = tpu.memref_slice %arg7[%run_scoped3A_27, %dma_start3A] : memref<157x128xi32, #tpu.memory_space<vmem>> -> memref<1x128xi32, #tpu.memory_space<vmem>>
        %dma_start3A_30 = tpu.memref_squeeze %dma_start3A_29 : memref<1x128xi32, #tpu.memory_space<vmem>> -> memref<128xi32, #tpu.memory_space<vmem>>
        %dma_start3A_31 = arith.constant 0 : i32
        %dma_start3A_32 = tpu.memref_slice %arg4[%run_scoped3A_26, %add3A_25, %dma_start3A_31] : memref<2x2500x128xi32, #tpu.memory_space<hbm>> -> memref<1x1x128xi32, #tpu.memory_space<hbm>>
        %dma_start3A_33 = tpu.memref_squeeze %dma_start3A_32 : memref<1x1x128xi32, #tpu.memory_space<hbm>> -> memref<128xi32, #tpu.memory_space<hbm>>
        %dma_start3A_34 = arith.constant 0 : i32
        %dma_start3A_35 = tpu.memref_slice %arg7[%run_scoped3A_27, %dma_start3A_34] : memref<157x128xi32, #tpu.memory_space<vmem>> -> memref<1x128xi32, #tpu.memory_space<vmem>>
        %dma_start3A_36 = tpu.memref_squeeze %dma_start3A_35 : memref<1x128xi32, #tpu.memory_space<vmem>> -> memref<128xi32, #tpu.memory_space<vmem>>
        %dma_start3A_37 = arith.constant 0 : i32
        %dma_start3A_38 = tpu.memref_slice %arg4[%run_scoped3A_26, %add3A_25, %dma_start3A_37] : memref<2x2500x128xi32, #tpu.memory_space<hbm>> -> memref<1x1x128xi32, #tpu.memory_space<hbm>>
        %dma_start3A_39 = tpu.memref_squeeze %dma_start3A_38 : memref<1x1x128xi32, #tpu.memory_space<hbm>> -> memref<128xi32, #tpu.memory_space<hbm>>
        tpu.enqueue_dma source(%dma_start3A_39 : memref<128xi32, #tpu.memory_space<hbm>>) target(%dma_start3A_36 : memref<128xi32, #tpu.memory_space<vmem>>) target_semaphore(%run_scoped3A_28 : memref<!tpu.dma_semaphore, #tpu.memory_space<semaphore_mem>>)
        %dma_wait3A = arith.constant 0 : i32
        %dma_wait3A_40 = tpu.memref_slice %arg7[%run_scoped3A_27, %dma_wait3A] : memref<157x128xi32, #tpu.memory_space<vmem>> -> memref<1x128xi32, #tpu.memory_space<vmem>>
        %dma_wait3A_41 = tpu.memref_squeeze %dma_wait3A_40 : memref<1x128xi32, #tpu.memory_space<vmem>> -> memref<128xi32, #tpu.memory_space<vmem>>
        %dma_wait3A_42 = arith.constant 0 : i32
        %dma_wait3A_43 = tpu.memref_slice %arg4[%run_scoped3A_26, %add3A_25, %dma_wait3A_42] : memref<2x2500x128xi32, #tpu.memory_space<hbm>> -> memref<1x1x128xi32, #tpu.memory_space<hbm>>
        %dma_wait3A_44 = tpu.memref_squeeze %dma_wait3A_43 : memref<1x1x128xi32, #tpu.memory_space<hbm>> -> memref<128xi32, #tpu.memory_space<hbm>>
        %dma_wait3A_45 = arith.constant 0 : i32
        %dma_wait3A_46 = tpu.memref_slice %arg7[%run_scoped3A_27, %dma_wait3A_45] : memref<157x128xi32, #tpu.memory_space<vmem>> -> memref<1x128xi32, #tpu.memory_space<vmem>>
        %dma_wait3A_47 = tpu.memref_squeeze %dma_wait3A_46 : memref<1x128xi32, #tpu.memory_space<vmem>> -> memref<128xi32, #tpu.memory_space<vmem>>
        %dma_wait3A_48 = arith.constant 0 : i32
        %dma_wait3A_49 = tpu.memref_slice %arg4[%run_scoped3A_26, %add3A_25, %dma_wait3A_48] : memref<2x2500x128xi32, #tpu.memory_space<hbm>> -> memref<1x1x128xi32, #tpu.memory_space<hbm>>
        %dma_wait3A_50 = tpu.memref_squeeze %dma_wait3A_49 : memref<1x1x128xi32, #tpu.memory_space<hbm>> -> memref<128xi32, #tpu.memory_space<hbm>>
        tpu.wait_dma2 semaphore(%run_scoped3A_28 : memref<!tpu.dma_semaphore, #tpu.memory_space<semaphore_mem>>) src(%dma_wait3A_50 : memref<128xi32, #tpu.memory_space<hbm>>) dst(%dma_wait3A_47 : memref<128xi32, #tpu.memory_space<vmem>>)
        tpu.yield
      }) : () -> ()
    } else {
    }
    %eq3A = arith.constant 0 : i32
    %eq3A_6 = arith.cmpi eq, %arg0, %eq3A : i32
    %convert_element_type3A_7 = arith.extui %eq3A_6 : i1 to i32
    %cond3A_8 = arith.constant 0 : i32
    %cond3A_9 = arith.cmpi ne, %convert_element_type3A_7, %cond3A_8 : i32
    scf.if %cond3A_9 {
      %mul3A_21 = arith.constant 640 : i32
      %mul3A_22 = arith.muli %arg1, %mul3A_21 : i32
      %mul3A_23 = arith.constant 640 : i32
      %mul3A_24 = arith.muli %arg1, %mul3A_23 : i32
      "tpu.region"() ({
        %run_scoped3A_62 = tpu.sem_alloc : memref<!tpu.dma_semaphore, #tpu.memory_space<semaphore_mem>>
        %dma_start3A_63 = arith.constant 0 : i32
        %dma_start3A_64 = tpu.memref_slice %arg16[%mul3A_24, %dma_start3A_63] : memref<10240x64xf32, #tpu.memory_space<vmem_shared>> -> memref<640x64xf32, #tpu.memory_space<vmem_shared>>
        %dma_start3A_65 = arith.constant 0 : i32
        %dma_start3A_66 = tpu.memref_slice %arg2[%mul3A_22, %dma_start3A_65] : memref<10240x64xf32, #tpu.memory_space<hbm>> -> memref<640x64xf32, #tpu.memory_space<hbm>>
        tpu.enqueue_dma source(%dma_start3A_66 : memref<640x64xf32, #tpu.memory_space<hbm>>) target(%dma_start3A_64 : memref<640x64xf32, #tpu.memory_space<vmem_shared>>) target_semaphore(%run_scoped3A_62 : memref<!tpu.dma_semaphore, #tpu.memory_space<semaphore_mem>>)
        %dma_wait3A = arith.constant 0 : i32
        %dma_wait3A_67 = tpu.memref_slice %arg16[%mul3A_24, %dma_wait3A] : memref<10240x64xf32, #tpu.memory_space<vmem_shared>> -> memref<640x64xf32, #tpu.memory_space<vmem_shared>>
        %dma_wait3A_68 = arith.constant 0 : i32
        %dma_wait3A_69 = tpu.memref_slice %arg2[%mul3A_22, %dma_wait3A_68] : memref<10240x64xf32, #tpu.memory_space<hbm>> -> memref<640x64xf32, #tpu.memory_space<hbm>>
        tpu.wait_dma2 semaphore(%run_scoped3A_62 : memref<!tpu.dma_semaphore, #tpu.memory_space<semaphore_mem>>) src(%dma_wait3A_69 : memref<640x64xf32, #tpu.memory_space<hbm>>) dst(%dma_wait3A_67 : memref<640x64xf32, #tpu.memory_space<vmem_shared>>)
        tpu.yield
      }) : () -> ()
      %barrier3A_25 = arith.constant 0 : index
      tpu.barrier barrier_id(%barrier3A_25)
      %dma_start3A = arith.constant 0 : i32
      %dma_start3A_26 = arith.constant 0 : i32
      %dma_start3A_27 = tpu.memref_slice %arg6[%dma_start3A, %dma_start3A_26] : memref<157x128xi32, #tpu.memory_space<vmem>> -> memref<1x128xi32, #tpu.memory_space<vmem>>
      %dma_start3A_28 = tpu.memref_squeeze %dma_start3A_27 : memref<1x128xi32, #tpu.memory_space<vmem>> -> memref<128xi32, #tpu.memory_space<vmem>>
      %dma_start3A_29 = arith.constant 0 : i32
      %dma_start3A_30 = arith.constant 0 : i32
      %dma_start3A_31 = tpu.memref_slice %arg2[%dma_start3A_29, %dma_start3A_30] : memref<10240x64xf32, #tpu.memory_space<hbm>> -> memref<10240x64xf32, #tpu.memory_space<hbm>>
      tpu.enqueue_indirect_dma source(%dma_start3A_31 : memref<10240x64xf32, #tpu.memory_space<hbm>>) target(%arg8 : memref<128x64xf32, #tpu.memory_space<vmem>>) offsets(%dma_start3A_28 : memref<128xi32, #tpu.memory_space<vmem>>) semaphore(%arg12 : memref<!tpu.dma_semaphore, #tpu.memory_space<semaphore_mem>>)
      %dma_start3A_32 = arith.constant 1 : i32
      %dma_start3A_33 = arith.constant 0 : i32
      %dma_start3A_34 = tpu.memref_slice %arg6[%dma_start3A_32, %dma_start3A_33] : memref<157x128xi32, #tpu.memory_space<vmem>> -> memref<1x128xi32, #tpu.memory_space<vmem>>
      %dma_start3A_35 = tpu.memref_squeeze %dma_start3A_34 : memref<1x128xi32, #tpu.memory_space<vmem>> -> memref<128xi32, #tpu.memory_space<vmem>>
      %dma_start3A_36 = arith.constant 0 : i32
      %dma_start3A_37 = arith.constant 0 : i32
      %dma_start3A_38 = tpu.memref_slice %arg2[%dma_start3A_36, %dma_start3A_37] : memref<10240x64xf32, #tpu.memory_space<hbm>> -> memref<10240x64xf32, #tpu.memory_space<hbm>>
      tpu.enqueue_indirect_dma source(%dma_start3A_38 : memref<10240x64xf32, #tpu.memory_space<hbm>>) target(%arg9 : memref<128x64xf32, #tpu.memory_space<vmem>>) offsets(%dma_start3A_35 : memref<128xi32, #tpu.memory_space<vmem>>) semaphore(%arg13 : memref<!tpu.dma_semaphore, #tpu.memory_space<semaphore_mem>>)
      %dma_start3A_39 = arith.constant 2 : i32
      %dma_start3A_40 = arith.constant 0 : i32
      %dma_start3A_41 = tpu.memref_slice %arg6[%dma_start3A_39, %dma_start3A_40] : memref<157x128xi32, #tpu.memory_space<vmem>> -> memref<1x128xi32, #tpu.memory_space<vmem>>
      %dma_start3A_42 = tpu.memref_squeeze %dma_start3A_41 : memref<1x128xi32, #tpu.memory_space<vmem>> -> memref<128xi32, #tpu.memory_space<vmem>>
      %dma_start3A_43 = arith.constant 0 : i32
      %dma_start3A_44 = arith.constant 0 : i32
      %dma_start3A_45 = tpu.memref_slice %arg2[%dma_start3A_43, %dma_start3A_44] : memref<10240x64xf32, #tpu.memory_space<hbm>> -> memref<10240x64xf32, #tpu.memory_space<hbm>>
      tpu.enqueue_indirect_dma source(%dma_start3A_45 : memref<10240x64xf32, #tpu.memory_space<hbm>>) target(%arg10 : memref<128x64xf32, #tpu.memory_space<vmem>>) offsets(%dma_start3A_42 : memref<128xi32, #tpu.memory_space<vmem>>) semaphore(%arg14 : memref<!tpu.dma_semaphore, #tpu.memory_space<semaphore_mem>>)
      %dma_start3A_46 = arith.constant 3 : i32
      %dma_start3A_47 = arith.constant 0 : i32
      %dma_start3A_48 = tpu.memref_slice %arg6[%dma_start3A_46, %dma_start3A_47] : memref<157x128xi32, #tpu.memory_space<vmem>> -> memref<1x128xi32, #tpu.memory_space<vmem>>
      %dma_start3A_49 = tpu.memref_squeeze %dma_start3A_48 : memref<1x128xi32, #tpu.memory_space<vmem>> -> memref<128xi32, #tpu.memory_space<vmem>>
      %dma_start3A_50 = arith.constant 0 : i32
      %dma_start3A_51 = arith.constant 0 : i32
      %dma_start3A_52 = tpu.memref_slice %arg2[%dma_start3A_50, %dma_start3A_51] : memref<10240x64xf32, #tpu.memory_space<hbm>> -> memref<10240x64xf32, #tpu.memory_space<hbm>>
      tpu.enqueue_indirect_dma source(%dma_start3A_52 : memref<10240x64xf32, #tpu.memory_space<hbm>>) target(%arg11 : memref<128x64xf32, #tpu.memory_space<vmem>>) offsets(%dma_start3A_49 : memref<128xi32, #tpu.memory_space<vmem>>) semaphore(%arg15 : memref<!tpu.dma_semaphore, #tpu.memory_space<semaphore_mem>>)
      %scan3A = arith.constant 0 : i32
      %scan3A_53 = arith.constant 39 : i32
      %scan3A_54 = arith.addi %scan3A, %scan3A_53 : i32
      %scan3A_55 = arith.constant 1 : i32
      scf.for %scan3A_62 = %scan3A to %scan3A_54 step %scan3A_55  : i32 {
        %mul3A_63 = arith.constant 4 : i32
        %mul3A_64 = arith.muli %scan3A_62, %mul3A_63 : i32
        %add3A = arith.constant 0 : i32
        %add3A_65 = arith.addi %add3A, %mul3A_64 : i32
        %add3A_66 = arith.constant 0 : i32
        %add3A_67 = arith.addi %add3A_65, %add3A_66 : i32
        %dma_wait3A = arith.constant 0 : i32
        %dma_wait3A_68 = tpu.memref_slice %arg6[%add3A_67, %dma_wait3A] : memref<157x128xi32, #tpu.memory_space<vmem>> -> memref<1x128xi32, #tpu.memory_space<vmem>>
        %dma_wait3A_69 = tpu.memref_squeeze %dma_wait3A_68 : memref<1x128xi32, #tpu.memory_space<vmem>> -> memref<128xi32, #tpu.memory_space<vmem>>
        %dma_wait3A_70 = arith.constant 0 : i32
        %dma_wait3A_71 = arith.constant 0 : i32
        %dma_wait3A_72 = tpu.memref_slice %arg2[%dma_wait3A_70, %dma_wait3A_71] : memref<10240x64xf32, #tpu.memory_space<hbm>> -> memref<10240x64xf32, #tpu.memory_space<hbm>>
        tpu.wait_indirect_dma semaphore(%arg12 : memref<!tpu.dma_semaphore, #tpu.memory_space<semaphore_mem>>) src(%dma_wait3A_72 : memref<10240x64xf32, #tpu.memory_space<hbm>>) dst(%arg8 : memref<128x64xf32, #tpu.memory_space<vmem>>)
        "tpu.region"() ({
          %run_scoped3A_125 = tpu.sem_alloc : memref<!tpu.dma_semaphore, #tpu.memory_space<semaphore_mem>>
          %dma_start3A_126 = arith.constant 0 : i32
          %dma_start3A_127 = tpu.memref_slice %arg7[%add3A_67, %dma_start3A_126] : memref<157x128xi32, #tpu.memory_space<vmem>> -> memref<1x128xi32, #tpu.memory_space<vmem>>
          %dma_start3A_128 = tpu.memref_squeeze %dma_start3A_127 : memref<1x128xi32, #tpu.memory_space<vmem>> -> memref<128xi32, #tpu.memory_space<vmem>>
          %dma_start3A_129 = arith.constant 0 : i32
          %dma_start3A_130 = arith.constant 0 : i32
          %dma_start3A_131 = tpu.memref_slice %arg16[%dma_start3A_129, %dma_start3A_130] : memref<10240x64xf32, #tpu.memory_space<vmem_shared>> -> memref<10240x64xf32, #tpu.memory_space<vmem_shared>>
          tpu.enqueue_indirect_dma source(%arg8 : memref<128x64xf32, #tpu.memory_space<vmem>>) target(%dma_start3A_131 : memref<10240x64xf32, #tpu.memory_space<vmem_shared>>) offsets(%dma_start3A_128 : memref<128xi32, #tpu.memory_space<vmem>>) semaphore(%run_scoped3A_125 : memref<!tpu.dma_semaphore, #tpu.memory_space<semaphore_mem>>) {add = true}
          %dma_wait3A_132 = arith.constant 0 : i32
          %dma_wait3A_133 = tpu.memref_slice %arg7[%add3A_67, %dma_wait3A_132] : memref<157x128xi32, #tpu.memory_space<vmem>> -> memref<1x128xi32, #tpu.memory_space<vmem>>
          %dma_wait3A_134 = tpu.memref_squeeze %dma_wait3A_133 : memref<1x128xi32, #tpu.memory_space<vmem>> -> memref<128xi32, #tpu.memory_space<vmem>>
          %dma_wait3A_135 = arith.constant 0 : i32
          %dma_wait3A_136 = arith.constant 0 : i32
          %dma_wait3A_137 = tpu.memref_slice %arg16[%dma_wait3A_135, %dma_wait3A_136] : memref<10240x64xf32, #tpu.memory_space<vmem_shared>> -> memref<10240x64xf32, #tpu.memory_space<vmem_shared>>
          tpu.wait_indirect_dma semaphore(%run_scoped3A_125 : memref<!tpu.dma_semaphore, #tpu.memory_space<semaphore_mem>>) src(%arg8 : memref<128x64xf32, #tpu.memory_space<vmem>>) dst(%dma_wait3A_137 : memref<10240x64xf32, #tpu.memory_space<vmem_shared>>)
          tpu.yield
        }) : () -> ()
        %add3A_73 = arith.constant 4 : i32
        %add3A_74 = arith.addi %add3A_67, %add3A_73 : i32
        %lt3A_75 = arith.constant 156 : i32
        %lt3A_76 = arith.cmpi slt, %add3A_74, %lt3A_75 : i32
        %convert_element_type3A_77 = arith.extui %lt3A_76 : i1 to i32
        %cond3A_78 = arith.constant 0 : i32
        %cond3A_79 = arith.cmpi ne, %convert_element_type3A_77, %cond3A_78 : i32
        scf.if %cond3A_79 {
          %add3A_125 = arith.constant 4 : i32
          %add3A_126 = arith.addi %add3A_67, %add3A_125 : i32
          %dma_start3A_127 = arith.constant 0 : i32
          %dma_start3A_128 = tpu.memref_slice %arg6[%add3A_126, %dma_start3A_127] : memref<157x128xi32, #tpu.memory_space<vmem>> -> memref<1x128xi32, #tpu.memory_space<vmem>>
          %dma_start3A_129 = tpu.memref_squeeze %dma_start3A_128 : memref<1x128xi32, #tpu.memory_space<vmem>> -> memref<128xi32, #tpu.memory_space<vmem>>
          %dma_start3A_130 = arith.constant 0 : i32
          %dma_start3A_131 = arith.constant 0 : i32
          %dma_start3A_132 = tpu.memref_slice %arg2[%dma_start3A_130, %dma_start3A_131] : memref<10240x64xf32, #tpu.memory_space<hbm>> -> memref<10240x64xf32, #tpu.memory_space<hbm>>
          tpu.enqueue_indirect_dma source(%dma_start3A_132 : memref<10240x64xf32, #tpu.memory_space<hbm>>) target(%arg8 : memref<128x64xf32, #tpu.memory_space<vmem>>) offsets(%dma_start3A_129 : memref<128xi32, #tpu.memory_space<vmem>>) semaphore(%arg12 : memref<!tpu.dma_semaphore, #tpu.memory_space<semaphore_mem>>)
        } else {
        }
        %add3A_80 = arith.constant 1 : i32
        %add3A_81 = arith.addi %add3A_65, %add3A_80 : i32
        %dma_wait3A_82 = arith.constant 0 : i32
        %dma_wait3A_83 = tpu.memref_slice %arg6[%add3A_81, %dma_wait3A_82] : memref<157x128xi32, #tpu.memory_space<vmem>> -> memref<1x128xi32, #tpu.memory_space<vmem>>
        %dma_wait3A_84 = tpu.memref_squeeze %dma_wait3A_83 : memref<1x128xi32, #tpu.memory_space<vmem>> -> memref<128xi32, #tpu.memory_space<vmem>>
        %dma_wait3A_85 = arith.constant 0 : i32
        %dma_wait3A_86 = arith.constant 0 : i32
        %dma_wait3A_87 = tpu.memref_slice %arg2[%dma_wait3A_85, %dma_wait3A_86] : memref<10240x64xf32, #tpu.memory_space<hbm>> -> memref<10240x64xf32, #tpu.memory_space<hbm>>
        tpu.wait_indirect_dma semaphore(%arg13 : memref<!tpu.dma_semaphore, #tpu.memory_space<semaphore_mem>>) src(%dma_wait3A_87 : memref<10240x64xf32, #tpu.memory_space<hbm>>) dst(%arg9 : memref<128x64xf32, #tpu.memory_space<vmem>>)
        "tpu.region"() ({
          %run_scoped3A_125 = tpu.sem_alloc : memref<!tpu.dma_semaphore, #tpu.memory_space<semaphore_mem>>
          %dma_start3A_126 = arith.constant 0 : i32
          %dma_start3A_127 = tpu.memref_slice %arg7[%add3A_81, %dma_start3A_126] : memref<157x128xi32, #tpu.memory_space<vmem>> -> memref<1x128xi32, #tpu.memory_space<vmem>>
          %dma_start3A_128 = tpu.memref_squeeze %dma_start3A_127 : memref<1x128xi32, #tpu.memory_space<vmem>> -> memref<128xi32, #tpu.memory_space<vmem>>
          %dma_start3A_129 = arith.constant 0 : i32
          %dma_start3A_130 = arith.constant 0 : i32
          %dma_start3A_131 = tpu.memref_slice %arg16[%dma_start3A_129, %dma_start3A_130] : memref<10240x64xf32, #tpu.memory_space<vmem_shared>> -> memref<10240x64xf32, #tpu.memory_space<vmem_shared>>
          tpu.enqueue_indirect_dma source(%arg9 : memref<128x64xf32, #tpu.memory_space<vmem>>) target(%dma_start3A_131 : memref<10240x64xf32, #tpu.memory_space<vmem_shared>>) offsets(%dma_start3A_128 : memref<128xi32, #tpu.memory_space<vmem>>) semaphore(%run_scoped3A_125 : memref<!tpu.dma_semaphore, #tpu.memory_space<semaphore_mem>>) {add = true}
          %dma_wait3A_132 = arith.constant 0 : i32
          %dma_wait3A_133 = tpu.memref_slice %arg7[%add3A_81, %dma_wait3A_132] : memref<157x128xi32, #tpu.memory_space<vmem>> -> memref<1x128xi32, #tpu.memory_space<vmem>>
          %dma_wait3A_134 = tpu.memref_squeeze %dma_wait3A_133 : memref<1x128xi32, #tpu.memory_space<vmem>> -> memref<128xi32, #tpu.memory_space<vmem>>
          %dma_wait3A_135 = arith.constant 0 : i32
          %dma_wait3A_136 = arith.constant 0 : i32
          %dma_wait3A_137 = tpu.memref_slice %arg16[%dma_wait3A_135, %dma_wait3A_136] : memref<10240x64xf32, #tpu.memory_space<vmem_shared>> -> memref<10240x64xf32, #tpu.memory_space<vmem_shared>>
          tpu.wait_indirect_dma semaphore(%run_scoped3A_125 : memref<!tpu.dma_semaphore, #tpu.memory_space<semaphore_mem>>) src(%arg9 : memref<128x64xf32, #tpu.memory_space<vmem>>) dst(%dma_wait3A_137 : memref<10240x64xf32, #tpu.memory_space<vmem_shared>>)
          tpu.yield
        }) : () -> ()
        %add3A_88 = arith.constant 4 : i32
        %add3A_89 = arith.addi %add3A_81, %add3A_88 : i32
        %lt3A_90 = arith.constant 156 : i32
        %lt3A_91 = arith.cmpi slt, %add3A_89, %lt3A_90 : i32
        %convert_element_type3A_92 = arith.extui %lt3A_91 : i1 to i32
        %cond3A_93 = arith.constant 0 : i32
        %cond3A_94 = arith.cmpi ne, %convert_element_type3A_92, %cond3A_93 : i32
        scf.if %cond3A_94 {
          %add3A_125 = arith.constant 4 : i32
          %add3A_126 = arith.addi %add3A_81, %add3A_125 : i32
          %dma_start3A_127 = arith.constant 0 : i32
          %dma_start3A_128 = tpu.memref_slice %arg6[%add3A_126, %dma_start3A_127] : memref<157x128xi32, #tpu.memory_space<vmem>> -> memref<1x128xi32, #tpu.memory_space<vmem>>
          %dma_start3A_129 = tpu.memref_squeeze %dma_start3A_128 : memref<1x128xi32, #tpu.memory_space<vmem>> -> memref<128xi32, #tpu.memory_space<vmem>>
          %dma_start3A_130 = arith.constant 0 : i32
          %dma_start3A_131 = arith.constant 0 : i32
          %dma_start3A_132 = tpu.memref_slice %arg2[%dma_start3A_130, %dma_start3A_131] : memref<10240x64xf32, #tpu.memory_space<hbm>> -> memref<10240x64xf32, #tpu.memory_space<hbm>>
          tpu.enqueue_indirect_dma source(%dma_start3A_132 : memref<10240x64xf32, #tpu.memory_space<hbm>>) target(%arg9 : memref<128x64xf32, #tpu.memory_space<vmem>>) offsets(%dma_start3A_129 : memref<128xi32, #tpu.memory_space<vmem>>) semaphore(%arg13 : memref<!tpu.dma_semaphore, #tpu.memory_space<semaphore_mem>>)
        } else {
        }
        %add3A_95 = arith.constant 2 : i32
        %add3A_96 = arith.addi %add3A_65, %add3A_95 : i32
        %dma_wait3A_97 = arith.constant 0 : i32
        %dma_wait3A_98 = tpu.memref_slice %arg6[%add3A_96, %dma_wait3A_97] : memref<157x128xi32, #tpu.memory_space<vmem>> -> memref<1x128xi32, #tpu.memory_space<vmem>>
        %dma_wait3A_99 = tpu.memref_squeeze %dma_wait3A_98 : memref<1x128xi32, #tpu.memory_space<vmem>> -> memref<128xi32, #tpu.memory_space<vmem>>
        %dma_wait3A_100 = arith.constant 0 : i32
        %dma_wait3A_101 = arith.constant 0 : i32
        %dma_wait3A_102 = tpu.memref_slice %arg2[%dma_wait3A_100, %dma_wait3A_101] : memref<10240x64xf32, #tpu.memory_space<hbm>> -> memref<10240x64xf32, #tpu.memory_space<hbm>>
        tpu.wait_indirect_dma semaphore(%arg14 : memref<!tpu.dma_semaphore, #tpu.memory_space<semaphore_mem>>) src(%dma_wait3A_102 : memref<10240x64xf32, #tpu.memory_space<hbm>>) dst(%arg10 : memref<128x64xf32, #tpu.memory_space<vmem>>)
        "tpu.region"() ({
          %run_scoped3A_125 = tpu.sem_alloc : memref<!tpu.dma_semaphore, #tpu.memory_space<semaphore_mem>>
          %dma_start3A_126 = arith.constant 0 : i32
          %dma_start3A_127 = tpu.memref_slice %arg7[%add3A_96, %dma_start3A_126] : memref<157x128xi32, #tpu.memory_space<vmem>> -> memref<1x128xi32, #tpu.memory_space<vmem>>
          %dma_start3A_128 = tpu.memref_squeeze %dma_start3A_127 : memref<1x128xi32, #tpu.memory_space<vmem>> -> memref<128xi32, #tpu.memory_space<vmem>>
          %dma_start3A_129 = arith.constant 0 : i32
          %dma_start3A_130 = arith.constant 0 : i32
          %dma_start3A_131 = tpu.memref_slice %arg16[%dma_start3A_129, %dma_start3A_130] : memref<10240x64xf32, #tpu.memory_space<vmem_shared>> -> memref<10240x64xf32, #tpu.memory_space<vmem_shared>>
          tpu.enqueue_indirect_dma source(%arg10 : memref<128x64xf32, #tpu.memory_space<vmem>>) target(%dma_start3A_131 : memref<10240x64xf32, #tpu.memory_space<vmem_shared>>) offsets(%dma_start3A_128 : memref<128xi32, #tpu.memory_space<vmem>>) semaphore(%run_scoped3A_125 : memref<!tpu.dma_semaphore, #tpu.memory_space<semaphore_mem>>) {add = true}
          %dma_wait3A_132 = arith.constant 0 : i32
          %dma_wait3A_133 = tpu.memref_slice %arg7[%add3A_96, %dma_wait3A_132] : memref<157x128xi32, #tpu.memory_space<vmem>> -> memref<1x128xi32, #tpu.memory_space<vmem>>
          %dma_wait3A_134 = tpu.memref_squeeze %dma_wait3A_133 : memref<1x128xi32, #tpu.memory_space<vmem>> -> memref<128xi32, #tpu.memory_space<vmem>>
          %dma_wait3A_135 = arith.constant 0 : i32
          %dma_wait3A_136 = arith.constant 0 : i32
          %dma_wait3A_137 = tpu.memref_slice %arg16[%dma_wait3A_135, %dma_wait3A_136] : memref<10240x64xf32, #tpu.memory_space<vmem_shared>> -> memref<10240x64xf32, #tpu.memory_space<vmem_shared>>
          tpu.wait_indirect_dma semaphore(%run_scoped3A_125 : memref<!tpu.dma_semaphore, #tpu.memory_space<semaphore_mem>>) src(%arg10 : memref<128x64xf32, #tpu.memory_space<vmem>>) dst(%dma_wait3A_137 : memref<10240x64xf32, #tpu.memory_space<vmem_shared>>)
          tpu.yield
        }) : () -> ()
        %add3A_103 = arith.constant 4 : i32
        %add3A_104 = arith.addi %add3A_96, %add3A_103 : i32
        %lt3A_105 = arith.constant 156 : i32
        %lt3A_106 = arith.cmpi slt, %add3A_104, %lt3A_105 : i32
        %convert_element_type3A_107 = arith.extui %lt3A_106 : i1 to i32
        %cond3A_108 = arith.constant 0 : i32
        %cond3A_109 = arith.cmpi ne, %convert_element_type3A_107, %cond3A_108 : i32
        scf.if %cond3A_109 {
          %add3A_125 = arith.constant 4 : i32
          %add3A_126 = arith.addi %add3A_96, %add3A_125 : i32
          %dma_start3A_127 = arith.constant 0 : i32
          %dma_start3A_128 = tpu.memref_slice %arg6[%add3A_126, %dma_start3A_127] : memref<157x128xi32, #tpu.memory_space<vmem>> -> memref<1x128xi32, #tpu.memory_space<vmem>>
          %dma_start3A_129 = tpu.memref_squeeze %dma_start3A_128 : memref<1x128xi32, #tpu.memory_space<vmem>> -> memref<128xi32, #tpu.memory_space<vmem>>
          %dma_start3A_130 = arith.constant 0 : i32
          %dma_start3A_131 = arith.constant 0 : i32
          %dma_start3A_132 = tpu.memref_slice %arg2[%dma_start3A_130, %dma_start3A_131] : memref<10240x64xf32, #tpu.memory_space<hbm>> -> memref<10240x64xf32, #tpu.memory_space<hbm>>
          tpu.enqueue_indirect_dma source(%dma_start3A_132 : memref<10240x64xf32, #tpu.memory_space<hbm>>) target(%arg10 : memref<128x64xf32, #tpu.memory_space<vmem>>) offsets(%dma_start3A_129 : memref<128xi32, #tpu.memory_space<vmem>>) semaphore(%arg14 : memref<!tpu.dma_semaphore, #tpu.memory_space<semaphore_mem>>)
        } else {
        }
        %add3A_110 = arith.constant 3 : i32
        %add3A_111 = arith.addi %add3A_65, %add3A_110 : i32
        %dma_wait3A_112 = arith.constant 0 : i32
        %dma_wait3A_113 = tpu.memref_slice %arg6[%add3A_111, %dma_wait3A_112] : memref<157x128xi32, #tpu.memory_space<vmem>> -> memref<1x128xi32, #tpu.memory_space<vmem>>
        %dma_wait3A_114 = tpu.memref_squeeze %dma_wait3A_113 : memref<1x128xi32, #tpu.memory_space<vmem>> -> memref<128xi32, #tpu.memory_space<vmem>>
        %dma_wait3A_115 = arith.constant 0 : i32
        %dma_wait3A_116 = arith.constant 0 : i32
        %dma_wait3A_117 = tpu.memref_slice %arg2[%dma_wait3A_115, %dma_wait3A_116] : memref<10240x64xf32, #tpu.memory_space<hbm>> -> memref<10240x64xf32, #tpu.memory_space<hbm>>
        tpu.wait_indirect_dma semaphore(%arg15 : memref<!tpu.dma_semaphore, #tpu.memory_space<semaphore_mem>>) src(%dma_wait3A_117 : memref<10240x64xf32, #tpu.memory_space<hbm>>) dst(%arg11 : memref<128x64xf32, #tpu.memory_space<vmem>>)
        "tpu.region"() ({
          %run_scoped3A_125 = tpu.sem_alloc : memref<!tpu.dma_semaphore, #tpu.memory_space<semaphore_mem>>
          %dma_start3A_126 = arith.constant 0 : i32
          %dma_start3A_127 = tpu.memref_slice %arg7[%add3A_111, %dma_start3A_126] : memref<157x128xi32, #tpu.memory_space<vmem>> -> memref<1x128xi32, #tpu.memory_space<vmem>>
          %dma_start3A_128 = tpu.memref_squeeze %dma_start3A_127 : memref<1x128xi32, #tpu.memory_space<vmem>> -> memref<128xi32, #tpu.memory_space<vmem>>
          %dma_start3A_129 = arith.constant 0 : i32
          %dma_start3A_130 = arith.constant 0 : i32
          %dma_start3A_131 = tpu.memref_slice %arg16[%dma_start3A_129, %dma_start3A_130] : memref<10240x64xf32, #tpu.memory_space<vmem_shared>> -> memref<10240x64xf32, #tpu.memory_space<vmem_shared>>
          tpu.enqueue_indirect_dma source(%arg11 : memref<128x64xf32, #tpu.memory_space<vmem>>) target(%dma_start3A_131 : memref<10240x64xf32, #tpu.memory_space<vmem_shared>>) offsets(%dma_start3A_128 : memref<128xi32, #tpu.memory_space<vmem>>) semaphore(%run_scoped3A_125 : memref<!tpu.dma_semaphore, #tpu.memory_space<semaphore_mem>>) {add = true}
          %dma_wait3A_132 = arith.constant 0 : i32
          %dma_wait3A_133 = tpu.memref_slice %arg7[%add3A_111, %dma_wait3A_132] : memref<157x128xi32, #tpu.memory_space<vmem>> -> memref<1x128xi32, #tpu.memory_space<vmem>>
          %dma_wait3A_134 = tpu.memref_squeeze %dma_wait3A_133 : memref<1x128xi32, #tpu.memory_space<vmem>> -> memref<128xi32, #tpu.memory_space<vmem>>
          %dma_wait3A_135 = arith.constant 0 : i32
          %dma_wait3A_136 = arith.constant 0 : i32
          %dma_wait3A_137 = tpu.memref_slice %arg16[%dma_wait3A_135, %dma_wait3A_136] : memref<10240x64xf32, #tpu.memory_space<vmem_shared>> -> memref<10240x64xf32, #tpu.memory_space<vmem_shared>>
          tpu.wait_indirect_dma semaphore(%run_scoped3A_125 : memref<!tpu.dma_semaphore, #tpu.memory_space<semaphore_mem>>) src(%arg11 : memref<128x64xf32, #tpu.memory_space<vmem>>) dst(%dma_wait3A_137 : memref<10240x64xf32, #tpu.memory_space<vmem_shared>>)
          tpu.yield
        }) : () -> ()
        %add3A_118 = arith.constant 4 : i32
        %add3A_119 = arith.addi %add3A_111, %add3A_118 : i32
        %lt3A_120 = arith.constant 156 : i32
        %lt3A_121 = arith.cmpi slt, %add3A_119, %lt3A_120 : i32
        %convert_element_type3A_122 = arith.extui %lt3A_121 : i1 to i32
        %cond3A_123 = arith.constant 0 : i32
        %cond3A_124 = arith.cmpi ne, %convert_element_type3A_122, %cond3A_123 : i32
        scf.if %cond3A_124 {
          %add3A_125 = arith.constant 4 : i32
          %add3A_126 = arith.addi %add3A_111, %add3A_125 : i32
          %dma_start3A_127 = arith.constant 0 : i32
          %dma_start3A_128 = tpu.memref_slice %arg6[%add3A_126, %dma_start3A_127] : memref<157x128xi32, #tpu.memory_space<vmem>> -> memref<1x128xi32, #tpu.memory_space<vmem>>
          %dma_start3A_129 = tpu.memref_squeeze %dma_start3A_128 : memref<1x128xi32, #tpu.memory_space<vmem>> -> memref<128xi32, #tpu.memory_space<vmem>>
          %dma_start3A_130 = arith.constant 0 : i32
          %dma_start3A_131 = arith.constant 0 : i32
          %dma_start3A_132 = tpu.memref_slice %arg2[%dma_start3A_130, %dma_start3A_131] : memref<10240x64xf32, #tpu.memory_space<hbm>> -> memref<10240x64xf32, #tpu.memory_space<hbm>>
          tpu.enqueue_indirect_dma source(%dma_start3A_132 : memref<10240x64xf32, #tpu.memory_space<hbm>>) target(%arg11 : memref<128x64xf32, #tpu.memory_space<vmem>>) offsets(%dma_start3A_129 : memref<128xi32, #tpu.memory_space<vmem>>) semaphore(%arg15 : memref<!tpu.dma_semaphore, #tpu.memory_space<semaphore_mem>>)
        } else {
        }
      }
      %scan3A_56 = arith.constant 39 : i32
      %lt3A_57 = arith.constant 4 : i32
      %lt3A_58 = arith.cmpi slt, %arg1, %lt3A_57 : i32
      %convert_element_type3A_59 = arith.extui %lt3A_58 : i1 to i32
      %cond3A_60 = arith.constant 0 : i32
      %cond3A_61 = arith.cmpi ne, %convert_element_type3A_59, %cond3A_60 : i32
      scf.if %cond3A_61 {
        %dma_start3A_62 = arith.constant 156 : i32
        %dma_start3A_63 = arith.constant 0 : i32
        %dma_start3A_64 = tpu.memref_slice %arg6[%dma_start3A_62, %dma_start3A_63] : memref<157x128xi32, #tpu.memory_space<vmem>> -> memref<1x128xi32, #tpu.memory_space<vmem>>
        %dma_start3A_65 = tpu.memref_squeeze %dma_start3A_64 : memref<1x128xi32, #tpu.memory_space<vmem>> -> memref<128xi32, #tpu.memory_space<vmem>>
        %dma_start3A_66 = arith.constant 0 : i32
        %dma_start3A_67 = arith.constant 0 : i32
        %dma_start3A_68 = tpu.memref_slice %arg2[%dma_start3A_66, %dma_start3A_67] : memref<10240x64xf32, #tpu.memory_space<hbm>> -> memref<10240x64xf32, #tpu.memory_space<hbm>>
        tpu.enqueue_indirect_dma source(%dma_start3A_68 : memref<10240x64xf32, #tpu.memory_space<hbm>>) target(%arg8 : memref<128x64xf32, #tpu.memory_space<vmem>>) offsets(%dma_start3A_65 : memref<128xi32, #tpu.memory_space<vmem>>) semaphore(%arg12 : memref<!tpu.dma_semaphore, #tpu.memory_space<semaphore_mem>>)
        %dma_wait3A = arith.constant 156 : i32
        %dma_wait3A_69 = arith.constant 0 : i32
        %dma_wait3A_70 = tpu.memref_slice %arg6[%dma_wait3A, %dma_wait3A_69] : memref<157x128xi32, #tpu.memory_space<vmem>> -> memref<1x128xi32, #tpu.memory_space<vmem>>
        %dma_wait3A_71 = tpu.memref_squeeze %dma_wait3A_70 : memref<1x128xi32, #tpu.memory_space<vmem>> -> memref<128xi32, #tpu.memory_space<vmem>>
        %dma_wait3A_72 = arith.constant 0 : i32
        %dma_wait3A_73 = arith.constant 0 : i32
        %dma_wait3A_74 = tpu.memref_slice %arg2[%dma_wait3A_72, %dma_wait3A_73] : memref<10240x64xf32, #tpu.memory_space<hbm>> -> memref<10240x64xf32, #tpu.memory_space<hbm>>
        tpu.wait_indirect_dma semaphore(%arg12 : memref<!tpu.dma_semaphore, #tpu.memory_space<semaphore_mem>>) src(%dma_wait3A_74 : memref<10240x64xf32, #tpu.memory_space<hbm>>) dst(%arg8 : memref<128x64xf32, #tpu.memory_space<vmem>>)
        %run_scoped3A_75 = arith.constant 156 : i32
        "tpu.region"() ({
          %run_scoped3A_76 = tpu.sem_alloc : memref<!tpu.dma_semaphore, #tpu.memory_space<semaphore_mem>>
          %dma_start3A_77 = arith.constant 0 : i32
          %dma_start3A_78 = tpu.memref_slice %arg7[%run_scoped3A_75, %dma_start3A_77] : memref<157x128xi32, #tpu.memory_space<vmem>> -> memref<1x128xi32, #tpu.memory_space<vmem>>
          %dma_start3A_79 = tpu.memref_squeeze %dma_start3A_78 : memref<1x128xi32, #tpu.memory_space<vmem>> -> memref<128xi32, #tpu.memory_space<vmem>>
          %dma_start3A_80 = arith.constant 0 : i32
          %dma_start3A_81 = arith.constant 0 : i32
          %dma_start3A_82 = tpu.memref_slice %arg16[%dma_start3A_80, %dma_start3A_81] : memref<10240x64xf32, #tpu.memory_space<vmem_shared>> -> memref<10240x64xf32, #tpu.memory_space<vmem_shared>>
          tpu.enqueue_indirect_dma source(%arg8 : memref<128x64xf32, #tpu.memory_space<vmem>>) target(%dma_start3A_82 : memref<10240x64xf32, #tpu.memory_space<vmem_shared>>) offsets(%dma_start3A_79 : memref<128xi32, #tpu.memory_space<vmem>>) semaphore(%run_scoped3A_76 : memref<!tpu.dma_semaphore, #tpu.memory_space<semaphore_mem>>) {add = true}
          %dma_wait3A_83 = arith.constant 0 : i32
          %dma_wait3A_84 = tpu.memref_slice %arg7[%run_scoped3A_75, %dma_wait3A_83] : memref<157x128xi32, #tpu.memory_space<vmem>> -> memref<1x128xi32, #tpu.memory_space<vmem>>
          %dma_wait3A_85 = tpu.memref_squeeze %dma_wait3A_84 : memref<1x128xi32, #tpu.memory_space<vmem>> -> memref<128xi32, #tpu.memory_space<vmem>>
          %dma_wait3A_86 = arith.constant 0 : i32
          %dma_wait3A_87 = arith.constant 0 : i32
          %dma_wait3A_88 = tpu.memref_slice %arg16[%dma_wait3A_86, %dma_wait3A_87] : memref<10240x64xf32, #tpu.memory_space<vmem_shared>> -> memref<10240x64xf32, #tpu.memory_space<vmem_shared>>
          tpu.wait_indirect_dma semaphore(%run_scoped3A_76 : memref<!tpu.dma_semaphore, #tpu.memory_space<semaphore_mem>>) src(%arg8 : memref<128x64xf32, #tpu.memory_space<vmem>>) dst(%dma_wait3A_88 : memref<10240x64xf32, #tpu.memory_space<vmem_shared>>)
          tpu.yield
        }) : () -> ()
      } else {
      }
    } else {
    }
    %eq3A_10 = arith.constant 1 : i32
    %eq3A_11 = arith.cmpi eq, %arg0, %eq3A_10 : i32
    %convert_element_type3A_12 = arith.extui %eq3A_11 : i1 to i32
    %cond3A_13 = arith.constant 0 : i32
    %cond3A_14 = arith.cmpi ne, %convert_element_type3A_12, %cond3A_13 : i32
    scf.if %cond3A_14 {
      %mul3A_21 = arith.constant 640 : i32
      %mul3A_22 = arith.muli %arg1, %mul3A_21 : i32
      %mul3A_23 = arith.constant 640 : i32
      %mul3A_24 = arith.muli %arg1, %mul3A_23 : i32
      "tpu.region"() ({
        %run_scoped3A_62 = tpu.sem_alloc : memref<!tpu.dma_semaphore, #tpu.memory_space<semaphore_mem>>
        %dma_start3A_63 = arith.constant 0 : i32
        %dma_start3A_64 = tpu.memref_slice %arg16[%mul3A_24, %dma_start3A_63] : memref<10240x64xf32, #tpu.memory_space<vmem_shared>> -> memref<640x64xf32, #tpu.memory_space<vmem_shared>>
        %dma_start3A_65 = arith.constant 0 : i32
        %dma_start3A_66 = tpu.memref_slice %arg3[%mul3A_22, %dma_start3A_65] : memref<10240x64xf32, #tpu.memory_space<hbm>> -> memref<640x64xf32, #tpu.memory_space<hbm>>
        tpu.enqueue_dma source(%dma_start3A_66 : memref<640x64xf32, #tpu.memory_space<hbm>>) target(%dma_start3A_64 : memref<640x64xf32, #tpu.memory_space<vmem_shared>>) target_semaphore(%run_scoped3A_62 : memref<!tpu.dma_semaphore, #tpu.memory_space<semaphore_mem>>)
        %dma_wait3A = arith.constant 0 : i32
        %dma_wait3A_67 = tpu.memref_slice %arg16[%mul3A_24, %dma_wait3A] : memref<10240x64xf32, #tpu.memory_space<vmem_shared>> -> memref<640x64xf32, #tpu.memory_space<vmem_shared>>
        %dma_wait3A_68 = arith.constant 0 : i32
        %dma_wait3A_69 = tpu.memref_slice %arg3[%mul3A_22, %dma_wait3A_68] : memref<10240x64xf32, #tpu.memory_space<hbm>> -> memref<640x64xf32, #tpu.memory_space<hbm>>
        tpu.wait_dma2 semaphore(%run_scoped3A_62 : memref<!tpu.dma_semaphore, #tpu.memory_space<semaphore_mem>>) src(%dma_wait3A_69 : memref<640x64xf32, #tpu.memory_space<hbm>>) dst(%dma_wait3A_67 : memref<640x64xf32, #tpu.memory_space<vmem_shared>>)
        tpu.yield
      }) : () -> ()
      %barrier3A_25 = arith.constant 0 : index
      tpu.barrier barrier_id(%barrier3A_25)
      %dma_start3A = arith.constant 0 : i32
      %dma_start3A_26 = arith.constant 0 : i32
      %dma_start3A_27 = tpu.memref_slice %arg6[%dma_start3A, %dma_start3A_26] : memref<157x128xi32, #tpu.memory_space<vmem>> -> memref<1x128xi32, #tpu.memory_space<vmem>>
      %dma_start3A_28 = tpu.memref_squeeze %dma_start3A_27 : memref<1x128xi32, #tpu.memory_space<vmem>> -> memref<128xi32, #tpu.memory_space<vmem>>
      %dma_start3A_29 = arith.constant 0 : i32
      %dma_start3A_30 = arith.constant 0 : i32
      %dma_start3A_31 = tpu.memref_slice %arg3[%dma_start3A_29, %dma_start3A_30] : memref<10240x64xf32, #tpu.memory_space<hbm>> -> memref<10240x64xf32, #tpu.memory_space<hbm>>
      tpu.enqueue_indirect_dma source(%dma_start3A_31 : memref<10240x64xf32, #tpu.memory_space<hbm>>) target(%arg8 : memref<128x64xf32, #tpu.memory_space<vmem>>) offsets(%dma_start3A_28 : memref<128xi32, #tpu.memory_space<vmem>>) semaphore(%arg12 : memref<!tpu.dma_semaphore, #tpu.memory_space<semaphore_mem>>)
      %dma_start3A_32 = arith.constant 1 : i32
      %dma_start3A_33 = arith.constant 0 : i32
      %dma_start3A_34 = tpu.memref_slice %arg6[%dma_start3A_32, %dma_start3A_33] : memref<157x128xi32, #tpu.memory_space<vmem>> -> memref<1x128xi32, #tpu.memory_space<vmem>>
      %dma_start3A_35 = tpu.memref_squeeze %dma_start3A_34 : memref<1x128xi32, #tpu.memory_space<vmem>> -> memref<128xi32, #tpu.memory_space<vmem>>
      %dma_start3A_36 = arith.constant 0 : i32
      %dma_start3A_37 = arith.constant 0 : i32
      %dma_start3A_38 = tpu.memref_slice %arg3[%dma_start3A_36, %dma_start3A_37] : memref<10240x64xf32, #tpu.memory_space<hbm>> -> memref<10240x64xf32, #tpu.memory_space<hbm>>
      tpu.enqueue_indirect_dma source(%dma_start3A_38 : memref<10240x64xf32, #tpu.memory_space<hbm>>) target(%arg9 : memref<128x64xf32, #tpu.memory_space<vmem>>) offsets(%dma_start3A_35 : memref<128xi32, #tpu.memory_space<vmem>>) semaphore(%arg13 : memref<!tpu.dma_semaphore, #tpu.memory_space<semaphore_mem>>)
      %dma_start3A_39 = arith.constant 2 : i32
      %dma_start3A_40 = arith.constant 0 : i32
      %dma_start3A_41 = tpu.memref_slice %arg6[%dma_start3A_39, %dma_start3A_40] : memref<157x128xi32, #tpu.memory_space<vmem>> -> memref<1x128xi32, #tpu.memory_space<vmem>>
      %dma_start3A_42 = tpu.memref_squeeze %dma_start3A_41 : memref<1x128xi32, #tpu.memory_space<vmem>> -> memref<128xi32, #tpu.memory_space<vmem>>
      %dma_start3A_43 = arith.constant 0 : i32
      %dma_start3A_44 = arith.constant 0 : i32
      %dma_start3A_45 = tpu.memref_slice %arg3[%dma_start3A_43, %dma_start3A_44] : memref<10240x64xf32, #tpu.memory_space<hbm>> -> memref<10240x64xf32, #tpu.memory_space<hbm>>
      tpu.enqueue_indirect_dma source(%dma_start3A_45 : memref<10240x64xf32, #tpu.memory_space<hbm>>) target(%arg10 : memref<128x64xf32, #tpu.memory_space<vmem>>) offsets(%dma_start3A_42 : memref<128xi32, #tpu.memory_space<vmem>>) semaphore(%arg14 : memref<!tpu.dma_semaphore, #tpu.memory_space<semaphore_mem>>)
      %dma_start3A_46 = arith.constant 3 : i32
      %dma_start3A_47 = arith.constant 0 : i32
      %dma_start3A_48 = tpu.memref_slice %arg6[%dma_start3A_46, %dma_start3A_47] : memref<157x128xi32, #tpu.memory_space<vmem>> -> memref<1x128xi32, #tpu.memory_space<vmem>>
      %dma_start3A_49 = tpu.memref_squeeze %dma_start3A_48 : memref<1x128xi32, #tpu.memory_space<vmem>> -> memref<128xi32, #tpu.memory_space<vmem>>
      %dma_start3A_50 = arith.constant 0 : i32
      %dma_start3A_51 = arith.constant 0 : i32
      %dma_start3A_52 = tpu.memref_slice %arg3[%dma_start3A_50, %dma_start3A_51] : memref<10240x64xf32, #tpu.memory_space<hbm>> -> memref<10240x64xf32, #tpu.memory_space<hbm>>
      tpu.enqueue_indirect_dma source(%dma_start3A_52 : memref<10240x64xf32, #tpu.memory_space<hbm>>) target(%arg11 : memref<128x64xf32, #tpu.memory_space<vmem>>) offsets(%dma_start3A_49 : memref<128xi32, #tpu.memory_space<vmem>>) semaphore(%arg15 : memref<!tpu.dma_semaphore, #tpu.memory_space<semaphore_mem>>)
      %scan3A = arith.constant 0 : i32
      %scan3A_53 = arith.constant 39 : i32
      %scan3A_54 = arith.addi %scan3A, %scan3A_53 : i32
      %scan3A_55 = arith.constant 1 : i32
      scf.for %scan3A_62 = %scan3A to %scan3A_54 step %scan3A_55  : i32 {
        %mul3A_63 = arith.constant 4 : i32
        %mul3A_64 = arith.muli %scan3A_62, %mul3A_63 : i32
        %add3A = arith.constant 0 : i32
        %add3A_65 = arith.addi %add3A, %mul3A_64 : i32
        %add3A_66 = arith.constant 0 : i32
        %add3A_67 = arith.addi %add3A_65, %add3A_66 : i32
        %dma_wait3A = arith.constant 0 : i32
        %dma_wait3A_68 = tpu.memref_slice %arg6[%add3A_67, %dma_wait3A] : memref<157x128xi32, #tpu.memory_space<vmem>> -> memref<1x128xi32, #tpu.memory_space<vmem>>
        %dma_wait3A_69 = tpu.memref_squeeze %dma_wait3A_68 : memref<1x128xi32, #tpu.memory_space<vmem>> -> memref<128xi32, #tpu.memory_space<vmem>>
        %dma_wait3A_70 = arith.constant 0 : i32
        %dma_wait3A_71 = arith.constant 0 : i32
        %dma_wait3A_72 = tpu.memref_slice %arg3[%dma_wait3A_70, %dma_wait3A_71] : memref<10240x64xf32, #tpu.memory_space<hbm>> -> memref<10240x64xf32, #tpu.memory_space<hbm>>
        tpu.wait_indirect_dma semaphore(%arg12 : memref<!tpu.dma_semaphore, #tpu.memory_space<semaphore_mem>>) src(%dma_wait3A_72 : memref<10240x64xf32, #tpu.memory_space<hbm>>) dst(%arg8 : memref<128x64xf32, #tpu.memory_space<vmem>>)
        "tpu.region"() ({
          %run_scoped3A_125 = tpu.sem_alloc : memref<!tpu.dma_semaphore, #tpu.memory_space<semaphore_mem>>
          %dma_start3A_126 = arith.constant 0 : i32
          %dma_start3A_127 = tpu.memref_slice %arg7[%add3A_67, %dma_start3A_126] : memref<157x128xi32, #tpu.memory_space<vmem>> -> memref<1x128xi32, #tpu.memory_space<vmem>>
          %dma_start3A_128 = tpu.memref_squeeze %dma_start3A_127 : memref<1x128xi32, #tpu.memory_space<vmem>> -> memref<128xi32, #tpu.memory_space<vmem>>
          %dma_start3A_129 = arith.constant 0 : i32
          %dma_start3A_130 = arith.constant 0 : i32
          %dma_start3A_131 = tpu.memref_slice %arg16[%dma_start3A_129, %dma_start3A_130] : memref<10240x64xf32, #tpu.memory_space<vmem_shared>> -> memref<10240x64xf32, #tpu.memory_space<vmem_shared>>
          tpu.enqueue_indirect_dma source(%arg8 : memref<128x64xf32, #tpu.memory_space<vmem>>) target(%dma_start3A_131 : memref<10240x64xf32, #tpu.memory_space<vmem_shared>>) offsets(%dma_start3A_128 : memref<128xi32, #tpu.memory_space<vmem>>) semaphore(%run_scoped3A_125 : memref<!tpu.dma_semaphore, #tpu.memory_space<semaphore_mem>>) {add = true}
          %dma_wait3A_132 = arith.constant 0 : i32
          %dma_wait3A_133 = tpu.memref_slice %arg7[%add3A_67, %dma_wait3A_132] : memref<157x128xi32, #tpu.memory_space<vmem>> -> memref<1x128xi32, #tpu.memory_space<vmem>>
          %dma_wait3A_134 = tpu.memref_squeeze %dma_wait3A_133 : memref<1x128xi32, #tpu.memory_space<vmem>> -> memref<128xi32, #tpu.memory_space<vmem>>
          %dma_wait3A_135 = arith.constant 0 : i32
          %dma_wait3A_136 = arith.constant 0 : i32
          %dma_wait3A_137 = tpu.memref_slice %arg16[%dma_wait3A_135, %dma_wait3A_136] : memref<10240x64xf32, #tpu.memory_space<vmem_shared>> -> memref<10240x64xf32, #tpu.memory_space<vmem_shared>>
          tpu.wait_indirect_dma semaphore(%run_scoped3A_125 : memref<!tpu.dma_semaphore, #tpu.memory_space<semaphore_mem>>) src(%arg8 : memref<128x64xf32, #tpu.memory_space<vmem>>) dst(%dma_wait3A_137 : memref<10240x64xf32, #tpu.memory_space<vmem_shared>>)
          tpu.yield
        }) : () -> ()
        %add3A_73 = arith.constant 4 : i32
        %add3A_74 = arith.addi %add3A_67, %add3A_73 : i32
        %lt3A_75 = arith.constant 156 : i32
        %lt3A_76 = arith.cmpi slt, %add3A_74, %lt3A_75 : i32
        %convert_element_type3A_77 = arith.extui %lt3A_76 : i1 to i32
        %cond3A_78 = arith.constant 0 : i32
        %cond3A_79 = arith.cmpi ne, %convert_element_type3A_77, %cond3A_78 : i32
        scf.if %cond3A_79 {
          %add3A_125 = arith.constant 4 : i32
          %add3A_126 = arith.addi %add3A_67, %add3A_125 : i32
          %dma_start3A_127 = arith.constant 0 : i32
          %dma_start3A_128 = tpu.memref_slice %arg6[%add3A_126, %dma_start3A_127] : memref<157x128xi32, #tpu.memory_space<vmem>> -> memref<1x128xi32, #tpu.memory_space<vmem>>
          %dma_start3A_129 = tpu.memref_squeeze %dma_start3A_128 : memref<1x128xi32, #tpu.memory_space<vmem>> -> memref<128xi32, #tpu.memory_space<vmem>>
          %dma_start3A_130 = arith.constant 0 : i32
          %dma_start3A_131 = arith.constant 0 : i32
          %dma_start3A_132 = tpu.memref_slice %arg3[%dma_start3A_130, %dma_start3A_131] : memref<10240x64xf32, #tpu.memory_space<hbm>> -> memref<10240x64xf32, #tpu.memory_space<hbm>>
          tpu.enqueue_indirect_dma source(%dma_start3A_132 : memref<10240x64xf32, #tpu.memory_space<hbm>>) target(%arg8 : memref<128x64xf32, #tpu.memory_space<vmem>>) offsets(%dma_start3A_129 : memref<128xi32, #tpu.memory_space<vmem>>) semaphore(%arg12 : memref<!tpu.dma_semaphore, #tpu.memory_space<semaphore_mem>>)
        } else {
        }
        %add3A_80 = arith.constant 1 : i32
        %add3A_81 = arith.addi %add3A_65, %add3A_80 : i32
        %dma_wait3A_82 = arith.constant 0 : i32
        %dma_wait3A_83 = tpu.memref_slice %arg6[%add3A_81, %dma_wait3A_82] : memref<157x128xi32, #tpu.memory_space<vmem>> -> memref<1x128xi32, #tpu.memory_space<vmem>>
        %dma_wait3A_84 = tpu.memref_squeeze %dma_wait3A_83 : memref<1x128xi32, #tpu.memory_space<vmem>> -> memref<128xi32, #tpu.memory_space<vmem>>
        %dma_wait3A_85 = arith.constant 0 : i32
        %dma_wait3A_86 = arith.constant 0 : i32
        %dma_wait3A_87 = tpu.memref_slice %arg3[%dma_wait3A_85, %dma_wait3A_86] : memref<10240x64xf32, #tpu.memory_space<hbm>> -> memref<10240x64xf32, #tpu.memory_space<hbm>>
        tpu.wait_indirect_dma semaphore(%arg13 : memref<!tpu.dma_semaphore, #tpu.memory_space<semaphore_mem>>) src(%dma_wait3A_87 : memref<10240x64xf32, #tpu.memory_space<hbm>>) dst(%arg9 : memref<128x64xf32, #tpu.memory_space<vmem>>)
        "tpu.region"() ({
          %run_scoped3A_125 = tpu.sem_alloc : memref<!tpu.dma_semaphore, #tpu.memory_space<semaphore_mem>>
          %dma_start3A_126 = arith.constant 0 : i32
          %dma_start3A_127 = tpu.memref_slice %arg7[%add3A_81, %dma_start3A_126] : memref<157x128xi32, #tpu.memory_space<vmem>> -> memref<1x128xi32, #tpu.memory_space<vmem>>
          %dma_start3A_128 = tpu.memref_squeeze %dma_start3A_127 : memref<1x128xi32, #tpu.memory_space<vmem>> -> memref<128xi32, #tpu.memory_space<vmem>>
          %dma_start3A_129 = arith.constant 0 : i32
          %dma_start3A_130 = arith.constant 0 : i32
          %dma_start3A_131 = tpu.memref_slice %arg16[%dma_start3A_129, %dma_start3A_130] : memref<10240x64xf32, #tpu.memory_space<vmem_shared>> -> memref<10240x64xf32, #tpu.memory_space<vmem_shared>>
          tpu.enqueue_indirect_dma source(%arg9 : memref<128x64xf32, #tpu.memory_space<vmem>>) target(%dma_start3A_131 : memref<10240x64xf32, #tpu.memory_space<vmem_shared>>) offsets(%dma_start3A_128 : memref<128xi32, #tpu.memory_space<vmem>>) semaphore(%run_scoped3A_125 : memref<!tpu.dma_semaphore, #tpu.memory_space<semaphore_mem>>) {add = true}
          %dma_wait3A_132 = arith.constant 0 : i32
          %dma_wait3A_133 = tpu.memref_slice %arg7[%add3A_81, %dma_wait3A_132] : memref<157x128xi32, #tpu.memory_space<vmem>> -> memref<1x128xi32, #tpu.memory_space<vmem>>
          %dma_wait3A_134 = tpu.memref_squeeze %dma_wait3A_133 : memref<1x128xi32, #tpu.memory_space<vmem>> -> memref<128xi32, #tpu.memory_space<vmem>>
          %dma_wait3A_135 = arith.constant 0 : i32
          %dma_wait3A_136 = arith.constant 0 : i32
          %dma_wait3A_137 = tpu.memref_slice %arg16[%dma_wait3A_135, %dma_wait3A_136] : memref<10240x64xf32, #tpu.memory_space<vmem_shared>> -> memref<10240x64xf32, #tpu.memory_space<vmem_shared>>
          tpu.wait_indirect_dma semaphore(%run_scoped3A_125 : memref<!tpu.dma_semaphore, #tpu.memory_space<semaphore_mem>>) src(%arg9 : memref<128x64xf32, #tpu.memory_space<vmem>>) dst(%dma_wait3A_137 : memref<10240x64xf32, #tpu.memory_space<vmem_shared>>)
          tpu.yield
        }) : () -> ()
        %add3A_88 = arith.constant 4 : i32
        %add3A_89 = arith.addi %add3A_81, %add3A_88 : i32
        %lt3A_90 = arith.constant 156 : i32
        %lt3A_91 = arith.cmpi slt, %add3A_89, %lt3A_90 : i32
        %convert_element_type3A_92 = arith.extui %lt3A_91 : i1 to i32
        %cond3A_93 = arith.constant 0 : i32
        %cond3A_94 = arith.cmpi ne, %convert_element_type3A_92, %cond3A_93 : i32
        scf.if %cond3A_94 {
          %add3A_125 = arith.constant 4 : i32
          %add3A_126 = arith.addi %add3A_81, %add3A_125 : i32
          %dma_start3A_127 = arith.constant 0 : i32
          %dma_start3A_128 = tpu.memref_slice %arg6[%add3A_126, %dma_start3A_127] : memref<157x128xi32, #tpu.memory_space<vmem>> -> memref<1x128xi32, #tpu.memory_space<vmem>>
          %dma_start3A_129 = tpu.memref_squeeze %dma_start3A_128 : memref<1x128xi32, #tpu.memory_space<vmem>> -> memref<128xi32, #tpu.memory_space<vmem>>
          %dma_start3A_130 = arith.constant 0 : i32
          %dma_start3A_131 = arith.constant 0 : i32
          %dma_start3A_132 = tpu.memref_slice %arg3[%dma_start3A_130, %dma_start3A_131] : memref<10240x64xf32, #tpu.memory_space<hbm>> -> memref<10240x64xf32, #tpu.memory_space<hbm>>
          tpu.enqueue_indirect_dma source(%dma_start3A_132 : memref<10240x64xf32, #tpu.memory_space<hbm>>) target(%arg9 : memref<128x64xf32, #tpu.memory_space<vmem>>) offsets(%dma_start3A_129 : memref<128xi32, #tpu.memory_space<vmem>>) semaphore(%arg13 : memref<!tpu.dma_semaphore, #tpu.memory_space<semaphore_mem>>)
        } else {
        }
        %add3A_95 = arith.constant 2 : i32
        %add3A_96 = arith.addi %add3A_65, %add3A_95 : i32
        %dma_wait3A_97 = arith.constant 0 : i32
        %dma_wait3A_98 = tpu.memref_slice %arg6[%add3A_96, %dma_wait3A_97] : memref<157x128xi32, #tpu.memory_space<vmem>> -> memref<1x128xi32, #tpu.memory_space<vmem>>
        %dma_wait3A_99 = tpu.memref_squeeze %dma_wait3A_98 : memref<1x128xi32, #tpu.memory_space<vmem>> -> memref<128xi32, #tpu.memory_space<vmem>>
        %dma_wait3A_100 = arith.constant 0 : i32
        %dma_wait3A_101 = arith.constant 0 : i32
        %dma_wait3A_102 = tpu.memref_slice %arg3[%dma_wait3A_100, %dma_wait3A_101] : memref<10240x64xf32, #tpu.memory_space<hbm>> -> memref<10240x64xf32, #tpu.memory_space<hbm>>
        tpu.wait_indirect_dma semaphore(%arg14 : memref<!tpu.dma_semaphore, #tpu.memory_space<semaphore_mem>>) src(%dma_wait3A_102 : memref<10240x64xf32, #tpu.memory_space<hbm>>) dst(%arg10 : memref<128x64xf32, #tpu.memory_space<vmem>>)
        "tpu.region"() ({
          %run_scoped3A_125 = tpu.sem_alloc : memref<!tpu.dma_semaphore, #tpu.memory_space<semaphore_mem>>
          %dma_start3A_126 = arith.constant 0 : i32
          %dma_start3A_127 = tpu.memref_slice %arg7[%add3A_96, %dma_start3A_126] : memref<157x128xi32, #tpu.memory_space<vmem>> -> memref<1x128xi32, #tpu.memory_space<vmem>>
          %dma_start3A_128 = tpu.memref_squeeze %dma_start3A_127 : memref<1x128xi32, #tpu.memory_space<vmem>> -> memref<128xi32, #tpu.memory_space<vmem>>
          %dma_start3A_129 = arith.constant 0 : i32
          %dma_start3A_130 = arith.constant 0 : i32
          %dma_start3A_131 = tpu.memref_slice %arg16[%dma_start3A_129, %dma_start3A_130] : memref<10240x64xf32, #tpu.memory_space<vmem_shared>> -> memref<10240x64xf32, #tpu.memory_space<vmem_shared>>
          tpu.enqueue_indirect_dma source(%arg10 : memref<128x64xf32, #tpu.memory_space<vmem>>) target(%dma_start3A_131 : memref<10240x64xf32, #tpu.memory_space<vmem_shared>>) offsets(%dma_start3A_128 : memref<128xi32, #tpu.memory_space<vmem>>) semaphore(%run_scoped3A_125 : memref<!tpu.dma_semaphore, #tpu.memory_space<semaphore_mem>>) {add = true}
          %dma_wait3A_132 = arith.constant 0 : i32
          %dma_wait3A_133 = tpu.memref_slice %arg7[%add3A_96, %dma_wait3A_132] : memref<157x128xi32, #tpu.memory_space<vmem>> -> memref<1x128xi32, #tpu.memory_space<vmem>>
          %dma_wait3A_134 = tpu.memref_squeeze %dma_wait3A_133 : memref<1x128xi32, #tpu.memory_space<vmem>> -> memref<128xi32, #tpu.memory_space<vmem>>
          %dma_wait3A_135 = arith.constant 0 : i32
          %dma_wait3A_136 = arith.constant 0 : i32
          %dma_wait3A_137 = tpu.memref_slice %arg16[%dma_wait3A_135, %dma_wait3A_136] : memref<10240x64xf32, #tpu.memory_space<vmem_shared>> -> memref<10240x64xf32, #tpu.memory_space<vmem_shared>>
          tpu.wait_indirect_dma semaphore(%run_scoped3A_125 : memref<!tpu.dma_semaphore, #tpu.memory_space<semaphore_mem>>) src(%arg10 : memref<128x64xf32, #tpu.memory_space<vmem>>) dst(%dma_wait3A_137 : memref<10240x64xf32, #tpu.memory_space<vmem_shared>>)
          tpu.yield
        }) : () -> ()
        %add3A_103 = arith.constant 4 : i32
        %add3A_104 = arith.addi %add3A_96, %add3A_103 : i32
        %lt3A_105 = arith.constant 156 : i32
        %lt3A_106 = arith.cmpi slt, %add3A_104, %lt3A_105 : i32
        %convert_element_type3A_107 = arith.extui %lt3A_106 : i1 to i32
        %cond3A_108 = arith.constant 0 : i32
        %cond3A_109 = arith.cmpi ne, %convert_element_type3A_107, %cond3A_108 : i32
        scf.if %cond3A_109 {
          %add3A_125 = arith.constant 4 : i32
          %add3A_126 = arith.addi %add3A_96, %add3A_125 : i32
          %dma_start3A_127 = arith.constant 0 : i32
          %dma_start3A_128 = tpu.memref_slice %arg6[%add3A_126, %dma_start3A_127] : memref<157x128xi32, #tpu.memory_space<vmem>> -> memref<1x128xi32, #tpu.memory_space<vmem>>
          %dma_start3A_129 = tpu.memref_squeeze %dma_start3A_128 : memref<1x128xi32, #tpu.memory_space<vmem>> -> memref<128xi32, #tpu.memory_space<vmem>>
          %dma_start3A_130 = arith.constant 0 : i32
          %dma_start3A_131 = arith.constant 0 : i32
          %dma_start3A_132 = tpu.memref_slice %arg3[%dma_start3A_130, %dma_start3A_131] : memref<10240x64xf32, #tpu.memory_space<hbm>> -> memref<10240x64xf32, #tpu.memory_space<hbm>>
          tpu.enqueue_indirect_dma source(%dma_start3A_132 : memref<10240x64xf32, #tpu.memory_space<hbm>>) target(%arg10 : memref<128x64xf32, #tpu.memory_space<vmem>>) offsets(%dma_start3A_129 : memref<128xi32, #tpu.memory_space<vmem>>) semaphore(%arg14 : memref<!tpu.dma_semaphore, #tpu.memory_space<semaphore_mem>>)
        } else {
        }
        %add3A_110 = arith.constant 3 : i32
        %add3A_111 = arith.addi %add3A_65, %add3A_110 : i32
        %dma_wait3A_112 = arith.constant 0 : i32
        %dma_wait3A_113 = tpu.memref_slice %arg6[%add3A_111, %dma_wait3A_112] : memref<157x128xi32, #tpu.memory_space<vmem>> -> memref<1x128xi32, #tpu.memory_space<vmem>>
        %dma_wait3A_114 = tpu.memref_squeeze %dma_wait3A_113 : memref<1x128xi32, #tpu.memory_space<vmem>> -> memref<128xi32, #tpu.memory_space<vmem>>
        %dma_wait3A_115 = arith.constant 0 : i32
        %dma_wait3A_116 = arith.constant 0 : i32
        %dma_wait3A_117 = tpu.memref_slice %arg3[%dma_wait3A_115, %dma_wait3A_116] : memref<10240x64xf32, #tpu.memory_space<hbm>> -> memref<10240x64xf32, #tpu.memory_space<hbm>>
        tpu.wait_indirect_dma semaphore(%arg15 : memref<!tpu.dma_semaphore, #tpu.memory_space<semaphore_mem>>) src(%dma_wait3A_117 : memref<10240x64xf32, #tpu.memory_space<hbm>>) dst(%arg11 : memref<128x64xf32, #tpu.memory_space<vmem>>)
        "tpu.region"() ({
          %run_scoped3A_125 = tpu.sem_alloc : memref<!tpu.dma_semaphore, #tpu.memory_space<semaphore_mem>>
          %dma_start3A_126 = arith.constant 0 : i32
          %dma_start3A_127 = tpu.memref_slice %arg7[%add3A_111, %dma_start3A_126] : memref<157x128xi32, #tpu.memory_space<vmem>> -> memref<1x128xi32, #tpu.memory_space<vmem>>
          %dma_start3A_128 = tpu.memref_squeeze %dma_start3A_127 : memref<1x128xi32, #tpu.memory_space<vmem>> -> memref<128xi32, #tpu.memory_space<vmem>>
          %dma_start3A_129 = arith.constant 0 : i32
          %dma_start3A_130 = arith.constant 0 : i32
          %dma_start3A_131 = tpu.memref_slice %arg16[%dma_start3A_129, %dma_start3A_130] : memref<10240x64xf32, #tpu.memory_space<vmem_shared>> -> memref<10240x64xf32, #tpu.memory_space<vmem_shared>>
          tpu.enqueue_indirect_dma source(%arg11 : memref<128x64xf32, #tpu.memory_space<vmem>>) target(%dma_start3A_131 : memref<10240x64xf32, #tpu.memory_space<vmem_shared>>) offsets(%dma_start3A_128 : memref<128xi32, #tpu.memory_space<vmem>>) semaphore(%run_scoped3A_125 : memref<!tpu.dma_semaphore, #tpu.memory_space<semaphore_mem>>) {add = true}
          %dma_wait3A_132 = arith.constant 0 : i32
          %dma_wait3A_133 = tpu.memref_slice %arg7[%add3A_111, %dma_wait3A_132] : memref<157x128xi32, #tpu.memory_space<vmem>> -> memref<1x128xi32, #tpu.memory_space<vmem>>
          %dma_wait3A_134 = tpu.memref_squeeze %dma_wait3A_133 : memref<1x128xi32, #tpu.memory_space<vmem>> -> memref<128xi32, #tpu.memory_space<vmem>>
          %dma_wait3A_135 = arith.constant 0 : i32
          %dma_wait3A_136 = arith.constant 0 : i32
          %dma_wait3A_137 = tpu.memref_slice %arg16[%dma_wait3A_135, %dma_wait3A_136] : memref<10240x64xf32, #tpu.memory_space<vmem_shared>> -> memref<10240x64xf32, #tpu.memory_space<vmem_shared>>
          tpu.wait_indirect_dma semaphore(%run_scoped3A_125 : memref<!tpu.dma_semaphore, #tpu.memory_space<semaphore_mem>>) src(%arg11 : memref<128x64xf32, #tpu.memory_space<vmem>>) dst(%dma_wait3A_137 : memref<10240x64xf32, #tpu.memory_space<vmem_shared>>)
          tpu.yield
        }) : () -> ()
        %add3A_118 = arith.constant 4 : i32
        %add3A_119 = arith.addi %add3A_111, %add3A_118 : i32
        %lt3A_120 = arith.constant 156 : i32
        %lt3A_121 = arith.cmpi slt, %add3A_119, %lt3A_120 : i32
        %convert_element_type3A_122 = arith.extui %lt3A_121 : i1 to i32
        %cond3A_123 = arith.constant 0 : i32
        %cond3A_124 = arith.cmpi ne, %convert_element_type3A_122, %cond3A_123 : i32
        scf.if %cond3A_124 {
          %add3A_125 = arith.constant 4 : i32
          %add3A_126 = arith.addi %add3A_111, %add3A_125 : i32
          %dma_start3A_127 = arith.constant 0 : i32
          %dma_start3A_128 = tpu.memref_slice %arg6[%add3A_126, %dma_start3A_127] : memref<157x128xi32, #tpu.memory_space<vmem>> -> memref<1x128xi32, #tpu.memory_space<vmem>>
          %dma_start3A_129 = tpu.memref_squeeze %dma_start3A_128 : memref<1x128xi32, #tpu.memory_space<vmem>> -> memref<128xi32, #tpu.memory_space<vmem>>
          %dma_start3A_130 = arith.constant 0 : i32
          %dma_start3A_131 = arith.constant 0 : i32
          %dma_start3A_132 = tpu.memref_slice %arg3[%dma_start3A_130, %dma_start3A_131] : memref<10240x64xf32, #tpu.memory_space<hbm>> -> memref<10240x64xf32, #tpu.memory_space<hbm>>
          tpu.enqueue_indirect_dma source(%dma_start3A_132 : memref<10240x64xf32, #tpu.memory_space<hbm>>) target(%arg11 : memref<128x64xf32, #tpu.memory_space<vmem>>) offsets(%dma_start3A_129 : memref<128xi32, #tpu.memory_space<vmem>>) semaphore(%arg15 : memref<!tpu.dma_semaphore, #tpu.memory_space<semaphore_mem>>)
        } else {
        }
      }
      %scan3A_56 = arith.constant 39 : i32
      %lt3A_57 = arith.constant 4 : i32
      %lt3A_58 = arith.cmpi slt, %arg1, %lt3A_57 : i32
      %convert_element_type3A_59 = arith.extui %lt3A_58 : i1 to i32
      %cond3A_60 = arith.constant 0 : i32
      %cond3A_61 = arith.cmpi ne, %convert_element_type3A_59, %cond3A_60 : i32
      scf.if %cond3A_61 {
        %dma_start3A_62 = arith.constant 156 : i32
        %dma_start3A_63 = arith.constant 0 : i32
        %dma_start3A_64 = tpu.memref_slice %arg6[%dma_start3A_62, %dma_start3A_63] : memref<157x128xi32, #tpu.memory_space<vmem>> -> memref<1x128xi32, #tpu.memory_space<vmem>>
        %dma_start3A_65 = tpu.memref_squeeze %dma_start3A_64 : memref<1x128xi32, #tpu.memory_space<vmem>> -> memref<128xi32, #tpu.memory_space<vmem>>
        %dma_start3A_66 = arith.constant 0 : i32
        %dma_start3A_67 = arith.constant 0 : i32
        %dma_start3A_68 = tpu.memref_slice %arg3[%dma_start3A_66, %dma_start3A_67] : memref<10240x64xf32, #tpu.memory_space<hbm>> -> memref<10240x64xf32, #tpu.memory_space<hbm>>
        tpu.enqueue_indirect_dma source(%dma_start3A_68 : memref<10240x64xf32, #tpu.memory_space<hbm>>) target(%arg8 : memref<128x64xf32, #tpu.memory_space<vmem>>) offsets(%dma_start3A_65 : memref<128xi32, #tpu.memory_space<vmem>>) semaphore(%arg12 : memref<!tpu.dma_semaphore, #tpu.memory_space<semaphore_mem>>)
        %dma_wait3A = arith.constant 156 : i32
        %dma_wait3A_69 = arith.constant 0 : i32
        %dma_wait3A_70 = tpu.memref_slice %arg6[%dma_wait3A, %dma_wait3A_69] : memref<157x128xi32, #tpu.memory_space<vmem>> -> memref<1x128xi32, #tpu.memory_space<vmem>>
        %dma_wait3A_71 = tpu.memref_squeeze %dma_wait3A_70 : memref<1x128xi32, #tpu.memory_space<vmem>> -> memref<128xi32, #tpu.memory_space<vmem>>
        %dma_wait3A_72 = arith.constant 0 : i32
        %dma_wait3A_73 = arith.constant 0 : i32
        %dma_wait3A_74 = tpu.memref_slice %arg3[%dma_wait3A_72, %dma_wait3A_73] : memref<10240x64xf32, #tpu.memory_space<hbm>> -> memref<10240x64xf32, #tpu.memory_space<hbm>>
        tpu.wait_indirect_dma semaphore(%arg12 : memref<!tpu.dma_semaphore, #tpu.memory_space<semaphore_mem>>) src(%dma_wait3A_74 : memref<10240x64xf32, #tpu.memory_space<hbm>>) dst(%arg8 : memref<128x64xf32, #tpu.memory_space<vmem>>)
        %run_scoped3A_75 = arith.constant 156 : i32
        "tpu.region"() ({
          %run_scoped3A_76 = tpu.sem_alloc : memref<!tpu.dma_semaphore, #tpu.memory_space<semaphore_mem>>
          %dma_start3A_77 = arith.constant 0 : i32
          %dma_start3A_78 = tpu.memref_slice %arg7[%run_scoped3A_75, %dma_start3A_77] : memref<157x128xi32, #tpu.memory_space<vmem>> -> memref<1x128xi32, #tpu.memory_space<vmem>>
          %dma_start3A_79 = tpu.memref_squeeze %dma_start3A_78 : memref<1x128xi32, #tpu.memory_space<vmem>> -> memref<128xi32, #tpu.memory_space<vmem>>
          %dma_start3A_80 = arith.constant 0 : i32
          %dma_start3A_81 = arith.constant 0 : i32
          %dma_start3A_82 = tpu.memref_slice %arg16[%dma_start3A_80, %dma_start3A_81] : memref<10240x64xf32, #tpu.memory_space<vmem_shared>> -> memref<10240x64xf32, #tpu.memory_space<vmem_shared>>
          tpu.enqueue_indirect_dma source(%arg8 : memref<128x64xf32, #tpu.memory_space<vmem>>) target(%dma_start3A_82 : memref<10240x64xf32, #tpu.memory_space<vmem_shared>>) offsets(%dma_start3A_79 : memref<128xi32, #tpu.memory_space<vmem>>) semaphore(%run_scoped3A_76 : memref<!tpu.dma_semaphore, #tpu.memory_space<semaphore_mem>>) {add = true}
          %dma_wait3A_83 = arith.constant 0 : i32
          %dma_wait3A_84 = tpu.memref_slice %arg7[%run_scoped3A_75, %dma_wait3A_83] : memref<157x128xi32, #tpu.memory_space<vmem>> -> memref<1x128xi32, #tpu.memory_space<vmem>>
          %dma_wait3A_85 = tpu.memref_squeeze %dma_wait3A_84 : memref<1x128xi32, #tpu.memory_space<vmem>> -> memref<128xi32, #tpu.memory_space<vmem>>
          %dma_wait3A_86 = arith.constant 0 : i32
          %dma_wait3A_87 = arith.constant 0 : i32
          %dma_wait3A_88 = tpu.memref_slice %arg16[%dma_wait3A_86, %dma_wait3A_87] : memref<10240x64xf32, #tpu.memory_space<vmem_shared>> -> memref<10240x64xf32, #tpu.memory_space<vmem_shared>>
          tpu.wait_indirect_dma semaphore(%run_scoped3A_76 : memref<!tpu.dma_semaphore, #tpu.memory_space<semaphore_mem>>) src(%arg8 : memref<128x64xf32, #tpu.memory_space<vmem>>) dst(%dma_wait3A_88 : memref<10240x64xf32, #tpu.memory_space<vmem_shared>>)
          tpu.yield
        }) : () -> ()
      } else {
      }
    } else {
    }
    %barrier3A = arith.constant 0 : index
    tpu.barrier barrier_id(%barrier3A)
    %mul3A_15 = arith.constant 640 : i32
    %mul3A_16 = arith.muli %arg1, %mul3A_15 : i32
    %mul3A_17 = arith.constant 640 : i32
    %mul3A_18 = arith.muli %arg1, %mul3A_17 : i32
    %mul3A_19 = arith.constant 64 : i32
    %mul3A_20 = arith.muli %arg0, %mul3A_19 : i32
    "tpu.region"() ({
      %run_scoped3A_21 = tpu.sem_alloc : memref<!tpu.dma_semaphore, #tpu.memory_space<semaphore_mem>>
      %dma_start3A = tpu.memref_slice %arg5[%mul3A_18, %mul3A_20] : memref<10240x128xf32, #tpu.memory_space<hbm>> -> memref<640x64xf32, #tpu.memory_space<hbm>>
      %dma_start3A_22 = arith.constant 0 : i32
      %dma_start3A_23 = tpu.memref_slice %arg16[%mul3A_16, %dma_start3A_22] : memref<10240x64xf32, #tpu.memory_space<vmem_shared>> -> memref<640x64xf32, #tpu.memory_space<vmem_shared>>
      tpu.enqueue_dma source(%dma_start3A_23 : memref<640x64xf32, #tpu.memory_space<vmem_shared>>) target(%dma_start3A : memref<640x64xf32, #tpu.memory_space<hbm>>) target_semaphore(%run_scoped3A_21 : memref<!tpu.dma_semaphore, #tpu.memory_space<semaphore_mem>>)
      %dma_wait3A = tpu.memref_slice %arg5[%mul3A_18, %mul3A_20] : memref<10240x128xf32, #tpu.memory_space<hbm>> -> memref<640x64xf32, #tpu.memory_space<hbm>>
      %dma_wait3A_24 = arith.constant 0 : i32
      %dma_wait3A_25 = tpu.memref_slice %arg16[%mul3A_16, %dma_wait3A_24] : memref<10240x64xf32, #tpu.memory_space<vmem_shared>> -> memref<640x64xf32, #tpu.memory_space<vmem_shared>>
      tpu.wait_dma2 semaphore(%run_scoped3A_21 : memref<!tpu.dma_semaphore, #tpu.memory_space<semaphore_mem>>) src(%dma_wait3A_25 : memref<640x64xf32, #tpu.memory_space<vmem_shared>>) dst(%dma_wait3A : memref<640x64xf32, #tpu.memory_space<hbm>>)
      tpu.yield
    }) : () -> ()
    return
  }
}

#map = affine_map<(d0, d1) -> (0, 0)>
#map1 = affine_map<(d0, d1) -> (0, 0, 0)>
module attributes {stable_mosaic.version = 14 : i64} {
  func.func @_mp_body(%arg0: i32, %arg1: i32, %arg2: memref<10240x64xf32, #tpu.memory_space<hbm>>, %arg3: memref<10240x64xf32, #tpu.memory_space<hbm>>, %arg4: memref<2x2500x128xi32, #tpu.memory_space<hbm>>, %arg5: memref<10240x128xf32, #tpu.memory_space<hbm>>, %arg6: memref<157x128xi32, #tpu.memory_space<vmem>>, %arg7: memref<157x128xi32, #tpu.memory_space<vmem>>, %arg8: memref<128x64xf32, #tpu.memory_space<vmem>>, %arg9: memref<128x64xf32, #tpu.memory_space<vmem>>, %arg10: memref<128x64xf32, #tpu.memory_space<vmem>>, %arg11: memref<128x64xf32, #tpu.memory_space<vmem>>, %arg12: memref<!tpu.dma_semaphore, #tpu.memory_space<semaphore_mem>>, %arg13: memref<!tpu.dma_semaphore, #tpu.memory_space<semaphore_mem>>, %arg14: memref<!tpu.dma_semaphore, #tpu.memory_space<semaphore_mem>>, %arg15: memref<!tpu.dma_semaphore, #tpu.memory_space<semaphore_mem>>, %arg16: memref<10240x64xf32, #tpu.memory_space<vmem_shared>>) attributes {dimension_semantics = [#tpu.dimension_semantics<core_parallel>, #tpu.dimension_semantics<subcore_parallel>], iteration_bounds = array<i64: 2, 16>, scalar_prefetch = 0 : i64, scratch_operands = 11 : i64, tpu.core_type = #tpu.core_type<sc_vector_subcore>, window_params = [{transform_indices = #map}, {transform_indices = #map}, {transform_indices = #map1}, {transform_indices = #map}]} {
    %mul3A = arith.constant 156 : i32
    %mul3A_0 = arith.muli %arg1, %mul3A : i32
    %run_scoped3A = arith.constant 0 : i32
    "tpu.region"() ({
      %run_scoped3A_21 = tpu.sem_alloc : memref<!tpu.dma_semaphore, #tpu.memory_space<semaphore_mem>>
      %dma_start3A = arith.constant 0 : i32
      %dma_start3A_22 = arith.constant 0 : i32
      %dma_start3A_23 = tpu.memref_slice %arg6[%dma_start3A, %dma_start3A_22] : memref<157x128xi32, #tpu.memory_space<vmem>> -> memref<156x128xi32, #tpu.memory_space<vmem>>
      %dma_start3A_24 = arith.constant 0 : i32
      %dma_start3A_25 = tpu.memref_slice %arg4[%run_scoped3A, %mul3A_0, %dma_start3A_24] : memref<2x2500x128xi32, #tpu.memory_space<hbm>> -> memref<1x156x128xi32, #tpu.memory_space<hbm>>
      %dma_start3A_26 = tpu.memref_squeeze %dma_start3A_25 : memref<1x156x128xi32, #tpu.memory_space<hbm>> -> memref<156x128xi32, #tpu.memory_space<hbm>>
      %dma_start3A_27 = arith.constant 0 : i32
      %dma_start3A_28 = arith.constant 0 : i32
      %dma_start3A_29 = tpu.memref_slice %arg6[%dma_start3A_27, %dma_start3A_28] : memref<157x128xi32, #tpu.memory_space<vmem>> -> memref<156x128xi32, #tpu.memory_space<vmem>>
      %dma_start3A_30 = arith.constant 0 : i32
      %dma_start3A_31 = tpu.memref_slice %arg4[%run_scoped3A, %mul3A_0, %dma_start3A_30] : memref<2x2500x128xi32, #tpu.memory_space<hbm>> -> memref<1x156x128xi32, #tpu.memory_space<hbm>>
      %dma_start3A_32 = tpu.memref_squeeze %dma_start3A_31 : memref<1x156x128xi32, #tpu.memory_space<hbm>> -> memref<156x128xi32, #tpu.memory_space<hbm>>
      tpu.enqueue_dma source(%dma_start3A_32 : memref<156x128xi32, #tpu.memory_space<hbm>>) target(%dma_start3A_29 : memref<156x128xi32, #tpu.memory_space<vmem>>) target_semaphore(%run_scoped3A_21 : memref<!tpu.dma_semaphore, #tpu.memory_space<semaphore_mem>>)
      %dma_wait3A = arith.constant 0 : i32
      %dma_wait3A_33 = arith.constant 0 : i32
      %dma_wait3A_34 = tpu.memref_slice %arg6[%dma_wait3A, %dma_wait3A_33] : memref<157x128xi32, #tpu.memory_space<vmem>> -> memref<156x128xi32, #tpu.memory_space<vmem>>
      %dma_wait3A_35 = arith.constant 0 : i32
      %dma_wait3A_36 = tpu.memref_slice %arg4[%run_scoped3A, %mul3A_0, %dma_wait3A_35] : memref<2x2500x128xi32, #tpu.memory_space<hbm>> -> memref<1x156x128xi32, #tpu.memory_space<hbm>>
      %dma_wait3A_37 = tpu.memref_squeeze %dma_wait3A_36 : memref<1x156x128xi32, #tpu.memory_space<hbm>> -> memref<156x128xi32, #tpu.memory_space<hbm>>
      %dma_wait3A_38 = arith.constant 0 : i32
      %dma_wait3A_39 = arith.constant 0 : i32
      %dma_wait3A_40 = tpu.memref_slice %arg6[%dma_wait3A_38, %dma_wait3A_39] : memref<157x128xi32, #tpu.memory_space<vmem>> -> memref<156x128xi32, #tpu.memory_space<vmem>>
      %dma_wait3A_41 = arith.constant 0 : i32
      %dma_wait3A_42 = tpu.memref_slice %arg4[%run_scoped3A, %mul3A_0, %dma_wait3A_41] : memref<2x2500x128xi32, #tpu.memory_space<hbm>> -> memref<1x156x128xi32, #tpu.memory_space<hbm>>
      %dma_wait3A_43 = tpu.memref_squeeze %dma_wait3A_42 : memref<1x156x128xi32, #tpu.memory_space<hbm>> -> memref<156x128xi32, #tpu.memory_space<hbm>>
      tpu.wait_dma2 semaphore(%run_scoped3A_21 : memref<!tpu.dma_semaphore, #tpu.memory_space<semaphore_mem>>) src(%dma_wait3A_43 : memref<156x128xi32, #tpu.memory_space<hbm>>) dst(%dma_wait3A_40 : memref<156x128xi32, #tpu.memory_space<vmem>>)
      tpu.yield
    }) : () -> ()
    %mul3A_1 = arith.constant 156 : i32
    %mul3A_2 = arith.muli %arg1, %mul3A_1 : i32
    %run_scoped3A_3 = arith.constant 1 : i32
    "tpu.region"() ({
      %run_scoped3A_21 = tpu.sem_alloc : memref<!tpu.dma_semaphore, #tpu.memory_space<semaphore_mem>>
      %dma_start3A = arith.constant 0 : i32
      %dma_start3A_22 = arith.constant 0 : i32
      %dma_start3A_23 = tpu.memref_slice %arg7[%dma_start3A, %dma_start3A_22] : memref<157x128xi32, #tpu.memory_space<vmem>> -> memref<156x128xi32, #tpu.memory_space<vmem>>
      %dma_start3A_24 = arith.constant 0 : i32
      %dma_start3A_25 = tpu.memref_slice %arg4[%run_scoped3A_3, %mul3A_2, %dma_start3A_24] : memref<2x2500x128xi32, #tpu.memory_space<hbm>> -> memref<1x156x128xi32, #tpu.memory_space<hbm>>
      %dma_start3A_26 = tpu.memref_squeeze %dma_start3A_25 : memref<1x156x128xi32, #tpu.memory_space<hbm>> -> memref<156x128xi32, #tpu.memory_space<hbm>>
      %dma_start3A_27 = arith.constant 0 : i32
      %dma_start3A_28 = arith.constant 0 : i32
      %dma_start3A_29 = tpu.memref_slice %arg7[%dma_start3A_27, %dma_start3A_28] : memref<157x128xi32, #tpu.memory_space<vmem>> -> memref<156x128xi32, #tpu.memory_space<vmem>>
      %dma_start3A_30 = arith.constant 0 : i32
      %dma_start3A_31 = tpu.memref_slice %arg4[%run_scoped3A_3, %mul3A_2, %dma_start3A_30] : memref<2x2500x128xi32, #tpu.memory_space<hbm>> -> memref<1x156x128xi32, #tpu.memory_space<hbm>>
      %dma_start3A_32 = tpu.memref_squeeze %dma_start3A_31 : memref<1x156x128xi32, #tpu.memory_space<hbm>> -> memref<156x128xi32, #tpu.memory_space<hbm>>
      tpu.enqueue_dma source(%dma_start3A_32 : memref<156x128xi32, #tpu.memory_space<hbm>>) target(%dma_start3A_29 : memref<156x128xi32, #tpu.memory_space<vmem>>) target_semaphore(%run_scoped3A_21 : memref<!tpu.dma_semaphore, #tpu.memory_space<semaphore_mem>>)
      %dma_wait3A = arith.constant 0 : i32
      %dma_wait3A_33 = arith.constant 0 : i32
      %dma_wait3A_34 = tpu.memref_slice %arg7[%dma_wait3A, %dma_wait3A_33] : memref<157x128xi32, #tpu.memory_space<vmem>> -> memref<156x128xi32, #tpu.memory_space<vmem>>
      %dma_wait3A_35 = arith.constant 0 : i32
      %dma_wait3A_36 = tpu.memref_slice %arg4[%run_scoped3A_3, %mul3A_2, %dma_wait3A_35] : memref<2x2500x128xi32, #tpu.memory_space<hbm>> -> memref<1x156x128xi32, #tpu.memory_space<hbm>>
      %dma_wait3A_37 = tpu.memref_squeeze %dma_wait3A_36 : memref<1x156x128xi32, #tpu.memory_space<hbm>> -> memref<156x128xi32, #tpu.memory_space<hbm>>
      %dma_wait3A_38 = arith.constant 0 : i32
      %dma_wait3A_39 = arith.constant 0 : i32
      %dma_wait3A_40 = tpu.memref_slice %arg7[%dma_wait3A_38, %dma_wait3A_39] : memref<157x128xi32, #tpu.memory_space<vmem>> -> memref<156x128xi32, #tpu.memory_space<vmem>>
      %dma_wait3A_41 = arith.constant 0 : i32
      %dma_wait3A_42 = tpu.memref_slice %arg4[%run_scoped3A_3, %mul3A_2, %dma_wait3A_41] : memref<2x2500x128xi32, #tpu.memory_space<hbm>> -> memref<1x156x128xi32, #tpu.memory_space<hbm>>
      %dma_wait3A_43 = tpu.memref_squeeze %dma_wait3A_42 : memref<1x156x128xi32, #tpu.memory_space<hbm>> -> memref<156x128xi32, #tpu.memory_space<hbm>>
      tpu.wait_dma2 semaphore(%run_scoped3A_21 : memref<!tpu.dma_semaphore, #tpu.memory_space<semaphore_mem>>) src(%dma_wait3A_43 : memref<156x128xi32, #tpu.memory_space<hbm>>) dst(%dma_wait3A_40 : memref<156x128xi32, #tpu.memory_space<vmem>>)
      tpu.yield
    }) : () -> ()
    %lt3A = arith.constant 4 : i32
    %lt3A_4 = arith.cmpi slt, %arg1, %lt3A : i32
    %convert_element_type3A = arith.extui %lt3A_4 : i1 to i32
    %cond3A = arith.constant 0 : i32
    %cond3A_5 = arith.cmpi ne, %convert_element_type3A, %cond3A : i32
    scf.if %cond3A_5 {
      %add3A = arith.constant 2496 : i32
      %add3A_21 = arith.addi %add3A, %arg1 : i32
      %run_scoped3A_22 = arith.constant 0 : i32
      %run_scoped3A_23 = arith.constant 156 : i32
      "tpu.region"() ({
        %run_scoped3A_28 = tpu.sem_alloc : memref<!tpu.dma_semaphore, #tpu.memory_space<semaphore_mem>>
        %dma_start3A = arith.constant 0 : i32
        %dma_start3A_29 = tpu.memref_slice %arg6[%run_scoped3A_23, %dma_start3A] : memref<157x128xi32, #tpu.memory_space<vmem>> -> memref<1x128xi32, #tpu.memory_space<vmem>>
        %dma_start3A_30 = tpu.memref_squeeze %dma_start3A_29 : memref<1x128xi32, #tpu.memory_space<vmem>> -> memref<128xi32, #tpu.memory_space<vmem>>
        %dma_start3A_31 = arith.constant 0 : i32
        %dma_start3A_32 = tpu.memref_slice %arg4[%run_scoped3A_22, %add3A_21, %dma_start3A_31] : memref<2x2500x128xi32, #tpu.memory_space<hbm>> -> memref<1x1x128xi32, #tpu.memory_space<hbm>>
        %dma_start3A_33 = tpu.memref_squeeze %dma_start3A_32 : memref<1x1x128xi32, #tpu.memory_space<hbm>> -> memref<128xi32, #tpu.memory_space<hbm>>
        %dma_start3A_34 = arith.constant 0 : i32
        %dma_start3A_35 = tpu.memref_slice %arg6[%run_scoped3A_23, %dma_start3A_34] : memref<157x128xi32, #tpu.memory_space<vmem>> -> memref<1x128xi32, #tpu.memory_space<vmem>>
        %dma_start3A_36 = tpu.memref_squeeze %dma_start3A_35 : memref<1x128xi32, #tpu.memory_space<vmem>> -> memref<128xi32, #tpu.memory_space<vmem>>
        %dma_start3A_37 = arith.constant 0 : i32
        %dma_start3A_38 = tpu.memref_slice %arg4[%run_scoped3A_22, %add3A_21, %dma_start3A_37] : memref<2x2500x128xi32, #tpu.memory_space<hbm>> -> memref<1x1x128xi32, #tpu.memory_space<hbm>>
        %dma_start3A_39 = tpu.memref_squeeze %dma_start3A_38 : memref<1x1x128xi32, #tpu.memory_space<hbm>> -> memref<128xi32, #tpu.memory_space<hbm>>
        tpu.enqueue_dma source(%dma_start3A_39 : memref<128xi32, #tpu.memory_space<hbm>>) target(%dma_start3A_36 : memref<128xi32, #tpu.memory_space<vmem>>) target_semaphore(%run_scoped3A_28 : memref<!tpu.dma_semaphore, #tpu.memory_space<semaphore_mem>>)
        %dma_wait3A = arith.constant 0 : i32
        %dma_wait3A_40 = tpu.memref_slice %arg6[%run_scoped3A_23, %dma_wait3A] : memref<157x128xi32, #tpu.memory_space<vmem>> -> memref<1x128xi32, #tpu.memory_space<vmem>>
        %dma_wait3A_41 = tpu.memref_squeeze %dma_wait3A_40 : memref<1x128xi32, #tpu.memory_space<vmem>> -> memref<128xi32, #tpu.memory_space<vmem>>
        %dma_wait3A_42 = arith.constant 0 : i32
        %dma_wait3A_43 = tpu.memref_slice %arg4[%run_scoped3A_22, %add3A_21, %dma_wait3A_42] : memref<2x2500x128xi32, #tpu.memory_space<hbm>> -> memref<1x1x128xi32, #tpu.memory_space<hbm>>
        %dma_wait3A_44 = tpu.memref_squeeze %dma_wait3A_43 : memref<1x1x128xi32, #tpu.memory_space<hbm>> -> memref<128xi32, #tpu.memory_space<hbm>>
        %dma_wait3A_45 = arith.constant 0 : i32
        %dma_wait3A_46 = tpu.memref_slice %arg6[%run_scoped3A_23, %dma_wait3A_45] : memref<157x128xi32, #tpu.memory_space<vmem>> -> memref<1x128xi32, #tpu.memory_space<vmem>>
        %dma_wait3A_47 = tpu.memref_squeeze %dma_wait3A_46 : memref<1x128xi32, #tpu.memory_space<vmem>> -> memref<128xi32, #tpu.memory_space<vmem>>
        %dma_wait3A_48 = arith.constant 0 : i32
        %dma_wait3A_49 = tpu.memref_slice %arg4[%run_scoped3A_22, %add3A_21, %dma_wait3A_48] : memref<2x2500x128xi32, #tpu.memory_space<hbm>> -> memref<1x1x128xi32, #tpu.memory_space<hbm>>
        %dma_wait3A_50 = tpu.memref_squeeze %dma_wait3A_49 : memref<1x1x128xi32, #tpu.memory_space<hbm>> -> memref<128xi32, #tpu.memory_space<hbm>>
        tpu.wait_dma2 semaphore(%run_scoped3A_28 : memref<!tpu.dma_semaphore, #tpu.memory_space<semaphore_mem>>) src(%dma_wait3A_50 : memref<128xi32, #tpu.memory_space<hbm>>) dst(%dma_wait3A_47 : memref<128xi32, #tpu.memory_space<vmem>>)
        tpu.yield
      }) : () -> ()
      %add3A_24 = arith.constant 2496 : i32
      %add3A_25 = arith.addi %add3A_24, %arg1 : i32
      %run_scoped3A_26 = arith.constant 1 : i32
      %run_scoped3A_27 = arith.constant 156 : i32
      "tpu.region"() ({
        %run_scoped3A_28 = tpu.sem_alloc : memref<!tpu.dma_semaphore, #tpu.memory_space<semaphore_mem>>
        %dma_start3A = arith.constant 0 : i32
        %dma_start3A_29 = tpu.memref_slice %arg7[%run_scoped3A_27, %dma_start3A] : memref<157x128xi32, #tpu.memory_space<vmem>> -> memref<1x128xi32, #tpu.memory_space<vmem>>
        %dma_start3A_30 = tpu.memref_squeeze %dma_start3A_29 : memref<1x128xi32, #tpu.memory_space<vmem>> -> memref<128xi32, #tpu.memory_space<vmem>>
        %dma_start3A_31 = arith.constant 0 : i32
        %dma_start3A_32 = tpu.memref_slice %arg4[%run_scoped3A_26, %add3A_25, %dma_start3A_31] : memref<2x2500x128xi32, #tpu.memory_space<hbm>> -> memref<1x1x128xi32, #tpu.memory_space<hbm>>
        %dma_start3A_33 = tpu.memref_squeeze %dma_start3A_32 : memref<1x1x128xi32, #tpu.memory_space<hbm>> -> memref<128xi32, #tpu.memory_space<hbm>>
        %dma_start3A_34 = arith.constant 0 : i32
        %dma_start3A_35 = tpu.memref_slice %arg7[%run_scoped3A_27, %dma_start3A_34] : memref<157x128xi32, #tpu.memory_space<vmem>> -> memref<1x128xi32, #tpu.memory_space<vmem>>
        %dma_start3A_36 = tpu.memref_squeeze %dma_start3A_35 : memref<1x128xi32, #tpu.memory_space<vmem>> -> memref<128xi32, #tpu.memory_space<vmem>>
        %dma_start3A_37 = arith.constant 0 : i32
        %dma_start3A_38 = tpu.memref_slice %arg4[%run_scoped3A_26, %add3A_25, %dma_start3A_37] : memref<2x2500x128xi32, #tpu.memory_space<hbm>> -> memref<1x1x128xi32, #tpu.memory_space<hbm>>
        %dma_start3A_39 = tpu.memref_squeeze %dma_start3A_38 : memref<1x1x128xi32, #tpu.memory_space<hbm>> -> memref<128xi32, #tpu.memory_space<hbm>>
        tpu.enqueue_dma source(%dma_start3A_39 : memref<128xi32, #tpu.memory_space<hbm>>) target(%dma_start3A_36 : memref<128xi32, #tpu.memory_space<vmem>>) target_semaphore(%run_scoped3A_28 : memref<!tpu.dma_semaphore, #tpu.memory_space<semaphore_mem>>)
        %dma_wait3A = arith.constant 0 : i32
        %dma_wait3A_40 = tpu.memref_slice %arg7[%run_scoped3A_27, %dma_wait3A] : memref<157x128xi32, #tpu.memory_space<vmem>> -> memref<1x128xi32, #tpu.memory_space<vmem>>
        %dma_wait3A_41 = tpu.memref_squeeze %dma_wait3A_40 : memref<1x128xi32, #tpu.memory_space<vmem>> -> memref<128xi32, #tpu.memory_space<vmem>>
        %dma_wait3A_42 = arith.constant 0 : i32
        %dma_wait3A_43 = tpu.memref_slice %arg4[%run_scoped3A_26, %add3A_25, %dma_wait3A_42] : memref<2x2500x128xi32, #tpu.memory_space<hbm>> -> memref<1x1x128xi32, #tpu.memory_space<hbm>>
        %dma_wait3A_44 = tpu.memref_squeeze %dma_wait3A_43 : memref<1x1x128xi32, #tpu.memory_space<hbm>> -> memref<128xi32, #tpu.memory_space<hbm>>
        %dma_wait3A_45 = arith.constant 0 : i32
        %dma_wait3A_46 = tpu.memref_slice %arg7[%run_scoped3A_27, %dma_wait3A_45] : memref<157x128xi32, #tpu.memory_space<vmem>> -> memref<1x128xi32, #tpu.memory_space<vmem>>
        %dma_wait3A_47 = tpu.memref_squeeze %dma_wait3A_46 : memref<1x128xi32, #tpu.memory_space<vmem>> -> memref<128xi32, #tpu.memory_space<vmem>>
        %dma_wait3A_48 = arith.constant 0 : i32
        %dma_wait3A_49 = tpu.memref_slice %arg4[%run_scoped3A_26, %add3A_25, %dma_wait3A_48] : memref<2x2500x128xi32, #tpu.memory_space<hbm>> -> memref<1x1x128xi32, #tpu.memory_space<hbm>>
        %dma_wait3A_50 = tpu.memref_squeeze %dma_wait3A_49 : memref<1x1x128xi32, #tpu.memory_space<hbm>> -> memref<128xi32, #tpu.memory_space<hbm>>
        tpu.wait_dma2 semaphore(%run_scoped3A_28 : memref<!tpu.dma_semaphore, #tpu.memory_space<semaphore_mem>>) src(%dma_wait3A_50 : memref<128xi32, #tpu.memory_space<hbm>>) dst(%dma_wait3A_47 : memref<128xi32, #tpu.memory_space<vmem>>)
        tpu.yield
      }) : () -> ()
    } else {
    }
    %eq3A = arith.constant 0 : i32
    %eq3A_6 = arith.cmpi eq, %arg0, %eq3A : i32
    %convert_element_type3A_7 = arith.extui %eq3A_6 : i1 to i32
    %cond3A_8 = arith.constant 0 : i32
    %cond3A_9 = arith.cmpi ne, %convert_element_type3A_7, %cond3A_8 : i32
    scf.if %cond3A_9 {
      %mul3A_21 = arith.constant 640 : i32
      %mul3A_22 = arith.muli %arg1, %mul3A_21 : i32
      %mul3A_23 = arith.constant 640 : i32
      %mul3A_24 = arith.muli %arg1, %mul3A_23 : i32
      "tpu.region"() ({
        %run_scoped3A_62 = tpu.sem_alloc : memref<!tpu.dma_semaphore, #tpu.memory_space<semaphore_mem>>
        %dma_start3A_63 = arith.constant 0 : i32
        %dma_start3A_64 = tpu.memref_slice %arg16[%mul3A_24, %dma_start3A_63] : memref<10240x64xf32, #tpu.memory_space<vmem_shared>> -> memref<640x64xf32, #tpu.memory_space<vmem_shared>>
        %dma_start3A_65 = arith.constant 0 : i32
        %dma_start3A_66 = tpu.memref_slice %arg2[%mul3A_22, %dma_start3A_65] : memref<10240x64xf32, #tpu.memory_space<hbm>> -> memref<640x64xf32, #tpu.memory_space<hbm>>
        tpu.enqueue_dma source(%dma_start3A_66 : memref<640x64xf32, #tpu.memory_space<hbm>>) target(%dma_start3A_64 : memref<640x64xf32, #tpu.memory_space<vmem_shared>>) target_semaphore(%run_scoped3A_62 : memref<!tpu.dma_semaphore, #tpu.memory_space<semaphore_mem>>)
        %dma_wait3A = arith.constant 0 : i32
        %dma_wait3A_67 = tpu.memref_slice %arg16[%mul3A_24, %dma_wait3A] : memref<10240x64xf32, #tpu.memory_space<vmem_shared>> -> memref<640x64xf32, #tpu.memory_space<vmem_shared>>
        %dma_wait3A_68 = arith.constant 0 : i32
        %dma_wait3A_69 = tpu.memref_slice %arg2[%mul3A_22, %dma_wait3A_68] : memref<10240x64xf32, #tpu.memory_space<hbm>> -> memref<640x64xf32, #tpu.memory_space<hbm>>
        tpu.wait_dma2 semaphore(%run_scoped3A_62 : memref<!tpu.dma_semaphore, #tpu.memory_space<semaphore_mem>>) src(%dma_wait3A_69 : memref<640x64xf32, #tpu.memory_space<hbm>>) dst(%dma_wait3A_67 : memref<640x64xf32, #tpu.memory_space<vmem_shared>>)
        tpu.yield
      }) : () -> ()
      %barrier3A_25 = arith.constant 0 : index
      tpu.barrier barrier_id(%barrier3A_25)
      %dma_start3A = arith.constant 0 : i32
      %dma_start3A_26 = arith.constant 0 : i32
      %dma_start3A_27 = tpu.memref_slice %arg6[%dma_start3A, %dma_start3A_26] : memref<157x128xi32, #tpu.memory_space<vmem>> -> memref<1x128xi32, #tpu.memory_space<vmem>>
      %dma_start3A_28 = tpu.memref_squeeze %dma_start3A_27 : memref<1x128xi32, #tpu.memory_space<vmem>> -> memref<128xi32, #tpu.memory_space<vmem>>
      %dma_start3A_29 = arith.constant 0 : i32
      %dma_start3A_30 = arith.constant 0 : i32
      %dma_start3A_31 = tpu.memref_slice %arg2[%dma_start3A_29, %dma_start3A_30] : memref<10240x64xf32, #tpu.memory_space<hbm>> -> memref<10240x64xf32, #tpu.memory_space<hbm>>
      tpu.enqueue_indirect_dma source(%dma_start3A_31 : memref<10240x64xf32, #tpu.memory_space<hbm>>) target(%arg8 : memref<128x64xf32, #tpu.memory_space<vmem>>) offsets(%dma_start3A_28 : memref<128xi32, #tpu.memory_space<vmem>>) semaphore(%arg12 : memref<!tpu.dma_semaphore, #tpu.memory_space<semaphore_mem>>)
      %dma_start3A_32 = arith.constant 1 : i32
      %dma_start3A_33 = arith.constant 0 : i32
      %dma_start3A_34 = tpu.memref_slice %arg6[%dma_start3A_32, %dma_start3A_33] : memref<157x128xi32, #tpu.memory_space<vmem>> -> memref<1x128xi32, #tpu.memory_space<vmem>>
      %dma_start3A_35 = tpu.memref_squeeze %dma_start3A_34 : memref<1x128xi32, #tpu.memory_space<vmem>> -> memref<128xi32, #tpu.memory_space<vmem>>
      %dma_start3A_36 = arith.constant 0 : i32
      %dma_start3A_37 = arith.constant 0 : i32
      %dma_start3A_38 = tpu.memref_slice %arg2[%dma_start3A_36, %dma_start3A_37] : memref<10240x64xf32, #tpu.memory_space<hbm>> -> memref<10240x64xf32, #tpu.memory_space<hbm>>
      tpu.enqueue_indirect_dma source(%dma_start3A_38 : memref<10240x64xf32, #tpu.memory_space<hbm>>) target(%arg9 : memref<128x64xf32, #tpu.memory_space<vmem>>) offsets(%dma_start3A_35 : memref<128xi32, #tpu.memory_space<vmem>>) semaphore(%arg13 : memref<!tpu.dma_semaphore, #tpu.memory_space<semaphore_mem>>)
      %dma_start3A_39 = arith.constant 2 : i32
      %dma_start3A_40 = arith.constant 0 : i32
      %dma_start3A_41 = tpu.memref_slice %arg6[%dma_start3A_39, %dma_start3A_40] : memref<157x128xi32, #tpu.memory_space<vmem>> -> memref<1x128xi32, #tpu.memory_space<vmem>>
      %dma_start3A_42 = tpu.memref_squeeze %dma_start3A_41 : memref<1x128xi32, #tpu.memory_space<vmem>> -> memref<128xi32, #tpu.memory_space<vmem>>
      %dma_start3A_43 = arith.constant 0 : i32
      %dma_start3A_44 = arith.constant 0 : i32
      %dma_start3A_45 = tpu.memref_slice %arg2[%dma_start3A_43, %dma_start3A_44] : memref<10240x64xf32, #tpu.memory_space<hbm>> -> memref<10240x64xf32, #tpu.memory_space<hbm>>
      tpu.enqueue_indirect_dma source(%dma_start3A_45 : memref<10240x64xf32, #tpu.memory_space<hbm>>) target(%arg10 : memref<128x64xf32, #tpu.memory_space<vmem>>) offsets(%dma_start3A_42 : memref<128xi32, #tpu.memory_space<vmem>>) semaphore(%arg14 : memref<!tpu.dma_semaphore, #tpu.memory_space<semaphore_mem>>)
      %dma_start3A_46 = arith.constant 3 : i32
      %dma_start3A_47 = arith.constant 0 : i32
      %dma_start3A_48 = tpu.memref_slice %arg6[%dma_start3A_46, %dma_start3A_47] : memref<157x128xi32, #tpu.memory_space<vmem>> -> memref<1x128xi32, #tpu.memory_space<vmem>>
      %dma_start3A_49 = tpu.memref_squeeze %dma_start3A_48 : memref<1x128xi32, #tpu.memory_space<vmem>> -> memref<128xi32, #tpu.memory_space<vmem>>
      %dma_start3A_50 = arith.constant 0 : i32
      %dma_start3A_51 = arith.constant 0 : i32
      %dma_start3A_52 = tpu.memref_slice %arg2[%dma_start3A_50, %dma_start3A_51] : memref<10240x64xf32, #tpu.memory_space<hbm>> -> memref<10240x64xf32, #tpu.memory_space<hbm>>
      tpu.enqueue_indirect_dma source(%dma_start3A_52 : memref<10240x64xf32, #tpu.memory_space<hbm>>) target(%arg11 : memref<128x64xf32, #tpu.memory_space<vmem>>) offsets(%dma_start3A_49 : memref<128xi32, #tpu.memory_space<vmem>>) semaphore(%arg15 : memref<!tpu.dma_semaphore, #tpu.memory_space<semaphore_mem>>)
      %scan3A = arith.constant 0 : i32
      %scan3A_53 = arith.constant 39 : i32
      %scan3A_54 = arith.addi %scan3A, %scan3A_53 : i32
      %scan3A_55 = arith.constant 1 : i32
      scf.for %scan3A_62 = %scan3A to %scan3A_54 step %scan3A_55  : i32 {
        %mul3A_63 = arith.constant 4 : i32
        %mul3A_64 = arith.muli %scan3A_62, %mul3A_63 : i32
        %add3A = arith.constant 0 : i32
        %add3A_65 = arith.addi %add3A, %mul3A_64 : i32
        %add3A_66 = arith.constant 0 : i32
        %add3A_67 = arith.addi %add3A_65, %add3A_66 : i32
        %dma_wait3A = arith.constant 0 : i32
        %dma_wait3A_68 = tpu.memref_slice %arg6[%add3A_67, %dma_wait3A] : memref<157x128xi32, #tpu.memory_space<vmem>> -> memref<1x128xi32, #tpu.memory_space<vmem>>
        %dma_wait3A_69 = tpu.memref_squeeze %dma_wait3A_68 : memref<1x128xi32, #tpu.memory_space<vmem>> -> memref<128xi32, #tpu.memory_space<vmem>>
        %dma_wait3A_70 = arith.constant 0 : i32
        %dma_wait3A_71 = arith.constant 0 : i32
        %dma_wait3A_72 = tpu.memref_slice %arg2[%dma_wait3A_70, %dma_wait3A_71] : memref<10240x64xf32, #tpu.memory_space<hbm>> -> memref<10240x64xf32, #tpu.memory_space<hbm>>
        tpu.wait_indirect_dma semaphore(%arg12 : memref<!tpu.dma_semaphore, #tpu.memory_space<semaphore_mem>>) src(%dma_wait3A_72 : memref<10240x64xf32, #tpu.memory_space<hbm>>) dst(%arg8 : memref<128x64xf32, #tpu.memory_space<vmem>>)
        "tpu.region"() ({
          %run_scoped3A_125 = tpu.sem_alloc : memref<!tpu.dma_semaphore, #tpu.memory_space<semaphore_mem>>
          %dma_start3A_126 = arith.constant 0 : i32
          %dma_start3A_127 = tpu.memref_slice %arg7[%add3A_67, %dma_start3A_126] : memref<157x128xi32, #tpu.memory_space<vmem>> -> memref<1x128xi32, #tpu.memory_space<vmem>>
          %dma_start3A_128 = tpu.memref_squeeze %dma_start3A_127 : memref<1x128xi32, #tpu.memory_space<vmem>> -> memref<128xi32, #tpu.memory_space<vmem>>
          %dma_start3A_129 = arith.constant 0 : i32
          %dma_start3A_130 = arith.constant 0 : i32
          %dma_start3A_131 = tpu.memref_slice %arg16[%dma_start3A_129, %dma_start3A_130] : memref<10240x64xf32, #tpu.memory_space<vmem_shared>> -> memref<10240x64xf32, #tpu.memory_space<vmem_shared>>
          tpu.enqueue_indirect_dma source(%arg8 : memref<128x64xf32, #tpu.memory_space<vmem>>) target(%dma_start3A_131 : memref<10240x64xf32, #tpu.memory_space<vmem_shared>>) offsets(%dma_start3A_128 : memref<128xi32, #tpu.memory_space<vmem>>) semaphore(%run_scoped3A_125 : memref<!tpu.dma_semaphore, #tpu.memory_space<semaphore_mem>>) {add = true}
          %dma_wait3A_132 = arith.constant 0 : i32
          %dma_wait3A_133 = tpu.memref_slice %arg7[%add3A_67, %dma_wait3A_132] : memref<157x128xi32, #tpu.memory_space<vmem>> -> memref<1x128xi32, #tpu.memory_space<vmem>>
          %dma_wait3A_134 = tpu.memref_squeeze %dma_wait3A_133 : memref<1x128xi32, #tpu.memory_space<vmem>> -> memref<128xi32, #tpu.memory_space<vmem>>
          %dma_wait3A_135 = arith.constant 0 : i32
          %dma_wait3A_136 = arith.constant 0 : i32
          %dma_wait3A_137 = tpu.memref_slice %arg16[%dma_wait3A_135, %dma_wait3A_136] : memref<10240x64xf32, #tpu.memory_space<vmem_shared>> -> memref<10240x64xf32, #tpu.memory_space<vmem_shared>>
          tpu.wait_indirect_dma semaphore(%run_scoped3A_125 : memref<!tpu.dma_semaphore, #tpu.memory_space<semaphore_mem>>) src(%arg8 : memref<128x64xf32, #tpu.memory_space<vmem>>) dst(%dma_wait3A_137 : memref<10240x64xf32, #tpu.memory_space<vmem_shared>>)
          tpu.yield
        }) : () -> ()
        %add3A_73 = arith.constant 4 : i32
        %add3A_74 = arith.addi %add3A_67, %add3A_73 : i32
        %lt3A_75 = arith.constant 156 : i32
        %lt3A_76 = arith.cmpi slt, %add3A_74, %lt3A_75 : i32
        %convert_element_type3A_77 = arith.extui %lt3A_76 : i1 to i32
        %cond3A_78 = arith.constant 0 : i32
        %cond3A_79 = arith.cmpi ne, %convert_element_type3A_77, %cond3A_78 : i32
        scf.if %cond3A_79 {
          %add3A_125 = arith.constant 4 : i32
          %add3A_126 = arith.addi %add3A_67, %add3A_125 : i32
          %dma_start3A_127 = arith.constant 0 : i32
          %dma_start3A_128 = tpu.memref_slice %arg6[%add3A_126, %dma_start3A_127] : memref<157x128xi32, #tpu.memory_space<vmem>> -> memref<1x128xi32, #tpu.memory_space<vmem>>
          %dma_start3A_129 = tpu.memref_squeeze %dma_start3A_128 : memref<1x128xi32, #tpu.memory_space<vmem>> -> memref<128xi32, #tpu.memory_space<vmem>>
          %dma_start3A_130 = arith.constant 0 : i32
          %dma_start3A_131 = arith.constant 0 : i32
          %dma_start3A_132 = tpu.memref_slice %arg2[%dma_start3A_130, %dma_start3A_131] : memref<10240x64xf32, #tpu.memory_space<hbm>> -> memref<10240x64xf32, #tpu.memory_space<hbm>>
          tpu.enqueue_indirect_dma source(%dma_start3A_132 : memref<10240x64xf32, #tpu.memory_space<hbm>>) target(%arg8 : memref<128x64xf32, #tpu.memory_space<vmem>>) offsets(%dma_start3A_129 : memref<128xi32, #tpu.memory_space<vmem>>) semaphore(%arg12 : memref<!tpu.dma_semaphore, #tpu.memory_space<semaphore_mem>>)
        } else {
        }
        %add3A_80 = arith.constant 1 : i32
        %add3A_81 = arith.addi %add3A_65, %add3A_80 : i32
        %dma_wait3A_82 = arith.constant 0 : i32
        %dma_wait3A_83 = tpu.memref_slice %arg6[%add3A_81, %dma_wait3A_82] : memref<157x128xi32, #tpu.memory_space<vmem>> -> memref<1x128xi32, #tpu.memory_space<vmem>>
        %dma_wait3A_84 = tpu.memref_squeeze %dma_wait3A_83 : memref<1x128xi32, #tpu.memory_space<vmem>> -> memref<128xi32, #tpu.memory_space<vmem>>
        %dma_wait3A_85 = arith.constant 0 : i32
        %dma_wait3A_86 = arith.constant 0 : i32
        %dma_wait3A_87 = tpu.memref_slice %arg2[%dma_wait3A_85, %dma_wait3A_86] : memref<10240x64xf32, #tpu.memory_space<hbm>> -> memref<10240x64xf32, #tpu.memory_space<hbm>>
        tpu.wait_indirect_dma semaphore(%arg13 : memref<!tpu.dma_semaphore, #tpu.memory_space<semaphore_mem>>) src(%dma_wait3A_87 : memref<10240x64xf32, #tpu.memory_space<hbm>>) dst(%arg9 : memref<128x64xf32, #tpu.memory_space<vmem>>)
        "tpu.region"() ({
          %run_scoped3A_125 = tpu.sem_alloc : memref<!tpu.dma_semaphore, #tpu.memory_space<semaphore_mem>>
          %dma_start3A_126 = arith.constant 0 : i32
          %dma_start3A_127 = tpu.memref_slice %arg7[%add3A_81, %dma_start3A_126] : memref<157x128xi32, #tpu.memory_space<vmem>> -> memref<1x128xi32, #tpu.memory_space<vmem>>
          %dma_start3A_128 = tpu.memref_squeeze %dma_start3A_127 : memref<1x128xi32, #tpu.memory_space<vmem>> -> memref<128xi32, #tpu.memory_space<vmem>>
          %dma_start3A_129 = arith.constant 0 : i32
          %dma_start3A_130 = arith.constant 0 : i32
          %dma_start3A_131 = tpu.memref_slice %arg16[%dma_start3A_129, %dma_start3A_130] : memref<10240x64xf32, #tpu.memory_space<vmem_shared>> -> memref<10240x64xf32, #tpu.memory_space<vmem_shared>>
          tpu.enqueue_indirect_dma source(%arg9 : memref<128x64xf32, #tpu.memory_space<vmem>>) target(%dma_start3A_131 : memref<10240x64xf32, #tpu.memory_space<vmem_shared>>) offsets(%dma_start3A_128 : memref<128xi32, #tpu.memory_space<vmem>>) semaphore(%run_scoped3A_125 : memref<!tpu.dma_semaphore, #tpu.memory_space<semaphore_mem>>) {add = true}
          %dma_wait3A_132 = arith.constant 0 : i32
          %dma_wait3A_133 = tpu.memref_slice %arg7[%add3A_81, %dma_wait3A_132] : memref<157x128xi32, #tpu.memory_space<vmem>> -> memref<1x128xi32, #tpu.memory_space<vmem>>
          %dma_wait3A_134 = tpu.memref_squeeze %dma_wait3A_133 : memref<1x128xi32, #tpu.memory_space<vmem>> -> memref<128xi32, #tpu.memory_space<vmem>>
          %dma_wait3A_135 = arith.constant 0 : i32
          %dma_wait3A_136 = arith.constant 0 : i32
          %dma_wait3A_137 = tpu.memref_slice %arg16[%dma_wait3A_135, %dma_wait3A_136] : memref<10240x64xf32, #tpu.memory_space<vmem_shared>> -> memref<10240x64xf32, #tpu.memory_space<vmem_shared>>
          tpu.wait_indirect_dma semaphore(%run_scoped3A_125 : memref<!tpu.dma_semaphore, #tpu.memory_space<semaphore_mem>>) src(%arg9 : memref<128x64xf32, #tpu.memory_space<vmem>>) dst(%dma_wait3A_137 : memref<10240x64xf32, #tpu.memory_space<vmem_shared>>)
          tpu.yield
        }) : () -> ()
        %add3A_88 = arith.constant 4 : i32
        %add3A_89 = arith.addi %add3A_81, %add3A_88 : i32
        %lt3A_90 = arith.constant 156 : i32
        %lt3A_91 = arith.cmpi slt, %add3A_89, %lt3A_90 : i32
        %convert_element_type3A_92 = arith.extui %lt3A_91 : i1 to i32
        %cond3A_93 = arith.constant 0 : i32
        %cond3A_94 = arith.cmpi ne, %convert_element_type3A_92, %cond3A_93 : i32
        scf.if %cond3A_94 {
          %add3A_125 = arith.constant 4 : i32
          %add3A_126 = arith.addi %add3A_81, %add3A_125 : i32
          %dma_start3A_127 = arith.constant 0 : i32
          %dma_start3A_128 = tpu.memref_slice %arg6[%add3A_126, %dma_start3A_127] : memref<157x128xi32, #tpu.memory_space<vmem>> -> memref<1x128xi32, #tpu.memory_space<vmem>>
          %dma_start3A_129 = tpu.memref_squeeze %dma_start3A_128 : memref<1x128xi32, #tpu.memory_space<vmem>> -> memref<128xi32, #tpu.memory_space<vmem>>
          %dma_start3A_130 = arith.constant 0 : i32
          %dma_start3A_131 = arith.constant 0 : i32
          %dma_start3A_132 = tpu.memref_slice %arg2[%dma_start3A_130, %dma_start3A_131] : memref<10240x64xf32, #tpu.memory_space<hbm>> -> memref<10240x64xf32, #tpu.memory_space<hbm>>
          tpu.enqueue_indirect_dma source(%dma_start3A_132 : memref<10240x64xf32, #tpu.memory_space<hbm>>) target(%arg9 : memref<128x64xf32, #tpu.memory_space<vmem>>) offsets(%dma_start3A_129 : memref<128xi32, #tpu.memory_space<vmem>>) semaphore(%arg13 : memref<!tpu.dma_semaphore, #tpu.memory_space<semaphore_mem>>)
        } else {
        }
        %add3A_95 = arith.constant 2 : i32
        %add3A_96 = arith.addi %add3A_65, %add3A_95 : i32
        %dma_wait3A_97 = arith.constant 0 : i32
        %dma_wait3A_98 = tpu.memref_slice %arg6[%add3A_96, %dma_wait3A_97] : memref<157x128xi32, #tpu.memory_space<vmem>> -> memref<1x128xi32, #tpu.memory_space<vmem>>
        %dma_wait3A_99 = tpu.memref_squeeze %dma_wait3A_98 : memref<1x128xi32, #tpu.memory_space<vmem>> -> memref<128xi32, #tpu.memory_space<vmem>>
        %dma_wait3A_100 = arith.constant 0 : i32
        %dma_wait3A_101 = arith.constant 0 : i32
        %dma_wait3A_102 = tpu.memref_slice %arg2[%dma_wait3A_100, %dma_wait3A_101] : memref<10240x64xf32, #tpu.memory_space<hbm>> -> memref<10240x64xf32, #tpu.memory_space<hbm>>
        tpu.wait_indirect_dma semaphore(%arg14 : memref<!tpu.dma_semaphore, #tpu.memory_space<semaphore_mem>>) src(%dma_wait3A_102 : memref<10240x64xf32, #tpu.memory_space<hbm>>) dst(%arg10 : memref<128x64xf32, #tpu.memory_space<vmem>>)
        "tpu.region"() ({
          %run_scoped3A_125 = tpu.sem_alloc : memref<!tpu.dma_semaphore, #tpu.memory_space<semaphore_mem>>
          %dma_start3A_126 = arith.constant 0 : i32
          %dma_start3A_127 = tpu.memref_slice %arg7[%add3A_96, %dma_start3A_126] : memref<157x128xi32, #tpu.memory_space<vmem>> -> memref<1x128xi32, #tpu.memory_space<vmem>>
          %dma_start3A_128 = tpu.memref_squeeze %dma_start3A_127 : memref<1x128xi32, #tpu.memory_space<vmem>> -> memref<128xi32, #tpu.memory_space<vmem>>
          %dma_start3A_129 = arith.constant 0 : i32
          %dma_start3A_130 = arith.constant 0 : i32
          %dma_start3A_131 = tpu.memref_slice %arg16[%dma_start3A_129, %dma_start3A_130] : memref<10240x64xf32, #tpu.memory_space<vmem_shared>> -> memref<10240x64xf32, #tpu.memory_space<vmem_shared>>
          tpu.enqueue_indirect_dma source(%arg10 : memref<128x64xf32, #tpu.memory_space<vmem>>) target(%dma_start3A_131 : memref<10240x64xf32, #tpu.memory_space<vmem_shared>>) offsets(%dma_start3A_128 : memref<128xi32, #tpu.memory_space<vmem>>) semaphore(%run_scoped3A_125 : memref<!tpu.dma_semaphore, #tpu.memory_space<semaphore_mem>>) {add = true}
          %dma_wait3A_132 = arith.constant 0 : i32
          %dma_wait3A_133 = tpu.memref_slice %arg7[%add3A_96, %dma_wait3A_132] : memref<157x128xi32, #tpu.memory_space<vmem>> -> memref<1x128xi32, #tpu.memory_space<vmem>>
          %dma_wait3A_134 = tpu.memref_squeeze %dma_wait3A_133 : memref<1x128xi32, #tpu.memory_space<vmem>> -> memref<128xi32, #tpu.memory_space<vmem>>
          %dma_wait3A_135 = arith.constant 0 : i32
          %dma_wait3A_136 = arith.constant 0 : i32
          %dma_wait3A_137 = tpu.memref_slice %arg16[%dma_wait3A_135, %dma_wait3A_136] : memref<10240x64xf32, #tpu.memory_space<vmem_shared>> -> memref<10240x64xf32, #tpu.memory_space<vmem_shared>>
          tpu.wait_indirect_dma semaphore(%run_scoped3A_125 : memref<!tpu.dma_semaphore, #tpu.memory_space<semaphore_mem>>) src(%arg10 : memref<128x64xf32, #tpu.memory_space<vmem>>) dst(%dma_wait3A_137 : memref<10240x64xf32, #tpu.memory_space<vmem_shared>>)
          tpu.yield
        }) : () -> ()
        %add3A_103 = arith.constant 4 : i32
        %add3A_104 = arith.addi %add3A_96, %add3A_103 : i32
        %lt3A_105 = arith.constant 156 : i32
        %lt3A_106 = arith.cmpi slt, %add3A_104, %lt3A_105 : i32
        %convert_element_type3A_107 = arith.extui %lt3A_106 : i1 to i32
        %cond3A_108 = arith.constant 0 : i32
        %cond3A_109 = arith.cmpi ne, %convert_element_type3A_107, %cond3A_108 : i32
        scf.if %cond3A_109 {
          %add3A_125 = arith.constant 4 : i32
          %add3A_126 = arith.addi %add3A_96, %add3A_125 : i32
          %dma_start3A_127 = arith.constant 0 : i32
          %dma_start3A_128 = tpu.memref_slice %arg6[%add3A_126, %dma_start3A_127] : memref<157x128xi32, #tpu.memory_space<vmem>> -> memref<1x128xi32, #tpu.memory_space<vmem>>
          %dma_start3A_129 = tpu.memref_squeeze %dma_start3A_128 : memref<1x128xi32, #tpu.memory_space<vmem>> -> memref<128xi32, #tpu.memory_space<vmem>>
          %dma_start3A_130 = arith.constant 0 : i32
          %dma_start3A_131 = arith.constant 0 : i32
          %dma_start3A_132 = tpu.memref_slice %arg2[%dma_start3A_130, %dma_start3A_131] : memref<10240x64xf32, #tpu.memory_space<hbm>> -> memref<10240x64xf32, #tpu.memory_space<hbm>>
          tpu.enqueue_indirect_dma source(%dma_start3A_132 : memref<10240x64xf32, #tpu.memory_space<hbm>>) target(%arg10 : memref<128x64xf32, #tpu.memory_space<vmem>>) offsets(%dma_start3A_129 : memref<128xi32, #tpu.memory_space<vmem>>) semaphore(%arg14 : memref<!tpu.dma_semaphore, #tpu.memory_space<semaphore_mem>>)
        } else {
        }
        %add3A_110 = arith.constant 3 : i32
        %add3A_111 = arith.addi %add3A_65, %add3A_110 : i32
        %dma_wait3A_112 = arith.constant 0 : i32
        %dma_wait3A_113 = tpu.memref_slice %arg6[%add3A_111, %dma_wait3A_112] : memref<157x128xi32, #tpu.memory_space<vmem>> -> memref<1x128xi32, #tpu.memory_space<vmem>>
        %dma_wait3A_114 = tpu.memref_squeeze %dma_wait3A_113 : memref<1x128xi32, #tpu.memory_space<vmem>> -> memref<128xi32, #tpu.memory_space<vmem>>
        %dma_wait3A_115 = arith.constant 0 : i32
        %dma_wait3A_116 = arith.constant 0 : i32
        %dma_wait3A_117 = tpu.memref_slice %arg2[%dma_wait3A_115, %dma_wait3A_116] : memref<10240x64xf32, #tpu.memory_space<hbm>> -> memref<10240x64xf32, #tpu.memory_space<hbm>>
        tpu.wait_indirect_dma semaphore(%arg15 : memref<!tpu.dma_semaphore, #tpu.memory_space<semaphore_mem>>) src(%dma_wait3A_117 : memref<10240x64xf32, #tpu.memory_space<hbm>>) dst(%arg11 : memref<128x64xf32, #tpu.memory_space<vmem>>)
        "tpu.region"() ({
          %run_scoped3A_125 = tpu.sem_alloc : memref<!tpu.dma_semaphore, #tpu.memory_space<semaphore_mem>>
          %dma_start3A_126 = arith.constant 0 : i32
          %dma_start3A_127 = tpu.memref_slice %arg7[%add3A_111, %dma_start3A_126] : memref<157x128xi32, #tpu.memory_space<vmem>> -> memref<1x128xi32, #tpu.memory_space<vmem>>
          %dma_start3A_128 = tpu.memref_squeeze %dma_start3A_127 : memref<1x128xi32, #tpu.memory_space<vmem>> -> memref<128xi32, #tpu.memory_space<vmem>>
          %dma_start3A_129 = arith.constant 0 : i32
          %dma_start3A_130 = arith.constant 0 : i32
          %dma_start3A_131 = tpu.memref_slice %arg16[%dma_start3A_129, %dma_start3A_130] : memref<10240x64xf32, #tpu.memory_space<vmem_shared>> -> memref<10240x64xf32, #tpu.memory_space<vmem_shared>>
          tpu.enqueue_indirect_dma source(%arg11 : memref<128x64xf32, #tpu.memory_space<vmem>>) target(%dma_start3A_131 : memref<10240x64xf32, #tpu.memory_space<vmem_shared>>) offsets(%dma_start3A_128 : memref<128xi32, #tpu.memory_space<vmem>>) semaphore(%run_scoped3A_125 : memref<!tpu.dma_semaphore, #tpu.memory_space<semaphore_mem>>) {add = true}
          %dma_wait3A_132 = arith.constant 0 : i32
          %dma_wait3A_133 = tpu.memref_slice %arg7[%add3A_111, %dma_wait3A_132] : memref<157x128xi32, #tpu.memory_space<vmem>> -> memref<1x128xi32, #tpu.memory_space<vmem>>
          %dma_wait3A_134 = tpu.memref_squeeze %dma_wait3A_133 : memref<1x128xi32, #tpu.memory_space<vmem>> -> memref<128xi32, #tpu.memory_space<vmem>>
          %dma_wait3A_135 = arith.constant 0 : i32
          %dma_wait3A_136 = arith.constant 0 : i32
          %dma_wait3A_137 = tpu.memref_slice %arg16[%dma_wait3A_135, %dma_wait3A_136] : memref<10240x64xf32, #tpu.memory_space<vmem_shared>> -> memref<10240x64xf32, #tpu.memory_space<vmem_shared>>
          tpu.wait_indirect_dma semaphore(%run_scoped3A_125 : memref<!tpu.dma_semaphore, #tpu.memory_space<semaphore_mem>>) src(%arg11 : memref<128x64xf32, #tpu.memory_space<vmem>>) dst(%dma_wait3A_137 : memref<10240x64xf32, #tpu.memory_space<vmem_shared>>)
          tpu.yield
        }) : () -> ()
        %add3A_118 = arith.constant 4 : i32
        %add3A_119 = arith.addi %add3A_111, %add3A_118 : i32
        %lt3A_120 = arith.constant 156 : i32
        %lt3A_121 = arith.cmpi slt, %add3A_119, %lt3A_120 : i32
        %convert_element_type3A_122 = arith.extui %lt3A_121 : i1 to i32
        %cond3A_123 = arith.constant 0 : i32
        %cond3A_124 = arith.cmpi ne, %convert_element_type3A_122, %cond3A_123 : i32
        scf.if %cond3A_124 {
          %add3A_125 = arith.constant 4 : i32
          %add3A_126 = arith.addi %add3A_111, %add3A_125 : i32
          %dma_start3A_127 = arith.constant 0 : i32
          %dma_start3A_128 = tpu.memref_slice %arg6[%add3A_126, %dma_start3A_127] : memref<157x128xi32, #tpu.memory_space<vmem>> -> memref<1x128xi32, #tpu.memory_space<vmem>>
          %dma_start3A_129 = tpu.memref_squeeze %dma_start3A_128 : memref<1x128xi32, #tpu.memory_space<vmem>> -> memref<128xi32, #tpu.memory_space<vmem>>
          %dma_start3A_130 = arith.constant 0 : i32
          %dma_start3A_131 = arith.constant 0 : i32
          %dma_start3A_132 = tpu.memref_slice %arg2[%dma_start3A_130, %dma_start3A_131] : memref<10240x64xf32, #tpu.memory_space<hbm>> -> memref<10240x64xf32, #tpu.memory_space<hbm>>
          tpu.enqueue_indirect_dma source(%dma_start3A_132 : memref<10240x64xf32, #tpu.memory_space<hbm>>) target(%arg11 : memref<128x64xf32, #tpu.memory_space<vmem>>) offsets(%dma_start3A_129 : memref<128xi32, #tpu.memory_space<vmem>>) semaphore(%arg15 : memref<!tpu.dma_semaphore, #tpu.memory_space<semaphore_mem>>)
        } else {
        }
      }
      %scan3A_56 = arith.constant 39 : i32
      %lt3A_57 = arith.constant 4 : i32
      %lt3A_58 = arith.cmpi slt, %arg1, %lt3A_57 : i32
      %convert_element_type3A_59 = arith.extui %lt3A_58 : i1 to i32
      %cond3A_60 = arith.constant 0 : i32
      %cond3A_61 = arith.cmpi ne, %convert_element_type3A_59, %cond3A_60 : i32
      scf.if %cond3A_61 {
        %dma_start3A_62 = arith.constant 156 : i32
        %dma_start3A_63 = arith.constant 0 : i32
        %dma_start3A_64 = tpu.memref_slice %arg6[%dma_start3A_62, %dma_start3A_63] : memref<157x128xi32, #tpu.memory_space<vmem>> -> memref<1x128xi32, #tpu.memory_space<vmem>>
        %dma_start3A_65 = tpu.memref_squeeze %dma_start3A_64 : memref<1x128xi32, #tpu.memory_space<vmem>> -> memref<128xi32, #tpu.memory_space<vmem>>
        %dma_start3A_66 = arith.constant 0 : i32
        %dma_start3A_67 = arith.constant 0 : i32
        %dma_start3A_68 = tpu.memref_slice %arg2[%dma_start3A_66, %dma_start3A_67] : memref<10240x64xf32, #tpu.memory_space<hbm>> -> memref<10240x64xf32, #tpu.memory_space<hbm>>
        tpu.enqueue_indirect_dma source(%dma_start3A_68 : memref<10240x64xf32, #tpu.memory_space<hbm>>) target(%arg8 : memref<128x64xf32, #tpu.memory_space<vmem>>) offsets(%dma_start3A_65 : memref<128xi32, #tpu.memory_space<vmem>>) semaphore(%arg12 : memref<!tpu.dma_semaphore, #tpu.memory_space<semaphore_mem>>)
        %dma_wait3A = arith.constant 156 : i32
        %dma_wait3A_69 = arith.constant 0 : i32
        %dma_wait3A_70 = tpu.memref_slice %arg6[%dma_wait3A, %dma_wait3A_69] : memref<157x128xi32, #tpu.memory_space<vmem>> -> memref<1x128xi32, #tpu.memory_space<vmem>>
        %dma_wait3A_71 = tpu.memref_squeeze %dma_wait3A_70 : memref<1x128xi32, #tpu.memory_space<vmem>> -> memref<128xi32, #tpu.memory_space<vmem>>
        %dma_wait3A_72 = arith.constant 0 : i32
        %dma_wait3A_73 = arith.constant 0 : i32
        %dma_wait3A_74 = tpu.memref_slice %arg2[%dma_wait3A_72, %dma_wait3A_73] : memref<10240x64xf32, #tpu.memory_space<hbm>> -> memref<10240x64xf32, #tpu.memory_space<hbm>>
        tpu.wait_indirect_dma semaphore(%arg12 : memref<!tpu.dma_semaphore, #tpu.memory_space<semaphore_mem>>) src(%dma_wait3A_74 : memref<10240x64xf32, #tpu.memory_space<hbm>>) dst(%arg8 : memref<128x64xf32, #tpu.memory_space<vmem>>)
        %run_scoped3A_75 = arith.constant 156 : i32
        "tpu.region"() ({
          %run_scoped3A_76 = tpu.sem_alloc : memref<!tpu.dma_semaphore, #tpu.memory_space<semaphore_mem>>
          %dma_start3A_77 = arith.constant 0 : i32
          %dma_start3A_78 = tpu.memref_slice %arg7[%run_scoped3A_75, %dma_start3A_77] : memref<157x128xi32, #tpu.memory_space<vmem>> -> memref<1x128xi32, #tpu.memory_space<vmem>>
          %dma_start3A_79 = tpu.memref_squeeze %dma_start3A_78 : memref<1x128xi32, #tpu.memory_space<vmem>> -> memref<128xi32, #tpu.memory_space<vmem>>
          %dma_start3A_80 = arith.constant 0 : i32
          %dma_start3A_81 = arith.constant 0 : i32
          %dma_start3A_82 = tpu.memref_slice %arg16[%dma_start3A_80, %dma_start3A_81] : memref<10240x64xf32, #tpu.memory_space<vmem_shared>> -> memref<10240x64xf32, #tpu.memory_space<vmem_shared>>
          tpu.enqueue_indirect_dma source(%arg8 : memref<128x64xf32, #tpu.memory_space<vmem>>) target(%dma_start3A_82 : memref<10240x64xf32, #tpu.memory_space<vmem_shared>>) offsets(%dma_start3A_79 : memref<128xi32, #tpu.memory_space<vmem>>) semaphore(%run_scoped3A_76 : memref<!tpu.dma_semaphore, #tpu.memory_space<semaphore_mem>>) {add = true}
          %dma_wait3A_83 = arith.constant 0 : i32
          %dma_wait3A_84 = tpu.memref_slice %arg7[%run_scoped3A_75, %dma_wait3A_83] : memref<157x128xi32, #tpu.memory_space<vmem>> -> memref<1x128xi32, #tpu.memory_space<vmem>>
          %dma_wait3A_85 = tpu.memref_squeeze %dma_wait3A_84 : memref<1x128xi32, #tpu.memory_space<vmem>> -> memref<128xi32, #tpu.memory_space<vmem>>
          %dma_wait3A_86 = arith.constant 0 : i32
          %dma_wait3A_87 = arith.constant 0 : i32
          %dma_wait3A_88 = tpu.memref_slice %arg16[%dma_wait3A_86, %dma_wait3A_87] : memref<10240x64xf32, #tpu.memory_space<vmem_shared>> -> memref<10240x64xf32, #tpu.memory_space<vmem_shared>>
          tpu.wait_indirect_dma semaphore(%run_scoped3A_76 : memref<!tpu.dma_semaphore, #tpu.memory_space<semaphore_mem>>) src(%arg8 : memref<128x64xf32, #tpu.memory_space<vmem>>) dst(%dma_wait3A_88 : memref<10240x64xf32, #tpu.memory_space<vmem_shared>>)
          tpu.yield
        }) : () -> ()
      } else {
      }
    } else {
    }
    %eq3A_10 = arith.constant 1 : i32
    %eq3A_11 = arith.cmpi eq, %arg0, %eq3A_10 : i32
    %convert_element_type3A_12 = arith.extui %eq3A_11 : i1 to i32
    %cond3A_13 = arith.constant 0 : i32
    %cond3A_14 = arith.cmpi ne, %convert_element_type3A_12, %cond3A_13 : i32
    scf.if %cond3A_14 {
      %mul3A_21 = arith.constant 640 : i32
      %mul3A_22 = arith.muli %arg1, %mul3A_21 : i32
      %mul3A_23 = arith.constant 640 : i32
      %mul3A_24 = arith.muli %arg1, %mul3A_23 : i32
      "tpu.region"() ({
        %run_scoped3A_62 = tpu.sem_alloc : memref<!tpu.dma_semaphore, #tpu.memory_space<semaphore_mem>>
        %dma_start3A_63 = arith.constant 0 : i32
        %dma_start3A_64 = tpu.memref_slice %arg16[%mul3A_24, %dma_start3A_63] : memref<10240x64xf32, #tpu.memory_space<vmem_shared>> -> memref<640x64xf32, #tpu.memory_space<vmem_shared>>
        %dma_start3A_65 = arith.constant 0 : i32
        %dma_start3A_66 = tpu.memref_slice %arg3[%mul3A_22, %dma_start3A_65] : memref<10240x64xf32, #tpu.memory_space<hbm>> -> memref<640x64xf32, #tpu.memory_space<hbm>>
        tpu.enqueue_dma source(%dma_start3A_66 : memref<640x64xf32, #tpu.memory_space<hbm>>) target(%dma_start3A_64 : memref<640x64xf32, #tpu.memory_space<vmem_shared>>) target_semaphore(%run_scoped3A_62 : memref<!tpu.dma_semaphore, #tpu.memory_space<semaphore_mem>>)
        %dma_wait3A = arith.constant 0 : i32
        %dma_wait3A_67 = tpu.memref_slice %arg16[%mul3A_24, %dma_wait3A] : memref<10240x64xf32, #tpu.memory_space<vmem_shared>> -> memref<640x64xf32, #tpu.memory_space<vmem_shared>>
        %dma_wait3A_68 = arith.constant 0 : i32
        %dma_wait3A_69 = tpu.memref_slice %arg3[%mul3A_22, %dma_wait3A_68] : memref<10240x64xf32, #tpu.memory_space<hbm>> -> memref<640x64xf32, #tpu.memory_space<hbm>>
        tpu.wait_dma2 semaphore(%run_scoped3A_62 : memref<!tpu.dma_semaphore, #tpu.memory_space<semaphore_mem>>) src(%dma_wait3A_69 : memref<640x64xf32, #tpu.memory_space<hbm>>) dst(%dma_wait3A_67 : memref<640x64xf32, #tpu.memory_space<vmem_shared>>)
        tpu.yield
      }) : () -> ()
      %barrier3A_25 = arith.constant 0 : index
      tpu.barrier barrier_id(%barrier3A_25)
      %dma_start3A = arith.constant 0 : i32
      %dma_start3A_26 = arith.constant 0 : i32
      %dma_start3A_27 = tpu.memref_slice %arg6[%dma_start3A, %dma_start3A_26] : memref<157x128xi32, #tpu.memory_space<vmem>> -> memref<1x128xi32, #tpu.memory_space<vmem>>
      %dma_start3A_28 = tpu.memref_squeeze %dma_start3A_27 : memref<1x128xi32, #tpu.memory_space<vmem>> -> memref<128xi32, #tpu.memory_space<vmem>>
      %dma_start3A_29 = arith.constant 0 : i32
      %dma_start3A_30 = arith.constant 0 : i32
      %dma_start3A_31 = tpu.memref_slice %arg3[%dma_start3A_29, %dma_start3A_30] : memref<10240x64xf32, #tpu.memory_space<hbm>> -> memref<10240x64xf32, #tpu.memory_space<hbm>>
      tpu.enqueue_indirect_dma source(%dma_start3A_31 : memref<10240x64xf32, #tpu.memory_space<hbm>>) target(%arg8 : memref<128x64xf32, #tpu.memory_space<vmem>>) offsets(%dma_start3A_28 : memref<128xi32, #tpu.memory_space<vmem>>) semaphore(%arg12 : memref<!tpu.dma_semaphore, #tpu.memory_space<semaphore_mem>>)
      %dma_start3A_32 = arith.constant 1 : i32
      %dma_start3A_33 = arith.constant 0 : i32
      %dma_start3A_34 = tpu.memref_slice %arg6[%dma_start3A_32, %dma_start3A_33] : memref<157x128xi32, #tpu.memory_space<vmem>> -> memref<1x128xi32, #tpu.memory_space<vmem>>
      %dma_start3A_35 = tpu.memref_squeeze %dma_start3A_34 : memref<1x128xi32, #tpu.memory_space<vmem>> -> memref<128xi32, #tpu.memory_space<vmem>>
      %dma_start3A_36 = arith.constant 0 : i32
      %dma_start3A_37 = arith.constant 0 : i32
      %dma_start3A_38 = tpu.memref_slice %arg3[%dma_start3A_36, %dma_start3A_37] : memref<10240x64xf32, #tpu.memory_space<hbm>> -> memref<10240x64xf32, #tpu.memory_space<hbm>>
      tpu.enqueue_indirect_dma source(%dma_start3A_38 : memref<10240x64xf32, #tpu.memory_space<hbm>>) target(%arg9 : memref<128x64xf32, #tpu.memory_space<vmem>>) offsets(%dma_start3A_35 : memref<128xi32, #tpu.memory_space<vmem>>) semaphore(%arg13 : memref<!tpu.dma_semaphore, #tpu.memory_space<semaphore_mem>>)
      %dma_start3A_39 = arith.constant 2 : i32
      %dma_start3A_40 = arith.constant 0 : i32
      %dma_start3A_41 = tpu.memref_slice %arg6[%dma_start3A_39, %dma_start3A_40] : memref<157x128xi32, #tpu.memory_space<vmem>> -> memref<1x128xi32, #tpu.memory_space<vmem>>
      %dma_start3A_42 = tpu.memref_squeeze %dma_start3A_41 : memref<1x128xi32, #tpu.memory_space<vmem>> -> memref<128xi32, #tpu.memory_space<vmem>>
      %dma_start3A_43 = arith.constant 0 : i32
      %dma_start3A_44 = arith.constant 0 : i32
      %dma_start3A_45 = tpu.memref_slice %arg3[%dma_start3A_43, %dma_start3A_44] : memref<10240x64xf32, #tpu.memory_space<hbm>> -> memref<10240x64xf32, #tpu.memory_space<hbm>>
      tpu.enqueue_indirect_dma source(%dma_start3A_45 : memref<10240x64xf32, #tpu.memory_space<hbm>>) target(%arg10 : memref<128x64xf32, #tpu.memory_space<vmem>>) offsets(%dma_start3A_42 : memref<128xi32, #tpu.memory_space<vmem>>) semaphore(%arg14 : memref<!tpu.dma_semaphore, #tpu.memory_space<semaphore_mem>>)
      %dma_start3A_46 = arith.constant 3 : i32
      %dma_start3A_47 = arith.constant 0 : i32
      %dma_start3A_48 = tpu.memref_slice %arg6[%dma_start3A_46, %dma_start3A_47] : memref<157x128xi32, #tpu.memory_space<vmem>> -> memref<1x128xi32, #tpu.memory_space<vmem>>
      %dma_start3A_49 = tpu.memref_squeeze %dma_start3A_48 : memref<1x128xi32, #tpu.memory_space<vmem>> -> memref<128xi32, #tpu.memory_space<vmem>>
      %dma_start3A_50 = arith.constant 0 : i32
      %dma_start3A_51 = arith.constant 0 : i32
      %dma_start3A_52 = tpu.memref_slice %arg3[%dma_start3A_50, %dma_start3A_51] : memref<10240x64xf32, #tpu.memory_space<hbm>> -> memref<10240x64xf32, #tpu.memory_space<hbm>>
      tpu.enqueue_indirect_dma source(%dma_start3A_52 : memref<10240x64xf32, #tpu.memory_space<hbm>>) target(%arg11 : memref<128x64xf32, #tpu.memory_space<vmem>>) offsets(%dma_start3A_49 : memref<128xi32, #tpu.memory_space<vmem>>) semaphore(%arg15 : memref<!tpu.dma_semaphore, #tpu.memory_space<semaphore_mem>>)
      %scan3A = arith.constant 0 : i32
      %scan3A_53 = arith.constant 39 : i32
      %scan3A_54 = arith.addi %scan3A, %scan3A_53 : i32
      %scan3A_55 = arith.constant 1 : i32
      scf.for %scan3A_62 = %scan3A to %scan3A_54 step %scan3A_55  : i32 {
        %mul3A_63 = arith.constant 4 : i32
        %mul3A_64 = arith.muli %scan3A_62, %mul3A_63 : i32
        %add3A = arith.constant 0 : i32
        %add3A_65 = arith.addi %add3A, %mul3A_64 : i32
        %add3A_66 = arith.constant 0 : i32
        %add3A_67 = arith.addi %add3A_65, %add3A_66 : i32
        %dma_wait3A = arith.constant 0 : i32
        %dma_wait3A_68 = tpu.memref_slice %arg6[%add3A_67, %dma_wait3A] : memref<157x128xi32, #tpu.memory_space<vmem>> -> memref<1x128xi32, #tpu.memory_space<vmem>>
        %dma_wait3A_69 = tpu.memref_squeeze %dma_wait3A_68 : memref<1x128xi32, #tpu.memory_space<vmem>> -> memref<128xi32, #tpu.memory_space<vmem>>
        %dma_wait3A_70 = arith.constant 0 : i32
        %dma_wait3A_71 = arith.constant 0 : i32
        %dma_wait3A_72 = tpu.memref_slice %arg3[%dma_wait3A_70, %dma_wait3A_71] : memref<10240x64xf32, #tpu.memory_space<hbm>> -> memref<10240x64xf32, #tpu.memory_space<hbm>>
        tpu.wait_indirect_dma semaphore(%arg12 : memref<!tpu.dma_semaphore, #tpu.memory_space<semaphore_mem>>) src(%dma_wait3A_72 : memref<10240x64xf32, #tpu.memory_space<hbm>>) dst(%arg8 : memref<128x64xf32, #tpu.memory_space<vmem>>)
        "tpu.region"() ({
          %run_scoped3A_125 = tpu.sem_alloc : memref<!tpu.dma_semaphore, #tpu.memory_space<semaphore_mem>>
          %dma_start3A_126 = arith.constant 0 : i32
          %dma_start3A_127 = tpu.memref_slice %arg7[%add3A_67, %dma_start3A_126] : memref<157x128xi32, #tpu.memory_space<vmem>> -> memref<1x128xi32, #tpu.memory_space<vmem>>
          %dma_start3A_128 = tpu.memref_squeeze %dma_start3A_127 : memref<1x128xi32, #tpu.memory_space<vmem>> -> memref<128xi32, #tpu.memory_space<vmem>>
          %dma_start3A_129 = arith.constant 0 : i32
          %dma_start3A_130 = arith.constant 0 : i32
          %dma_start3A_131 = tpu.memref_slice %arg16[%dma_start3A_129, %dma_start3A_130] : memref<10240x64xf32, #tpu.memory_space<vmem_shared>> -> memref<10240x64xf32, #tpu.memory_space<vmem_shared>>
          tpu.enqueue_indirect_dma source(%arg8 : memref<128x64xf32, #tpu.memory_space<vmem>>) target(%dma_start3A_131 : memref<10240x64xf32, #tpu.memory_space<vmem_shared>>) offsets(%dma_start3A_128 : memref<128xi32, #tpu.memory_space<vmem>>) semaphore(%run_scoped3A_125 : memref<!tpu.dma_semaphore, #tpu.memory_space<semaphore_mem>>) {add = true}
          %dma_wait3A_132 = arith.constant 0 : i32
          %dma_wait3A_133 = tpu.memref_slice %arg7[%add3A_67, %dma_wait3A_132] : memref<157x128xi32, #tpu.memory_space<vmem>> -> memref<1x128xi32, #tpu.memory_space<vmem>>
          %dma_wait3A_134 = tpu.memref_squeeze %dma_wait3A_133 : memref<1x128xi32, #tpu.memory_space<vmem>> -> memref<128xi32, #tpu.memory_space<vmem>>
          %dma_wait3A_135 = arith.constant 0 : i32
          %dma_wait3A_136 = arith.constant 0 : i32
          %dma_wait3A_137 = tpu.memref_slice %arg16[%dma_wait3A_135, %dma_wait3A_136] : memref<10240x64xf32, #tpu.memory_space<vmem_shared>> -> memref<10240x64xf32, #tpu.memory_space<vmem_shared>>
          tpu.wait_indirect_dma semaphore(%run_scoped3A_125 : memref<!tpu.dma_semaphore, #tpu.memory_space<semaphore_mem>>) src(%arg8 : memref<128x64xf32, #tpu.memory_space<vmem>>) dst(%dma_wait3A_137 : memref<10240x64xf32, #tpu.memory_space<vmem_shared>>)
          tpu.yield
        }) : () -> ()
        %add3A_73 = arith.constant 4 : i32
        %add3A_74 = arith.addi %add3A_67, %add3A_73 : i32
        %lt3A_75 = arith.constant 156 : i32
        %lt3A_76 = arith.cmpi slt, %add3A_74, %lt3A_75 : i32
        %convert_element_type3A_77 = arith.extui %lt3A_76 : i1 to i32
        %cond3A_78 = arith.constant 0 : i32
        %cond3A_79 = arith.cmpi ne, %convert_element_type3A_77, %cond3A_78 : i32
        scf.if %cond3A_79 {
          %add3A_125 = arith.constant 4 : i32
          %add3A_126 = arith.addi %add3A_67, %add3A_125 : i32
          %dma_start3A_127 = arith.constant 0 : i32
          %dma_start3A_128 = tpu.memref_slice %arg6[%add3A_126, %dma_start3A_127] : memref<157x128xi32, #tpu.memory_space<vmem>> -> memref<1x128xi32, #tpu.memory_space<vmem>>
          %dma_start3A_129 = tpu.memref_squeeze %dma_start3A_128 : memref<1x128xi32, #tpu.memory_space<vmem>> -> memref<128xi32, #tpu.memory_space<vmem>>
          %dma_start3A_130 = arith.constant 0 : i32
          %dma_start3A_131 = arith.constant 0 : i32
          %dma_start3A_132 = tpu.memref_slice %arg3[%dma_start3A_130, %dma_start3A_131] : memref<10240x64xf32, #tpu.memory_space<hbm>> -> memref<10240x64xf32, #tpu.memory_space<hbm>>
          tpu.enqueue_indirect_dma source(%dma_start3A_132 : memref<10240x64xf32, #tpu.memory_space<hbm>>) target(%arg8 : memref<128x64xf32, #tpu.memory_space<vmem>>) offsets(%dma_start3A_129 : memref<128xi32, #tpu.memory_space<vmem>>) semaphore(%arg12 : memref<!tpu.dma_semaphore, #tpu.memory_space<semaphore_mem>>)
        } else {
        }
        %add3A_80 = arith.constant 1 : i32
        %add3A_81 = arith.addi %add3A_65, %add3A_80 : i32
        %dma_wait3A_82 = arith.constant 0 : i32
        %dma_wait3A_83 = tpu.memref_slice %arg6[%add3A_81, %dma_wait3A_82] : memref<157x128xi32, #tpu.memory_space<vmem>> -> memref<1x128xi32, #tpu.memory_space<vmem>>
        %dma_wait3A_84 = tpu.memref_squeeze %dma_wait3A_83 : memref<1x128xi32, #tpu.memory_space<vmem>> -> memref<128xi32, #tpu.memory_space<vmem>>
        %dma_wait3A_85 = arith.constant 0 : i32
        %dma_wait3A_86 = arith.constant 0 : i32
        %dma_wait3A_87 = tpu.memref_slice %arg3[%dma_wait3A_85, %dma_wait3A_86] : memref<10240x64xf32, #tpu.memory_space<hbm>> -> memref<10240x64xf32, #tpu.memory_space<hbm>>
        tpu.wait_indirect_dma semaphore(%arg13 : memref<!tpu.dma_semaphore, #tpu.memory_space<semaphore_mem>>) src(%dma_wait3A_87 : memref<10240x64xf32, #tpu.memory_space<hbm>>) dst(%arg9 : memref<128x64xf32, #tpu.memory_space<vmem>>)
        "tpu.region"() ({
          %run_scoped3A_125 = tpu.sem_alloc : memref<!tpu.dma_semaphore, #tpu.memory_space<semaphore_mem>>
          %dma_start3A_126 = arith.constant 0 : i32
          %dma_start3A_127 = tpu.memref_slice %arg7[%add3A_81, %dma_start3A_126] : memref<157x128xi32, #tpu.memory_space<vmem>> -> memref<1x128xi32, #tpu.memory_space<vmem>>
          %dma_start3A_128 = tpu.memref_squeeze %dma_start3A_127 : memref<1x128xi32, #tpu.memory_space<vmem>> -> memref<128xi32, #tpu.memory_space<vmem>>
          %dma_start3A_129 = arith.constant 0 : i32
          %dma_start3A_130 = arith.constant 0 : i32
          %dma_start3A_131 = tpu.memref_slice %arg16[%dma_start3A_129, %dma_start3A_130] : memref<10240x64xf32, #tpu.memory_space<vmem_shared>> -> memref<10240x64xf32, #tpu.memory_space<vmem_shared>>
          tpu.enqueue_indirect_dma source(%arg9 : memref<128x64xf32, #tpu.memory_space<vmem>>) target(%dma_start3A_131 : memref<10240x64xf32, #tpu.memory_space<vmem_shared>>) offsets(%dma_start3A_128 : memref<128xi32, #tpu.memory_space<vmem>>) semaphore(%run_scoped3A_125 : memref<!tpu.dma_semaphore, #tpu.memory_space<semaphore_mem>>) {add = true}
          %dma_wait3A_132 = arith.constant 0 : i32
          %dma_wait3A_133 = tpu.memref_slice %arg7[%add3A_81, %dma_wait3A_132] : memref<157x128xi32, #tpu.memory_space<vmem>> -> memref<1x128xi32, #tpu.memory_space<vmem>>
          %dma_wait3A_134 = tpu.memref_squeeze %dma_wait3A_133 : memref<1x128xi32, #tpu.memory_space<vmem>> -> memref<128xi32, #tpu.memory_space<vmem>>
          %dma_wait3A_135 = arith.constant 0 : i32
          %dma_wait3A_136 = arith.constant 0 : i32
          %dma_wait3A_137 = tpu.memref_slice %arg16[%dma_wait3A_135, %dma_wait3A_136] : memref<10240x64xf32, #tpu.memory_space<vmem_shared>> -> memref<10240x64xf32, #tpu.memory_space<vmem_shared>>
          tpu.wait_indirect_dma semaphore(%run_scoped3A_125 : memref<!tpu.dma_semaphore, #tpu.memory_space<semaphore_mem>>) src(%arg9 : memref<128x64xf32, #tpu.memory_space<vmem>>) dst(%dma_wait3A_137 : memref<10240x64xf32, #tpu.memory_space<vmem_shared>>)
          tpu.yield
        }) : () -> ()
        %add3A_88 = arith.constant 4 : i32
        %add3A_89 = arith.addi %add3A_81, %add3A_88 : i32
        %lt3A_90 = arith.constant 156 : i32
        %lt3A_91 = arith.cmpi slt, %add3A_89, %lt3A_90 : i32
        %convert_element_type3A_92 = arith.extui %lt3A_91 : i1 to i32
        %cond3A_93 = arith.constant 0 : i32
        %cond3A_94 = arith.cmpi ne, %convert_element_type3A_92, %cond3A_93 : i32
        scf.if %cond3A_94 {
          %add3A_125 = arith.constant 4 : i32
          %add3A_126 = arith.addi %add3A_81, %add3A_125 : i32
          %dma_start3A_127 = arith.constant 0 : i32
          %dma_start3A_128 = tpu.memref_slice %arg6[%add3A_126, %dma_start3A_127] : memref<157x128xi32, #tpu.memory_space<vmem>> -> memref<1x128xi32, #tpu.memory_space<vmem>>
          %dma_start3A_129 = tpu.memref_squeeze %dma_start3A_128 : memref<1x128xi32, #tpu.memory_space<vmem>> -> memref<128xi32, #tpu.memory_space<vmem>>
          %dma_start3A_130 = arith.constant 0 : i32
          %dma_start3A_131 = arith.constant 0 : i32
          %dma_start3A_132 = tpu.memref_slice %arg3[%dma_start3A_130, %dma_start3A_131] : memref<10240x64xf32, #tpu.memory_space<hbm>> -> memref<10240x64xf32, #tpu.memory_space<hbm>>
          tpu.enqueue_indirect_dma source(%dma_start3A_132 : memref<10240x64xf32, #tpu.memory_space<hbm>>) target(%arg9 : memref<128x64xf32, #tpu.memory_space<vmem>>) offsets(%dma_start3A_129 : memref<128xi32, #tpu.memory_space<vmem>>) semaphore(%arg13 : memref<!tpu.dma_semaphore, #tpu.memory_space<semaphore_mem>>)
        } else {
        }
        %add3A_95 = arith.constant 2 : i32
        %add3A_96 = arith.addi %add3A_65, %add3A_95 : i32
        %dma_wait3A_97 = arith.constant 0 : i32
        %dma_wait3A_98 = tpu.memref_slice %arg6[%add3A_96, %dma_wait3A_97] : memref<157x128xi32, #tpu.memory_space<vmem>> -> memref<1x128xi32, #tpu.memory_space<vmem>>
        %dma_wait3A_99 = tpu.memref_squeeze %dma_wait3A_98 : memref<1x128xi32, #tpu.memory_space<vmem>> -> memref<128xi32, #tpu.memory_space<vmem>>
        %dma_wait3A_100 = arith.constant 0 : i32
        %dma_wait3A_101 = arith.constant 0 : i32
        %dma_wait3A_102 = tpu.memref_slice %arg3[%dma_wait3A_100, %dma_wait3A_101] : memref<10240x64xf32, #tpu.memory_space<hbm>> -> memref<10240x64xf32, #tpu.memory_space<hbm>>
        tpu.wait_indirect_dma semaphore(%arg14 : memref<!tpu.dma_semaphore, #tpu.memory_space<semaphore_mem>>) src(%dma_wait3A_102 : memref<10240x64xf32, #tpu.memory_space<hbm>>) dst(%arg10 : memref<128x64xf32, #tpu.memory_space<vmem>>)
        "tpu.region"() ({
          %run_scoped3A_125 = tpu.sem_alloc : memref<!tpu.dma_semaphore, #tpu.memory_space<semaphore_mem>>
          %dma_start3A_126 = arith.constant 0 : i32
          %dma_start3A_127 = tpu.memref_slice %arg7[%add3A_96, %dma_start3A_126] : memref<157x128xi32, #tpu.memory_space<vmem>> -> memref<1x128xi32, #tpu.memory_space<vmem>>
          %dma_start3A_128 = tpu.memref_squeeze %dma_start3A_127 : memref<1x128xi32, #tpu.memory_space<vmem>> -> memref<128xi32, #tpu.memory_space<vmem>>
          %dma_start3A_129 = arith.constant 0 : i32
          %dma_start3A_130 = arith.constant 0 : i32
          %dma_start3A_131 = tpu.memref_slice %arg16[%dma_start3A_129, %dma_start3A_130] : memref<10240x64xf32, #tpu.memory_space<vmem_shared>> -> memref<10240x64xf32, #tpu.memory_space<vmem_shared>>
          tpu.enqueue_indirect_dma source(%arg10 : memref<128x64xf32, #tpu.memory_space<vmem>>) target(%dma_start3A_131 : memref<10240x64xf32, #tpu.memory_space<vmem_shared>>) offsets(%dma_start3A_128 : memref<128xi32, #tpu.memory_space<vmem>>) semaphore(%run_scoped3A_125 : memref<!tpu.dma_semaphore, #tpu.memory_space<semaphore_mem>>) {add = true}
          %dma_wait3A_132 = arith.constant 0 : i32
          %dma_wait3A_133 = tpu.memref_slice %arg7[%add3A_96, %dma_wait3A_132] : memref<157x128xi32, #tpu.memory_space<vmem>> -> memref<1x128xi32, #tpu.memory_space<vmem>>
          %dma_wait3A_134 = tpu.memref_squeeze %dma_wait3A_133 : memref<1x128xi32, #tpu.memory_space<vmem>> -> memref<128xi32, #tpu.memory_space<vmem>>
          %dma_wait3A_135 = arith.constant 0 : i32
          %dma_wait3A_136 = arith.constant 0 : i32
          %dma_wait3A_137 = tpu.memref_slice %arg16[%dma_wait3A_135, %dma_wait3A_136] : memref<10240x64xf32, #tpu.memory_space<vmem_shared>> -> memref<10240x64xf32, #tpu.memory_space<vmem_shared>>
          tpu.wait_indirect_dma semaphore(%run_scoped3A_125 : memref<!tpu.dma_semaphore, #tpu.memory_space<semaphore_mem>>) src(%arg10 : memref<128x64xf32, #tpu.memory_space<vmem>>) dst(%dma_wait3A_137 : memref<10240x64xf32, #tpu.memory_space<vmem_shared>>)
          tpu.yield
        }) : () -> ()
        %add3A_103 = arith.constant 4 : i32
        %add3A_104 = arith.addi %add3A_96, %add3A_103 : i32
        %lt3A_105 = arith.constant 156 : i32
        %lt3A_106 = arith.cmpi slt, %add3A_104, %lt3A_105 : i32
        %convert_element_type3A_107 = arith.extui %lt3A_106 : i1 to i32
        %cond3A_108 = arith.constant 0 : i32
        %cond3A_109 = arith.cmpi ne, %convert_element_type3A_107, %cond3A_108 : i32
        scf.if %cond3A_109 {
          %add3A_125 = arith.constant 4 : i32
          %add3A_126 = arith.addi %add3A_96, %add3A_125 : i32
          %dma_start3A_127 = arith.constant 0 : i32
          %dma_start3A_128 = tpu.memref_slice %arg6[%add3A_126, %dma_start3A_127] : memref<157x128xi32, #tpu.memory_space<vmem>> -> memref<1x128xi32, #tpu.memory_space<vmem>>
          %dma_start3A_129 = tpu.memref_squeeze %dma_start3A_128 : memref<1x128xi32, #tpu.memory_space<vmem>> -> memref<128xi32, #tpu.memory_space<vmem>>
          %dma_start3A_130 = arith.constant 0 : i32
          %dma_start3A_131 = arith.constant 0 : i32
          %dma_start3A_132 = tpu.memref_slice %arg3[%dma_start3A_130, %dma_start3A_131] : memref<10240x64xf32, #tpu.memory_space<hbm>> -> memref<10240x64xf32, #tpu.memory_space<hbm>>
          tpu.enqueue_indirect_dma source(%dma_start3A_132 : memref<10240x64xf32, #tpu.memory_space<hbm>>) target(%arg10 : memref<128x64xf32, #tpu.memory_space<vmem>>) offsets(%dma_start3A_129 : memref<128xi32, #tpu.memory_space<vmem>>) semaphore(%arg14 : memref<!tpu.dma_semaphore, #tpu.memory_space<semaphore_mem>>)
        } else {
        }
        %add3A_110 = arith.constant 3 : i32
        %add3A_111 = arith.addi %add3A_65, %add3A_110 : i32
        %dma_wait3A_112 = arith.constant 0 : i32
        %dma_wait3A_113 = tpu.memref_slice %arg6[%add3A_111, %dma_wait3A_112] : memref<157x128xi32, #tpu.memory_space<vmem>> -> memref<1x128xi32, #tpu.memory_space<vmem>>
        %dma_wait3A_114 = tpu.memref_squeeze %dma_wait3A_113 : memref<1x128xi32, #tpu.memory_space<vmem>> -> memref<128xi32, #tpu.memory_space<vmem>>
        %dma_wait3A_115 = arith.constant 0 : i32
        %dma_wait3A_116 = arith.constant 0 : i32
        %dma_wait3A_117 = tpu.memref_slice %arg3[%dma_wait3A_115, %dma_wait3A_116] : memref<10240x64xf32, #tpu.memory_space<hbm>> -> memref<10240x64xf32, #tpu.memory_space<hbm>>
        tpu.wait_indirect_dma semaphore(%arg15 : memref<!tpu.dma_semaphore, #tpu.memory_space<semaphore_mem>>) src(%dma_wait3A_117 : memref<10240x64xf32, #tpu.memory_space<hbm>>) dst(%arg11 : memref<128x64xf32, #tpu.memory_space<vmem>>)
        "tpu.region"() ({
          %run_scoped3A_125 = tpu.sem_alloc : memref<!tpu.dma_semaphore, #tpu.memory_space<semaphore_mem>>
          %dma_start3A_126 = arith.constant 0 : i32
          %dma_start3A_127 = tpu.memref_slice %arg7[%add3A_111, %dma_start3A_126] : memref<157x128xi32, #tpu.memory_space<vmem>> -> memref<1x128xi32, #tpu.memory_space<vmem>>
          %dma_start3A_128 = tpu.memref_squeeze %dma_start3A_127 : memref<1x128xi32, #tpu.memory_space<vmem>> -> memref<128xi32, #tpu.memory_space<vmem>>
          %dma_start3A_129 = arith.constant 0 : i32
          %dma_start3A_130 = arith.constant 0 : i32
          %dma_start3A_131 = tpu.memref_slice %arg16[%dma_start3A_129, %dma_start3A_130] : memref<10240x64xf32, #tpu.memory_space<vmem_shared>> -> memref<10240x64xf32, #tpu.memory_space<vmem_shared>>
          tpu.enqueue_indirect_dma source(%arg11 : memref<128x64xf32, #tpu.memory_space<vmem>>) target(%dma_start3A_131 : memref<10240x64xf32, #tpu.memory_space<vmem_shared>>) offsets(%dma_start3A_128 : memref<128xi32, #tpu.memory_space<vmem>>) semaphore(%run_scoped3A_125 : memref<!tpu.dma_semaphore, #tpu.memory_space<semaphore_mem>>) {add = true}
          %dma_wait3A_132 = arith.constant 0 : i32
          %dma_wait3A_133 = tpu.memref_slice %arg7[%add3A_111, %dma_wait3A_132] : memref<157x128xi32, #tpu.memory_space<vmem>> -> memref<1x128xi32, #tpu.memory_space<vmem>>
          %dma_wait3A_134 = tpu.memref_squeeze %dma_wait3A_133 : memref<1x128xi32, #tpu.memory_space<vmem>> -> memref<128xi32, #tpu.memory_space<vmem>>
          %dma_wait3A_135 = arith.constant 0 : i32
          %dma_wait3A_136 = arith.constant 0 : i32
          %dma_wait3A_137 = tpu.memref_slice %arg16[%dma_wait3A_135, %dma_wait3A_136] : memref<10240x64xf32, #tpu.memory_space<vmem_shared>> -> memref<10240x64xf32, #tpu.memory_space<vmem_shared>>
          tpu.wait_indirect_dma semaphore(%run_scoped3A_125 : memref<!tpu.dma_semaphore, #tpu.memory_space<semaphore_mem>>) src(%arg11 : memref<128x64xf32, #tpu.memory_space<vmem>>) dst(%dma_wait3A_137 : memref<10240x64xf32, #tpu.memory_space<vmem_shared>>)
          tpu.yield
        }) : () -> ()
        %add3A_118 = arith.constant 4 : i32
        %add3A_119 = arith.addi %add3A_111, %add3A_118 : i32
        %lt3A_120 = arith.constant 156 : i32
        %lt3A_121 = arith.cmpi slt, %add3A_119, %lt3A_120 : i32
        %convert_element_type3A_122 = arith.extui %lt3A_121 : i1 to i32
        %cond3A_123 = arith.constant 0 : i32
        %cond3A_124 = arith.cmpi ne, %convert_element_type3A_122, %cond3A_123 : i32
        scf.if %cond3A_124 {
          %add3A_125 = arith.constant 4 : i32
          %add3A_126 = arith.addi %add3A_111, %add3A_125 : i32
          %dma_start3A_127 = arith.constant 0 : i32
          %dma_start3A_128 = tpu.memref_slice %arg6[%add3A_126, %dma_start3A_127] : memref<157x128xi32, #tpu.memory_space<vmem>> -> memref<1x128xi32, #tpu.memory_space<vmem>>
          %dma_start3A_129 = tpu.memref_squeeze %dma_start3A_128 : memref<1x128xi32, #tpu.memory_space<vmem>> -> memref<128xi32, #tpu.memory_space<vmem>>
          %dma_start3A_130 = arith.constant 0 : i32
          %dma_start3A_131 = arith.constant 0 : i32
          %dma_start3A_132 = tpu.memref_slice %arg3[%dma_start3A_130, %dma_start3A_131] : memref<10240x64xf32, #tpu.memory_space<hbm>> -> memref<10240x64xf32, #tpu.memory_space<hbm>>
          tpu.enqueue_indirect_dma source(%dma_start3A_132 : memref<10240x64xf32, #tpu.memory_space<hbm>>) target(%arg11 : memref<128x64xf32, #tpu.memory_space<vmem>>) offsets(%dma_start3A_129 : memref<128xi32, #tpu.memory_space<vmem>>) semaphore(%arg15 : memref<!tpu.dma_semaphore, #tpu.memory_space<semaphore_mem>>)
        } else {
        }
      }
      %scan3A_56 = arith.constant 39 : i32
      %lt3A_57 = arith.constant 4 : i32
      %lt3A_58 = arith.cmpi slt, %arg1, %lt3A_57 : i32
      %convert_element_type3A_59 = arith.extui %lt3A_58 : i1 to i32
      %cond3A_60 = arith.constant 0 : i32
      %cond3A_61 = arith.cmpi ne, %convert_element_type3A_59, %cond3A_60 : i32
      scf.if %cond3A_61 {
        %dma_start3A_62 = arith.constant 156 : i32
        %dma_start3A_63 = arith.constant 0 : i32
        %dma_start3A_64 = tpu.memref_slice %arg6[%dma_start3A_62, %dma_start3A_63] : memref<157x128xi32, #tpu.memory_space<vmem>> -> memref<1x128xi32, #tpu.memory_space<vmem>>
        %dma_start3A_65 = tpu.memref_squeeze %dma_start3A_64 : memref<1x128xi32, #tpu.memory_space<vmem>> -> memref<128xi32, #tpu.memory_space<vmem>>
        %dma_start3A_66 = arith.constant 0 : i32
        %dma_start3A_67 = arith.constant 0 : i32
        %dma_start3A_68 = tpu.memref_slice %arg3[%dma_start3A_66, %dma_start3A_67] : memref<10240x64xf32, #tpu.memory_space<hbm>> -> memref<10240x64xf32, #tpu.memory_space<hbm>>
        tpu.enqueue_indirect_dma source(%dma_start3A_68 : memref<10240x64xf32, #tpu.memory_space<hbm>>) target(%arg8 : memref<128x64xf32, #tpu.memory_space<vmem>>) offsets(%dma_start3A_65 : memref<128xi32, #tpu.memory_space<vmem>>) semaphore(%arg12 : memref<!tpu.dma_semaphore, #tpu.memory_space<semaphore_mem>>)
        %dma_wait3A = arith.constant 156 : i32
        %dma_wait3A_69 = arith.constant 0 : i32
        %dma_wait3A_70 = tpu.memref_slice %arg6[%dma_wait3A, %dma_wait3A_69] : memref<157x128xi32, #tpu.memory_space<vmem>> -> memref<1x128xi32, #tpu.memory_space<vmem>>
        %dma_wait3A_71 = tpu.memref_squeeze %dma_wait3A_70 : memref<1x128xi32, #tpu.memory_space<vmem>> -> memref<128xi32, #tpu.memory_space<vmem>>
        %dma_wait3A_72 = arith.constant 0 : i32
        %dma_wait3A_73 = arith.constant 0 : i32
        %dma_wait3A_74 = tpu.memref_slice %arg3[%dma_wait3A_72, %dma_wait3A_73] : memref<10240x64xf32, #tpu.memory_space<hbm>> -> memref<10240x64xf32, #tpu.memory_space<hbm>>
        tpu.wait_indirect_dma semaphore(%arg12 : memref<!tpu.dma_semaphore, #tpu.memory_space<semaphore_mem>>) src(%dma_wait3A_74 : memref<10240x64xf32, #tpu.memory_space<hbm>>) dst(%arg8 : memref<128x64xf32, #tpu.memory_space<vmem>>)
        %run_scoped3A_75 = arith.constant 156 : i32
        "tpu.region"() ({
          %run_scoped3A_76 = tpu.sem_alloc : memref<!tpu.dma_semaphore, #tpu.memory_space<semaphore_mem>>
          %dma_start3A_77 = arith.constant 0 : i32
          %dma_start3A_78 = tpu.memref_slice %arg7[%run_scoped3A_75, %dma_start3A_77] : memref<157x128xi32, #tpu.memory_space<vmem>> -> memref<1x128xi32, #tpu.memory_space<vmem>>
          %dma_start3A_79 = tpu.memref_squeeze %dma_start3A_78 : memref<1x128xi32, #tpu.memory_space<vmem>> -> memref<128xi32, #tpu.memory_space<vmem>>
          %dma_start3A_80 = arith.constant 0 : i32
          %dma_start3A_81 = arith.constant 0 : i32
          %dma_start3A_82 = tpu.memref_slice %arg16[%dma_start3A_80, %dma_start3A_81] : memref<10240x64xf32, #tpu.memory_space<vmem_shared>> -> memref<10240x64xf32, #tpu.memory_space<vmem_shared>>
          tpu.enqueue_indirect_dma source(%arg8 : memref<128x64xf32, #tpu.memory_space<vmem>>) target(%dma_start3A_82 : memref<10240x64xf32, #tpu.memory_space<vmem_shared>>) offsets(%dma_start3A_79 : memref<128xi32, #tpu.memory_space<vmem>>) semaphore(%run_scoped3A_76 : memref<!tpu.dma_semaphore, #tpu.memory_space<semaphore_mem>>) {add = true}
          %dma_wait3A_83 = arith.constant 0 : i32
          %dma_wait3A_84 = tpu.memref_slice %arg7[%run_scoped3A_75, %dma_wait3A_83] : memref<157x128xi32, #tpu.memory_space<vmem>> -> memref<1x128xi32, #tpu.memory_space<vmem>>
          %dma_wait3A_85 = tpu.memref_squeeze %dma_wait3A_84 : memref<1x128xi32, #tpu.memory_space<vmem>> -> memref<128xi32, #tpu.memory_space<vmem>>
          %dma_wait3A_86 = arith.constant 0 : i32
          %dma_wait3A_87 = arith.constant 0 : i32
          %dma_wait3A_88 = tpu.memref_slice %arg16[%dma_wait3A_86, %dma_wait3A_87] : memref<10240x64xf32, #tpu.memory_space<vmem_shared>> -> memref<10240x64xf32, #tpu.memory_space<vmem_shared>>
          tpu.wait_indirect_dma semaphore(%run_scoped3A_76 : memref<!tpu.dma_semaphore, #tpu.memory_space<semaphore_mem>>) src(%arg8 : memref<128x64xf32, #tpu.memory_space<vmem>>) dst(%dma_wait3A_88 : memref<10240x64xf32, #tpu.memory_space<vmem_shared>>)
          tpu.yield
        }) : () -> ()
      } else {
      }
    } else {
    }
    %barrier3A = arith.constant 0 : index
    tpu.barrier barrier_id(%barrier3A)
    %mul3A_15 = arith.constant 640 : i32
    %mul3A_16 = arith.muli %arg1, %mul3A_15 : i32
    %mul3A_17 = arith.constant 640 : i32
    %mul3A_18 = arith.muli %arg1, %mul3A_17 : i32
    %mul3A_19 = arith.constant 64 : i32
    %mul3A_20 = arith.muli %arg0, %mul3A_19 : i32
    "tpu.region"() ({
      %run_scoped3A_21 = tpu.sem_alloc : memref<!tpu.dma_semaphore, #tpu.memory_space<semaphore_mem>>
      %dma_start3A = tpu.memref_slice %arg5[%mul3A_18, %mul3A_20] : memref<10240x128xf32, #tpu.memory_space<hbm>> -> memref<640x64xf32, #tpu.memory_space<hbm>>
      %dma_start3A_22 = arith.constant 0 : i32
      %dma_start3A_23 = tpu.memref_slice %arg16[%mul3A_16, %dma_start3A_22] : memref<10240x64xf32, #tpu.memory_space<vmem_shared>> -> memref<640x64xf32, #tpu.memory_space<vmem_shared>>
      tpu.enqueue_dma source(%dma_start3A_23 : memref<640x64xf32, #tpu.memory_space<vmem_shared>>) target(%dma_start3A : memref<640x64xf32, #tpu.memory_space<hbm>>) target_semaphore(%run_scoped3A_21 : memref<!tpu.dma_semaphore, #tpu.memory_space<semaphore_mem>>)
      %dma_wait3A = tpu.memref_slice %arg5[%mul3A_18, %mul3A_20] : memref<10240x128xf32, #tpu.memory_space<hbm>> -> memref<640x64xf32, #tpu.memory_space<hbm>>
      %dma_wait3A_24 = arith.constant 0 : i32
      %dma_wait3A_25 = tpu.memref_slice %arg16[%mul3A_16, %dma_wait3A_24] : memref<10240x64xf32, #tpu.memory_space<vmem_shared>> -> memref<640x64xf32, #tpu.memory_space<vmem_shared>>
      tpu.wait_dma2 semaphore(%run_scoped3A_21 : memref<!tpu.dma_semaphore, #tpu.memory_space<semaphore_mem>>) src(%dma_wait3A_25 : memref<640x64xf32, #tpu.memory_space<vmem_shared>>) dst(%dma_wait3A : memref<640x64xf32, #tpu.memory_space<hbm>>)
      tpu.yield
    }) : () -> ()
    return
  }
}

module attributes {stable_mosaic.version = 14 : i64} {
  func.func @_tc1a_body(%arg0: i32, %arg1: memref<1024x128xf32, #tpu.memory_space<vmem>>, %arg2: memref<128x128xf32, #tpu.memory_space<vmem>>, %arg3: memref<1024x128xf32, #tpu.memory_space<vmem>>) attributes {dimension_semantics = [#tpu.dimension_semantics<arbitrary>], iteration_bounds = array<i64: 10>, scalar_prefetch = 0 : i64, scratch_operands = 0 : i64, tpu.core_type = #tpu.core_type<tc>, window_params = [{transform_indices = @transform_0, window_bounds = array<i64: 1024, 128>}, {pipeline_mode = #tpu.pipeline_mode<synchronous>, transform_indices = @transform_1, window_bounds = array<i64: 128, 128>}, {transform_indices = @transform_2, window_bounds = array<i64: 1024, 128>}]} {
    %get3A = arith.constant 0 : index
    %get3A_0 = arith.constant 0 : index
    %get3A_1 = vector.load %arg1[%get3A, %get3A_0] : memref<1024x128xf32, #tpu.memory_space<vmem>>, vector<1024x128xf32>
    %get3A_2 = arith.constant 0 : index
    %get3A_3 = arith.constant 0 : index
    %get3A_4 = vector.load %arg2[%get3A_2, %get3A_3] : memref<128x128xf32, #tpu.memory_space<vmem>>, vector<128x128xf32>
    %dot_general3A = arith.constant dense<0.000000e+00> : vector<1024x128xf32>
    %dot_general3A_5 = tpu.matmul %get3A_1, %get3A_4, %dot_general3A {dimension_numbers = #tpu.dot_dimension_numbers<[1], [0], [0], [1], [0, 0, 1, 1], [], []>, transpose_lhs_hint = false} : vector<1024x128xf32>, vector<128x128xf32>, vector<1024x128xf32> -> vector<1024x128xf32>
    %swap3A = arith.constant 0 : index
    %swap3A_6 = arith.constant 0 : index
    %swap3A_7 = vector.load %arg3[%swap3A, %swap3A_6] : memref<1024x128xf32, #tpu.memory_space<vmem>>, vector<1024x128xf32>
    tpu.vector_store %arg3[%swap3A, %swap3A_6], %dot_general3A_5 {strides = array<i32>} : memref<1024x128xf32, #tpu.memory_space<vmem>>, vector<1024x128xf32>,
    return
  }
  func.func @transform_0(%arg0: i32) -> (i32, i32) {
    %c0_i32 = arith.constant 0 : i32
    %c0_i32_0 = arith.constant 0 : i32
    return %arg0, %c0_i32 : i32, i32
  }
  func.func @transform_1(%arg0: i32) -> (i32, i32) {
    %c0_i32 = arith.constant 0 : i32
    %c0_i32_0 = arith.constant 0 : i32
    %c0_i32_1 = arith.constant 0 : i32
    return %c0_i32, %c0_i32_0 : i32, i32
  }
  func.func @transform_2(%arg0: i32) -> (i32, i32) {
    %c0_i32 = arith.constant 0 : i32
    %c0_i32_0 = arith.constant 0 : i32
    return %arg0, %c0_i32 : i32, i32
  }
}

module attributes {stable_mosaic.version = 14 : i64} {
  func.func @_tc1b_body(%arg0: i32, %arg1: memref<1024x128xf32, #tpu.memory_space<vmem>>, %arg2: memref<2x1024xf32, #tpu.memory_space<vmem>>, %arg3: memref<1024x64xf32, #tpu.memory_space<vmem>>, %arg4: memref<1024x64xf32, #tpu.memory_space<vmem>>) attributes {dimension_semantics = [#tpu.dimension_semantics<arbitrary>], iteration_bounds = array<i64: 10>, scalar_prefetch = 0 : i64, scratch_operands = 0 : i64, tpu.core_type = #tpu.core_type<tc>, window_params = [{transform_indices = @transform_0, window_bounds = array<i64: 1024, 128>}, {transform_indices = @transform_1, window_bounds = array<i64: 2, 1024>}, {transform_indices = @transform_2, window_bounds = array<i64: 1024, 64>}, {transform_indices = @transform_3, window_bounds = array<i64: 1024, 64>}]} {
    %get3A = arith.constant 0 : index
    %get3A_0 = arith.constant 0 : index
    %get3A_1 = vector.load %arg2[%get3A, %get3A_0] : memref<2x1024xf32, #tpu.memory_space<vmem>>, vector<1x1024xf32>
    %get3A_2 = vector.shape_cast %get3A_1 : vector<1x1024xf32> to vector<1024xf32>
    %add3A = arith.constant 1.000000e+00 : f32
    %add3A_3 = vector.broadcast %add3A : f32 to vector<1024xf32>
    %add3A_4 = arith.addf %add3A_3, %get3A_2 : vector<1024xf32>
    %get3A_5 = arith.constant 1 : index
    %get3A_6 = arith.constant 0 : index
    %get3A_7 = vector.load %arg2[%get3A_5, %get3A_6] : memref<2x1024xf32, #tpu.memory_space<vmem>>, vector<1x1024xf32>
    %get3A_8 = vector.shape_cast %get3A_7 : vector<1x1024xf32> to vector<1024xf32>
    %add3A_9 = arith.addf %add3A_4, %get3A_8 : vector<1024xf32>
    %rsqrt3A = math.rsqrt %add3A_9 : vector<1024xf32>
    %get3A_10 = arith.constant 0 : index
    %get3A_11 = arith.constant 0 : index
    %get3A_12 = vector.load %arg1[%get3A_10, %get3A_11] : memref<1024x128xf32, #tpu.memory_space<vmem>>, vector<1024x128xf32>
    %broadcast_in_dim3A = vector.shape_cast %rsqrt3A : vector<1024xf32> to vector<1024x1xf32>
    %mul3A = vector.broadcast %broadcast_in_dim3A : vector<1024x1xf32> to vector<1024x128xf32>
    %mul3A_13 = arith.mulf %get3A_12, %mul3A : vector<1024x128xf32>
    %slice3A = vector.extract_strided_slice %mul3A_13 {offsets = [0, 0], sizes = [1024, 64], strides = [1, 1]} : vector<1024x128xf32> to vector<1024x64xf32>
    %swap3A = arith.constant 0 : index
    %swap3A_14 = arith.constant 0 : index
    %swap3A_15 = vector.load %arg3[%swap3A, %swap3A_14] : memref<1024x64xf32, #tpu.memory_space<vmem>>, vector<1024x64xf32>
    tpu.vector_store %arg3[%swap3A, %swap3A_14], %slice3A {strides = array<i32>} : memref<1024x64xf32, #tpu.memory_space<vmem>>, vector<1024x64xf32>,
    %slice3A_16 = vector.extract_strided_slice %mul3A_13 {offsets = [0, 64], sizes = [1024, 64], strides = [1, 1]} : vector<1024x128xf32> to vector<1024x64xf32>
    %swap3A_17 = arith.constant 0 : index
    %swap3A_18 = arith.constant 0 : index
    %swap3A_19 = vector.load %arg4[%swap3A_17, %swap3A_18] : memref<1024x64xf32, #tpu.memory_space<vmem>>, vector<1024x64xf32>
    tpu.vector_store %arg4[%swap3A_17, %swap3A_18], %slice3A_16 {strides = array<i32>} : memref<1024x64xf32, #tpu.memory_space<vmem>>, vector<1024x64xf32>,
    return
  }
  func.func @transform_0(%arg0: i32) -> (i32, i32) {
    %c0_i32 = arith.constant 0 : i32
    %c0_i32_0 = arith.constant 0 : i32
    return %arg0, %c0_i32 : i32, i32
  }
  func.func @transform_1(%arg0: i32) -> (i32, i32) {
    %c0_i32 = arith.constant 0 : i32
    %c0_i32_0 = arith.constant 0 : i32
    return %c0_i32, %arg0 : i32, i32
  }
  func.func @transform_2(%arg0: i32) -> (i32, i32) {
    %c0_i32 = arith.constant 0 : i32
    %c0_i32_0 = arith.constant 0 : i32
    return %arg0, %c0_i32 : i32, i32
  }
  func.func @transform_3(%arg0: i32) -> (i32, i32) {
    %c0_i32 = arith.constant 0 : i32
    %c0_i32_0 = arith.constant 0 : i32
    return %arg0, %c0_i32 : i32, i32
  }
}

module attributes {stable_mosaic.version = 14 : i64} {
  func.func @_tc2_body(%arg0: i32, %arg1: memref<1024x128xf32, #tpu.memory_space<vmem>>, %arg2: memref<2x1024xf32, #tpu.memory_space<vmem>>, %arg3: memref<128x128xf32, #tpu.memory_space<vmem>>, %arg4: memref<1x128xf32, #tpu.memory_space<vmem>>, %arg5: memref<1024x64xf32, #tpu.memory_space<vmem>>, %arg6: memref<1024x64xf32, #tpu.memory_space<vmem>>) attributes {dimension_semantics = [#tpu.dimension_semantics<arbitrary>], iteration_bounds = array<i64: 10>, scalar_prefetch = 0 : i64, scratch_operands = 0 : i64, tpu.core_type = #tpu.core_type<tc>, window_params = [{transform_indices = @transform_0, window_bounds = array<i64: 1024, 128>}, {transform_indices = @transform_1, window_bounds = array<i64: 2, 1024>}, {pipeline_mode = #tpu.pipeline_mode<synchronous>, transform_indices = @transform_2, window_bounds = array<i64: 128, 128>}, {pipeline_mode = #tpu.pipeline_mode<synchronous>, transform_indices = @transform_3, window_bounds = array<i64: 1, 128>}, {transform_indices = @transform_4, window_bounds = array<i64: 1024, 64>}, {transform_indices = @transform_5, window_bounds = array<i64: 1024, 64>}]} {
    %get3A = arith.constant 0 : index
    %get3A_0 = arith.constant 0 : index
    %get3A_1 = vector.load %arg2[%get3A, %get3A_0] : memref<2x1024xf32, #tpu.memory_space<vmem>>, vector<1x1024xf32>
    %get3A_2 = vector.shape_cast %get3A_1 : vector<1x1024xf32> to vector<1024xf32>
    %add3A = arith.constant 1.000000e+00 : f32
    %add3A_3 = vector.broadcast %add3A : f32 to vector<1024xf32>
    %add3A_4 = arith.addf %add3A_3, %get3A_2 : vector<1024xf32>
    %get3A_5 = arith.constant 1 : index
    %get3A_6 = arith.constant 0 : index
    %get3A_7 = vector.load %arg2[%get3A_5, %get3A_6] : memref<2x1024xf32, #tpu.memory_space<vmem>>, vector<1x1024xf32>
    %get3A_8 = vector.shape_cast %get3A_7 : vector<1x1024xf32> to vector<1024xf32>
    %add3A_9 = arith.addf %add3A_4, %get3A_8 : vector<1024xf32>
    %rsqrt3A = math.rsqrt %add3A_9 : vector<1024xf32>
    %get3A_10 = arith.constant 0 : index
    %get3A_11 = arith.constant 0 : index
    %get3A_12 = vector.load %arg1[%get3A_10, %get3A_11] : memref<1024x128xf32, #tpu.memory_space<vmem>>, vector<1024x128xf32>
    %broadcast_in_dim3A = vector.shape_cast %rsqrt3A : vector<1024xf32> to vector<1024x1xf32>
    %mul3A = vector.broadcast %broadcast_in_dim3A : vector<1024x1xf32> to vector<1024x128xf32>
    %mul3A_13 = arith.mulf %get3A_12, %mul3A : vector<1024x128xf32>
    %get3A_14 = arith.constant 0 : index
    %get3A_15 = arith.constant 0 : index
    %get3A_16 = vector.load %arg4[%get3A_14, %get3A_15] : memref<1x128xf32, #tpu.memory_space<vmem>>, vector<1x128xf32>
    %add3A_17 = vector.broadcast %get3A_16 : vector<1x128xf32> to vector<1024x128xf32>
    %add3A_18 = arith.addf %mul3A_13, %add3A_17 : vector<1024x128xf32>
    %max3A = arith.constant 0.000000e+00 : f32
    %max3A_19 = vector.broadcast %max3A : f32 to vector<1024x128xf32>
    %max3A_20 = arith.maximumf %add3A_18, %max3A_19 : vector<1024x128xf32>
    %get3A_21 = arith.constant 0 : index
    %get3A_22 = arith.constant 0 : index
    %get3A_23 = vector.load %arg3[%get3A_21, %get3A_22] : memref<128x128xf32, #tpu.memory_space<vmem>>, vector<128x128xf32>
    %dot_general3A = arith.constant dense<0.000000e+00> : vector<1024x128xf32>
    %dot_general3A_24 = tpu.matmul %max3A_20, %get3A_23, %dot_general3A {dimension_numbers = #tpu.dot_dimension_numbers<[1], [0], [0], [1], [0, 0, 1, 1], [], []>, transpose_lhs_hint = false} : vector<1024x128xf32>, vector<128x128xf32>, vector<1024x128xf32> -> vector<1024x128xf32>
    %broadcast_in_dim3A_25 = vector.shape_cast %rsqrt3A : vector<1024xf32> to vector<1024x1xf32>
    %mul3A_26 = vector.broadcast %broadcast_in_dim3A_25 : vector<1024x1xf32> to vector<1024x128xf32>
    %mul3A_27 = arith.mulf %dot_general3A_24, %mul3A_26 : vector<1024x128xf32>
    %slice3A = vector.extract_strided_slice %mul3A_27 {offsets = [0, 0], sizes = [1024, 64], strides = [1, 1]} : vector<1024x128xf32> to vector<1024x64xf32>
    %swap3A = arith.constant 0 : index
    %swap3A_28 = arith.constant 0 : index
    %swap3A_29 = vector.load %arg5[%swap3A, %swap3A_28] : memref<1024x64xf32, #tpu.memory_space<vmem>>, vector<1024x64xf32>
    tpu.vector_store %arg5[%swap3A, %swap3A_28], %slice3A {strides = array<i32>} : memref<1024x64xf32, #tpu.memory_space<vmem>>, vector<1024x64xf32>,
    %slice3A_30 = vector.extract_strided_slice %mul3A_27 {offsets = [0, 64], sizes = [1024, 64], strides = [1, 1]} : vector<1024x128xf32> to vector<1024x64xf32>
    %swap3A_31 = arith.constant 0 : index
    %swap3A_32 = arith.constant 0 : index
    %swap3A_33 = vector.load %arg6[%swap3A_31, %swap3A_32] : memref<1024x64xf32, #tpu.memory_space<vmem>>, vector<1024x64xf32>
    tpu.vector_store %arg6[%swap3A_31, %swap3A_32], %slice3A_30 {strides = array<i32>} : memref<1024x64xf32, #tpu.memory_space<vmem>>, vector<1024x64xf32>,
    return
  }
  func.func @transform_0(%arg0: i32) -> (i32, i32) {
    %c0_i32 = arith.constant 0 : i32
    %c0_i32_0 = arith.constant 0 : i32
    return %arg0, %c0_i32 : i32, i32
  }
  func.func @transform_1(%arg0: i32) -> (i32, i32) {
    %c0_i32 = arith.constant 0 : i32
    %c0_i32_0 = arith.constant 0 : i32
    return %c0_i32, %arg0 : i32, i32
  }
  func.func @transform_2(%arg0: i32) -> (i32, i32) {
    %c0_i32 = arith.constant 0 : i32
    %c0_i32_0 = arith.constant 0 : i32
    %c0_i32_1 = arith.constant 0 : i32
    return %c0_i32, %c0_i32_0 : i32, i32
  }
  func.func @transform_3(%arg0: i32) -> (i32, i32) {
    %c0_i32 = arith.constant 0 : i32
    %c0_i32_0 = arith.constant 0 : i32
    %c0_i32_1 = arith.constant 0 : i32
    return %c0_i32, %c0_i32_0 : i32, i32
  }
  func.func @transform_4(%arg0: i32) -> (i32, i32) {
    %c0_i32 = arith.constant 0 : i32
    %c0_i32_0 = arith.constant 0 : i32
    return %arg0, %c0_i32 : i32, i32
  }
  func.func @transform_5(%arg0: i32) -> (i32, i32) {
    %c0_i32 = arith.constant 0 : i32
    %c0_i32_0 = arith.constant 0 : i32
    return %arg0, %c0_i32 : i32, i32
  }
}

module attributes {stable_mosaic.version = 14 : i64} {
  func.func @_tc3_body(%arg0: i32, %arg1: memref<1024x128xf32, #tpu.memory_space<vmem>>, %arg2: memref<2x1024xf32, #tpu.memory_space<vmem>>, %arg3: memref<1x128xf32, #tpu.memory_space<vmem>>, %arg4: memref<128x64xf32, #tpu.memory_space<vmem>>, %arg5: memref<1x64xf32, #tpu.memory_space<vmem>>, %arg6: memref<1024x64xf32, #tpu.memory_space<vmem>>) attributes {dimension_semantics = [#tpu.dimension_semantics<arbitrary>], iteration_bounds = array<i64: 10>, scalar_prefetch = 0 : i64, scratch_operands = 0 : i64, tpu.core_type = #tpu.core_type<tc>, window_params = [{transform_indices = @transform_0, window_bounds = array<i64: 1024, 128>}, {transform_indices = @transform_1, window_bounds = array<i64: 2, 1024>}, {pipeline_mode = #tpu.pipeline_mode<synchronous>, transform_indices = @transform_2, window_bounds = array<i64: 1, 128>}, {pipeline_mode = #tpu.pipeline_mode<synchronous>, transform_indices = @transform_3, window_bounds = array<i64: 128, 64>}, {pipeline_mode = #tpu.pipeline_mode<synchronous>, transform_indices = @transform_4, window_bounds = array<i64: 1, 64>}, {transform_indices = @transform_5, window_bounds = array<i64: 1024, 64>}]} {
    %get3A = arith.constant 0 : index
    %get3A_0 = arith.constant 0 : index
    %get3A_1 = vector.load %arg2[%get3A, %get3A_0] : memref<2x1024xf32, #tpu.memory_space<vmem>>, vector<1x1024xf32>
    %get3A_2 = vector.shape_cast %get3A_1 : vector<1x1024xf32> to vector<1024xf32>
    %add3A = arith.constant 1.000000e+00 : f32
    %add3A_3 = vector.broadcast %add3A : f32 to vector<1024xf32>
    %add3A_4 = arith.addf %add3A_3, %get3A_2 : vector<1024xf32>
    %get3A_5 = arith.constant 1 : index
    %get3A_6 = arith.constant 0 : index
    %get3A_7 = vector.load %arg2[%get3A_5, %get3A_6] : memref<2x1024xf32, #tpu.memory_space<vmem>>, vector<1x1024xf32>
    %get3A_8 = vector.shape_cast %get3A_7 : vector<1x1024xf32> to vector<1024xf32>
    %add3A_9 = arith.addf %add3A_4, %get3A_8 : vector<1024xf32>
    %rsqrt3A = math.rsqrt %add3A_9 : vector<1024xf32>
    %get3A_10 = arith.constant 0 : index
    %get3A_11 = arith.constant 0 : index
    %get3A_12 = vector.load %arg1[%get3A_10, %get3A_11] : memref<1024x128xf32, #tpu.memory_space<vmem>>, vector<1024x128xf32>
    %broadcast_in_dim3A = vector.shape_cast %rsqrt3A : vector<1024xf32> to vector<1024x1xf32>
    %mul3A = vector.broadcast %broadcast_in_dim3A : vector<1024x1xf32> to vector<1024x128xf32>
    %mul3A_13 = arith.mulf %get3A_12, %mul3A : vector<1024x128xf32>
    %get3A_14 = arith.constant 0 : index
    %get3A_15 = arith.constant 0 : index
    %get3A_16 = vector.load %arg3[%get3A_14, %get3A_15] : memref<1x128xf32, #tpu.memory_space<vmem>>, vector<1x128xf32>
    %add3A_17 = vector.broadcast %get3A_16 : vector<1x128xf32> to vector<1024x128xf32>
    %add3A_18 = arith.addf %mul3A_13, %add3A_17 : vector<1024x128xf32>
    %get3A_19 = arith.constant 0 : index
    %get3A_20 = arith.constant 0 : index
    %get3A_21 = vector.load %arg4[%get3A_19, %get3A_20] : memref<128x64xf32, #tpu.memory_space<vmem>>, vector<128x64xf32>
    %dot_general3A = arith.constant dense<0.000000e+00> : vector<1024x64xf32>
    %dot_general3A_22 = tpu.matmul %add3A_18, %get3A_21, %dot_general3A {dimension_numbers = #tpu.dot_dimension_numbers<[1], [0], [0], [1], [0, 0, 1, 1], [], []>, transpose_lhs_hint = false} : vector<1024x128xf32>, vector<128x64xf32>, vector<1024x64xf32> -> vector<1024x64xf32>
    %get3A_23 = arith.constant 0 : index
    %get3A_24 = arith.constant 0 : index
    %get3A_25 = vector.load %arg5[%get3A_23, %get3A_24] : memref<1x64xf32, #tpu.memory_space<vmem>>, vector<1x64xf32>
    %add3A_26 = vector.broadcast %get3A_25 : vector<1x64xf32> to vector<1024x64xf32>
    %add3A_27 = arith.addf %dot_general3A_22, %add3A_26 : vector<1024x64xf32>
    %reduce_max3A = arith.constant dense<0xFF800000> : vector<1024xf32>
    %reduce_max3A_28 = vector.multi_reduction <maximumf>, %add3A_27, %reduce_max3A [1] : vector<1024x64xf32> to vector<1024xf32>
    %broadcast_in_dim3A_29 = vector.shape_cast %reduce_max3A_28 : vector<1024xf32> to vector<1024x1xf32>
    %sub3A = vector.broadcast %broadcast_in_dim3A_29 : vector<1024x1xf32> to vector<1024x64xf32>
    %sub3A_30 = arith.subf %add3A_27, %sub3A : vector<1024x64xf32>
    %exp3A = math.exp %sub3A_30 : vector<1024x64xf32>
    %reduce_sum3A = arith.constant dense<0.000000e+00> : vector<1024xf32>
    %reduce_sum3A_31 = vector.multi_reduction <add>, %exp3A, %reduce_sum3A [1] : vector<1024x64xf32> to vector<1024xf32>
    %broadcast_in_dim3A_32 = vector.shape_cast %reduce_sum3A_31 : vector<1024xf32> to vector<1024x1xf32>
    %log3A = math.log %broadcast_in_dim3A_32 : vector<1024x1xf32>
    %add3A_33 = arith.addf %log3A, %broadcast_in_dim3A_29 : vector<1024x1xf32>
    %sub3A_34 = vector.broadcast %add3A_33 : vector<1024x1xf32> to vector<1024x64xf32>
    %sub3A_35 = arith.subf %add3A_27, %sub3A_34 : vector<1024x64xf32>
    %swap3A = arith.constant 0 : index
    %swap3A_36 = arith.constant 0 : index
    %swap3A_37 = vector.load %arg6[%swap3A, %swap3A_36] : memref<1024x64xf32, #tpu.memory_space<vmem>>, vector<1024x64xf32>
    tpu.vector_store %arg6[%swap3A, %swap3A_36], %sub3A_35 {strides = array<i32>} : memref<1024x64xf32, #tpu.memory_space<vmem>>, vector<1024x64xf32>,
    return
  }
  func.func @transform_0(%arg0: i32) -> (i32, i32) {
    %c0_i32 = arith.constant 0 : i32
    %c0_i32_0 = arith.constant 0 : i32
    return %arg0, %c0_i32 : i32, i32
  }
  func.func @transform_1(%arg0: i32) -> (i32, i32) {
    %c0_i32 = arith.constant 0 : i32
    %c0_i32_0 = arith.constant 0 : i32
    return %c0_i32, %arg0 : i32, i32
  }
  func.func @transform_2(%arg0: i32) -> (i32, i32) {
    %c0_i32 = arith.constant 0 : i32
    %c0_i32_0 = arith.constant 0 : i32
    %c0_i32_1 = arith.constant 0 : i32
    return %c0_i32, %c0_i32_0 : i32, i32
  }
  func.func @transform_3(%arg0: i32) -> (i32, i32) {
    %c0_i32 = arith.constant 0 : i32
    %c0_i32_0 = arith.constant 0 : i32
    %c0_i32_1 = arith.constant 0 : i32
    return %c0_i32, %c0_i32_0 : i32, i32
  }
  func.func @transform_4(%arg0: i32) -> (i32, i32) {
    %c0_i32 = arith.constant 0 : i32
    %c0_i32_0 = arith.constant 0 : i32
    %c0_i32_1 = arith.constant 0 : i32
    return %c0_i32, %c0_i32_0 : i32, i32
  }
  func.func @transform_5(%arg0: i32) -> (i32, i32) {
    %c0_i32 = arith.constant 0 : i32
    %c0_i32_0 = arith.constant 0 : i32
    return %arg0, %c0_i32 : i32, i32
  }
}

</mosaic_0001>

<sc_bundles>
// kernel: kernel.12.cloned.1.call-start
scs
__scs_entry_jumppad:
0x0: {  	(pc) =	sbr.rel $0x88, $3  }
0x1: {  	(tag) =	ssettag $0x0;
	lr =	simm.s32 $0x1  }
0x2: {  	[smem:$0x3F95] =	sst lr;
	_ =	strace $0xD0000000  }
0x3: {  	_ = 	snop  }
0x4: {  	_ = 	snop  }
0x5: {  	_ = 	snop  }
0x6: {  	_ = 	snop  }
0x7: {  	_ = 	snop  }
__scs_overlays_trampoline_lowered:
0x8: {  	[smem:$0x3FA4] =	sst s0  }
0x9: {  	[smem:$0x3FA5] =	sst s1  }
0xa: {  	[smem:$0x3FA6] =	sst s2  }
0xb: {  	[smem:$0x3FA7] =	sst s3  }
0xc: {  	[smem:$0x3FA8] =	sst s4  }
0xd: {  	[smem:$0x3FA9] =	sst s5  }
0xe: {  	[smem:$0x3FAA] =	sst s6  }
0xf: {  	[smem:$0x3FAB] =	sst s7  }
0x10: {  	[smem:$0x3FAC] =	sst s8  }
0x11: {  	[smem:$0x3FAD] =	sst s9;
	s0 =	simm.s32 @!p0 $0x0  }
0x12: {  	s1 =	sld [smem:$0x3F93];
	s0 =	simm.s32 @p0 $0x1  }
0x13: {  	[smem:$0x3FAE] =	sst s0;
	s0 =	simm.s32 @!p1 $0x0  }
0x14: {  	s2 =	sld [smem:$0x3F92];
	s0 =	simm.s32 @p1 $0x1  }
0x15: {  	[smem:$0x3FAF] =	sst s0;
	s0 =	simm.s32 @!p2 $0x0  }
0x16: {  	s3 =	sld [smem:$0x3FDB];
	s0 =	simm.s32 @p2 $0x1  }
0x17: {  	s4 =	simm.s32 $0x1BF5;
	[smem:$0x3FB1] =	sst s0  }
0x18: {  	s0 =	sld [smem:$0x3F94];
	_ =	swait.ge [sflag:s4], $0x0  }
0x19: {  	s7 =	sld [smem:$0x3F95]  }
0x1a: {  	s8 =	sadd.s32 $0xFFFFE003, lr  }
0x1b: {  	s9 =	sadd.s32 $0xFFFFFEF7, lr;
	s5 =	simm.s32 $0xFFFFFFFF;
	p2 =	slt.u32 s8, $0xFFFFF086  }
0x1c: {  	p1 =	slt.u32 s9, $0xF7A;
	s5 =	simm.s32 @!p2 $0x0  }
0x1d: {  	s5 =	simm.s32 @p1 $0x1;
	p0 =	seq.s32 s7, s2  }
0x1e: {  	s7 =	smul.u32 @!p0 $0xF7A, s2;
	p2 =	seq.s32 @!p0 s5, $0x0  }
0x1f: {  	s9 =	smul.u32 $0xF7A, s1;
	s8 =	simm.s32 @!p0 $0x1BF5;
	p2 =	por !p2, p0  }
0x20: {  	[sflag:s8] =	ssyncset.s32 @!p0 $0xFFFFF086;
	s6 =	sadd.s32 @!p0 s3, s7;
	s7 =	simm.s32 @!p0 $0x108  }
0x21: {  	s3 =	sadd.s32 s3, s9;
	s6 =	sadd.s32 @!p0 $0x88, s6;
	s7 =	simm.s32 @p2 $0x1082  }
0x22: {  	[simem:s7], [sflag:s8] =	dma.local @!p0 [hbm:s6], $0xF7A  }
0x23: {  	s9 =	sor.u32 $0xD0000000, s2;
	s6 =	simm.s32 $0x108;
	_ =	swait.ge @!p0 [sflag:s8], $0x0  }
0x24: {  	s3 =	sadd.s32 $0x88, s3;
	s6 =	simm.s32 @!p1 $0x1082;
	[sflag:s4] =	ssyncset.s32 $0xFFFFF086  }
0x25: {  	[simem:s6], [sflag:s4] =	dma.local [hbm:s3], $0xF7A  }
0x26: {  	[smem:$0x3F95] =	sst s1;
	(tag) =	ssettag s2;
	_ =	strace s9  }
0x27: {  	s1 =	sld [smem:$0x3FA5]  }
0x28: {  	s2 =	sld [smem:$0x3FA6]  }
0x29: {  	s4 =	sld [smem:$0x3FA8]  }
0x2a: {  	p0 =	seq.s32 s5, $0x0;
	s5 =	sld [smem:$0x3FA9]  }
0x2b: {  	s6 =	sld [smem:$0x3FAA]  }
0x2c: {  	s7 =	sld [smem:$0x3FAB]  }
0x2d: {  	s3 =	simm.s32 $0x108;
	s8 =	sld [smem:$0x3FAC]  }
0x2e: {  	s3 =	simm.s32 @!p0 $0x1082;
	s9 =	sld [smem:$0x3FAD]  }
0x2f: {  	lr =	sadd.s32 s0, s3;
	s0 =	sld [smem:$0x3FA4]  }
0x30: {  	s3 =	sld [smem:$0x3FA7]  }
0x31: {  	[smem:$0x3FB0] =	sst s10  }
0x32: {  	s10 =	sld [smem:$0x3FAE];
	_ =	sdelay $0x3  }
0x33: {  	p0 =	seq.s32 s10, $0x1;
	s10 =	sld [smem:$0x3FB0];
	_ =	sdelay $0x3  }
0x34: {  	[smem:$0x3FB0] =	sst s10  }
0x35: {  	s10 =	sld [smem:$0x3FAF];
	_ =	sdelay $0x3  }
0x36: {  	p1 =	seq.s32 s10, $0x1;
	s10 =	sld [smem:$0x3FB0];
	_ =	sdelay $0x3  }
0x37: {  	[smem:$0x3FB0] =	sst s10  }
0x38: {  	s10 =	sld [smem:$0x3FB1]  }
0x39: {  	_ = 	snop;
	(pc) =	sbr.ind lr, $3  }
0x3a: {  	_ = 	snop  }
0x3b: {  	_ = 	snop  }
0x3c: {  	p2 =	seq.s32 s10, $0x1;
	s10 =	sld [smem:$0x3FB0]  }
0x3d: {  	_ =	shalt  }
0x3e: {  	_ =	shalt  }
0x3f: {  	_ =	shalt  }
0x40: {  	_ =	shalt  }
0x41: {  	_ =	shalt  }
0x42: {  	_ =	shalt  }
0x43: {  	_ =	shalt  }
0x44: {  	_ =	shalt  }
0x45: {  	_ =	shalt  }
0x46: {  	_ =	shalt  }
0x47: {  	_ =	shalt  }
0x48: {  	_ =	shalt  }
0x49: {  	_ =	shalt  }
0x4a: {  	_ =	shalt  }
0x4b: {  	_ =	shalt  }
0x4c: {  	_ =	shalt  }
0x4d: {  	_ =	shalt  }
0x4e: {  	_ =	shalt  }
0x4f: {  	_ =	shalt  }
0x50: {  	_ =	shalt  }
0x51: {  	_ =	shalt  }
0x52: {  	_ =	shalt  }
0x53: {  	_ =	shalt  }
0x54: {  	_ =	shalt  }
0x55: {  	_ =	shalt  }
0x56: {  	_ =	shalt  }
0x57: {  	_ =	shalt  }
0x58: {  	_ =	shalt  }
0x59: {  	_ =	shalt  }
0x5a: {  	_ =	shalt  }
0x5b: {  	_ =	shalt  }
0x5c: {  	_ =	shalt  }
0x5d: {  	_ =	shalt  }
0x5e: {  	_ =	shalt  }
0x5f: {  	_ =	shalt  }
0x60: {  	_ =	shalt  }
0x61: {  	_ =	shalt  }
0x62: {  	_ =	shalt  }
0x63: {  	_ =	shalt  }
0x64: {  	_ =	shalt  }
0x65: {  	_ =	shalt  }
0x66: {  	_ =	shalt  }
0x67: {  	_ =	shalt  }
0x68: {  	_ =	shalt  }
0x69: {  	_ =	shalt  }
0x6a: {  	_ =	shalt  }
0x6b: {  	_ =	shalt  }
0x6c: {  	_ =	shalt  }
0x6d: {  	_ =	shalt  }
0x6e: {  	_ =	shalt  }
0x6f: {  	_ =	shalt  }
0x70: {  	_ =	shalt  }
0x71: {  	_ =	shalt  }
0x72: {  	_ =	shalt  }
0x73: {  	_ =	shalt  }
0x74: {  	_ =	shalt  }
0x75: {  	_ =	shalt  }
0x76: {  	_ =	shalt  }
0x77: {  	_ =	shalt  }
0x78: {  	_ =	shalt  }
0x79: {  	_ =	shalt  }
0x7a: {  	_ =	shalt  }
0x7b: {  	_ =	shalt  }
0x7c: {  	_ =	shalt  }
0x7d: {  	_ =	shalt  }
0x7e: {  	_ =	shalt  }
0x7f: {  	_ =	shalt  }
0x80: {  	_ =	shalt  }
0x81: {  	_ =	shalt  }
0x82: {  	_ =	shalt  }
0x83: {  	_ =	shalt  }
0x84: {  	_ =	shalt  }
0x85: {  	_ =	shalt  }
0x86: {  	_ =	shalt  }
0x87: {  	_ =	shalt  }
.Lfunc_end0:
.L_simem_size_0:
called_computation.1_lowered:
.L_overlay_start_0:
0x88: {  	s2 =	sld [smem:$0x3FD9]  }
0x89: {  	s3 =	sld [smem:$0x3FFE];
	_ =	sdelay $0x1  }
0x8a: {  	s1 =	srdreg.scid  }
0x8b: {  	s0 =	sand.u32 $0x1, s1  }
0x8c: {  	s17 =	sshll.u32 s0, $0xA;
	s2 =	sadd.s32 s3, s2  }
0x8d: {  	s2 =	sadd.s32 s2, s17  }
0x8e: {  	[smem:$0x3FBC] =	sst s2  }
0x8f: {  	_ = 	snop  }
0x90: {  	s2 =	sld [smem:$0x3FD0];
	(tm) =	ssettm $0x1  }
0x91: {  	s18 =	sld [smem:$0x3FFB];
	_ =	sdelay $0x3  }
0x92: {  	_ =	strace s18  }
0x93: {  	s3 =	sld [smem:$0x3FFC];
	_ =	sdelay $0x3  }
0x94: {  	_ =	strace s3  }
0x95: {  	s3 =	sld [smem:$0x3FFD];
	_ =	sdelay $0x3  }
0x96: {  	_ =	strace s3  }
0x97: {  	_ =	strace $0x8FFFFFFF  }
0x98: {  	s19 =	sld [smem:$0x3FDB];
	_ =	sdelay $0x1  }
0x99: {  	s4 =	simm.s32 $_scs_section_size  }
0x9a: {  	s5 =	simm.s32 $_size__tile_overlayer_lowered;
	s6 =	simm.s32 $_tile_overlayer_lowered  }
0x9b: {  	s22 =	simm.s32 $0x1BFF;
	s21 =	sshll.u32 s6, $0x1;
	s3 =	sadd.s32 s4, s19  }
0x9c: {  	s7 =	simm.s32 $0x0;
	s20 =	sshll.u32 s5, $0x1;
	s5 =	sadd.s32 s21, s3  }
0x9d: {  	[timem:s7], [sflag:s22] =	dma.local [hbm:s5], s20  }
0x9e: {  	_ =	swait.ge [sflag:s22], s20  }
0x9f: {  	s4 =	ssub.s32 $0x0, s20;
	[sflag:s22] =	ssyncset.done $0x0  }
0xa0: {  	[sflag:s22] =	ssyncadd.s32 s4;
	_ =	sdelay $0x1  }
0xa1: {  	s23 =	simm.s32 $0x1B8B  }
0xa2: {  	_ =	swait.ge [sflag:s23], $0x1  }
0xa3: {  	[sflag:s23] =	ssyncset.done $0x0  }
0xa4: {  	s25 =	simm.s32 $0x1B8E;
	s24 =	sld [smem:$0x3FFE];
	[sflag:s23] =	ssyncadd.s32 $0xFFFFFFFF  }
0xa5: {  	s26 =	simm.s32 $execute0_lowered;
	[smem:$0x3FD2] =	sst s25  }
0xa6: {  	s5 =	sshll.u32 s26, $0x1;
	_ =	strace $0x80000049;
	[dreg:$0x1] =	wrdreg $0xFFFFFFFF  }
0xa7: {  	s28 =	simm.s32 $_size_execute0_lowered;
	s3 =	sadd.s32 s3, s5;
	[dreg:$0x0] =	wrdreg $0x0  }
0xa8: {  	s5 =	sshll.u32 s28, $0x1;
	[dreg:$0x2] =	wrdreg s3  }
0xa9: {  	[dreg:$0x3] =	wrdreg s5  }
0xaa: {  	[dreg:$0x4] =	wrdreg $0xC0  }
0xab: {  	_ =	task [dreg:s7], $0x5FFFF  }
0xac: {  	[dreg:$0x1] =	wrdreg $0xFFFFFFFF  }
0xad: {  	[dreg:$0x0] =	wrdreg $0x60  }
0xae: {  	[dreg:$0x2] =	wrdreg s24  }
0xaf: {  	[dreg:$0x3] =	wrdreg s2  }
0xb0: {  	[dreg:$0x4] =	wrdreg $0x11D000  }
0xb1: {  	[dreg:$0x5] =	wrdreg $0x9  }
0xb2: {  	_ =	task.clear_ibuf [dreg:s7], $0x6FFFF;
	_ =	strace $0x90000049  }
0xb3: {  	s29 =	simm.s32 $0x9;
	_ =	strace $0x8000004B  }
0xb4: {  	_ =	swait.ge [sflag:s29], $0x1  }
0xb5: {  	[sflag:s29] =	ssyncadd.s32 $0xFFFFFFFF  }
0xb6: {  	_ =	strace $0x9000004B  }
0xb7: {  	_ =	sfence  }
0xb8: {  	s30 =	sld [smem:$0x0];
	_ =	sdelay $0x2  }
0xb9: {  	s31 =	sshll.u32 s1, $0xD;
	s1 =	sshrl.u32 s1, $0x2  }
0xba: {  	s3 =	sand.u32 $0x4000, s31;
	s1 =	sadd.s32 s1, s30  }
0xbb: {  	s0 =	sor.u32 s3, s0;
	s1 =	sshll.u32 s1, $0x11  }
0xbc: {  	s0 =	sor.u32 s1, s0  }
0xbd: {  	s0 =	sadd.s32 $0x8F2B, s0  }
0xbe: {  	[sflag:s0] =	ssyncadd.remote.s32 $0x1  }
0xbf: {  	_ =	sfence.sel $0xFFFF  }
0xc0: {  	[dreg:$0x0] =	wrdreg $0xFFFFFFFF;
	(pc) =	sbr.abs _section_cstart, $3  }
0xc1: {  	[dreg:$0x1] =	wrdreg $0xFFFFFFFF  }
0xc2: {  	_ =	task.clear_ibuf [dreg:s7], $0x2FFFF;
	_ =	strace $0x9FFFFFFF  }
0xc3: {  	(tm) =	ssettm $0x7FFFFFFF  }
tec
execute0_lowered:
.L_overlay_start_1:
0x0: {  	(tag) =	ssettag $0x1  }
0x1: {  	s0 =	rddreg [dreg:$0x0]  }
0x2: {  	s1 =	rddreg [dreg:$0x1]  }
0x3: {  	s2 =	rddreg [dreg:$0x2]  }
0x4: {  	s4 =	srdreg.scid;
	s15 =	stileid.u32  }
0x5: {  	s3 =	simm.s32 $0x0;
	s18 =	simm.s32 $0x80;
	s19 =	simm.s32 $0x9D00  }
0x6: {  	s28 =	simm.s32 $0x2;
	s29 =	simm.s32 $0x3;
	s20 =	smul.u32 $0x14000, s15  }
0x7: {  	s30 =	simm.s32 $0x4;
	s10 =	sand.u32 $0x1, s4;
	s7 =	smul.u32 $0x4E00, s15  }
0x8: {  	[smem:$0x7FF] =	sst s3;
	s4 =	sadd.s32 $0x17000, s0;
	s11 =	smul.u32 $0xA000, s15  }
0x9: {  	s22 =	sshll.u32 s15, $0x4;
	s14 =	smul.u32 $0x28000, s15;
	p1 =	sgt.u32 s15, $0x3  }
0xa: {  	s31 =	sshll.u32 s15, $0x6;
	p2 =	slt.u32 s15, $0x4;
	s15 =	simm.s32 $0x9C00  }
0xb: {  	s5 =	sshll.u32 s10, $0x6;
	_ =	strace $0x8000004A;
	s8 =	ssub.s32 $0x2, s10  }
0xc: {  	p0 =	seq.s32 s10, $0x1;
	s16 =	sor.u32 $0x1C05, s31;
	s10 =	simm.s32 $0x10  }
0xd: {  	s5 =	sor.u32 s5, s20;
	s9 =	sshrl.u32 s8, $0x1;
	s21 =	sshrl.u32 s7, $0x3  }
0xe: {  	s23 =	sshrl.u32 s11, $0x3;
	s24 =	sadd.s32 s11, s2;
	s26 =	sshrl.u32 s14, $0x2  }
0xf: {  	s14 =	simm.s32 $0x5;
	s20 =	simm.s32 $0xBD00;
	s11 =	simm.s32 $0x8  }
0x10: {  	s6 =	sshrl.u32 s5, $0x3;
	s5 =	sadd.s32 $0x3000, s0;
	s13 =	ssub.s32 s8, s9  }
0x11: {  	s25 =	sadd.s32 s4, s23;
	s17 =	sshrl.u32 s24, $0x3;
	s24 =	simm.s32 $0xFD00  }
0x12: {  	s0 =	sadd.s32 s6, s0;
	s6 =	sadd.s32 s1, s21;
	s1 =	sadd.s32 s22, s1  }
.Ltmp0:
0x13: {  	[dreg:$0x4] =	wrdreg s25;
	s13 =	smax.u32 s13, $0x1;
	(pc) =	sbr.rel .LBB2_1-.Ltmp0, $4  }
0x14: {  	s22 =	simm.s32 $0xDD00;
	s21 =	simm.s32 $0x0;
	s7 =	sadd.s32 $0x9C40, s6  }
0x15: {  	s8 =	sadd.s32 $0x9C00, s1;
	s9 =	sadd.s32 $0x13840, s1;
	s1 =	sadd.s32 s5, s23  }
0x16: {  	s12 =	sadd.s32 $0x2B000, s0;
	s0 =	sadd.s32 s26, s2;
	s26 =	simm.s32 $0x1  }
0x17: {  	[dreg:$0x5] =	wrdreg s1;
	s25 =	sshrl.u32 s0, $0x3;
	s1 =	simm.s32 $0x9B80  }
.LBB2_8:
0x18: {  	s0 =	simm.s32 $0x4E00  }
0x19: {  	[tilespmem:s19], [sflag:$0x1] =	stream.indirect.gather [hbm4b:s23+s18], $0x40, s0, s18, $0xb8;
	[tilespmem:$0x1BD00] =	vst v63  }
0x1a: {  	_ =	swait.ge [sflag:s26], $0x2000  }
0x1b: {  	[sflag:s26] =	ssyncset.done $0x0  }
0x1c: {  	s31 =	simm.s32 $0x9C80;
	[sflag:s26] =	ssyncadd.s32 $0xFFFFE000  }
0x1d: {  	[spmem:s2] =	stream.indirect.scatter.add.f32 [tilespmem:s19], [sflag:$0x5], $0x40, s31, s18, $0xb8;
	[tilespmem:$0x1BD00] =	vst v63  }
0x1e: {  	_ =	swait.ge [sflag:s14], $0x2000  }
0x1f: {  	[sflag:s14] =	ssyncset.done $0x0  }
0x20: {  	[sflag:s14] =	ssyncadd.s32 $0xFFFFE000  }
.LBB2_9:
0x21: {  	s21 =	sadd.s32 $0x1, s21  }
0x22: {  	p3 =	sne.s32 s21, s13  }
.Ltmp1:
0x23: {  	[bflag:$0x0] =	sbarrier.arrive $0xFFFF;
	(pc) =	sbr.rel @!p3 .LBB2_10-.Ltmp1, $4  }
0x24: {  	[hbm:s12@s10], [sflag:s16] =	dma.strided [spmem:s25@s11], $0x1400, s26, $0x8   }
0x25: {  	_ =	swait.ge [sflag:s14], $0x1400  }
0x26: {  	[sflag:s14] =	ssyncset.done $0x0  }
0x27: {  	[sflag:s14] =	ssyncadd.s32 $0xFFFFEC00  }
.LBB2_1:
0x28: {  	[tilespmem:s3], [sflag:$0x5] =	stream.linear.gather [hbm4b:s6+s3], $0x4E00, $0x38;
	[tilespmem:$0x1BD00] =	vst v63  }
0x29: {  	_ =	swait.ge [sflag:s14], $0x4E00  }
0x2a: {  	[sflag:s14] =	ssyncset.done $0x0  }
0x2b: {  	s0 =	simm.s32 $0x4E80;
	[sflag:s14] =	ssyncadd.s32 $0xFFFFB200  }
0x2c: {  	[tilespmem:s0], [sflag:$0x5] =	stream.linear.gather [hbm4b:s7+s3], $0x4E00, $0x38;
	[tilespmem:$0x1BD00] =	vst v63  }
0x2d: {  	_ =	swait.ge [sflag:s14], $0x4E00  }
0x2e: {  	[sflag:s14] =	ssyncset.done $0x0  }
0x2f: {  	s23 =	simm.s32 @!p1 $0x0;
	s31 =	simm.s32 @!p1 $0x4E00;
	[sflag:s14] =	ssyncadd.s32 $0xFFFFB200  }
0x30: {  	[tilespmem:s31], [sflag:$0x5] =	stream.linear.gather @!p1 [hbm4b:s8+s23], $0x80, $0x38;
	[tilespmem:$0x1BD00] =	vst v63  }
0x31: {  	s31 =	simm.s32 @!p1 $0x5  }
0x32: {  	_ =	swait.ge @!p1 [sflag:s31], $0x80  }
0x33: {  	[sflag:s31] =	ssyncset.done @!p1 $0x0  }
.Ltmp2:
0x34: {  	s0 =	simm.s32 @!p1 $0x9C80;
	[sflag:s31] =	ssyncadd.s32 @!p1 $0xFFFFFF80;
	(pc) =	sbr.rel @!p0 .LBB2_2-.Ltmp2, $4  }
0x35: {  	[tilespmem:s0], [sflag:$0x5] =	stream.linear.gather @!p1 [hbm4b:s9+s23], $0x80, $0x38;
	[tilespmem:$0x1BD00] =	vst v63  }
0x36: {  	_ =	swait.ge @!p1 [sflag:s31], $0x80  }
0x37: {  	[sflag:s31] =	ssyncset.done @!p1 $0x0  }
0x38: {  	[sflag:s31] =	ssyncadd.s32 @!p1 $0xFFFFFF80  }
0x39: {  	s0 =	rddreg [dreg:$0x5]  }
0x3a: {  	[spmem:s17], [sflag:s16] =	dma.local [hbm:s0], $0x1400  }
0x3b: {  	_ =	swait.ge [sflag:s14], $0x1400  }
0x3c: {  	[sflag:s14] =	ssyncset.done $0x0  }
0x3d: {  	[sflag:s14] =	ssyncadd.s32 $0xFFFFEC00  }
0x3e: {  	s23 =	simm.s32 $0x0;
	[bflag:$0x0] =	sbarrier.arrive $0xFFFF  }
0x3f: {  	[tilespmem:s19], [sflag:$0x1] =	stream.indirect.gather [hbm4b:s5+s18], $0x40, s23, s18, $0xb8;
	[tilespmem:$0x1BD00] =	vst v63  }
0x40: {  	_ = 	snop  }
0x41: {  	[tilespmem:s20], [sflag:$0x2] =	stream.indirect.gather [hbm4b:s5+s18], $0x40, s18, s18, $0xb8;
	[tilespmem:$0x1BD00] =	vst v63  }
0x42: {  	s23 =	simm.s32 $0x100  }
0x43: {  	[tilespmem:s22], [sflag:$0x3] =	stream.indirect.gather [hbm4b:s5+s18], $0x40, s23, s18, $0xb8;
	[tilespmem:$0x1BD00] =	vst v63  }
0x44: {  	s23 =	simm.s32 $0x180  }
0x45: {  	[tilespmem:s24], [sflag:$0x4] =	stream.indirect.gather [hbm4b:s5+s18], $0x40, s23, s18, $0xb8;
	[tilespmem:$0x1BD00] =	vst v63  }
0x46: {  	_ =	swait.ge [sflag:s26], $0x2000  }
0x47: {  	[sflag:s26] =	ssyncset.done $0x0  }
0x48: {  	s23 =	simm.s32 $0x4E80;
	[sflag:s26] =	ssyncadd.s32 $0xFFFFE000  }
0x49: {  	[spmem:s2] =	stream.indirect.scatter.add.f32 [tilespmem:s19], [sflag:$0x5], $0x40, s23, s18, $0xb8;
	[tilespmem:$0x1BD00] =	vst v63  }
0x4a: {  	_ =	swait.ge [sflag:s14], $0x2000  }
0x4b: {  	[sflag:s14] =	ssyncset.done $0x0  }
0x4c: {  	s23 =	simm.s32 $0x200;
	[sflag:s14] =	ssyncadd.s32 $0xFFFFE000  }
0x4d: {  	[tilespmem:s19], [sflag:$0x1] =	stream.indirect.gather [hbm4b:s5+s18], $0x40, s23, s18, $0xb8;
	[tilespmem:$0x1BD00] =	vst v63  }
0x4e: {  	_ =	swait.ge [sflag:s28], $0x2000  }
0x4f: {  	[sflag:s28] =	ssyncset.done $0x0  }
0x50: {  	s23 =	simm.s32 $0x4F00;
	[sflag:s28] =	ssyncadd.s32 $0xFFFFE000  }
0x51: {  	[spmem:s2] =	stream.indirect.scatter.add.f32 [tilespmem:s20], [sflag:$0x5], $0x40, s23, s18, $0xb8;
	[tilespmem:$0x1BD00] =	vst v63  }
0x52: {  	_ =	swait.ge [sflag:s14], $0x2000  }
0x53: {  	[sflag:s14] =	ssyncset.done $0x0  }
0x54: {  	s23 =	simm.s32 $0x280;
	[sflag:s14] =	ssyncadd.s32 $0xFFFFE000  }
0x55: {  	[tilespmem:s20], [sflag:$0x2] =	stream.indirect.gather [hbm4b:s5+s18], $0x40, s23, s18, $0xb8;
	[tilespmem:$0x1BD00] =	vst v63  }
0x56: {  	_ =	swait.ge [sflag:s29], $0x2000  }
0x57: {  	[sflag:s29] =	ssyncset.done $0x0  }
0x58: {  	s23 =	simm.s32 $0x4F80;
	[sflag:s29] =	ssyncadd.s32 $0xFFFFE000  }
0x59: {  	[spmem:s2] =	stream.indirect.scatter.add.f32 [tilespmem:s22], [sflag:$0x5], $0x40, s23, s18, $0xb8;
	[tilespmem:$0x1BD00] =	vst v63  }
0x5a: {  	_ =	swait.ge [sflag:s14], $0x2000  }
0x5b: {  	[sflag:s14] =	ssyncset.done $0x0  }
0x5c: {  	s23 =	simm.s32 $0x300;
	[sflag:s14] =	ssyncadd.s32 $0xFFFFE000  }
0x5d: {  	[tilespmem:s22], [sflag:$0x3] =	stream.indirect.gather [hbm4b:s5+s18], $0x40, s23, s18, $0xb8;
	[tilespmem:$0x1BD00] =	vst v63  }
0x5e: {  	_ =	swait.ge [sflag:s30], $0x2000  }
0x5f: {  	[sflag:s30] =	ssyncset.done $0x0  }
0x60: {  	s23 =	simm.s32 $0x5000;
	[sflag:s30] =	ssyncadd.s32 $0xFFFFE000  }
0x61: {  	[spmem:s2] =	stream.indirect.scatter.add.f32 [tilespmem:s24], [sflag:$0x5], $0x40, s23, s18, $0xb8;
	[tilespmem:$0x1BD00] =	vst v63  }
0x62: {  	_ =	swait.ge [sflag:s14], $0x2000  }
0x63: {  	[sflag:s14] =	ssyncset.done $0x0  }
0x64: {  	s31 =	simm.s32 $0x380;
	s23 =	simm.s32 $0x800;
	[sflag:s14] =	ssyncadd.s32 $0xFFFFE000  }
.LBB2_6:
0x65: {  	[tilespmem:s24], [sflag:$0x4] =	stream.indirect.gather [hbm4b:s5+s18], $0x40, s31, s18, $0xb8;
	[tilespmem:$0x1BD00] =	vst v63  }
0x66: {  	s0 =	smov.u32 s23  }
0x67: {  	p3 =	sne.s32 s23, $0x12800;
	s23 =	sadd.s32 $0x800, s23;
	_ =	swait.ge [sflag:s26], $0x2000  }
0x68: {  	s31 =	sshra.s32 s0, $0x2;
	[sflag:s26] =	ssyncset.done $0x0  }
0x69: {  	s0 =	sadd.s32 $0x4E80, s31;
	[sflag:s26] =	ssyncadd.s32 $0xFFFFE000  }
0x6a: {  	[spmem:s2] =	stream.indirect.scatter.add.f32 [tilespmem:s19], [sflag:$0x5], $0x40, s0, s18, $0xb8;
	[tilespmem:$0x1BD00] =	vst v63  }
0x6b: {  	_ =	swait.ge [sflag:s14], $0x2000  }
0x6c: {  	[sflag:s14] =	ssyncset.done $0x0  }
0x6d: {  	s0 =	sadd.s32 $0x200, s31;
	[sflag:s14] =	ssyncadd.s32 $0xFFFFE000  }
0x6e: {  	[tilespmem:s19], [sflag:$0x1] =	stream.indirect.gather [hbm4b:s5+s18], $0x40, s0, s18, $0xb8;
	[tilespmem:$0x1BD00] =	vst v63  }
0x6f: {  	_ =	swait.ge [sflag:s28], $0x2000  }
0x70: {  	[sflag:s28] =	ssyncset.done $0x0  }
0x71: {  	s0 =	sadd.s32 $0x4F00, s31;
	[sflag:s28] =	ssyncadd.s32 $0xFFFFE000  }
0x72: {  	[spmem:s2] =	stream.indirect.scatter.add.f32 [tilespmem:s20], [sflag:$0x5], $0x40, s0, s18, $0xb8;
	[tilespmem:$0x1BD00] =	vst v63  }
0x73: {  	_ =	swait.ge [sflag:s14], $0x2000  }
0x74: {  	[sflag:s14] =	ssyncset.done $0x0  }
0x75: {  	s0 =	sadd.s32 $0x280, s31;
	[sflag:s14] =	ssyncadd.s32 $0xFFFFE000  }
0x76: {  	[tilespmem:s20], [sflag:$0x2] =	stream.indirect.gather [hbm4b:s5+s18], $0x40, s0, s18, $0xb8;
	[tilespmem:$0x1BD00] =	vst v63  }
0x77: {  	_ =	swait.ge [sflag:s29], $0x2000  }
0x78: {  	[sflag:s29] =	ssyncset.done $0x0  }
0x79: {  	s0 =	sadd.s32 $0x4F80, s31;
	[sflag:s29] =	ssyncadd.s32 $0xFFFFE000  }
0x7a: {  	[spmem:s2] =	stream.indirect.scatter.add.f32 [tilespmem:s22], [sflag:$0x5], $0x40, s0, s18, $0xb8;
	[tilespmem:$0x1BD00] =	vst v63  }
0x7b: {  	_ =	swait.ge [sflag:s14], $0x2000  }
0x7c: {  	[sflag:s14] =	ssyncset.done $0x0  }
0x7d: {  	s0 =	sadd.s32 $0x300, s31;
	[sflag:s14] =	ssyncadd.s32 $0xFFFFE000  }
0x7e: {  	[tilespmem:s22], [sflag:$0x3] =	stream.indirect.gather [hbm4b:s5+s18], $0x40, s0, s18, $0xb8;
	[tilespmem:$0x1BD00] =	vst v63  }
0x7f: {  	_ =	swait.ge [sflag:s30], $0x2000  }
0x80: {  	[sflag:s30] =	ssyncset.done $0x0  }
.Ltmp3:
0x81: {  	s0 =	sadd.s32 $0x5000, s31;
	[sflag:s30] =	ssyncadd.s32 $0xFFFFE000;
	(pc) =	sbr.rel @p3 .LBB2_6-.Ltmp3, $4  }
0x82: {  	[spmem:s2] =	stream.indirect.scatter.add.f32 [tilespmem:s24], [sflag:$0x5], $0x40, s0, s18, $0xb8;
	[tilespmem:$0x1BD00] =	vst v63  }
0x83: {  	_ =	swait.ge [sflag:s14], $0x2000  }
0x84: {  	[sflag:s14] =	ssyncset.done $0x0  }
0x85: {  	s31 =	sadd.s32 $0x380, s31;
	[sflag:s14] =	ssyncadd.s32 $0xFFFFE000  }
0x86: {  	[tilespmem:s24], [sflag:$0x4] =	stream.indirect.gather [hbm4b:s5+s18], $0x40, s31, s18, $0xb8;
	[tilespmem:$0x1BD00] =	vst v63  }
0x87: {  	_ =	swait.ge [sflag:s26], $0x2000  }
0x88: {  	[sflag:s26] =	ssyncset.done $0x0  }
0x89: {  	s0 =	simm.s32 $0x9A80;
	[sflag:s26] =	ssyncadd.s32 $0xFFFFE000  }
0x8a: {  	[spmem:s2] =	stream.indirect.scatter.add.f32 [tilespmem:s19], [sflag:$0x5], $0x40, s0, s18, $0xb8;
	[tilespmem:$0x1BD00] =	vst v63  }
0x8b: {  	_ =	swait.ge [sflag:s14], $0x2000  }
0x8c: {  	[sflag:s14] =	ssyncset.done $0x0  }
0x8d: {  	[sflag:s14] =	ssyncadd.s32 $0xFFFFE000  }
0x8e: {  	_ =	swait.ge [sflag:s28], $0x2000  }
0x8f: {  	[sflag:s28] =	ssyncset.done $0x0  }
0x90: {  	s31 =	simm.s32 $0x9B00;
	[sflag:s28] =	ssyncadd.s32 $0xFFFFE000  }
0x91: {  	[spmem:s2] =	stream.indirect.scatter.add.f32 [tilespmem:s20], [sflag:$0x5], $0x40, s31, s18, $0xb8;
	[tilespmem:$0x1BD00] =	vst v63  }
0x92: {  	_ =	swait.ge [sflag:s14], $0x2000  }
0x93: {  	[sflag:s14] =	ssyncset.done $0x0  }
0x94: {  	[sflag:s14] =	ssyncadd.s32 $0xFFFFE000  }
0x95: {  	_ =	swait.ge [sflag:s29], $0x2000  }
0x96: {  	[sflag:s29] =	ssyncset.done $0x0  }
0x97: {  	[sflag:s29] =	ssyncadd.s32 $0xFFFFE000  }
0x98: {  	[spmem:s2] =	stream.indirect.scatter.add.f32 [tilespmem:s22], [sflag:$0x5], $0x40, s1, s18, $0xb8;
	[tilespmem:$0x1BD00] =	vst v63  }
0x99: {  	_ =	swait.ge [sflag:s14], $0x2000  }
0x9a: {  	[sflag:s14] =	ssyncset.done $0x0  }
0x9b: {  	[sflag:s14] =	ssyncadd.s32 $0xFFFFE000  }
0x9c: {  	_ =	swait.ge [sflag:s30], $0x2000  }
0x9d: {  	[sflag:s30] =	ssyncset.done $0x0  }
0x9e: {  	[sflag:s30] =	ssyncadd.s32 $0xFFFFE000  }
0x9f: {  	[spmem:s2] =	stream.indirect.scatter.add.f32 [tilespmem:s24], [sflag:$0x5], $0x40, s15, s18, $0xb8;
	[tilespmem:$0x1BD00] =	vst v63  }
.Ltmp4:
0xa0: {  	_ = 	snop;
	(pc) =	sbr.rel @p1 .LBB2_9-.Ltmp4, $4  }
.Ltmp5:
0xa1: {  	_ = 	snop;
	(pc) =	sbr.rel @!p1 .LBB2_8-.Ltmp5, $4  }
0xa2: {  	_ =	swait.ge [sflag:s14], $0x2000  }
0xa3: {  	[sflag:s14] =	ssyncset.done $0x0  }
0xa4: {  	s23 =	smov.u32 s5;
	[sflag:s14] =	ssyncadd.s32 $0xFFFFE000  }
0xa5: {  	_ = 	snop  }
.LBB2_2:
0xa6: {  	s0 =	rddreg [dreg:$0x4]  }
0xa7: {  	[spmem:s17], [sflag:s16] =	dma.local [hbm:s0], $0x1400  }
0xa8: {  	_ =	swait.ge [sflag:s14], $0x1400  }
0xa9: {  	[sflag:s14] =	ssyncset.done $0x0  }
0xaa: {  	[sflag:s14] =	ssyncadd.s32 $0xFFFFEC00  }
0xab: {  	s23 =	simm.s32 $0x0;
	[bflag:$0x0] =	sbarrier.arrive $0xFFFF  }
0xac: {  	[tilespmem:s19], [sflag:$0x1] =	stream.indirect.gather [hbm4b:s4+s18], $0x40, s23, s18, $0xb8;
	[tilespmem:$0x1BD00] =	vst v63  }
0xad: {  	_ = 	snop  }
0xae: {  	[tilespmem:s20], [sflag:$0x2] =	stream.indirect.gather [hbm4b:s4+s18], $0x40, s18, s18, $0xb8;
	[tilespmem:$0x1BD00] =	vst v63  }
0xaf: {  	s23 =	simm.s32 $0x100  }
0xb0: {  	[tilespmem:s22], [sflag:$0x3] =	stream.indirect.gather [hbm4b:s4+s18], $0x40, s23, s18, $0xb8;
	[tilespmem:$0x1BD00] =	vst v63  }
0xb1: {  	s23 =	simm.s32 $0x180  }
0xb2: {  	[tilespmem:s24], [sflag:$0x4] =	stream.indirect.gather [hbm4b:s4+s18], $0x40, s23, s18, $0xb8;
	[tilespmem:$0x1BD00] =	vst v63  }
0xb3: {  	_ =	swait.ge [sflag:s26], $0x2000  }
0xb4: {  	[sflag:s26] =	ssyncset.done $0x0  }
0xb5: {  	s23 =	simm.s32 $0x4E80;
	[sflag:s26] =	ssyncadd.s32 $0xFFFFE000  }
0xb6: {  	[spmem:s2] =	stream.indirect.scatter.add.f32 [tilespmem:s19], [sflag:$0x5], $0x40, s23, s18, $0xb8;
	[tilespmem:$0x1BD00] =	vst v63  }
0xb7: {  	_ =	swait.ge [sflag:s14], $0x2000  }
0xb8: {  	[sflag:s14] =	ssyncset.done $0x0  }
0xb9: {  	s23 =	simm.s32 $0x200;
	[sflag:s14] =	ssyncadd.s32 $0xFFFFE000  }
0xba: {  	[tilespmem:s19], [sflag:$0x1] =	stream.indirect.gather [hbm4b:s4+s18], $0x40, s23, s18, $0xb8;
	[tilespmem:$0x1BD00] =	vst v63  }
0xbb: {  	_ =	swait.ge [sflag:s28], $0x2000  }
0xbc: {  	[sflag:s28] =	ssyncset.done $0x0  }
0xbd: {  	s23 =	simm.s32 $0x4F00;
	[sflag:s28] =	ssyncadd.s32 $0xFFFFE000  }
0xbe: {  	[spmem:s2] =	stream.indirect.scatter.add.f32 [tilespmem:s20], [sflag:$0x5], $0x40, s23, s18, $0xb8;
	[tilespmem:$0x1BD00] =	vst v63  }
0xbf: {  	_ =	swait.ge [sflag:s14], $0x2000  }
0xc0: {  	[sflag:s14] =	ssyncset.done $0x0  }
0xc1: {  	s23 =	simm.s32 $0x280;
	[sflag:s14] =	ssyncadd.s32 $0xFFFFE000  }
0xc2: {  	[tilespmem:s20], [sflag:$0x2] =	stream.indirect.gather [hbm4b:s4+s18], $0x40, s23, s18, $0xb8;
	[tilespmem:$0x1BD00] =	vst v63  }
0xc3: {  	_ =	swait.ge [sflag:s29], $0x2000  }
0xc4: {  	[sflag:s29] =	ssyncset.done $0x0  }
0xc5: {  	s23 =	simm.s32 $0x4F80;
	[sflag:s29] =	ssyncadd.s32 $0xFFFFE000  }
0xc6: {  	[spmem:s2] =	stream.indirect.scatter.add.f32 [tilespmem:s22], [sflag:$0x5], $0x40, s23, s18, $0xb8;
	[tilespmem:$0x1BD00] =	vst v63  }
0xc7: {  	_ =	swait.ge [sflag:s14], $0x2000  }
0xc8: {  	[sflag:s14] =	ssyncset.done $0x0  }
0xc9: {  	s23 =	simm.s32 $0x300;
	[sflag:s14] =	ssyncadd.s32 $0xFFFFE000  }
0xca: {  	[tilespmem:s22], [sflag:$0x3] =	stream.indirect.gather [hbm4b:s4+s18], $0x40, s23, s18, $0xb8;
	[tilespmem:$0x1BD00] =	vst v63  }
0xcb: {  	_ =	swait.ge [sflag:s30], $0x2000  }
0xcc: {  	[sflag:s30] =	ssyncset.done $0x0  }
0xcd: {  	s23 =	simm.s32 $0x5000;
	[sflag:s30] =	ssyncadd.s32 $0xFFFFE000  }
0xce: {  	[spmem:s2] =	stream.indirect.scatter.add.f32 [tilespmem:s24], [sflag:$0x5], $0x40, s23, s18, $0xb8;
	[tilespmem:$0x1BD00] =	vst v63  }
0xcf: {  	_ =	swait.ge [sflag:s14], $0x2000  }
0xd0: {  	[sflag:s14] =	ssyncset.done $0x0  }
0xd1: {  	s31 =	simm.s32 $0x380;
	s23 =	simm.s32 $0x800;
	[sflag:s14] =	ssyncadd.s32 $0xFFFFE000  }
.LBB2_3:
0xd2: {  	[tilespmem:s24], [sflag:$0x4] =	stream.indirect.gather [hbm4b:s4+s18], $0x40, s31, s18, $0xb8;
	[tilespmem:$0x1BD00] =	vst v63  }
0xd3: {  	s0 =	smov.u32 s23  }
0xd4: {  	p3 =	sne.s32 s23, $0x12800;
	s23 =	sadd.s32 $0x800, s23;
	_ =	swait.ge [sflag:s26], $0x2000  }
0xd5: {  	s31 =	sshra.s32 s0, $0x2;
	[sflag:s26] =	ssyncset.done $0x0  }
0xd6: {  	s0 =	sadd.s32 $0x4E80, s31;
	[sflag:s26] =	ssyncadd.s32 $0xFFFFE000  }
0xd7: {  	[spmem:s2] =	stream.indirect.scatter.add.f32 [tilespmem:s19], [sflag:$0x5], $0x40, s0, s18, $0xb8;
	[tilespmem:$0x1BD00] =	vst v63  }
0xd8: {  	_ =	swait.ge [sflag:s14], $0x2000  }
0xd9: {  	[sflag:s14] =	ssyncset.done $0x0  }
0xda: {  	s0 =	sadd.s32 $0x200, s31;
	[sflag:s14] =	ssyncadd.s32 $0xFFFFE000  }
0xdb: {  	[tilespmem:s19], [sflag:$0x1] =	stream.indirect.gather [hbm4b:s4+s18], $0x40, s0, s18, $0xb8;
	[tilespmem:$0x1BD00] =	vst v63  }
0xdc: {  	_ =	swait.ge [sflag:s28], $0x2000  }
0xdd: {  	[sflag:s28] =	ssyncset.done $0x0  }
0xde: {  	s0 =	sadd.s32 $0x4F00, s31;
	[sflag:s28] =	ssyncadd.s32 $0xFFFFE000  }
0xdf: {  	[spmem:s2] =	stream.indirect.scatter.add.f32 [tilespmem:s20], [sflag:$0x5], $0x40, s0, s18, $0xb8;
	[tilespmem:$0x1BD00] =	vst v63  }
0xe0: {  	_ =	swait.ge [sflag:s14], $0x2000  }
0xe1: {  	[sflag:s14] =	ssyncset.done $0x0  }
0xe2: {  	s0 =	sadd.s32 $0x280, s31;
	[sflag:s14] =	ssyncadd.s32 $0xFFFFE000  }
0xe3: {  	[tilespmem:s20], [sflag:$0x2] =	stream.indirect.gather [hbm4b:s4+s18], $0x40, s0, s18, $0xb8;
	[tilespmem:$0x1BD00] =	vst v63  }
0xe4: {  	_ =	swait.ge [sflag:s29], $0x2000  }
0xe5: {  	[sflag:s29] =	ssyncset.done $0x0  }
0xe6: {  	s0 =	sadd.s32 $0x4F80, s31;
	[sflag:s29] =	ssyncadd.s32 $0xFFFFE000  }
0xe7: {  	[spmem:s2] =	stream.indirect.scatter.add.f32 [tilespmem:s22], [sflag:$0x5], $0x40, s0, s18, $0xb8;
	[tilespmem:$0x1BD00] =	vst v63  }
0xe8: {  	_ =	swait.ge [sflag:s14], $0x2000  }
0xe9: {  	[sflag:s14] =	ssyncset.done $0x0  }
0xea: {  	s0 =	sadd.s32 $0x300, s31;
	[sflag:s14] =	ssyncadd.s32 $0xFFFFE000  }
0xeb: {  	[tilespmem:s22], [sflag:$0x3] =	stream.indirect.gather [hbm4b:s4+s18], $0x40, s0, s18, $0xb8;
	[tilespmem:$0x1BD00] =	vst v63  }
0xec: {  	_ =	swait.ge [sflag:s30], $0x2000  }
0xed: {  	[sflag:s30] =	ssyncset.done $0x0  }
.Ltmp6:
0xee: {  	s0 =	sadd.s32 $0x5000, s31;
	[sflag:s30] =	ssyncadd.s32 $0xFFFFE000;
	(pc) =	sbr.rel @p3 .LBB2_3-.Ltmp6, $4  }
0xef: {  	[spmem:s2] =	stream.indirect.scatter.add.f32 [tilespmem:s24], [sflag:$0x5], $0x40, s0, s18, $0xb8;
	[tilespmem:$0x1BD00] =	vst v63  }
0xf0: {  	_ =	swait.ge [sflag:s14], $0x2000  }
0xf1: {  	[sflag:s14] =	ssyncset.done $0x0  }
0xf2: {  	s31 =	sadd.s32 $0x380, s31;
	[sflag:s14] =	ssyncadd.s32 $0xFFFFE000  }
0xf3: {  	[tilespmem:s24], [sflag:$0x4] =	stream.indirect.gather [hbm4b:s4+s18], $0x40, s31, s18, $0xb8;
	[tilespmem:$0x1BD00] =	vst v63  }
0xf4: {  	_ =	swait.ge [sflag:s26], $0x2000  }
0xf5: {  	[sflag:s26] =	ssyncset.done $0x0  }
0xf6: {  	s0 =	simm.s32 $0x9A80;
	[sflag:s26] =	ssyncadd.s32 $0xFFFFE000  }
0xf7: {  	[spmem:s2] =	stream.indirect.scatter.add.f32 [tilespmem:s19], [sflag:$0x5], $0x40, s0, s18, $0xb8;
	[tilespmem:$0x1BD00] =	vst v63  }
0xf8: {  	_ =	swait.ge [sflag:s14], $0x2000  }
0xf9: {  	[sflag:s14] =	ssyncset.done $0x0  }
0xfa: {  	[sflag:s14] =	ssyncadd.s32 $0xFFFFE000  }
0xfb: {  	_ =	swait.ge [sflag:s28], $0x2000  }
0xfc: {  	[sflag:s28] =	ssyncset.done $0x0  }
0xfd: {  	s31 =	simm.s32 $0x9B00;
	[sflag:s28] =	ssyncadd.s32 $0xFFFFE000  }
0xfe: {  	[spmem:s2] =	stream.indirect.scatter.add.f32 [tilespmem:s20], [sflag:$0x5], $0x40, s31, s18, $0xb8;
	[tilespmem:$0x1BD00] =	vst v63  }
0xff: {  	_ =	swait.ge [sflag:s14], $0x2000  }
0x100: {  	[sflag:s14] =	ssyncset.done $0x0  }
0x101: {  	[sflag:s14] =	ssyncadd.s32 $0xFFFFE000  }
0x102: {  	_ =	swait.ge [sflag:s29], $0x2000  }
0x103: {  	[sflag:s29] =	ssyncset.done $0x0  }
0x104: {  	[sflag:s29] =	ssyncadd.s32 $0xFFFFE000  }
0x105: {  	[spmem:s2] =	stream.indirect.scatter.add.f32 [tilespmem:s22], [sflag:$0x5], $0x40, s1, s18, $0xb8;
	[tilespmem:$0x1BD00] =	vst v63  }
0x106: {  	_ =	swait.ge [sflag:s14], $0x2000  }
0x107: {  	[sflag:s14] =	ssyncset.done $0x0  }
0x108: {  	[sflag:s14] =	ssyncadd.s32 $0xFFFFE000  }
0x109: {  	_ =	swait.ge [sflag:s30], $0x2000  }
0x10a: {  	[sflag:s30] =	ssyncset.done $0x0  }
0x10b: {  	[sflag:s30] =	ssyncadd.s32 $0xFFFFE000  }
0x10c: {  	[spmem:s2] =	stream.indirect.scatter.add.f32 [tilespmem:s24], [sflag:$0x5], $0x40, s15, s18, $0xb8;
	[tilespmem:$0x1BD00] =	vst v63  }
.Ltmp7:
0x10d: {  	_ = 	snop;
	(pc) =	sbr.rel @p2 .LBB2_8-.Ltmp7, $4  }
.Ltmp8:
0x10e: {  	_ = 	snop;
	(pc) =	sbr.rel @!p2 .LBB2_9-.Ltmp8, $4  }
0x10f: {  	_ =	swait.ge [sflag:s14], $0x2000  }
0x110: {  	[sflag:s14] =	ssyncset.done $0x0  }
0x111: {  	s23 =	smov.u32 s4;
	[sflag:s14] =	ssyncadd.s32 $0xFFFFE000  }
0x112: {  	_ = 	snop  }
.LBB2_10:
0x113: {  	_ =	sfence.sel $0x180000  }
0x114: {  	[bflag:$0x0] =	sbarrier.arrive $0xFFFF  }
0x115: {  	_ =	strace $0x9000004A  }
0x116: {  	s0 =	stileid.u32;
	[bflag:$0x2] =	sbarrier.arrive $0xFFFF  }
0x117: {  	p0 =	sne.s32 s0, $0x0;
	s0 =	rddreg [dreg:$0x3]  }
0x118: {  	s0 =	sadd.s32 @!p0 $0x100000, s0  }
0x119: {  	[sflag:s0] =	ssyncadd.tile.s32 @!p0 $0x1;
	_ =	shalt  }
.Lfunc_end2:
_tile_overlayer_lowered:
.L_overlay_start_2:
0x11a: {  	(tag) =	ssettag $0x2  }
0x11b: {  	s0 =	rddreg [dreg:$0x0];
	s2 =	stileid.u32  }
0x11c: {  	s1 =	rddreg [dreg:$0x1];
	p0 =	sne.s32 s2, $0x0  }
0x11d: {  	s3 =	rddreg [dreg:$0x2];
	[bflag:$0x3] =	sbarrier.arrive $0xFFFF;
	s2 =	simm.s32 @!p0 $0x1C05  }
0x11e: {  	[timem:s3], [sflag:s2] =	dma.local @!p0 [hbm:s0], s1  }
0x11f: {  	s0 =	simm.s32 @!p0 $0x5  }
0x120: {  	_ =	swait.ge @!p0 [sflag:s0], s1  }
0x121: {  	s1 =	ssub.s32 @!p0 $0x0, s1;
	[sflag:s0] =	ssyncset.done @!p0 $0x0  }
0x122: {  	[sflag:s0] =	ssyncadd.s32 @!p0 s1  }
0x123: {  	[bflag:$0x3] =	sbarrier.arrive $0xFFFF  }
0x124: {  	_ =	shalt  }

// kernel: kernel.15.cloned.1.call-start
scs
__scs_entry_jumppad:
0x0: {  	(pc) =	sbr.rel $0x88, $3  }
0x1: {  	(tag) =	ssettag $0x0;
	lr =	simm.s32 $0x1  }
0x2: {  	[smem:$0x3F95] =	sst lr;
	_ =	strace $0xD0000000  }
0x3: {  	_ = 	snop  }
0x4: {  	_ = 	snop  }
0x5: {  	_ = 	snop  }
0x6: {  	_ = 	snop  }
0x7: {  	_ = 	snop  }
__scs_overlays_trampoline_lowered:
0x8: {  	[smem:$0x3FA4] =	sst s0  }
0x9: {  	[smem:$0x3FA5] =	sst s1  }
0xa: {  	[smem:$0x3FA6] =	sst s2  }
0xb: {  	[smem:$0x3FA7] =	sst s3  }
0xc: {  	[smem:$0x3FA8] =	sst s4  }
0xd: {  	[smem:$0x3FA9] =	sst s5  }
0xe: {  	[smem:$0x3FAA] =	sst s6  }
0xf: {  	[smem:$0x3FAB] =	sst s7  }
0x10: {  	[smem:$0x3FAC] =	sst s8  }
0x11: {  	[smem:$0x3FAD] =	sst s9;
	s0 =	simm.s32 @!p0 $0x0  }
0x12: {  	s1 =	sld [smem:$0x3F93];
	s0 =	simm.s32 @p0 $0x1  }
0x13: {  	[smem:$0x3FAE] =	sst s0;
	s0 =	simm.s32 @!p1 $0x0  }
0x14: {  	s2 =	sld [smem:$0x3F92];
	s0 =	simm.s32 @p1 $0x1  }
0x15: {  	[smem:$0x3FAF] =	sst s0;
	s0 =	simm.s32 @!p2 $0x0  }
0x16: {  	s3 =	sld [smem:$0x3FDB];
	s0 =	simm.s32 @p2 $0x1  }
0x17: {  	s4 =	simm.s32 $0x1BF5;
	[smem:$0x3FB1] =	sst s0  }
0x18: {  	s0 =	sld [smem:$0x3F94];
	_ =	swait.ge [sflag:s4], $0x0  }
0x19: {  	s7 =	sld [smem:$0x3F95]  }
0x1a: {  	s8 =	sadd.s32 $0xFFFFE003, lr  }
0x1b: {  	s9 =	sadd.s32 $0xFFFFFEF7, lr;
	s5 =	simm.s32 $0xFFFFFFFF;
	p2 =	slt.u32 s8, $0xFFFFF086  }
0x1c: {  	p1 =	slt.u32 s9, $0xF7A;
	s5 =	simm.s32 @!p2 $0x0  }
0x1d: {  	s5 =	simm.s32 @p1 $0x1;
	p0 =	seq.s32 s7, s2  }
0x1e: {  	s7 =	smul.u32 @!p0 $0xF7A, s2;
	p2 =	seq.s32 @!p0 s5, $0x0  }
0x1f: {  	s9 =	smul.u32 $0xF7A, s1;
	s8 =	simm.s32 @!p0 $0x1BF5;
	p2 =	por !p2, p0  }
0x20: {  	[sflag:s8] =	ssyncset.s32 @!p0 $0xFFFFF086;
	s6 =	sadd.s32 @!p0 s3, s7;
	s7 =	simm.s32 @!p0 $0x108  }
0x21: {  	s3 =	sadd.s32 s3, s9;
	s6 =	sadd.s32 @!p0 $0x88, s6;
	s7 =	simm.s32 @p2 $0x1082  }
0x22: {  	[simem:s7], [sflag:s8] =	dma.local @!p0 [hbm:s6], $0xF7A  }
0x23: {  	s9 =	sor.u32 $0xD0000000, s2;
	s6 =	simm.s32 $0x108;
	_ =	swait.ge @!p0 [sflag:s8], $0x0  }
0x24: {  	s3 =	sadd.s32 $0x88, s3;
	s6 =	simm.s32 @!p1 $0x1082;
	[sflag:s4] =	ssyncset.s32 $0xFFFFF086  }
0x25: {  	[simem:s6], [sflag:s4] =	dma.local [hbm:s3], $0xF7A  }
0x26: {  	[smem:$0x3F95] =	sst s1;
	(tag) =	ssettag s2;
	_ =	strace s9  }
0x27: {  	s1 =	sld [smem:$0x3FA5]  }
0x28: {  	s2 =	sld [smem:$0x3FA6]  }
0x29: {  	s4 =	sld [smem:$0x3FA8]  }
0x2a: {  	p0 =	seq.s32 s5, $0x0;
	s5 =	sld [smem:$0x3FA9]  }
0x2b: {  	s6 =	sld [smem:$0x3FAA]  }
0x2c: {  	s7 =	sld [smem:$0x3FAB]  }
0x2d: {  	s3 =	simm.s32 $0x108;
	s8 =	sld [smem:$0x3FAC]  }
0x2e: {  	s3 =	simm.s32 @!p0 $0x1082;
	s9 =	sld [smem:$0x3FAD]  }
0x2f: {  	lr =	sadd.s32 s0, s3;
	s0 =	sld [smem:$0x3FA4]  }
0x30: {  	s3 =	sld [smem:$0x3FA7]  }
0x31: {  	[smem:$0x3FB0] =	sst s10  }
0x32: {  	s10 =	sld [smem:$0x3FAE];
	_ =	sdelay $0x3  }
0x33: {  	p0 =	seq.s32 s10, $0x1;
	s10 =	sld [smem:$0x3FB0];
	_ =	sdelay $0x3  }
0x34: {  	[smem:$0x3FB0] =	sst s10  }
0x35: {  	s10 =	sld [smem:$0x3FAF];
	_ =	sdelay $0x3  }
0x36: {  	p1 =	seq.s32 s10, $0x1;
	s10 =	sld [smem:$0x3FB0];
	_ =	sdelay $0x3  }
0x37: {  	[smem:$0x3FB0] =	sst s10  }
0x38: {  	s10 =	sld [smem:$0x3FB1]  }
0x39: {  	_ = 	snop;
	(pc) =	sbr.ind lr, $3  }
0x3a: {  	_ = 	snop  }
0x3b: {  	_ = 	snop  }
0x3c: {  	p2 =	seq.s32 s10, $0x1;
	s10 =	sld [smem:$0x3FB0]  }
0x3d: {  	_ =	shalt  }
0x3e: {  	_ =	shalt  }
0x3f: {  	_ =	shalt  }
0x40: {  	_ =	shalt  }
0x41: {  	_ =	shalt  }
0x42: {  	_ =	shalt  }
0x43: {  	_ =	shalt  }
0x44: {  	_ =	shalt  }
0x45: {  	_ =	shalt  }
0x46: {  	_ =	shalt  }
0x47: {  	_ =	shalt  }
0x48: {  	_ =	shalt  }
0x49: {  	_ =	shalt  }
0x4a: {  	_ =	shalt  }
0x4b: {  	_ =	shalt  }
0x4c: {  	_ =	shalt  }
0x4d: {  	_ =	shalt  }
0x4e: {  	_ =	shalt  }
0x4f: {  	_ =	shalt  }
0x50: {  	_ =	shalt  }
0x51: {  	_ =	shalt  }
0x52: {  	_ =	shalt  }
0x53: {  	_ =	shalt  }
0x54: {  	_ =	shalt  }
0x55: {  	_ =	shalt  }
0x56: {  	_ =	shalt  }
0x57: {  	_ =	shalt  }
0x58: {  	_ =	shalt  }
0x59: {  	_ =	shalt  }
0x5a: {  	_ =	shalt  }
0x5b: {  	_ =	shalt  }
0x5c: {  	_ =	shalt  }
0x5d: {  	_ =	shalt  }
0x5e: {  	_ =	shalt  }
0x5f: {  	_ =	shalt  }
0x60: {  	_ =	shalt  }
0x61: {  	_ =	shalt  }
0x62: {  	_ =	shalt  }
0x63: {  	_ =	shalt  }
0x64: {  	_ =	shalt  }
0x65: {  	_ =	shalt  }
0x66: {  	_ =	shalt  }
0x67: {  	_ =	shalt  }
0x68: {  	_ =	shalt  }
0x69: {  	_ =	shalt  }
0x6a: {  	_ =	shalt  }
0x6b: {  	_ =	shalt  }
0x6c: {  	_ =	shalt  }
0x6d: {  	_ =	shalt  }
0x6e: {  	_ =	shalt  }
0x6f: {  	_ =	shalt  }
0x70: {  	_ =	shalt  }
0x71: {  	_ =	shalt  }
0x72: {  	_ =	shalt  }
0x73: {  	_ =	shalt  }
0x74: {  	_ =	shalt  }
0x75: {  	_ =	shalt  }
0x76: {  	_ =	shalt  }
0x77: {  	_ =	shalt  }
0x78: {  	_ =	shalt  }
0x79: {  	_ =	shalt  }
0x7a: {  	_ =	shalt  }
0x7b: {  	_ =	shalt  }
0x7c: {  	_ =	shalt  }
0x7d: {  	_ =	shalt  }
0x7e: {  	_ =	shalt  }
0x7f: {  	_ =	shalt  }
0x80: {  	_ =	shalt  }
0x81: {  	_ =	shalt  }
0x82: {  	_ =	shalt  }
0x83: {  	_ =	shalt  }
0x84: {  	_ =	shalt  }
0x85: {  	_ =	shalt  }
0x86: {  	_ =	shalt  }
0x87: {  	_ =	shalt  }
.Lfunc_end0:
.L_simem_size_0:
called_computation.2_lowered:
.L_overlay_start_0:
0x88: {  	s2 =	sld [smem:$0x3FD9]  }
0x89: {  	s3 =	sld [smem:$0x3FFE];
	_ =	sdelay $0x1  }
0x8a: {  	s1 =	srdreg.scid  }
0x8b: {  	s0 =	sand.u32 $0x1, s1  }
0x8c: {  	s17 =	sshll.u32 s0, $0xA;
	s2 =	sadd.s32 s3, s2  }
0x8d: {  	s2 =	sadd.s32 s2, s17  }
0x8e: {  	[smem:$0x3FBC] =	sst s2  }
0x8f: {  	_ = 	snop  }
0x90: {  	s2 =	sld [smem:$0x3FD0];
	(tm) =	ssettm $0x1  }
0x91: {  	s18 =	sld [smem:$0x3FFB];
	_ =	sdelay $0x3  }
0x92: {  	_ =	strace s18  }
0x93: {  	s3 =	sld [smem:$0x3FFC];
	_ =	sdelay $0x3  }
0x94: {  	_ =	strace s3  }
0x95: {  	s3 =	sld [smem:$0x3FFD];
	_ =	sdelay $0x3  }
0x96: {  	_ =	strace s3  }
0x97: {  	_ =	strace $0x8FFFFFFF  }
0x98: {  	s19 =	sld [smem:$0x3FDB];
	_ =	sdelay $0x1  }
0x99: {  	s4 =	simm.s32 $_scs_section_size  }
0x9a: {  	s5 =	simm.s32 $_size__tile_overlayer_lowered;
	s6 =	simm.s32 $_tile_overlayer_lowered  }
0x9b: {  	s22 =	simm.s32 $0x1BFF;
	s21 =	sshll.u32 s6, $0x1;
	s3 =	sadd.s32 s4, s19  }
0x9c: {  	s7 =	simm.s32 $0x0;
	s20 =	sshll.u32 s5, $0x1;
	s5 =	sadd.s32 s21, s3  }
0x9d: {  	[timem:s7], [sflag:s22] =	dma.local [hbm:s5], s20  }
0x9e: {  	_ =	swait.ge [sflag:s22], s20  }
0x9f: {  	s4 =	ssub.s32 $0x0, s20;
	[sflag:s22] =	ssyncset.done $0x0  }
0xa0: {  	[sflag:s22] =	ssyncadd.s32 s4;
	_ =	sdelay $0x1  }
0xa1: {  	s23 =	simm.s32 $0x1B8B  }
0xa2: {  	_ =	swait.ge [sflag:s23], $0x1  }
0xa3: {  	[sflag:s23] =	ssyncset.done $0x0  }
0xa4: {  	s25 =	simm.s32 $0x1B8E;
	s24 =	sld [smem:$0x3FFE];
	[sflag:s23] =	ssyncadd.s32 $0xFFFFFFFF  }
0xa5: {  	s26 =	simm.s32 $execute0_lowered;
	[smem:$0x3FD2] =	sst s25  }
0xa6: {  	s5 =	sshll.u32 s26, $0x1;
	_ =	strace $0x8000004C;
	[dreg:$0x1] =	wrdreg $0xFFFFFFFF  }
0xa7: {  	s28 =	simm.s32 $_size_execute0_lowered;
	s3 =	sadd.s32 s3, s5;
	[dreg:$0x0] =	wrdreg $0x0  }
0xa8: {  	s5 =	sshll.u32 s28, $0x1;
	[dreg:$0x2] =	wrdreg s3  }
0xa9: {  	[dreg:$0x3] =	wrdreg s5  }
0xaa: {  	[dreg:$0x4] =	wrdreg $0xC0  }
0xab: {  	_ =	task [dreg:s7], $0x5FFFF  }
0xac: {  	[dreg:$0x1] =	wrdreg $0xFFFFFFFF  }
0xad: {  	[dreg:$0x0] =	wrdreg $0x60  }
0xae: {  	[dreg:$0x2] =	wrdreg s24  }
0xaf: {  	[dreg:$0x3] =	wrdreg s2  }
0xb0: {  	[dreg:$0x4] =	wrdreg $0x11D000  }
0xb1: {  	[dreg:$0x5] =	wrdreg $0x9  }
0xb2: {  	_ =	task.clear_ibuf [dreg:s7], $0x6FFFF;
	_ =	strace $0x9000004C  }
0xb3: {  	s29 =	simm.s32 $0x9;
	_ =	strace $0x8000004E  }
0xb4: {  	_ =	swait.ge [sflag:s29], $0x1  }
0xb5: {  	[sflag:s29] =	ssyncadd.s32 $0xFFFFFFFF  }
0xb6: {  	_ =	strace $0x9000004E  }
0xb7: {  	_ =	sfence  }
0xb8: {  	s30 =	sld [smem:$0x0];
	_ =	sdelay $0x2  }
0xb9: {  	s31 =	sshll.u32 s1, $0xD;
	s1 =	sshrl.u32 s1, $0x2  }
0xba: {  	s3 =	sand.u32 $0x4000, s31;
	s1 =	sadd.s32 s1, s30  }
0xbb: {  	s0 =	sor.u32 s3, s0;
	s1 =	sshll.u32 s1, $0x11  }
0xbc: {  	s0 =	sor.u32 s1, s0  }
0xbd: {  	s0 =	sadd.s32 $0x8F2B, s0  }
0xbe: {  	[sflag:s0] =	ssyncadd.remote.s32 $0x1  }
0xbf: {  	_ =	sfence.sel $0xFFFF  }
0xc0: {  	[dreg:$0x0] =	wrdreg $0xFFFFFFFF;
	(pc) =	sbr.abs _section_cstart, $3  }
0xc1: {  	[dreg:$0x1] =	wrdreg $0xFFFFFFFF  }
0xc2: {  	_ =	task.clear_ibuf [dreg:s7], $0x2FFFF;
	_ =	strace $0x9FFFFFFF  }
0xc3: {  	(tm) =	ssettm $0x7FFFFFFF  }
tec
execute0_lowered:
.L_overlay_start_1:
0x0: {  	(tag) =	ssettag $0x1  }
0x1: {  	s0 =	rddreg [dreg:$0x0]  }
0x2: {  	s1 =	rddreg [dreg:$0x1]  }
0x3: {  	s2 =	rddreg [dreg:$0x2]  }
0x4: {  	s4 =	srdreg.scid;
	s15 =	stileid.u32  }
0x5: {  	s3 =	simm.s32 $0x0;
	s18 =	simm.s32 $0x80;
	s19 =	simm.s32 $0x9D00  }
0x6: {  	s28 =	simm.s32 $0x2;
	s29 =	simm.s32 $0x3;
	s20 =	smul.u32 $0x14000, s15  }
0x7: {  	s30 =	simm.s32 $0x4;
	s10 =	sand.u32 $0x1, s4;
	s7 =	smul.u32 $0x4E00, s15  }
0x8: {  	[smem:$0x7FF] =	sst s3;
	s4 =	sadd.s32 $0x17000, s0;
	s11 =	smul.u32 $0xA000, s15  }
0x9: {  	s22 =	sshll.u32 s15, $0x4;
	s14 =	smul.u32 $0x28000, s15;
	p1 =	sgt.u32 s15, $0x3  }
0xa: {  	s31 =	sshll.u32 s15, $0x6;
	p2 =	slt.u32 s15, $0x4;
	s15 =	simm.s32 $0x9C00  }
0xb: {  	s5 =	sshll.u32 s10, $0x6;
	_ =	strace $0x8000004D;
	s8 =	ssub.s32 $0x2, s10  }
0xc: {  	p0 =	seq.s32 s10, $0x1;
	s16 =	sor.u32 $0x1C05, s31;
	s10 =	simm.s32 $0x10  }
0xd: {  	s5 =	sor.u32 s5, s20;
	s9 =	sshrl.u32 s8, $0x1;
	s21 =	sshrl.u32 s7, $0x3  }
0xe: {  	s23 =	sshrl.u32 s11, $0x3;
	s24 =	sadd.s32 s11, s2;
	s26 =	sshrl.u32 s14, $0x2  }
0xf: {  	s14 =	simm.s32 $0x5;
	s20 =	simm.s32 $0xBD00;
	s11 =	simm.s32 $0x8  }
0x10: {  	s6 =	sshrl.u32 s5, $0x3;
	s5 =	sadd.s32 $0x3000, s0;
	s13 =	ssub.s32 s8, s9  }
0x11: {  	s25 =	sadd.s32 s4, s23;
	s17 =	sshrl.u32 s24, $0x3;
	s24 =	simm.s32 $0xFD00  }
0x12: {  	s0 =	sadd.s32 s6, s0;
	s6 =	sadd.s32 s1, s21;
	s1 =	sadd.s32 s22, s1  }
.Ltmp0:
0x13: {  	[dreg:$0x4] =	wrdreg s25;
	s13 =	smax.u32 s13, $0x1;
	(pc) =	sbr.rel .LBB2_1-.Ltmp0, $4  }
0x14: {  	s22 =	simm.s32 $0xDD00;
	s21 =	simm.s32 $0x0;
	s7 =	sadd.s32 $0x9C40, s6  }
0x15: {  	s8 =	sadd.s32 $0x9C00, s1;
	s9 =	sadd.s32 $0x13840, s1;
	s1 =	sadd.s32 s5, s23  }
0x16: {  	s12 =	sadd.s32 $0x2B000, s0;
	s0 =	sadd.s32 s26, s2;
	s26 =	simm.s32 $0x1  }
0x17: {  	[dreg:$0x5] =	wrdreg s1;
	s25 =	sshrl.u32 s0, $0x3;
	s1 =	simm.s32 $0x9B80  }
.LBB2_8:
0x18: {  	s0 =	simm.s32 $0x4E00  }
0x19: {  	[tilespmem:s19], [sflag:$0x1] =	stream.indirect.gather [hbm4b:s23+s18], $0x40, s0, s18, $0xb8;
	[tilespmem:$0x1BD00] =	vst v63  }
0x1a: {  	_ =	swait.ge [sflag:s26], $0x2000  }
0x1b: {  	[sflag:s26] =	ssyncset.done $0x0  }
0x1c: {  	s31 =	simm.s32 $0x9C80;
	[sflag:s26] =	ssyncadd.s32 $0xFFFFE000  }
0x1d: {  	[spmem:s2] =	stream.indirect.scatter.add.f32 [tilespmem:s19], [sflag:$0x5], $0x40, s31, s18, $0xb8;
	[tilespmem:$0x1BD00] =	vst v63  }
0x1e: {  	_ =	swait.ge [sflag:s14], $0x2000  }
0x1f: {  	[sflag:s14] =	ssyncset.done $0x0  }
0x20: {  	[sflag:s14] =	ssyncadd.s32 $0xFFFFE000  }
.LBB2_9:
0x21: {  	s21 =	sadd.s32 $0x1, s21  }
0x22: {  	p3 =	sne.s32 s21, s13  }
.Ltmp1:
0x23: {  	[bflag:$0x0] =	sbarrier.arrive $0xFFFF;
	(pc) =	sbr.rel @!p3 .LBB2_10-.Ltmp1, $4  }
0x24: {  	[hbm:s12@s10], [sflag:s16] =	dma.strided [spmem:s25@s11], $0x1400, s26, $0x8   }
0x25: {  	_ =	swait.ge [sflag:s14], $0x1400  }
0x26: {  	[sflag:s14] =	ssyncset.done $0x0  }
0x27: {  	[sflag:s14] =	ssyncadd.s32 $0xFFFFEC00  }
.LBB2_1:
0x28: {  	[tilespmem:s3], [sflag:$0x5] =	stream.linear.gather [hbm4b:s6+s3], $0x4E00, $0x38;
	[tilespmem:$0x1BD00] =	vst v63  }
0x29: {  	_ =	swait.ge [sflag:s14], $0x4E00  }
0x2a: {  	[sflag:s14] =	ssyncset.done $0x0  }
0x2b: {  	s0 =	simm.s32 $0x4E80;
	[sflag:s14] =	ssyncadd.s32 $0xFFFFB200  }
0x2c: {  	[tilespmem:s0], [sflag:$0x5] =	stream.linear.gather [hbm4b:s7+s3], $0x4E00, $0x38;
	[tilespmem:$0x1BD00] =	vst v63  }
0x2d: {  	_ =	swait.ge [sflag:s14], $0x4E00  }
0x2e: {  	[sflag:s14] =	ssyncset.done $0x0  }
0x2f: {  	s23 =	simm.s32 @!p1 $0x0;
	s31 =	simm.s32 @!p1 $0x4E00;
	[sflag:s14] =	ssyncadd.s32 $0xFFFFB200  }
0x30: {  	[tilespmem:s31], [sflag:$0x5] =	stream.linear.gather @!p1 [hbm4b:s8+s23], $0x80, $0x38;
	[tilespmem:$0x1BD00] =	vst v63  }
0x31: {  	s31 =	simm.s32 @!p1 $0x5  }
0x32: {  	_ =	swait.ge @!p1 [sflag:s31], $0x80  }
0x33: {  	[sflag:s31] =	ssyncset.done @!p1 $0x0  }
.Ltmp2:
0x34: {  	s0 =	simm.s32 @!p1 $0x9C80;
	[sflag:s31] =	ssyncadd.s32 @!p1 $0xFFFFFF80;
	(pc) =	sbr.rel @!p0 .LBB2_2-.Ltmp2, $4  }
0x35: {  	[tilespmem:s0], [sflag:$0x5] =	stream.linear.gather @!p1 [hbm4b:s9+s23], $0x80, $0x38;
	[tilespmem:$0x1BD00] =	vst v63  }
0x36: {  	_ =	swait.ge @!p1 [sflag:s31], $0x80  }
0x37: {  	[sflag:s31] =	ssyncset.done @!p1 $0x0  }
0x38: {  	[sflag:s31] =	ssyncadd.s32 @!p1 $0xFFFFFF80  }
0x39: {  	s0 =	rddreg [dreg:$0x5]  }
0x3a: {  	[spmem:s17], [sflag:s16] =	dma.local [hbm:s0], $0x1400  }
0x3b: {  	_ =	swait.ge [sflag:s14], $0x1400  }
0x3c: {  	[sflag:s14] =	ssyncset.done $0x0  }
0x3d: {  	[sflag:s14] =	ssyncadd.s32 $0xFFFFEC00  }
0x3e: {  	s23 =	simm.s32 $0x0;
	[bflag:$0x0] =	sbarrier.arrive $0xFFFF  }
0x3f: {  	[tilespmem:s19], [sflag:$0x1] =	stream.indirect.gather [hbm4b:s5+s18], $0x40, s23, s18, $0xb8;
	[tilespmem:$0x1BD00] =	vst v63  }
0x40: {  	_ = 	snop  }
0x41: {  	[tilespmem:s20], [sflag:$0x2] =	stream.indirect.gather [hbm4b:s5+s18], $0x40, s18, s18, $0xb8;
	[tilespmem:$0x1BD00] =	vst v63  }
0x42: {  	s23 =	simm.s32 $0x100  }
0x43: {  	[tilespmem:s22], [sflag:$0x3] =	stream.indirect.gather [hbm4b:s5+s18], $0x40, s23, s18, $0xb8;
	[tilespmem:$0x1BD00] =	vst v63  }
0x44: {  	s23 =	simm.s32 $0x180  }
0x45: {  	[tilespmem:s24], [sflag:$0x4] =	stream.indirect.gather [hbm4b:s5+s18], $0x40, s23, s18, $0xb8;
	[tilespmem:$0x1BD00] =	vst v63  }
0x46: {  	_ =	swait.ge [sflag:s26], $0x2000  }
0x47: {  	[sflag:s26] =	ssyncset.done $0x0  }
0x48: {  	s23 =	simm.s32 $0x4E80;
	[sflag:s26] =	ssyncadd.s32 $0xFFFFE000  }
0x49: {  	[spmem:s2] =	stream.indirect.scatter.add.f32 [tilespmem:s19], [sflag:$0x5], $0x40, s23, s18, $0xb8;
	[tilespmem:$0x1BD00] =	vst v63  }
0x4a: {  	_ =	swait.ge [sflag:s14], $0x2000  }
0x4b: {  	[sflag:s14] =	ssyncset.done $0x0  }
0x4c: {  	s23 =	simm.s32 $0x200;
	[sflag:s14] =	ssyncadd.s32 $0xFFFFE000  }
0x4d: {  	[tilespmem:s19], [sflag:$0x1] =	stream.indirect.gather [hbm4b:s5+s18], $0x40, s23, s18, $0xb8;
	[tilespmem:$0x1BD00] =	vst v63  }
0x4e: {  	_ =	swait.ge [sflag:s28], $0x2000  }
0x4f: {  	[sflag:s28] =	ssyncset.done $0x0  }
0x50: {  	s23 =	simm.s32 $0x4F00;
	[sflag:s28] =	ssyncadd.s32 $0xFFFFE000  }
0x51: {  	[spmem:s2] =	stream.indirect.scatter.add.f32 [tilespmem:s20], [sflag:$0x5], $0x40, s23, s18, $0xb8;
	[tilespmem:$0x1BD00] =	vst v63  }
0x52: {  	_ =	swait.ge [sflag:s14], $0x2000  }
0x53: {  	[sflag:s14] =	ssyncset.done $0x0  }
0x54: {  	s23 =	simm.s32 $0x280;
	[sflag:s14] =	ssyncadd.s32 $0xFFFFE000  }
0x55: {  	[tilespmem:s20], [sflag:$0x2] =	stream.indirect.gather [hbm4b:s5+s18], $0x40, s23, s18, $0xb8;
	[tilespmem:$0x1BD00] =	vst v63  }
0x56: {  	_ =	swait.ge [sflag:s29], $0x2000  }
0x57: {  	[sflag:s29] =	ssyncset.done $0x0  }
0x58: {  	s23 =	simm.s32 $0x4F80;
	[sflag:s29] =	ssyncadd.s32 $0xFFFFE000  }
0x59: {  	[spmem:s2] =	stream.indirect.scatter.add.f32 [tilespmem:s22], [sflag:$0x5], $0x40, s23, s18, $0xb8;
	[tilespmem:$0x1BD00] =	vst v63  }
0x5a: {  	_ =	swait.ge [sflag:s14], $0x2000  }
0x5b: {  	[sflag:s14] =	ssyncset.done $0x0  }
0x5c: {  	s23 =	simm.s32 $0x300;
	[sflag:s14] =	ssyncadd.s32 $0xFFFFE000  }
0x5d: {  	[tilespmem:s22], [sflag:$0x3] =	stream.indirect.gather [hbm4b:s5+s18], $0x40, s23, s18, $0xb8;
	[tilespmem:$0x1BD00] =	vst v63  }
0x5e: {  	_ =	swait.ge [sflag:s30], $0x2000  }
0x5f: {  	[sflag:s30] =	ssyncset.done $0x0  }
0x60: {  	s23 =	simm.s32 $0x5000;
	[sflag:s30] =	ssyncadd.s32 $0xFFFFE000  }
0x61: {  	[spmem:s2] =	stream.indirect.scatter.add.f32 [tilespmem:s24], [sflag:$0x5], $0x40, s23, s18, $0xb8;
	[tilespmem:$0x1BD00] =	vst v63  }
0x62: {  	_ =	swait.ge [sflag:s14], $0x2000  }
0x63: {  	[sflag:s14] =	ssyncset.done $0x0  }
0x64: {  	s31 =	simm.s32 $0x380;
	s23 =	simm.s32 $0x800;
	[sflag:s14] =	ssyncadd.s32 $0xFFFFE000  }
.LBB2_6:
0x65: {  	[tilespmem:s24], [sflag:$0x4] =	stream.indirect.gather [hbm4b:s5+s18], $0x40, s31, s18, $0xb8;
	[tilespmem:$0x1BD00] =	vst v63  }
0x66: {  	s0 =	smov.u32 s23  }
0x67: {  	p3 =	sne.s32 s23, $0x12800;
	s23 =	sadd.s32 $0x800, s23;
	_ =	swait.ge [sflag:s26], $0x2000  }
0x68: {  	s31 =	sshra.s32 s0, $0x2;
	[sflag:s26] =	ssyncset.done $0x0  }
0x69: {  	s0 =	sadd.s32 $0x4E80, s31;
	[sflag:s26] =	ssyncadd.s32 $0xFFFFE000  }
0x6a: {  	[spmem:s2] =	stream.indirect.scatter.add.f32 [tilespmem:s19], [sflag:$0x5], $0x40, s0, s18, $0xb8;
	[tilespmem:$0x1BD00] =	vst v63  }
0x6b: {  	_ =	swait.ge [sflag:s14], $0x2000  }
0x6c: {  	[sflag:s14] =	ssyncset.done $0x0  }
0x6d: {  	s0 =	sadd.s32 $0x200, s31;
	[sflag:s14] =	ssyncadd.s32 $0xFFFFE000  }
0x6e: {  	[tilespmem:s19], [sflag:$0x1] =	stream.indirect.gather [hbm4b:s5+s18], $0x40, s0, s18, $0xb8;
	[tilespmem:$0x1BD00] =	vst v63  }
0x6f: {  	_ =	swait.ge [sflag:s28], $0x2000  }
0x70: {  	[sflag:s28] =	ssyncset.done $0x0  }
0x71: {  	s0 =	sadd.s32 $0x4F00, s31;
	[sflag:s28] =	ssyncadd.s32 $0xFFFFE000  }
0x72: {  	[spmem:s2] =	stream.indirect.scatter.add.f32 [tilespmem:s20], [sflag:$0x5], $0x40, s0, s18, $0xb8;
	[tilespmem:$0x1BD00] =	vst v63  }
0x73: {  	_ =	swait.ge [sflag:s14], $0x2000  }
0x74: {  	[sflag:s14] =	ssyncset.done $0x0  }
0x75: {  	s0 =	sadd.s32 $0x280, s31;
	[sflag:s14] =	ssyncadd.s32 $0xFFFFE000  }
0x76: {  	[tilespmem:s20], [sflag:$0x2] =	stream.indirect.gather [hbm4b:s5+s18], $0x40, s0, s18, $0xb8;
	[tilespmem:$0x1BD00] =	vst v63  }
0x77: {  	_ =	swait.ge [sflag:s29], $0x2000  }
0x78: {  	[sflag:s29] =	ssyncset.done $0x0  }
0x79: {  	s0 =	sadd.s32 $0x4F80, s31;
	[sflag:s29] =	ssyncadd.s32 $0xFFFFE000  }
0x7a: {  	[spmem:s2] =	stream.indirect.scatter.add.f32 [tilespmem:s22], [sflag:$0x5], $0x40, s0, s18, $0xb8;
	[tilespmem:$0x1BD00] =	vst v63  }
0x7b: {  	_ =	swait.ge [sflag:s14], $0x2000  }
0x7c: {  	[sflag:s14] =	ssyncset.done $0x0  }
0x7d: {  	s0 =	sadd.s32 $0x300, s31;
	[sflag:s14] =	ssyncadd.s32 $0xFFFFE000  }
0x7e: {  	[tilespmem:s22], [sflag:$0x3] =	stream.indirect.gather [hbm4b:s5+s18], $0x40, s0, s18, $0xb8;
	[tilespmem:$0x1BD00] =	vst v63  }
0x7f: {  	_ =	swait.ge [sflag:s30], $0x2000  }
0x80: {  	[sflag:s30] =	ssyncset.done $0x0  }
.Ltmp3:
0x81: {  	s0 =	sadd.s32 $0x5000, s31;
	[sflag:s30] =	ssyncadd.s32 $0xFFFFE000;
	(pc) =	sbr.rel @p3 .LBB2_6-.Ltmp3, $4  }
0x82: {  	[spmem:s2] =	stream.indirect.scatter.add.f32 [tilespmem:s24], [sflag:$0x5], $0x40, s0, s18, $0xb8;
	[tilespmem:$0x1BD00] =	vst v63  }
0x83: {  	_ =	swait.ge [sflag:s14], $0x2000  }
0x84: {  	[sflag:s14] =	ssyncset.done $0x0  }
0x85: {  	s31 =	sadd.s32 $0x380, s31;
	[sflag:s14] =	ssyncadd.s32 $0xFFFFE000  }
0x86: {  	[tilespmem:s24], [sflag:$0x4] =	stream.indirect.gather [hbm4b:s5+s18], $0x40, s31, s18, $0xb8;
	[tilespmem:$0x1BD00] =	vst v63  }
0x87: {  	_ =	swait.ge [sflag:s26], $0x2000  }
0x88: {  	[sflag:s26] =	ssyncset.done $0x0  }
0x89: {  	s0 =	simm.s32 $0x9A80;
	[sflag:s26] =	ssyncadd.s32 $0xFFFFE000  }
0x8a: {  	[spmem:s2] =	stream.indirect.scatter.add.f32 [tilespmem:s19], [sflag:$0x5], $0x40, s0, s18, $0xb8;
	[tilespmem:$0x1BD00] =	vst v63  }
0x8b: {  	_ =	swait.ge [sflag:s14], $0x2000  }
0x8c: {  	[sflag:s14] =	ssyncset.done $0x0  }
0x8d: {  	[sflag:s14] =	ssyncadd.s32 $0xFFFFE000  }
0x8e: {  	_ =	swait.ge [sflag:s28], $0x2000  }
0x8f: {  	[sflag:s28] =	ssyncset.done $0x0  }
0x90: {  	s31 =	simm.s32 $0x9B00;
	[sflag:s28] =	ssyncadd.s32 $0xFFFFE000  }
0x91: {  	[spmem:s2] =	stream.indirect.scatter.add.f32 [tilespmem:s20], [sflag:$0x5], $0x40, s31, s18, $0xb8;
	[tilespmem:$0x1BD00] =	vst v63  }
0x92: {  	_ =	swait.ge [sflag:s14], $0x2000  }
0x93: {  	[sflag:s14] =	ssyncset.done $0x0  }
0x94: {  	[sflag:s14] =	ssyncadd.s32 $0xFFFFE000  }
0x95: {  	_ =	swait.ge [sflag:s29], $0x2000  }
0x96: {  	[sflag:s29] =	ssyncset.done $0x0  }
0x97: {  	[sflag:s29] =	ssyncadd.s32 $0xFFFFE000  }
0x98: {  	[spmem:s2] =	stream.indirect.scatter.add.f32 [tilespmem:s22], [sflag:$0x5], $0x40, s1, s18, $0xb8;
	[tilespmem:$0x1BD00] =	vst v63  }
0x99: {  	_ =	swait.ge [sflag:s14], $0x2000  }
0x9a: {  	[sflag:s14] =	ssyncset.done $0x0  }
0x9b: {  	[sflag:s14] =	ssyncadd.s32 $0xFFFFE000  }
0x9c: {  	_ =	swait.ge [sflag:s30], $0x2000  }
0x9d: {  	[sflag:s30] =	ssyncset.done $0x0  }
0x9e: {  	[sflag:s30] =	ssyncadd.s32 $0xFFFFE000  }
0x9f: {  	[spmem:s2] =	stream.indirect.scatter.add.f32 [tilespmem:s24], [sflag:$0x5], $0x40, s15, s18, $0xb8;
	[tilespmem:$0x1BD00] =	vst v63  }
.Ltmp4:
0xa0: {  	_ = 	snop;
	(pc) =	sbr.rel @p1 .LBB2_9-.Ltmp4, $4  }
.Ltmp5:
0xa1: {  	_ = 	snop;
	(pc) =	sbr.rel @!p1 .LBB2_8-.Ltmp5, $4  }
0xa2: {  	_ =	swait.ge [sflag:s14], $0x2000  }
0xa3: {  	[sflag:s14] =	ssyncset.done $0x0  }
0xa4: {  	s23 =	smov.u32 s5;
	[sflag:s14] =	ssyncadd.s32 $0xFFFFE000  }
0xa5: {  	_ = 	snop  }
.LBB2_2:
0xa6: {  	s0 =	rddreg [dreg:$0x4]  }
0xa7: {  	[spmem:s17], [sflag:s16] =	dma.local [hbm:s0], $0x1400  }
0xa8: {  	_ =	swait.ge [sflag:s14], $0x1400  }
0xa9: {  	[sflag:s14] =	ssyncset.done $0x0  }
0xaa: {  	[sflag:s14] =	ssyncadd.s32 $0xFFFFEC00  }
0xab: {  	s23 =	simm.s32 $0x0;
	[bflag:$0x0] =	sbarrier.arrive $0xFFFF  }
0xac: {  	[tilespmem:s19], [sflag:$0x1] =	stream.indirect.gather [hbm4b:s4+s18], $0x40, s23, s18, $0xb8;
	[tilespmem:$0x1BD00] =	vst v63  }
0xad: {  	_ = 	snop  }
0xae: {  	[tilespmem:s20], [sflag:$0x2] =	stream.indirect.gather [hbm4b:s4+s18], $0x40, s18, s18, $0xb8;
	[tilespmem:$0x1BD00] =	vst v63  }
0xaf: {  	s23 =	simm.s32 $0x100  }
0xb0: {  	[tilespmem:s22], [sflag:$0x3] =	stream.indirect.gather [hbm4b:s4+s18], $0x40, s23, s18, $0xb8;
	[tilespmem:$0x1BD00] =	vst v63  }
0xb1: {  	s23 =	simm.s32 $0x180  }
0xb2: {  	[tilespmem:s24], [sflag:$0x4] =	stream.indirect.gather [hbm4b:s4+s18], $0x40, s23, s18, $0xb8;
	[tilespmem:$0x1BD00] =	vst v63  }
0xb3: {  	_ =	swait.ge [sflag:s26], $0x2000  }
0xb4: {  	[sflag:s26] =	ssyncset.done $0x0  }
0xb5: {  	s23 =	simm.s32 $0x4E80;
	[sflag:s26] =	ssyncadd.s32 $0xFFFFE000  }
0xb6: {  	[spmem:s2] =	stream.indirect.scatter.add.f32 [tilespmem:s19], [sflag:$0x5], $0x40, s23, s18, $0xb8;
	[tilespmem:$0x1BD00] =	vst v63  }
0xb7: {  	_ =	swait.ge [sflag:s14], $0x2000  }
0xb8: {  	[sflag:s14] =	ssyncset.done $0x0  }
0xb9: {  	s23 =	simm.s32 $0x200;
	[sflag:s14] =	ssyncadd.s32 $0xFFFFE000  }
0xba: {  	[tilespmem:s19], [sflag:$0x1] =	stream.indirect.gather [hbm4b:s4+s18], $0x40, s23, s18, $0xb8;
	[tilespmem:$0x1BD00] =	vst v63  }
0xbb: {  	_ =	swait.ge [sflag:s28], $0x2000  }
0xbc: {  	[sflag:s28] =	ssyncset.done $0x0  }
0xbd: {  	s23 =	simm.s32 $0x4F00;
	[sflag:s28] =	ssyncadd.s32 $0xFFFFE000  }
0xbe: {  	[spmem:s2] =	stream.indirect.scatter.add.f32 [tilespmem:s20], [sflag:$0x5], $0x40, s23, s18, $0xb8;
	[tilespmem:$0x1BD00] =	vst v63  }
0xbf: {  	_ =	swait.ge [sflag:s14], $0x2000  }
0xc0: {  	[sflag:s14] =	ssyncset.done $0x0  }
0xc1: {  	s23 =	simm.s32 $0x280;
	[sflag:s14] =	ssyncadd.s32 $0xFFFFE000  }
0xc2: {  	[tilespmem:s20], [sflag:$0x2] =	stream.indirect.gather [hbm4b:s4+s18], $0x40, s23, s18, $0xb8;
	[tilespmem:$0x1BD00] =	vst v63  }
0xc3: {  	_ =	swait.ge [sflag:s29], $0x2000  }
0xc4: {  	[sflag:s29] =	ssyncset.done $0x0  }
0xc5: {  	s23 =	simm.s32 $0x4F80;
	[sflag:s29] =	ssyncadd.s32 $0xFFFFE000  }
0xc6: {  	[spmem:s2] =	stream.indirect.scatter.add.f32 [tilespmem:s22], [sflag:$0x5], $0x40, s23, s18, $0xb8;
	[tilespmem:$0x1BD00] =	vst v63  }
0xc7: {  	_ =	swait.ge [sflag:s14], $0x2000  }
0xc8: {  	[sflag:s14] =	ssyncset.done $0x0  }
0xc9: {  	s23 =	simm.s32 $0x300;
	[sflag:s14] =	ssyncadd.s32 $0xFFFFE000  }
0xca: {  	[tilespmem:s22], [sflag:$0x3] =	stream.indirect.gather [hbm4b:s4+s18], $0x40, s23, s18, $0xb8;
	[tilespmem:$0x1BD00] =	vst v63  }
0xcb: {  	_ =	swait.ge [sflag:s30], $0x2000  }
0xcc: {  	[sflag:s30] =	ssyncset.done $0x0  }
0xcd: {  	s23 =	simm.s32 $0x5000;
	[sflag:s30] =	ssyncadd.s32 $0xFFFFE000  }
0xce: {  	[spmem:s2] =	stream.indirect.scatter.add.f32 [tilespmem:s24], [sflag:$0x5], $0x40, s23, s18, $0xb8;
	[tilespmem:$0x1BD00] =	vst v63  }
0xcf: {  	_ =	swait.ge [sflag:s14], $0x2000  }
0xd0: {  	[sflag:s14] =	ssyncset.done $0x0  }
0xd1: {  	s31 =	simm.s32 $0x380;
	s23 =	simm.s32 $0x800;
	[sflag:s14] =	ssyncadd.s32 $0xFFFFE000  }
.LBB2_3:
0xd2: {  	[tilespmem:s24], [sflag:$0x4] =	stream.indirect.gather [hbm4b:s4+s18], $0x40, s31, s18, $0xb8;
	[tilespmem:$0x1BD00] =	vst v63  }
0xd3: {  	s0 =	smov.u32 s23  }
0xd4: {  	p3 =	sne.s32 s23, $0x12800;
	s23 =	sadd.s32 $0x800, s23;
	_ =	swait.ge [sflag:s26], $0x2000  }
0xd5: {  	s31 =	sshra.s32 s0, $0x2;
	[sflag:s26] =	ssyncset.done $0x0  }
0xd6: {  	s0 =	sadd.s32 $0x4E80, s31;
	[sflag:s26] =	ssyncadd.s32 $0xFFFFE000  }
0xd7: {  	[spmem:s2] =	stream.indirect.scatter.add.f32 [tilespmem:s19], [sflag:$0x5], $0x40, s0, s18, $0xb8;
	[tilespmem:$0x1BD00] =	vst v63  }
0xd8: {  	_ =	swait.ge [sflag:s14], $0x2000  }
0xd9: {  	[sflag:s14] =	ssyncset.done $0x0  }
0xda: {  	s0 =	sadd.s32 $0x200, s31;
	[sflag:s14] =	ssyncadd.s32 $0xFFFFE000  }
0xdb: {  	[tilespmem:s19], [sflag:$0x1] =	stream.indirect.gather [hbm4b:s4+s18], $0x40, s0, s18, $0xb8;
	[tilespmem:$0x1BD00] =	vst v63  }
0xdc: {  	_ =	swait.ge [sflag:s28], $0x2000  }
0xdd: {  	[sflag:s28] =	ssyncset.done $0x0  }
0xde: {  	s0 =	sadd.s32 $0x4F00, s31;
	[sflag:s28] =	ssyncadd.s32 $0xFFFFE000  }
0xdf: {  	[spmem:s2] =	stream.indirect.scatter.add.f32 [tilespmem:s20], [sflag:$0x5], $0x40, s0, s18, $0xb8;
	[tilespmem:$0x1BD00] =	vst v63  }
0xe0: {  	_ =	swait.ge [sflag:s14], $0x2000  }
0xe1: {  	[sflag:s14] =	ssyncset.done $0x0  }
0xe2: {  	s0 =	sadd.s32 $0x280, s31;
	[sflag:s14] =	ssyncadd.s32 $0xFFFFE000  }
0xe3: {  	[tilespmem:s20], [sflag:$0x2] =	stream.indirect.gather [hbm4b:s4+s18], $0x40, s0, s18, $0xb8;
	[tilespmem:$0x1BD00] =	vst v63  }
0xe4: {  	_ =	swait.ge [sflag:s29], $0x2000  }
0xe5: {  	[sflag:s29] =	ssyncset.done $0x0  }
0xe6: {  	s0 =	sadd.s32 $0x4F80, s31;
	[sflag:s29] =	ssyncadd.s32 $0xFFFFE000  }
0xe7: {  	[spmem:s2] =	stream.indirect.scatter.add.f32 [tilespmem:s22], [sflag:$0x5], $0x40, s0, s18, $0xb8;
	[tilespmem:$0x1BD00] =	vst v63  }
0xe8: {  	_ =	swait.ge [sflag:s14], $0x2000  }
0xe9: {  	[sflag:s14] =	ssyncset.done $0x0  }
0xea: {  	s0 =	sadd.s32 $0x300, s31;
	[sflag:s14] =	ssyncadd.s32 $0xFFFFE000  }
0xeb: {  	[tilespmem:s22], [sflag:$0x3] =	stream.indirect.gather [hbm4b:s4+s18], $0x40, s0, s18, $0xb8;
	[tilespmem:$0x1BD00] =	vst v63  }
0xec: {  	_ =	swait.ge [sflag:s30], $0x2000  }
0xed: {  	[sflag:s30] =	ssyncset.done $0x0  }
.Ltmp6:
0xee: {  	s0 =	sadd.s32 $0x5000, s31;
	[sflag:s30] =	ssyncadd.s32 $0xFFFFE000;
	(pc) =	sbr.rel @p3 .LBB2_3-.Ltmp6, $4  }
0xef: {  	[spmem:s2] =	stream.indirect.scatter.add.f32 [tilespmem:s24], [sflag:$0x5], $0x40, s0, s18, $0xb8;
	[tilespmem:$0x1BD00] =	vst v63  }
0xf0: {  	_ =	swait.ge [sflag:s14], $0x2000  }
0xf1: {  	[sflag:s14] =	ssyncset.done $0x0  }
0xf2: {  	s31 =	sadd.s32 $0x380, s31;
	[sflag:s14] =	ssyncadd.s32 $0xFFFFE000  }
0xf3: {  	[tilespmem:s24], [sflag:$0x4] =	stream.indirect.gather [hbm4b:s4+s18], $0x40, s31, s18, $0xb8;
	[tilespmem:$0x1BD00] =	vst v63  }
0xf4: {  	_ =	swait.ge [sflag:s26], $0x2000  }
0xf5: {  	[sflag:s26] =	ssyncset.done $0x0  }
0xf6: {  	s0 =	simm.s32 $0x9A80;
	[sflag:s26] =	ssyncadd.s32 $0xFFFFE000  }
0xf7: {  	[spmem:s2] =	stream.indirect.scatter.add.f32 [tilespmem:s19], [sflag:$0x5], $0x40, s0, s18, $0xb8;
	[tilespmem:$0x1BD00] =	vst v63  }
0xf8: {  	_ =	swait.ge [sflag:s14], $0x2000  }
0xf9: {  	[sflag:s14] =	ssyncset.done $0x0  }
0xfa: {  	[sflag:s14] =	ssyncadd.s32 $0xFFFFE000  }
0xfb: {  	_ =	swait.ge [sflag:s28], $0x2000  }
0xfc: {  	[sflag:s28] =	ssyncset.done $0x0  }
0xfd: {  	s31 =	simm.s32 $0x9B00;
	[sflag:s28] =	ssyncadd.s32 $0xFFFFE000  }
0xfe: {  	[spmem:s2] =	stream.indirect.scatter.add.f32 [tilespmem:s20], [sflag:$0x5], $0x40, s31, s18, $0xb8;
	[tilespmem:$0x1BD00] =	vst v63  }
0xff: {  	_ =	swait.ge [sflag:s14], $0x2000  }
0x100: {  	[sflag:s14] =	ssyncset.done $0x0  }
0x101: {  	[sflag:s14] =	ssyncadd.s32 $0xFFFFE000  }
0x102: {  	_ =	swait.ge [sflag:s29], $0x2000  }
0x103: {  	[sflag:s29] =	ssyncset.done $0x0  }
0x104: {  	[sflag:s29] =	ssyncadd.s32 $0xFFFFE000  }
0x105: {  	[spmem:s2] =	stream.indirect.scatter.add.f32 [tilespmem:s22], [sflag:$0x5], $0x40, s1, s18, $0xb8;
	[tilespmem:$0x1BD00] =	vst v63  }
0x106: {  	_ =	swait.ge [sflag:s14], $0x2000  }
0x107: {  	[sflag:s14] =	ssyncset.done $0x0  }
0x108: {  	[sflag:s14] =	ssyncadd.s32 $0xFFFFE000  }
0x109: {  	_ =	swait.ge [sflag:s30], $0x2000  }
0x10a: {  	[sflag:s30] =	ssyncset.done $0x0  }
0x10b: {  	[sflag:s30] =	ssyncadd.s32 $0xFFFFE000  }
0x10c: {  	[spmem:s2] =	stream.indirect.scatter.add.f32 [tilespmem:s24], [sflag:$0x5], $0x40, s15, s18, $0xb8;
	[tilespmem:$0x1BD00] =	vst v63  }
.Ltmp7:
0x10d: {  	_ = 	snop;
	(pc) =	sbr.rel @p2 .LBB2_8-.Ltmp7, $4  }
.Ltmp8:
0x10e: {  	_ = 	snop;
	(pc) =	sbr.rel @!p2 .LBB2_9-.Ltmp8, $4  }
0x10f: {  	_ =	swait.ge [sflag:s14], $0x2000  }
0x110: {  	[sflag:s14] =	ssyncset.done $0x0  }
0x111: {  	s23 =	smov.u32 s4;
	[sflag:s14] =	ssyncadd.s32 $0xFFFFE000  }
0x112: {  	_ = 	snop  }
.LBB2_10:
0x113: {  	_ =	sfence.sel $0x180000  }
0x114: {  	[bflag:$0x0] =	sbarrier.arrive $0xFFFF  }
0x115: {  	_ =	strace $0x9000004D  }
0x116: {  	s0 =	stileid.u32;
	[bflag:$0x2] =	sbarrier.arrive $0xFFFF  }
0x117: {  	p0 =	sne.s32 s0, $0x0;
	s0 =	rddreg [dreg:$0x3]  }
0x118: {  	s0 =	sadd.s32 @!p0 $0x100000, s0  }
0x119: {  	[sflag:s0] =	ssyncadd.tile.s32 @!p0 $0x1;
	_ =	shalt  }
.Lfunc_end2:
_tile_overlayer_lowered:
.L_overlay_start_2:
0x11a: {  	(tag) =	ssettag $0x2  }
0x11b: {  	s0 =	rddreg [dreg:$0x0];
	s2 =	stileid.u32  }
0x11c: {  	s1 =	rddreg [dreg:$0x1];
	p0 =	sne.s32 s2, $0x0  }
0x11d: {  	s3 =	rddreg [dreg:$0x2];
	[bflag:$0x3] =	sbarrier.arrive $0xFFFF;
	s2 =	simm.s32 @!p0 $0x1C05  }
0x11e: {  	[timem:s3], [sflag:s2] =	dma.local @!p0 [hbm:s0], s1  }
0x11f: {  	s0 =	simm.s32 @!p0 $0x5  }
0x120: {  	_ =	swait.ge @!p0 [sflag:s0], s1  }
0x121: {  	s1 =	ssub.s32 @!p0 $0x0, s1;
	[sflag:s0] =	ssyncset.done @!p0 $0x0  }
0x122: {  	[sflag:s0] =	ssyncadd.s32 @!p0 s1  }
0x123: {  	[bflag:$0x3] =	sbarrier.arrive $0xFFFF  }
0x124: {  	_ =	shalt  }

// kernel: kernel.9.cloned.1.call-start
scs
__scs_entry_jumppad:
0x0: {  	(pc) =	sbr.rel $0x88, $3  }
0x1: {  	(tag) =	ssettag $0x0;
	lr =	simm.s32 $0x1  }
0x2: {  	[smem:$0x3F95] =	sst lr;
	_ =	strace $0xD0000000  }
0x3: {  	_ = 	snop  }
0x4: {  	_ = 	snop  }
0x5: {  	_ = 	snop  }
0x6: {  	_ = 	snop  }
0x7: {  	_ = 	snop  }
__scs_overlays_trampoline_lowered:
0x8: {  	[smem:$0x3FA4] =	sst s0  }
0x9: {  	[smem:$0x3FA5] =	sst s1  }
0xa: {  	[smem:$0x3FA6] =	sst s2  }
0xb: {  	[smem:$0x3FA7] =	sst s3  }
0xc: {  	[smem:$0x3FA8] =	sst s4  }
0xd: {  	[smem:$0x3FA9] =	sst s5  }
0xe: {  	[smem:$0x3FAA] =	sst s6  }
0xf: {  	[smem:$0x3FAB] =	sst s7  }
0x10: {  	[smem:$0x3FAC] =	sst s8  }
0x11: {  	[smem:$0x3FAD] =	sst s9;
	s0 =	simm.s32 @!p0 $0x0  }
0x12: {  	s1 =	sld [smem:$0x3F93];
	s0 =	simm.s32 @p0 $0x1  }
0x13: {  	[smem:$0x3FAE] =	sst s0;
	s0 =	simm.s32 @!p1 $0x0  }
0x14: {  	s2 =	sld [smem:$0x3F92];
	s0 =	simm.s32 @p1 $0x1  }
0x15: {  	[smem:$0x3FAF] =	sst s0;
	s0 =	simm.s32 @!p2 $0x0  }
0x16: {  	s3 =	sld [smem:$0x3FDB];
	s0 =	simm.s32 @p2 $0x1  }
0x17: {  	s4 =	simm.s32 $0x1BF5;
	[smem:$0x3FB1] =	sst s0  }
0x18: {  	s0 =	sld [smem:$0x3F94];
	_ =	swait.ge [sflag:s4], $0x0  }
0x19: {  	s7 =	sld [smem:$0x3F95]  }
0x1a: {  	s8 =	sadd.s32 $0xFFFFE003, lr  }
0x1b: {  	s9 =	sadd.s32 $0xFFFFFEF7, lr;
	s5 =	simm.s32 $0xFFFFFFFF;
	p2 =	slt.u32 s8, $0xFFFFF086  }
0x1c: {  	p1 =	slt.u32 s9, $0xF7A;
	s5 =	simm.s32 @!p2 $0x0  }
0x1d: {  	s5 =	simm.s32 @p1 $0x1;
	p0 =	seq.s32 s7, s2  }
0x1e: {  	s7 =	smul.u32 @!p0 $0xF7A, s2;
	p2 =	seq.s32 @!p0 s5, $0x0  }
0x1f: {  	s9 =	smul.u32 $0xF7A, s1;
	s8 =	simm.s32 @!p0 $0x1BF5;
	p2 =	por !p2, p0  }
0x20: {  	[sflag:s8] =	ssyncset.s32 @!p0 $0xFFFFF086;
	s6 =	sadd.s32 @!p0 s3, s7;
	s7 =	simm.s32 @!p0 $0x108  }
0x21: {  	s3 =	sadd.s32 s3, s9;
	s6 =	sadd.s32 @!p0 $0x88, s6;
	s7 =	simm.s32 @p2 $0x1082  }
0x22: {  	[simem:s7], [sflag:s8] =	dma.local @!p0 [hbm:s6], $0xF7A  }
0x23: {  	s9 =	sor.u32 $0xD0000000, s2;
	s6 =	simm.s32 $0x108;
	_ =	swait.ge @!p0 [sflag:s8], $0x0  }
0x24: {  	s3 =	sadd.s32 $0x88, s3;
	s6 =	simm.s32 @!p1 $0x1082;
	[sflag:s4] =	ssyncset.s32 $0xFFFFF086  }
0x25: {  	[simem:s6], [sflag:s4] =	dma.local [hbm:s3], $0xF7A  }
0x26: {  	[smem:$0x3F95] =	sst s1;
	(tag) =	ssettag s2;
	_ =	strace s9  }
0x27: {  	s1 =	sld [smem:$0x3FA5]  }
0x28: {  	s2 =	sld [smem:$0x3FA6]  }
0x29: {  	s4 =	sld [smem:$0x3FA8]  }
0x2a: {  	p0 =	seq.s32 s5, $0x0;
	s5 =	sld [smem:$0x3FA9]  }
0x2b: {  	s6 =	sld [smem:$0x3FAA]  }
0x2c: {  	s7 =	sld [smem:$0x3FAB]  }
0x2d: {  	s3 =	simm.s32 $0x108;
	s8 =	sld [smem:$0x3FAC]  }
0x2e: {  	s3 =	simm.s32 @!p0 $0x1082;
	s9 =	sld [smem:$0x3FAD]  }
0x2f: {  	lr =	sadd.s32 s0, s3;
	s0 =	sld [smem:$0x3FA4]  }
0x30: {  	s3 =	sld [smem:$0x3FA7]  }
0x31: {  	[smem:$0x3FB0] =	sst s10  }
0x32: {  	s10 =	sld [smem:$0x3FAE];
	_ =	sdelay $0x3  }
0x33: {  	p0 =	seq.s32 s10, $0x1;
	s10 =	sld [smem:$0x3FB0];
	_ =	sdelay $0x3  }
0x34: {  	[smem:$0x3FB0] =	sst s10  }
0x35: {  	s10 =	sld [smem:$0x3FAF];
	_ =	sdelay $0x3  }
0x36: {  	p1 =	seq.s32 s10, $0x1;
	s10 =	sld [smem:$0x3FB0];
	_ =	sdelay $0x3  }
0x37: {  	[smem:$0x3FB0] =	sst s10  }
0x38: {  	s10 =	sld [smem:$0x3FB1]  }
0x39: {  	_ = 	snop;
	(pc) =	sbr.ind lr, $3  }
0x3a: {  	_ = 	snop  }
0x3b: {  	_ = 	snop  }
0x3c: {  	p2 =	seq.s32 s10, $0x1;
	s10 =	sld [smem:$0x3FB0]  }
0x3d: {  	_ =	shalt  }
0x3e: {  	_ =	shalt  }
0x3f: {  	_ =	shalt  }
0x40: {  	_ =	shalt  }
0x41: {  	_ =	shalt  }
0x42: {  	_ =	shalt  }
0x43: {  	_ =	shalt  }
0x44: {  	_ =	shalt  }
0x45: {  	_ =	shalt  }
0x46: {  	_ =	shalt  }
0x47: {  	_ =	shalt  }
0x48: {  	_ =	shalt  }
0x49: {  	_ =	shalt  }
0x4a: {  	_ =	shalt  }
0x4b: {  	_ =	shalt  }
0x4c: {  	_ =	shalt  }
0x4d: {  	_ =	shalt  }
0x4e: {  	_ =	shalt  }
0x4f: {  	_ =	shalt  }
0x50: {  	_ =	shalt  }
0x51: {  	_ =	shalt  }
0x52: {  	_ =	shalt  }
0x53: {  	_ =	shalt  }
0x54: {  	_ =	shalt  }
0x55: {  	_ =	shalt  }
0x56: {  	_ =	shalt  }
0x57: {  	_ =	shalt  }
0x58: {  	_ =	shalt  }
0x59: {  	_ =	shalt  }
0x5a: {  	_ =	shalt  }
0x5b: {  	_ =	shalt  }
0x5c: {  	_ =	shalt  }
0x5d: {  	_ =	shalt  }
0x5e: {  	_ =	shalt  }
0x5f: {  	_ =	shalt  }
0x60: {  	_ =	shalt  }
0x61: {  	_ =	shalt  }
0x62: {  	_ =	shalt  }
0x63: {  	_ =	shalt  }
0x64: {  	_ =	shalt  }
0x65: {  	_ =	shalt  }
0x66: {  	_ =	shalt  }
0x67: {  	_ =	shalt  }
0x68: {  	_ =	shalt  }
0x69: {  	_ =	shalt  }
0x6a: {  	_ =	shalt  }
0x6b: {  	_ =	shalt  }
0x6c: {  	_ =	shalt  }
0x6d: {  	_ =	shalt  }
0x6e: {  	_ =	shalt  }
0x6f: {  	_ =	shalt  }
0x70: {  	_ =	shalt  }
0x71: {  	_ =	shalt  }
0x72: {  	_ =	shalt  }
0x73: {  	_ =	shalt  }
0x74: {  	_ =	shalt  }
0x75: {  	_ =	shalt  }
0x76: {  	_ =	shalt  }
0x77: {  	_ =	shalt  }
0x78: {  	_ =	shalt  }
0x79: {  	_ =	shalt  }
0x7a: {  	_ =	shalt  }
0x7b: {  	_ =	shalt  }
0x7c: {  	_ =	shalt  }
0x7d: {  	_ =	shalt  }
0x7e: {  	_ =	shalt  }
0x7f: {  	_ =	shalt  }
0x80: {  	_ =	shalt  }
0x81: {  	_ =	shalt  }
0x82: {  	_ =	shalt  }
0x83: {  	_ =	shalt  }
0x84: {  	_ =	shalt  }
0x85: {  	_ =	shalt  }
0x86: {  	_ =	shalt  }
0x87: {  	_ =	shalt  }
.Lfunc_end0:
.L_simem_size_0:
called_computation_lowered:
.L_overlay_start_0:
0x88: {  	s2 =	sld [smem:$0x3FD9]  }
0x89: {  	s3 =	sld [smem:$0x3FFE];
	_ =	sdelay $0x1  }
0x8a: {  	s1 =	srdreg.scid  }
0x8b: {  	s0 =	sand.u32 $0x1, s1  }
0x8c: {  	s17 =	sshll.u32 s0, $0xA;
	s2 =	sadd.s32 s3, s2  }
0x8d: {  	s2 =	sadd.s32 s2, s17  }
0x8e: {  	[smem:$0x3FBC] =	sst s2  }
0x8f: {  	_ = 	snop  }
0x90: {  	s2 =	sld [smem:$0x3FD0];
	(tm) =	ssettm $0x1  }
0x91: {  	s18 =	sld [smem:$0x3FFB];
	_ =	sdelay $0x3  }
0x92: {  	_ =	strace s18  }
0x93: {  	s3 =	sld [smem:$0x3FFC];
	_ =	sdelay $0x3  }
0x94: {  	_ =	strace s3  }
0x95: {  	s3 =	sld [smem:$0x3FFD];
	_ =	sdelay $0x3  }
0x96: {  	_ =	strace s3  }
0x97: {  	_ =	strace $0x8FFFFFFF  }
0x98: {  	s19 =	sld [smem:$0x3FDB];
	_ =	sdelay $0x1  }
0x99: {  	s4 =	simm.s32 $_scs_section_size  }
0x9a: {  	s5 =	simm.s32 $_size__tile_overlayer_lowered;
	s6 =	simm.s32 $_tile_overlayer_lowered  }
0x9b: {  	s22 =	simm.s32 $0x1BFF;
	s21 =	sshll.u32 s6, $0x1;
	s3 =	sadd.s32 s4, s19  }
0x9c: {  	s7 =	simm.s32 $0x0;
	s20 =	sshll.u32 s5, $0x1;
	s5 =	sadd.s32 s21, s3  }
0x9d: {  	[timem:s7], [sflag:s22] =	dma.local [hbm:s5], s20  }
0x9e: {  	_ =	swait.ge [sflag:s22], s20  }
0x9f: {  	s4 =	ssub.s32 $0x0, s20;
	[sflag:s22] =	ssyncset.done $0x0  }
0xa0: {  	[sflag:s22] =	ssyncadd.s32 s4;
	_ =	sdelay $0x1  }
0xa1: {  	s23 =	simm.s32 $0x1B8B  }
0xa2: {  	_ =	swait.ge [sflag:s23], $0x1  }
0xa3: {  	[sflag:s23] =	ssyncset.done $0x0  }
0xa4: {  	s25 =	simm.s32 $0x1B8E;
	s24 =	sld [smem:$0x3FFE];
	[sflag:s23] =	ssyncadd.s32 $0xFFFFFFFF  }
0xa5: {  	s26 =	simm.s32 $execute0_lowered;
	[smem:$0x3FD2] =	sst s25  }
0xa6: {  	s5 =	sshll.u32 s26, $0x1;
	_ =	strace $0x80000046;
	[dreg:$0x1] =	wrdreg $0xFFFFFFFF  }
0xa7: {  	s28 =	simm.s32 $_size_execute0_lowered;
	s3 =	sadd.s32 s3, s5;
	[dreg:$0x0] =	wrdreg $0x0  }
0xa8: {  	s5 =	sshll.u32 s28, $0x1;
	[dreg:$0x2] =	wrdreg s3  }
0xa9: {  	[dreg:$0x3] =	wrdreg s5  }
0xaa: {  	[dreg:$0x4] =	wrdreg $0xC0  }
0xab: {  	_ =	task [dreg:s7], $0x5FFFF  }
0xac: {  	[dreg:$0x1] =	wrdreg $0xFFFFFFFF  }
0xad: {  	[dreg:$0x0] =	wrdreg $0x60  }
0xae: {  	[dreg:$0x2] =	wrdreg s2  }
0xaf: {  	[dreg:$0x3] =	wrdreg s24  }
0xb0: {  	[dreg:$0x4] =	wrdreg $0x2A800  }
0xb1: {  	[dreg:$0x5] =	wrdreg $0x9  }
0xb2: {  	_ =	task.clear_ibuf [dreg:s7], $0x6FFFF;
	_ =	strace $0x90000046  }
0xb3: {  	s29 =	simm.s32 $0x9;
	_ =	strace $0x80000048  }
0xb4: {  	_ =	swait.ge [sflag:s29], $0x1  }
0xb5: {  	[sflag:s29] =	ssyncadd.s32 $0xFFFFFFFF  }
0xb6: {  	_ =	strace $0x90000048  }
0xb7: {  	_ =	sfence  }
0xb8: {  	s30 =	sld [smem:$0x0];
	_ =	sdelay $0x2  }
0xb9: {  	s31 =	sshll.u32 s1, $0xD;
	s1 =	sshrl.u32 s1, $0x2  }
0xba: {  	s3 =	sand.u32 $0x4000, s31;
	s1 =	sadd.s32 s1, s30  }
0xbb: {  	s0 =	sor.u32 s3, s0;
	s1 =	sshll.u32 s1, $0x11  }
0xbc: {  	s0 =	sor.u32 s1, s0  }
0xbd: {  	s0 =	sadd.s32 $0x8F2B, s0  }
0xbe: {  	[sflag:s0] =	ssyncadd.remote.s32 $0x1  }
0xbf: {  	_ =	sfence.sel $0xFFFF  }
0xc0: {  	[dreg:$0x0] =	wrdreg $0xFFFFFFFF;
	(pc) =	sbr.abs _section_cstart, $3  }
0xc1: {  	[dreg:$0x1] =	wrdreg $0xFFFFFFFF  }
0xc2: {  	_ =	task.clear_ibuf [dreg:s7], $0x2FFFF;
	_ =	strace $0x9FFFFFFF  }
0xc3: {  	(tm) =	ssettm $0x7FFFFFFF  }
tec
execute0_lowered:
.L_overlay_start_1:
0x0: {  	(tag) =	ssettag $0x1  }
0x1: {  	s4 =	rddreg [dreg:$0x0]  }
0x2: {  	s1 =	srdreg.scid;
	s5 =	rddreg [dreg:$0x1]  }
0x3: {  	s0 =	stileid.u32;
	s2 =	rddreg [dreg:$0x2];
	s3 =	simm.s32 $0x0  }
0x4: {  	s11 =	simm.s32 $0x80;
	s12 =	simm.s32 $0x2780;
	s15 =	simm.s32 $0x0  }
0x5: {  	s6 =	sand.u32 $0x1, s1;
	s7 =	smul.u32 $0x280, s0;
	s1 =	rddreg [dreg:$0x3]  }
0x6: {  	s9 =	sshll.u32 s0, $0x1;
	[smem:$0x7FF] =	sst s3;
	p0 =	sgt.u32 s0, $0x1  }
0x7: {  	s13 =	sshll.u32 s0, $0x6;
	s8 =	smul.u32 $0x2800, s6;
	s9 =	sor.u32 s6, s9  }
0x8: {  	_ =	strace $0x80000047;
	s29 =	ssub.s32 $0x2, s6;
	s13 =	sor.u32 $0x1C01, s13  }
0x9: {  	s10 =	smul.u32 $0x2700, s9;
	s9 =	sshll.u32 s9, $0x4;
	s8 =	sadd.s32 s7, s8  }
0xa: {  	s31 =	sshrl.u32 s29, $0x1;
	s9 =	sadd.s32 s9, s4;
	s8 =	sshrl.u32 s8, $0x3  }
0xb: {  	s30 =	sshrl.u32 s10, $0x3;
	s10 =	ssub.s32 s29, s31;
	s8 =	sadd.s32 s8, s5  }
0xc: {  	s6 =	sadd.s32 s4, s30;
	s5 =	sadd.s32 $0x13840, s9;
	s9 =	simm.s32 $0x1  }
0xd: {  	s4 =	sadd.s32 $0x9C40, s6;
	s6 =	sadd.s32 s7, s2;
	s7 =	sadd.s32 $0x3000, s8  }
0xe: {  	v0 =	vimm.f32 $1.000000000e+00;
	v1 =	vimm.f32 $0.0e+00;
	s8 =	smax.u32 s10, $0x1;
	s10 =	simm.s32 $0x2800;
	s14 =	sshrl.u32 s6, $0x3  }
.LBB2_1:
0xf: {  	[tilespmem:$0x2780] =	vst v0  }
0x10: {  	[tilespmem:$0x2790] =	vst v0  }
0x11: {  	[tilespmem:$0x27A0] =	vst v0  }
0x12: {  	[tilespmem:$0x27B0] =	vst v0  }
0x13: {  	[tilespmem:$0x27C0] =	vst v0  }
0x14: {  	[tilespmem:$0x27D0] =	vst v0  }
0x15: {  	[tilespmem:$0x27E0] =	vst v0  }
0x16: {  	[tilespmem:$0x27F0] =	vst v0  }
0x17: {  	[tilespmem:$0x2800] =	vst v1  }
0x18: {  	[tilespmem:$0x2810] =	vst v1  }
0x19: {  	[tilespmem:$0x2820] =	vst v1  }
0x1a: {  	[tilespmem:$0x2830] =	vst v1  }
0x1b: {  	[tilespmem:$0x2840] =	vst v1  }
0x1c: {  	[tilespmem:$0x2850] =	vst v1  }
0x1d: {  	[tilespmem:$0x2860] =	vst v1  }
0x1e: {  	[tilespmem:$0x2870] =	vst v1  }
0x1f: {  	[tilespmem:$0x2880] =	vst v1  }
0x20: {  	[tilespmem:$0x2890] =	vst v1  }
0x21: {  	[tilespmem:$0x28A0] =	vst v1  }
0x22: {  	[tilespmem:$0x28B0] =	vst v1  }
0x23: {  	[tilespmem:$0x28C0] =	vst v1  }
0x24: {  	[tilespmem:$0x28D0] =	vst v1  }
0x25: {  	[tilespmem:$0x28E0] =	vst v1  }
0x26: {  	[tilespmem:$0x28F0] =	vst v1  }
0x27: {  	[tilespmem:$0x2900] =	vst v1  }
0x28: {  	[tilespmem:$0x2910] =	vst v1  }
0x29: {  	[tilespmem:$0x2920] =	vst v1  }
0x2a: {  	[tilespmem:$0x2930] =	vst v1  }
0x2b: {  	[tilespmem:$0x2940] =	vst v1  }
0x2c: {  	[tilespmem:$0x2950] =	vst v1  }
0x2d: {  	[tilespmem:$0x2960] =	vst v1  }
0x2e: {  	[tilespmem:$0x2970] =	vst v1  }
0x2f: {  	[tilespmem:$0x2980] =	vst v1  }
0x30: {  	[tilespmem:$0x2990] =	vst v1  }
0x31: {  	[tilespmem:$0x29A0] =	vst v1  }
0x32: {  	[tilespmem:$0x29B0] =	vst v1  }
0x33: {  	[tilespmem:$0x29C0] =	vst v1  }
0x34: {  	[tilespmem:$0x29D0] =	vst v1  }
0x35: {  	[tilespmem:$0x29E0] =	vst v1  }
0x36: {  	[tilespmem:$0x29F0] =	vst v1  }
0x37: {  	[tilespmem:$0x2A00] =	vst v1  }
0x38: {  	[tilespmem:$0x2A10] =	vst v1  }
0x39: {  	[tilespmem:$0x2A20] =	vst v1  }
0x3a: {  	[tilespmem:$0x2A30] =	vst v1  }
0x3b: {  	[tilespmem:$0x2A40] =	vst v1  }
0x3c: {  	[tilespmem:$0x2A50] =	vst v1  }
0x3d: {  	[tilespmem:$0x2A60] =	vst v1  }
0x3e: {  	[tilespmem:$0x2A70] =	vst v1  }
0x3f: {  	[tilespmem:s3], [sflag:$0x1] =	stream.linear.gather [hbm4b:s4+s3], $0x2700, $0x38;
	[tilespmem:$0x2D00] =	vst v63  }
0x40: {  	_ =	swait.ge [sflag:s9], $0x2700  }
0x41: {  	[sflag:s9] =	ssyncset.done $0x0  }
0x42: {  	s16 =	simm.s32 @!p0 $0x0;
	s17 =	simm.s32 @!p0 $0x2700;
	[sflag:s9] =	ssyncadd.s32 $0xFFFFD900  }
0x43: {  	[tilespmem:s17], [sflag:$0x1] =	stream.linear.gather @!p0 [hbm4b:s5+s16], $0x80, $0x38;
	[tilespmem:$0x2D00] =	vst v63  }
0x44: {  	s16 =	simm.s32 @!p0 $0x1  }
0x45: {  	_ =	swait.ge @!p0 [sflag:s16], $0x80  }
0x46: {  	[sflag:s16] =	ssyncset.done @!p0 $0x0  }
0x47: {  	[sflag:s16] =	ssyncadd.s32 @!p0 $0xFFFFFF80  }
0x48: {  	[spmem:s6] =	stream.linear.scatter [tilespmem:s10], [sflag:$0x1], $0x280, $0x38;
	[tilespmem:$0x2D00] =	vst v63  }
0x49: {  	_ =	swait.ge [sflag:s9], $0x280  }
0x4a: {  	[sflag:s9] =	ssyncset.done $0x0  }
0x4b: {  	[sflag:s9] =	ssyncadd.s32 $0xFFFFFD80  }
0x4c: {  	s30 =	simm.s32 $0x0;
	[bflag:$0x0] =	sbarrier.arrive $0xFFFF  }
0x4d: {  	[spmem:s2] =	stream.indirect.scatter.add.f32 [tilespmem:s12], [sflag:$0x1], $0x1, s30, s11, $0xb8;
	[tilespmem:$0x2D00] =	vst v63  }
0x4e: {  	_ =	swait.ge [sflag:s9], $0x80  }
0x4f: {  	[sflag:s9] =	ssyncset.done $0x0  }
0x50: {  	s31 =	simm.s32 $0x80;
	[sflag:s9] =	ssyncadd.s32 $0xFFFFFF80  }
0x51: {  	[spmem:s2] =	stream.indirect.scatter.add.f32 [tilespmem:s12], [sflag:$0x1], $0x1, s31, s11, $0xb8;
	[tilespmem:$0x2D00] =	vst v63  }
0x52: {  	_ =	swait.ge [sflag:s9], $0x80  }
0x53: {  	s17 =	simm.s32 $0x800;
	s16 =	simm.s32 $0x400;
	[sflag:s9] =	ssyncset.done $0x0  }
.LBB2_2:
0x54: {  	s18 =	sshra.s32 s16, $0x2  }
0x55: {  	[sflag:s9] =	ssyncadd.s32 $0xFFFFFF80;
	s16 =	smov.u32 s17;
	s19 =	sadd.s32 $0x400, s17  }
0x56: {  	[spmem:s2] =	stream.indirect.scatter.add.f32 [tilespmem:s12], [sflag:$0x1], $0x1, s18, s11, $0xb8;
	[tilespmem:$0x2D00] =	vst v63  }
0x57: {  	p1 =	sne.s32 s17, $0x9800;
	_ =	swait.ge [sflag:s9], $0x80  }
.Ltmp0:
0x58: {  	[sflag:s9] =	ssyncset.done $0x0;
	(pc) =	sbr.rel @p1 .LBB2_2-.Ltmp0, $4  }
0x59: {  	s17 =	sadd.s32 $0x80, s18;
	[sflag:s9] =	ssyncadd.s32 $0xFFFFFF80  }
0x5a: {  	[spmem:s2] =	stream.indirect.scatter.add.f32 [tilespmem:s12], [sflag:$0x1], $0x1, s17, s11, $0xb8;
	[tilespmem:$0x2D00] =	vst v63  }
0x5b: {  	_ =	swait.ge [sflag:s9], $0x80  }
0x5c: {  	s17 =	smov.u32 s19;
	[sflag:s9] =	ssyncset.done $0x0  }
0x5d: {  	s16 =	sshra.s32 s16, $0x2;
	[sflag:s9] =	ssyncadd.s32 $0xFFFFFF80  }
0x5e: {  	[spmem:s2] =	stream.indirect.scatter.add.f32 [tilespmem:s12], [sflag:$0x1], $0x1, s16, s11, $0xb8;
	[tilespmem:$0x2D00] =	vst v63  }
0x5f: {  	_ =	swait.ge [sflag:s9], $0x80  }
0x60: {  	[sflag:s9] =	ssyncset.done $0x0  }
0x61: {  	s16 =	sadd.s32 $0x80, s16;
	[sflag:s9] =	ssyncadd.s32 $0xFFFFFF80  }
0x62: {  	[spmem:s2] =	stream.indirect.scatter.add.f32 [tilespmem:s12], [sflag:$0x1], $0x1, s16, s11, $0xb8;
	[tilespmem:$0x2D00] =	vst v63  }
0x63: {  	_ =	swait.ge [sflag:s9], $0x80  }
0x64: {  	s17 =	simm.s32 @!p0 $0x2700;
	[sflag:s9] =	ssyncset.done $0x0  }
0x65: {  	s18 =	simm.s32 @!p0 $0x2780;
	s16 =	simm.s32 @!p0 $0x80;
	[sflag:s9] =	ssyncadd.s32 $0xFFFFFF80  }
0x66: {  	[spmem:s2] =	stream.indirect.scatter.add.f32 @!p0 [tilespmem:s18], [sflag:$0x1], $0x1, s17, s16, $0xb8;
	[tilespmem:$0x2D00] =	vst v63  }
0x67: {  	s16 =	simm.s32 @!p0 $0x1  }
0x68: {  	_ =	swait.ge @!p0 [sflag:s16], $0x80  }
0x69: {  	s15 =	sadd.s32 $0x1, s15;
	[sflag:s16] =	ssyncset.done @!p0 $0x0  }
0x6a: {  	p1 =	sne.s32 s15, s8;
	[sflag:s16] =	ssyncadd.s32 @!p0 $0xFFFFFF80  }
.Ltmp1:
0x6b: {  	[bflag:$0x0] =	sbarrier.arrive $0xFFFF;
	(pc) =	sbr.rel @p1 .LBB2_1-.Ltmp1, $4  }
0x6c: {  	[hbm:s7], [sflag:s13] =	dma.local [spmem:s14], $0x50  }
0x6d: {  	_ =	swait.ge [sflag:s9], $0x50  }
0x6e: {  	[sflag:s9] =	ssyncset.done $0x0  }
0x6f: {  	[sflag:s9] =	ssyncadd.s32 $0xFFFFFFB0  }
0x70: {  	_ =	sfence.sel $0x180000  }
0x71: {  	[bflag:$0x0] =	sbarrier.arrive $0xFFFF  }
0x72: {  	p0 =	sne.s32 s0, $0x0;
	_ =	strace $0x90000047  }
0x73: {  	s0 =	sadd.s32 @!p0 $0x100000, s1;
	[bflag:$0x2] =	sbarrier.arrive $0xFFFF  }
0x74: {  	[sflag:s0] =	ssyncadd.tile.s32 @!p0 $0x1;
	_ =	shalt  }
.Lfunc_end2:
_tile_overlayer_lowered:
.L_overlay_start_2:
0x75: {  	(tag) =	ssettag $0x2  }
0x76: {  	s0 =	rddreg [dreg:$0x0];
	s2 =	stileid.u32  }
0x77: {  	s1 =	rddreg [dreg:$0x1];
	p0 =	sne.s32 s2, $0x0  }
0x78: {  	s3 =	rddreg [dreg:$0x2];
	[bflag:$0x3] =	sbarrier.arrive $0xFFFF;
	s2 =	simm.s32 @!p0 $0x1C01  }
0x79: {  	[timem:s3], [sflag:s2] =	dma.local @!p0 [hbm:s0], s1  }
0x7a: {  	s0 =	simm.s32 @!p0 $0x1  }
0x7b: {  	_ =	swait.ge @!p0 [sflag:s0], s1  }
0x7c: {  	s1 =	ssub.s32 @!p0 $0x0, s1;
	[sflag:s0] =	ssyncset.done @!p0 $0x0  }
0x7d: {  	[sflag:s0] =	ssyncadd.s32 @!p0 s1  }
0x7e: {  	[bflag:$0x3] =	sbarrier.arrive $0xFFFF  }
0x7f: {  	_ =	shalt  }

</sc_bundles>
